<compile_context>
chip_gen: v7x
topology: tpu7x:2x2x1
jax: 0.10.2.dev20260603
libtpu: 0.0.44.dev20260713+nightly
codegen_flags: <defaults>
</compile_context>

<pallas_src>
import functools

import jax
import jax.numpy as jnp
from jax import lax
from jax.experimental import pallas as pl
from jax.experimental.pallas import tpu as pltpu
from jax.experimental.pallas import tpu_sc as plsc

B = 1024
D = 64
N = 100000
K = 100
W = 32
NB = 4096
GN = 25
NPAD = NB * GN
C = NPAD // W
CPB = NB // W
CPAD = C
CAP = 112
BQ1 = 256
BQ4 = 128
NEG_INF = float("-inf")
BIG_NEG = -3.0e38
I32_MAX = 2**31 - 1


def _k1_body(q_ref, it_ref, sel_ref, scores_ref, cmax_ref):
    j = pl.program_id(1)
    scores = jax.lax.dot_general(
        q_ref[...], it_ref[...],
        dimension_numbers=(((1,), (1,)), ((), ())),
        preferred_element_type=jnp.float32)
    col = j * NB + lax.broadcasted_iota(jnp.int32, (BQ1, NB), 1)
    scores = jnp.where(col < N, scores, BIG_NEG)
    scores_ref[...] = scores
    m = scores
    for s in (1, 2, 4, 8, 16):
        m = jnp.maximum(m, pltpu.roll(m, NB - s, axis=1))
    cm = jax.lax.dot_general(
        m, sel_ref[...],
        dimension_numbers=(((1,), (0,)), ((), ())),
        preferred_element_type=jnp.float32)
    cmax_ref[:, pl.ds(j * CPB, CPB)] = cm


def _k1(q, items, sel):
    return pl.pallas_call(
        _k1_body,
        grid=(B // BQ1, GN),
        in_specs=[
            pl.BlockSpec((BQ1, D), lambda i, j: (i, 0)),
            pl.BlockSpec((NB, D), lambda i, j: (j, 0)),
            pl.BlockSpec((NB, CPB), lambda i, j: (0, 0)),
        ],
        out_specs=[
            pl.BlockSpec((BQ1, NB), lambda i, j: (i, j)),
            pl.BlockSpec((BQ1, CPAD), lambda i, j: (i, 0)),
        ],
        out_shape=[
            jax.ShapeDtypeStruct((B, NPAD), jnp.float32),
            jax.ShapeDtypeStruct((B, CPAD), jnp.float32),
        ],
    )(q, items, sel)


def _k2_body(cmax_ref, cids_ref, scr, acc):
    scr[...] = cmax_ref[...]
    iota = lax.broadcasted_iota(jnp.int32, (BQ1, CPAD), 1)
    lane = lax.broadcasted_iota(jnp.int32, (BQ1, CAP), 1)

    def step(s, _):
        cm = scr[...]
        m = jnp.max(cm, axis=1, keepdims=True)
        idx = jnp.min(jnp.where(cm == m, iota, I32_MAX), axis=1,
                      keepdims=True)
        acc[...] = jnp.where(lane == s, idx, acc[...])
        scr[...] = jnp.where(iota == idx, NEG_INF, cm)
        return 0

    lax.fori_loop(0, CAP, step, 0)
    cids_ref[...] = acc[...]


def _k2(cmax):
    return pl.pallas_call(
        _k2_body,
        grid=(B // BQ1,),
        in_specs=[pl.BlockSpec((BQ1, CPAD), lambda i: (i, 0))],
        out_specs=pl.BlockSpec((BQ1, CAP), lambda i: (i, 0)),
        out_shape=jax.ShapeDtypeStruct((B, CAP), jnp.int32),
        scratch_shapes=[pltpu.VMEM((BQ1, CPAD), jnp.float32),
                        pltpu.VMEM((BQ1, CAP), jnp.int32)],
    )(cmax)


def _sc_gather(scores, cids):
    info = plsc.get_sparse_core_info()
    nw = info.num_cores * info.num_subcores
    rows_per_w = B // nw
    mesh = plsc.VectorSubcoreMesh(core_axis_name="c", subcore_axis_name="s")

    @functools.partial(
        pl.kernel,
        mesh=mesh,
        compiler_params=pltpu.CompilerParams(needs_layout_passes=False),
        out_type=jax.ShapeDtypeStruct((B, CAP * W), jnp.float32),
        scratch_types=[
            pltpu.VMEM((CAP,), jnp.int32),
            pltpu.VMEM((CAP * W,), jnp.float32),
            pltpu.SemaphoreType.DMA,
            pltpu.SemaphoreType.DMA,
        ],
    )
    def k3(cids_hbm, scores_hbm, out_hbm, cid_v, out_buf, csem, gsem):
        wid = lax.axis_index("s") * info.num_cores + lax.axis_index("c")

        def row(t, carry):
            r = wid * rows_per_w + t
            pltpu.async_copy(cids_hbm.at[r], cid_v, csem).wait()
            copies = []
            for g in range(CAP // 16):
                slab = cid_v[pl.ds(g * 16, 16)]
                for l in range(16):
                    c = g * 16 + l
                    copies.append(pltpu.make_async_copy(
                        scores_hbm.at[r, pl.ds(slab[l] * W, W)],
                        out_buf.at[pl.ds(c * W, W)],
                        gsem))
            for cp in copies:
                cp.start()
            for cp in copies:
                cp.wait()
            pltpu.sync_copy(out_buf, out_hbm.at[r])
            return carry

        lax.fori_loop(0, rows_per_w, row, 0)

    return k3(cids, scores)


def _k4_body(vals_ref, gids_ref, outv_ref, outi_ref, scr, accv, acci):
    scr[...] = vals_ref[...]
    gids = gids_ref[...]
    lane = lax.broadcasted_iota(jnp.int32, (BQ4, 128), 1)

    def step(s, _):
        v = scr[...]
        m = jnp.max(v, axis=1, keepdims=True)
        sel = jnp.min(jnp.where(v == m, gids, I32_MAX), axis=1,
                      keepdims=True)
        accv[...] = jnp.where(lane == s, m, accv[...])
        acci[...] = jnp.where(lane == s, sel, acci[...])
        scr[...] = jnp.where(gids == sel, NEG_INF, v)
        return 0

    lax.fori_loop(0, K, step, 0)
    outv_ref[...] = accv[:, :K]
    outi_ref[...] = acci[:, :K]


def _k4(vals, gids):
    return pl.pallas_call(
        _k4_body,
        grid=(B // BQ4,),
        in_specs=[
            pl.BlockSpec((BQ4, CAP * W), lambda i: (i, 0)),
            pl.BlockSpec((BQ4, CAP * W), lambda i: (i, 0)),
        ],
        out_specs=[
            pl.BlockSpec((BQ4, K), lambda i: (i, 0)),
            pl.BlockSpec((BQ4, K), lambda i: (i, 0)),
        ],
        out_shape=[
            jax.ShapeDtypeStruct((B, K), jnp.float32),
            jax.ShapeDtypeStruct((B, K), jnp.int32),
        ],
        scratch_shapes=[pltpu.VMEM((BQ4, CAP * W), jnp.float32),
                        pltpu.VMEM((BQ4, 128), jnp.float32),
                        pltpu.VMEM((BQ4, 128), jnp.int32)],
    )(vals, gids)


def kernel(query_embeddings, item_embeddings, k):
    sel = (jnp.arange(NB, dtype=jnp.int32)[:, None]
           == jnp.arange(CPB, dtype=jnp.int32)[None, :] * W
           ).astype(jnp.float32)
    scores, cmax = _k1(query_embeddings, item_embeddings, sel)
    cids = _k2(cmax)
    cand = _sc_gather(scores, cids)
    gids = (cids[:, :, None] * W
            + jnp.arange(W, dtype=jnp.int32)[None, None, :]).reshape(B, CAP * W)
    top_v, top_i = _k4(cand, gids)
    return top_v, top_i

# --- scband reference (transcript-rebuilt; emitter-appended) ---
"""Pipeline reference for scband-top-kmodule-15109694947790 (READ-ONLY COPY).

The authoritative reference and input builder live on the scoring server;
editing this copy changes nothing except your own understanding.
"""

import jax, jax.numpy as jnp
import numpy as np

NUM_ITEMS = 100000
EMBED_DIM = 64
BATCH = 1024


def setup_inputs(seed: int = 0) -> dict:
    key = jax.random.key(seed)
    k_q, k_t = jax.random.split(key)
    query_embeddings = jax.random.normal(k_q, (BATCH, EMBED_DIM), dtype=jnp.float32)
    item_embeddings = jax.random.normal(k_t, (NUM_ITEMS, EMBED_DIM), dtype=jnp.float32) * 0.05
    return {
        "query_embeddings": query_embeddings,
        "item_embeddings": item_embeddings,
        "k": 100,
    }


def reference(query_embeddings, item_embeddings, k):
    # Brute-force MIPS TopKModule: score every item against every query,
    # then take the top-k scores and ids per query. Output (B, K) each.
    scores = jnp.dot(query_embeddings, item_embeddings.T)  # (B, N)
    top_k_scores, top_k_ids = jax.lax.top_k(scores, 100)    # sorted=True semantics
    top_k_ids = top_k_ids + (k - k)
    return top_k_scores, top_k_ids

if __name__ == "__main__":
    import jax
    _d = setup_inputs()
    print(jax.jit(kernel)(*tuple(_d.values())))

</pallas_src>

<mosaic_0001>
#map = affine_map<(d0, d1) -> (0, 0)>
module attributes {stable_mosaic.version = 14 : i64} {
  func.func @k3(%arg0: i32, %arg1: i32, %arg2: memref<1024x112xi32, #tpu.memory_space<hbm>>, %arg3: memref<1024x102400xf32, #tpu.memory_space<hbm>>, %arg4: memref<1024x3584xf32, #tpu.memory_space<hbm>>, %arg5: memref<112xi32, #tpu.memory_space<vmem>>, %arg6: memref<3584xf32, #tpu.memory_space<vmem>>, %arg7: memref<!tpu.dma_semaphore, #tpu.memory_space<semaphore_mem>>, %arg8: memref<!tpu.dma_semaphore, #tpu.memory_space<semaphore_mem>>) attributes {dimension_semantics = [#tpu.dimension_semantics<core_parallel>, #tpu.dimension_semantics<subcore_parallel>], iteration_bounds = array<i64: 2, 16>, scalar_prefetch = 0 : i64, scratch_operands = 4 : i64, tpu.core_type = #tpu.core_type<sc_vector_subcore>, window_params = [{transform_indices = #map}, {transform_indices = #map}, {transform_indices = #map}]} {
    %mul3A = arith.constant 2 : i32
    %mul3A_0 = arith.muli %arg1, %mul3A : i32
    %add3A = arith.addi %mul3A_0, %arg0 : i32
    %scan3A = arith.constant 0 : i32
    %scan3A_1 = arith.constant 0 : i32
    %scan3A_2 = arith.constant 32 : i32
    %scan3A_3 = arith.addi %scan3A_1, %scan3A_2 : i32
    %scan3A_4 = arith.constant 1 : i32
    scf.for %scan3A_6 = %scan3A_1 to %scan3A_3 step %scan3A_4  : i32 {
      %mul3A_7 = arith.constant 32 : i32
      %mul3A_8 = arith.muli %add3A, %mul3A_7 : i32
      %add3A_9 = arith.addi %mul3A_8, %scan3A_6 : i32
      %dma_start3A = arith.constant 0 : i32
      %dma_start3A_10 = tpu.memref_slice %arg2[%add3A_9, %dma_start3A] : memref<1024x112xi32, #tpu.memory_space<hbm>> -> memref<1x112xi32, #tpu.memory_space<hbm>>
      %dma_start3A_11 = tpu.memref_squeeze %dma_start3A_10 : memref<1x112xi32, #tpu.memory_space<hbm>> -> memref<112xi32, #tpu.memory_space<hbm>>
      %dma_start3A_12 = arith.constant 0 : i32
      %dma_start3A_13 = tpu.memref_slice %arg2[%add3A_9, %dma_start3A_12] : memref<1024x112xi32, #tpu.memory_space<hbm>> -> memref<1x112xi32, #tpu.memory_space<hbm>>
      %dma_start3A_14 = tpu.memref_squeeze %dma_start3A_13 : memref<1x112xi32, #tpu.memory_space<hbm>> -> memref<112xi32, #tpu.memory_space<hbm>>
      tpu.enqueue_dma source(%dma_start3A_14 : memref<112xi32, #tpu.memory_space<hbm>>) target(%arg5 : memref<112xi32, #tpu.memory_space<vmem>>) target_semaphore(%arg7 : memref<!tpu.dma_semaphore, #tpu.memory_space<semaphore_mem>>)
      %dma_wait3A = arith.constant 0 : i32
      %dma_wait3A_15 = tpu.memref_slice %arg2[%add3A_9, %dma_wait3A] : memref<1024x112xi32, #tpu.memory_space<hbm>> -> memref<1x112xi32, #tpu.memory_space<hbm>>
      %dma_wait3A_16 = tpu.memref_squeeze %dma_wait3A_15 : memref<1x112xi32, #tpu.memory_space<hbm>> -> memref<112xi32, #tpu.memory_space<hbm>>
      %dma_wait3A_17 = arith.constant 0 : i32
      %dma_wait3A_18 = tpu.memref_slice %arg2[%add3A_9, %dma_wait3A_17] : memref<1024x112xi32, #tpu.memory_space<hbm>> -> memref<1x112xi32, #tpu.memory_space<hbm>>
      %dma_wait3A_19 = tpu.memref_squeeze %dma_wait3A_18 : memref<1x112xi32, #tpu.memory_space<hbm>> -> memref<112xi32, #tpu.memory_space<hbm>>
      tpu.wait_dma2 semaphore(%arg7 : memref<!tpu.dma_semaphore, #tpu.memory_space<semaphore_mem>>) src(%dma_wait3A_19 : memref<112xi32, #tpu.memory_space<hbm>>) dst(%arg5 : memref<112xi32, #tpu.memory_space<vmem>>)
      %get3A = arith.constant 0 : index
      %get3A_20 = tpu.vector_load %arg5[%get3A] {strides = array<i32>} : memref<112xi32, #tpu.memory_space<vmem>>, vector<16xi32>,
      %slice3A = vector.extract_strided_slice %get3A_20 {offsets = [0], sizes = [1], strides = [1]} : vector<16xi32> to vector<1xi32>
      %squeeze3A = vector.extract %slice3A[0] : i32 from vector<1xi32>
      %mul3A_21 = arith.constant 32 : i32
      %mul3A_22 = arith.muli %squeeze3A, %mul3A_21 : i32
      %slice3A_23 = vector.extract_strided_slice %get3A_20 {offsets = [1], sizes = [1], strides = [1]} : vector<16xi32> to vector<1xi32>
      %squeeze3A_24 = vector.extract %slice3A_23[0] : i32 from vector<1xi32>
      %mul3A_25 = arith.constant 32 : i32
      %mul3A_26 = arith.muli %squeeze3A_24, %mul3A_25 : i32
      %slice3A_27 = vector.extract_strided_slice %get3A_20 {offsets = [2], sizes = [1], strides = [1]} : vector<16xi32> to vector<1xi32>
      %squeeze3A_28 = vector.extract %slice3A_27[0] : i32 from vector<1xi32>
      %mul3A_29 = arith.constant 32 : i32
      %mul3A_30 = arith.muli %squeeze3A_28, %mul3A_29 : i32
      %slice3A_31 = vector.extract_strided_slice %get3A_20 {offsets = [3], sizes = [1], strides = [1]} : vector<16xi32> to vector<1xi32>
      %squeeze3A_32 = vector.extract %slice3A_31[0] : i32 from vector<1xi32>
      %mul3A_33 = arith.constant 32 : i32
      %mul3A_34 = arith.muli %squeeze3A_32, %mul3A_33 : i32
      %slice3A_35 = vector.extract_strided_slice %get3A_20 {offsets = [4], sizes = [1], strides = [1]} : vector<16xi32> to vector<1xi32>
      %squeeze3A_36 = vector.extract %slice3A_35[0] : i32 from vector<1xi32>
      %mul3A_37 = arith.constant 32 : i32
      %mul3A_38 = arith.muli %squeeze3A_36, %mul3A_37 : i32
      %slice3A_39 = vector.extract_strided_slice %get3A_20 {offsets = [5], sizes = [1], strides = [1]} : vector<16xi32> to vector<1xi32>
      %squeeze3A_40 = vector.extract %slice3A_39[0] : i32 from vector<1xi32>
      %mul3A_41 = arith.constant 32 : i32
      %mul3A_42 = arith.muli %squeeze3A_40, %mul3A_41 : i32
      %slice3A_43 = vector.extract_strided_slice %get3A_20 {offsets = [6], sizes = [1], strides = [1]} : vector<16xi32> to vector<1xi32>
      %squeeze3A_44 = vector.extract %slice3A_43[0] : i32 from vector<1xi32>
      %mul3A_45 = arith.constant 32 : i32
      %mul3A_46 = arith.muli %squeeze3A_44, %mul3A_45 : i32
      %slice3A_47 = vector.extract_strided_slice %get3A_20 {offsets = [7], sizes = [1], strides = [1]} : vector<16xi32> to vector<1xi32>
      %squeeze3A_48 = vector.extract %slice3A_47[0] : i32 from vector<1xi32>
      %mul3A_49 = arith.constant 32 : i32
      %mul3A_50 = arith.muli %squeeze3A_48, %mul3A_49 : i32
      %slice3A_51 = vector.extract_strided_slice %get3A_20 {offsets = [8], sizes = [1], strides = [1]} : vector<16xi32> to vector<1xi32>
      %squeeze3A_52 = vector.extract %slice3A_51[0] : i32 from vector<1xi32>
      %mul3A_53 = arith.constant 32 : i32
      %mul3A_54 = arith.muli %squeeze3A_52, %mul3A_53 : i32
      %slice3A_55 = vector.extract_strided_slice %get3A_20 {offsets = [9], sizes = [1], strides = [1]} : vector<16xi32> to vector<1xi32>
      %squeeze3A_56 = vector.extract %slice3A_55[0] : i32 from vector<1xi32>
      %mul3A_57 = arith.constant 32 : i32
      %mul3A_58 = arith.muli %squeeze3A_56, %mul3A_57 : i32
      %slice3A_59 = vector.extract_strided_slice %get3A_20 {offsets = [10], sizes = [1], strides = [1]} : vector<16xi32> to vector<1xi32>
      %squeeze3A_60 = vector.extract %slice3A_59[0] : i32 from vector<1xi32>
      %mul3A_61 = arith.constant 32 : i32
      %mul3A_62 = arith.muli %squeeze3A_60, %mul3A_61 : i32
      %slice3A_63 = vector.extract_strided_slice %get3A_20 {offsets = [11], sizes = [1], strides = [1]} : vector<16xi32> to vector<1xi32>
      %squeeze3A_64 = vector.extract %slice3A_63[0] : i32 from vector<1xi32>
      %mul3A_65 = arith.constant 32 : i32
      %mul3A_66 = arith.muli %squeeze3A_64, %mul3A_65 : i32
      %slice3A_67 = vector.extract_strided_slice %get3A_20 {offsets = [12], sizes = [1], strides = [1]} : vector<16xi32> to vector<1xi32>
      %squeeze3A_68 = vector.extract %slice3A_67[0] : i32 from vector<1xi32>
      %mul3A_69 = arith.constant 32 : i32
      %mul3A_70 = arith.muli %squeeze3A_68, %mul3A_69 : i32
      %slice3A_71 = vector.extract_strided_slice %get3A_20 {offsets = [13], sizes = [1], strides = [1]} : vector<16xi32> to vector<1xi32>
      %squeeze3A_72 = vector.extract %slice3A_71[0] : i32 from vector<1xi32>
      %mul3A_73 = arith.constant 32 : i32
      %mul3A_74 = arith.muli %squeeze3A_72, %mul3A_73 : i32
      %slice3A_75 = vector.extract_strided_slice %get3A_20 {offsets = [14], sizes = [1], strides = [1]} : vector<16xi32> to vector<1xi32>
      %squeeze3A_76 = vector.extract %slice3A_75[0] : i32 from vector<1xi32>
      %mul3A_77 = arith.constant 32 : i32
      %mul3A_78 = arith.muli %squeeze3A_76, %mul3A_77 : i32
      %slice3A_79 = vector.extract_strided_slice %get3A_20 {offsets = [15], sizes = [1], strides = [1]} : vector<16xi32> to vector<1xi32>
      %squeeze3A_80 = vector.extract %slice3A_79[0] : i32 from vector<1xi32>
      %mul3A_81 = arith.constant 32 : i32
      %mul3A_82 = arith.muli %squeeze3A_80, %mul3A_81 : i32
      %get3A_83 = arith.constant 16 : index
      %get3A_84 = tpu.vector_load %arg5[%get3A_83] {strides = array<i32>} : memref<112xi32, #tpu.memory_space<vmem>>, vector<16xi32>,
      %slice3A_85 = vector.extract_strided_slice %get3A_84 {offsets = [0], sizes = [1], strides = [1]} : vector<16xi32> to vector<1xi32>
      %squeeze3A_86 = vector.extract %slice3A_85[0] : i32 from vector<1xi32>
      %mul3A_87 = arith.constant 32 : i32
      %mul3A_88 = arith.muli %squeeze3A_86, %mul3A_87 : i32
      %slice3A_89 = vector.extract_strided_slice %get3A_84 {offsets = [1], sizes = [1], strides = [1]} : vector<16xi32> to vector<1xi32>
      %squeeze3A_90 = vector.extract %slice3A_89[0] : i32 from vector<1xi32>
      %mul3A_91 = arith.constant 32 : i32
      %mul3A_92 = arith.muli %squeeze3A_90, %mul3A_91 : i32
      %slice3A_93 = vector.extract_strided_slice %get3A_84 {offsets = [2], sizes = [1], strides = [1]} : vector<16xi32> to vector<1xi32>
      %squeeze3A_94 = vector.extract %slice3A_93[0] : i32 from vector<1xi32>
      %mul3A_95 = arith.constant 32 : i32
      %mul3A_96 = arith.muli %squeeze3A_94, %mul3A_95 : i32
      %slice3A_97 = vector.extract_strided_slice %get3A_84 {offsets = [3], sizes = [1], strides = [1]} : vector<16xi32> to vector<1xi32>
      %squeeze3A_98 = vector.extract %slice3A_97[0] : i32 from vector<1xi32>
      %mul3A_99 = arith.constant 32 : i32
      %mul3A_100 = arith.muli %squeeze3A_98, %mul3A_99 : i32
      %slice3A_101 = vector.extract_strided_slice %get3A_84 {offsets = [4], sizes = [1], strides = [1]} : vector<16xi32> to vector<1xi32>
      %squeeze3A_102 = vector.extract %slice3A_101[0] : i32 from vector<1xi32>
      %mul3A_103 = arith.constant 32 : i32
      %mul3A_104 = arith.muli %squeeze3A_102, %mul3A_103 : i32
      %slice3A_105 = vector.extract_strided_slice %get3A_84 {offsets = [5], sizes = [1], strides = [1]} : vector<16xi32> to vector<1xi32>
      %squeeze3A_106 = vector.extract %slice3A_105[0] : i32 from vector<1xi32>
      %mul3A_107 = arith.constant 32 : i32
      %mul3A_108 = arith.muli %squeeze3A_106, %mul3A_107 : i32
      %slice3A_109 = vector.extract_strided_slice %get3A_84 {offsets = [6], sizes = [1], strides = [1]} : vector<16xi32> to vector<1xi32>
      %squeeze3A_110 = vector.extract %slice3A_109[0] : i32 from vector<1xi32>
      %mul3A_111 = arith.constant 32 : i32
      %mul3A_112 = arith.muli %squeeze3A_110, %mul3A_111 : i32
      %slice3A_113 = vector.extract_strided_slice %get3A_84 {offsets = [7], sizes = [1], strides = [1]} : vector<16xi32> to vector<1xi32>
      %squeeze3A_114 = vector.extract %slice3A_113[0] : i32 from vector<1xi32>
      %mul3A_115 = arith.constant 32 : i32
      %mul3A_116 = arith.muli %squeeze3A_114, %mul3A_115 : i32
      %slice3A_117 = vector.extract_strided_slice %get3A_84 {offsets = [8], sizes = [1], strides = [1]} : vector<16xi32> to vector<1xi32>
      %squeeze3A_118 = vector.extract %slice3A_117[0] : i32 from vector<1xi32>
      %mul3A_119 = arith.constant 32 : i32
      %mul3A_120 = arith.muli %squeeze3A_118, %mul3A_119 : i32
      %slice3A_121 = vector.extract_strided_slice %get3A_84 {offsets = [9], sizes = [1], strides = [1]} : vector<16xi32> to vector<1xi32>
      %squeeze3A_122 = vector.extract %slice3A_121[0] : i32 from vector<1xi32>
      %mul3A_123 = arith.constant 32 : i32
      %mul3A_124 = arith.muli %squeeze3A_122, %mul3A_123 : i32
      %slice3A_125 = vector.extract_strided_slice %get3A_84 {offsets = [10], sizes = [1], strides = [1]} : vector<16xi32> to vector<1xi32>
      %squeeze3A_126 = vector.extract %slice3A_125[0] : i32 from vector<1xi32>
      %mul3A_127 = arith.constant 32 : i32
      %mul3A_128 = arith.muli %squeeze3A_126, %mul3A_127 : i32
      %slice3A_129 = vector.extract_strided_slice %get3A_84 {offsets = [11], sizes = [1], strides = [1]} : vector<16xi32> to vector<1xi32>
      %squeeze3A_130 = vector.extract %slice3A_129[0] : i32 from vector<1xi32>
      %mul3A_131 = arith.constant 32 : i32
      %mul3A_132 = arith.muli %squeeze3A_130, %mul3A_131 : i32
      %slice3A_133 = vector.extract_strided_slice %get3A_84 {offsets = [12], sizes = [1], strides = [1]} : vector<16xi32> to vector<1xi32>
      %squeeze3A_134 = vector.extract %slice3A_133[0] : i32 from vector<1xi32>
      %mul3A_135 = arith.constant 32 : i32
      %mul3A_136 = arith.muli %squeeze3A_134, %mul3A_135 : i32
      %slice3A_137 = vector.extract_strided_slice %get3A_84 {offsets = [13], sizes = [1], strides = [1]} : vector<16xi32> to vector<1xi32>
      %squeeze3A_138 = vector.extract %slice3A_137[0] : i32 from vector<1xi32>
      %mul3A_139 = arith.constant 32 : i32
      %mul3A_140 = arith.muli %squeeze3A_138, %mul3A_139 : i32
      %slice3A_141 = vector.extract_strided_slice %get3A_84 {offsets = [14], sizes = [1], strides = [1]} : vector<16xi32> to vector<1xi32>
      %squeeze3A_142 = vector.extract %slice3A_141[0] : i32 from vector<1xi32>
      %mul3A_143 = arith.constant 32 : i32
      %mul3A_144 = arith.muli %squeeze3A_142, %mul3A_143 : i32
      %slice3A_145 = vector.extract_strided_slice %get3A_84 {offsets = [15], sizes = [1], strides = [1]} : vector<16xi32> to vector<1xi32>
      %squeeze3A_146 = vector.extract %slice3A_145[0] : i32 from vector<1xi32>
      %mul3A_147 = arith.constant 32 : i32
      %mul3A_148 = arith.muli %squeeze3A_146, %mul3A_147 : i32
      %get3A_149 = arith.constant 32 : index
      %get3A_150 = tpu.vector_load %arg5[%get3A_149] {strides = array<i32>} : memref<112xi32, #tpu.memory_space<vmem>>, vector<16xi32>,
      %slice3A_151 = vector.extract_strided_slice %get3A_150 {offsets = [0], sizes = [1], strides = [1]} : vector<16xi32> to vector<1xi32>
      %squeeze3A_152 = vector.extract %slice3A_151[0] : i32 from vector<1xi32>
      %mul3A_153 = arith.constant 32 : i32
      %mul3A_154 = arith.muli %squeeze3A_152, %mul3A_153 : i32
      %slice3A_155 = vector.extract_strided_slice %get3A_150 {offsets = [1], sizes = [1], strides = [1]} : vector<16xi32> to vector<1xi32>
      %squeeze3A_156 = vector.extract %slice3A_155[0] : i32 from vector<1xi32>
      %mul3A_157 = arith.constant 32 : i32
      %mul3A_158 = arith.muli %squeeze3A_156, %mul3A_157 : i32
      %slice3A_159 = vector.extract_strided_slice %get3A_150 {offsets = [2], sizes = [1], strides = [1]} : vector<16xi32> to vector<1xi32>
      %squeeze3A_160 = vector.extract %slice3A_159[0] : i32 from vector<1xi32>
      %mul3A_161 = arith.constant 32 : i32
      %mul3A_162 = arith.muli %squeeze3A_160, %mul3A_161 : i32
      %slice3A_163 = vector.extract_strided_slice %get3A_150 {offsets = [3], sizes = [1], strides = [1]} : vector<16xi32> to vector<1xi32>
      %squeeze3A_164 = vector.extract %slice3A_163[0] : i32 from vector<1xi32>
      %mul3A_165 = arith.constant 32 : i32
      %mul3A_166 = arith.muli %squeeze3A_164, %mul3A_165 : i32
      %slice3A_167 = vector.extract_strided_slice %get3A_150 {offsets = [4], sizes = [1], strides = [1]} : vector<16xi32> to vector<1xi32>
      %squeeze3A_168 = vector.extract %slice3A_167[0] : i32 from vector<1xi32>
      %mul3A_169 = arith.constant 32 : i32
      %mul3A_170 = arith.muli %squeeze3A_168, %mul3A_169 : i32
      %slice3A_171 = vector.extract_strided_slice %get3A_150 {offsets = [5], sizes = [1], strides = [1]} : vector<16xi32> to vector<1xi32>
      %squeeze3A_172 = vector.extract %slice3A_171[0] : i32 from vector<1xi32>
      %mul3A_173 = arith.constant 32 : i32
      %mul3A_174 = arith.muli %squeeze3A_172, %mul3A_173 : i32
      %slice3A_175 = vector.extract_strided_slice %get3A_150 {offsets = [6], sizes = [1], strides = [1]} : vector<16xi32> to vector<1xi32>
      %squeeze3A_176 = vector.extract %slice3A_175[0] : i32 from vector<1xi32>
      %mul3A_177 = arith.constant 32 : i32
      %mul3A_178 = arith.muli %squeeze3A_176, %mul3A_177 : i32
      %slice3A_179 = vector.extract_strided_slice %get3A_150 {offsets = [7], sizes = [1], strides = [1]} : vector<16xi32> to vector<1xi32>
      %squeeze3A_180 = vector.extract %slice3A_179[0] : i32 from vector<1xi32>
      %mul3A_181 = arith.constant 32 : i32
      %mul3A_182 = arith.muli %squeeze3A_180, %mul3A_181 : i32
      %slice3A_183 = vector.extract_strided_slice %get3A_150 {offsets = [8], sizes = [1], strides = [1]} : vector<16xi32> to vector<1xi32>
      %squeeze3A_184 = vector.extract %slice3A_183[0] : i32 from vector<1xi32>
      %mul3A_185 = arith.constant 32 : i32
      %mul3A_186 = arith.muli %squeeze3A_184, %mul3A_185 : i32
      %slice3A_187 = vector.extract_strided_slice %get3A_150 {offsets = [9], sizes = [1], strides = [1]} : vector<16xi32> to vector<1xi32>
      %squeeze3A_188 = vector.extract %slice3A_187[0] : i32 from vector<1xi32>
      %mul3A_189 = arith.constant 32 : i32
      %mul3A_190 = arith.muli %squeeze3A_188, %mul3A_189 : i32
      %slice3A_191 = vector.extract_strided_slice %get3A_150 {offsets = [10], sizes = [1], strides = [1]} : vector<16xi32> to vector<1xi32>
      %squeeze3A_192 = vector.extract %slice3A_191[0] : i32 from vector<1xi32>
      %mul3A_193 = arith.constant 32 : i32
      %mul3A_194 = arith.muli %squeeze3A_192, %mul3A_193 : i32
      %slice3A_195 = vector.extract_strided_slice %get3A_150 {offsets = [11], sizes = [1], strides = [1]} : vector<16xi32> to vector<1xi32>
      %squeeze3A_196 = vector.extract %slice3A_195[0] : i32 from vector<1xi32>
      %mul3A_197 = arith.constant 32 : i32
      %mul3A_198 = arith.muli %squeeze3A_196, %mul3A_197 : i32
      %slice3A_199 = vector.extract_strided_slice %get3A_150 {offsets = [12], sizes = [1], strides = [1]} : vector<16xi32> to vector<1xi32>
      %squeeze3A_200 = vector.extract %slice3A_199[0] : i32 from vector<1xi32>
      %mul3A_201 = arith.constant 32 : i32
      %mul3A_202 = arith.muli %squeeze3A_200, %mul3A_201 : i32
      %slice3A_203 = vector.extract_strided_slice %get3A_150 {offsets = [13], sizes = [1], strides = [1]} : vector<16xi32> to vector<1xi32>
      %squeeze3A_204 = vector.extract %slice3A_203[0] : i32 from vector<1xi32>
      %mul3A_205 = arith.constant 32 : i32
      %mul3A_206 = arith.muli %squeeze3A_204, %mul3A_205 : i32
      %slice3A_207 = vector.extract_strided_slice %get3A_150 {offsets = [14], sizes = [1], strides = [1]} : vector<16xi32> to vector<1xi32>
      %squeeze3A_208 = vector.extract %slice3A_207[0] : i32 from vector<1xi32>
      %mul3A_209 = arith.constant 32 : i32
      %mul3A_210 = arith.muli %squeeze3A_208, %mul3A_209 : i32
      %slice3A_211 = vector.extract_strided_slice %get3A_150 {offsets = [15], sizes = [1], strides = [1]} : vector<16xi32> to vector<1xi32>
      %squeeze3A_212 = vector.extract %slice3A_211[0] : i32 from vector<1xi32>
      %mul3A_213 = arith.constant 32 : i32
      %mul3A_214 = arith.muli %squeeze3A_212, %mul3A_213 : i32
      %get3A_215 = arith.constant 48 : index
      %get3A_216 = tpu.vector_load %arg5[%get3A_215] {strides = array<i32>} : memref<112xi32, #tpu.memory_space<vmem>>, vector<16xi32>,
      %slice3A_217 = vector.extract_strided_slice %get3A_216 {offsets = [0], sizes = [1], strides = [1]} : vector<16xi32> to vector<1xi32>
      %squeeze3A_218 = vector.extract %slice3A_217[0] : i32 from vector<1xi32>
      %mul3A_219 = arith.constant 32 : i32
      %mul3A_220 = arith.muli %squeeze3A_218, %mul3A_219 : i32
      %slice3A_221 = vector.extract_strided_slice %get3A_216 {offsets = [1], sizes = [1], strides = [1]} : vector<16xi32> to vector<1xi32>
      %squeeze3A_222 = vector.extract %slice3A_221[0] : i32 from vector<1xi32>
      %mul3A_223 = arith.constant 32 : i32
      %mul3A_224 = arith.muli %squeeze3A_222, %mul3A_223 : i32
      %slice3A_225 = vector.extract_strided_slice %get3A_216 {offsets = [2], sizes = [1], strides = [1]} : vector<16xi32> to vector<1xi32>
      %squeeze3A_226 = vector.extract %slice3A_225[0] : i32 from vector<1xi32>
      %mul3A_227 = arith.constant 32 : i32
      %mul3A_228 = arith.muli %squeeze3A_226, %mul3A_227 : i32
      %slice3A_229 = vector.extract_strided_slice %get3A_216 {offsets = [3], sizes = [1], strides = [1]} : vector<16xi32> to vector<1xi32>
      %squeeze3A_230 = vector.extract %slice3A_229[0] : i32 from vector<1xi32>
      %mul3A_231 = arith.constant 32 : i32
      %mul3A_232 = arith.muli %squeeze3A_230, %mul3A_231 : i32
      %slice3A_233 = vector.extract_strided_slice %get3A_216 {offsets = [4], sizes = [1], strides = [1]} : vector<16xi32> to vector<1xi32>
      %squeeze3A_234 = vector.extract %slice3A_233[0] : i32 from vector<1xi32>
      %mul3A_235 = arith.constant 32 : i32
      %mul3A_236 = arith.muli %squeeze3A_234, %mul3A_235 : i32
      %slice3A_237 = vector.extract_strided_slice %get3A_216 {offsets = [5], sizes = [1], strides = [1]} : vector<16xi32> to vector<1xi32>
      %squeeze3A_238 = vector.extract %slice3A_237[0] : i32 from vector<1xi32>
      %mul3A_239 = arith.constant 32 : i32
      %mul3A_240 = arith.muli %squeeze3A_238, %mul3A_239 : i32
      %slice3A_241 = vector.extract_strided_slice %get3A_216 {offsets = [6], sizes = [1], strides = [1]} : vector<16xi32> to vector<1xi32>
      %squeeze3A_242 = vector.extract %slice3A_241[0] : i32 from vector<1xi32>
      %mul3A_243 = arith.constant 32 : i32
      %mul3A_244 = arith.muli %squeeze3A_242, %mul3A_243 : i32
      %slice3A_245 = vector.extract_strided_slice %get3A_216 {offsets = [7], sizes = [1], strides = [1]} : vector<16xi32> to vector<1xi32>
      %squeeze3A_246 = vector.extract %slice3A_245[0] : i32 from vector<1xi32>
      %mul3A_247 = arith.constant 32 : i32
      %mul3A_248 = arith.muli %squeeze3A_246, %mul3A_247 : i32
      %slice3A_249 = vector.extract_strided_slice %get3A_216 {offsets = [8], sizes = [1], strides = [1]} : vector<16xi32> to vector<1xi32>
      %squeeze3A_250 = vector.extract %slice3A_249[0] : i32 from vector<1xi32>
      %mul3A_251 = arith.constant 32 : i32
      %mul3A_252 = arith.muli %squeeze3A_250, %mul3A_251 : i32
      %slice3A_253 = vector.extract_strided_slice %get3A_216 {offsets = [9], sizes = [1], strides = [1]} : vector<16xi32> to vector<1xi32>
      %squeeze3A_254 = vector.extract %slice3A_253[0] : i32 from vector<1xi32>
      %mul3A_255 = arith.constant 32 : i32
      %mul3A_256 = arith.muli %squeeze3A_254, %mul3A_255 : i32
      %slice3A_257 = vector.extract_strided_slice %get3A_216 {offsets = [10], sizes = [1], strides = [1]} : vector<16xi32> to vector<1xi32>
      %squeeze3A_258 = vector.extract %slice3A_257[0] : i32 from vector<1xi32>
      %mul3A_259 = arith.constant 32 : i32
      %mul3A_260 = arith.muli %squeeze3A_258, %mul3A_259 : i32
      %slice3A_261 = vector.extract_strided_slice %get3A_216 {offsets = [11], sizes = [1], strides = [1]} : vector<16xi32> to vector<1xi32>
      %squeeze3A_262 = vector.extract %slice3A_261[0] : i32 from vector<1xi32>
      %mul3A_263 = arith.constant 32 : i32
      %mul3A_264 = arith.muli %squeeze3A_262, %mul3A_263 : i32
      %slice3A_265 = vector.extract_strided_slice %get3A_216 {offsets = [12], sizes = [1], strides = [1]} : vector<16xi32> to vector<1xi32>
      %squeeze3A_266 = vector.extract %slice3A_265[0] : i32 from vector<1xi32>
      %mul3A_267 = arith.constant 32 : i32
      %mul3A_268 = arith.muli %squeeze3A_266, %mul3A_267 : i32
      %slice3A_269 = vector.extract_strided_slice %get3A_216 {offsets = [13], sizes = [1], strides = [1]} : vector<16xi32> to vector<1xi32>
      %squeeze3A_270 = vector.extract %slice3A_269[0] : i32 from vector<1xi32>
      %mul3A_271 = arith.constant 32 : i32
      %mul3A_272 = arith.muli %squeeze3A_270, %mul3A_271 : i32
      %slice3A_273 = vector.extract_strided_slice %get3A_216 {offsets = [14], sizes = [1], strides = [1]} : vector<16xi32> to vector<1xi32>
      %squeeze3A_274 = vector.extract %slice3A_273[0] : i32 from vector<1xi32>
      %mul3A_275 = arith.constant 32 : i32
      %mul3A_276 = arith.muli %squeeze3A_274, %mul3A_275 : i32
      %slice3A_277 = vector.extract_strided_slice %get3A_216 {offsets = [15], sizes = [1], strides = [1]} : vector<16xi32> to vector<1xi32>
      %squeeze3A_278 = vector.extract %slice3A_277[0] : i32 from vector<1xi32>
      %mul3A_279 = arith.constant 32 : i32
      %mul3A_280 = arith.muli %squeeze3A_278, %mul3A_279 : i32
      %get3A_281 = arith.constant 64 : index
      %get3A_282 = tpu.vector_load %arg5[%get3A_281] {strides = array<i32>} : memref<112xi32, #tpu.memory_space<vmem>>, vector<16xi32>,
      %slice3A_283 = vector.extract_strided_slice %get3A_282 {offsets = [0], sizes = [1], strides = [1]} : vector<16xi32> to vector<1xi32>
      %squeeze3A_284 = vector.extract %slice3A_283[0] : i32 from vector<1xi32>
      %mul3A_285 = arith.constant 32 : i32
      %mul3A_286 = arith.muli %squeeze3A_284, %mul3A_285 : i32
      %slice3A_287 = vector.extract_strided_slice %get3A_282 {offsets = [1], sizes = [1], strides = [1]} : vector<16xi32> to vector<1xi32>
      %squeeze3A_288 = vector.extract %slice3A_287[0] : i32 from vector<1xi32>
      %mul3A_289 = arith.constant 32 : i32
      %mul3A_290 = arith.muli %squeeze3A_288, %mul3A_289 : i32
      %slice3A_291 = vector.extract_strided_slice %get3A_282 {offsets = [2], sizes = [1], strides = [1]} : vector<16xi32> to vector<1xi32>
      %squeeze3A_292 = vector.extract %slice3A_291[0] : i32 from vector<1xi32>
      %mul3A_293 = arith.constant 32 : i32
      %mul3A_294 = arith.muli %squeeze3A_292, %mul3A_293 : i32
      %slice3A_295 = vector.extract_strided_slice %get3A_282 {offsets = [3], sizes = [1], strides = [1]} : vector<16xi32> to vector<1xi32>
      %squeeze3A_296 = vector.extract %slice3A_295[0] : i32 from vector<1xi32>
      %mul3A_297 = arith.constant 32 : i32
      %mul3A_298 = arith.muli %squeeze3A_296, %mul3A_297 : i32
      %slice3A_299 = vector.extract_strided_slice %get3A_282 {offsets = [4], sizes = [1], strides = [1]} : vector<16xi32> to vector<1xi32>
      %squeeze3A_300 = vector.extract %slice3A_299[0] : i32 from vector<1xi32>
      %mul3A_301 = arith.constant 32 : i32
      %mul3A_302 = arith.muli %squeeze3A_300, %mul3A_301 : i32
      %slice3A_303 = vector.extract_strided_slice %get3A_282 {offsets = [5], sizes = [1], strides = [1]} : vector<16xi32> to vector<1xi32>
      %squeeze3A_304 = vector.extract %slice3A_303[0] : i32 from vector<1xi32>
      %mul3A_305 = arith.constant 32 : i32
      %mul3A_306 = arith.muli %squeeze3A_304, %mul3A_305 : i32
      %slice3A_307 = vector.extract_strided_slice %get3A_282 {offsets = [6], sizes = [1], strides = [1]} : vector<16xi32> to vector<1xi32>
      %squeeze3A_308 = vector.extract %slice3A_307[0] : i32 from vector<1xi32>
      %mul3A_309 = arith.constant 32 : i32
      %mul3A_310 = arith.muli %squeeze3A_308, %mul3A_309 : i32
      %slice3A_311 = vector.extract_strided_slice %get3A_282 {offsets = [7], sizes = [1], strides = [1]} : vector<16xi32> to vector<1xi32>
      %squeeze3A_312 = vector.extract %slice3A_311[0] : i32 from vector<1xi32>
      %mul3A_313 = arith.constant 32 : i32
      %mul3A_314 = arith.muli %squeeze3A_312, %mul3A_313 : i32
      %slice3A_315 = vector.extract_strided_slice %get3A_282 {offsets = [8], sizes = [1], strides = [1]} : vector<16xi32> to vector<1xi32>
      %squeeze3A_316 = vector.extract %slice3A_315[0] : i32 from vector<1xi32>
      %mul3A_317 = arith.constant 32 : i32
      %mul3A_318 = arith.muli %squeeze3A_316, %mul3A_317 : i32
      %slice3A_319 = vector.extract_strided_slice %get3A_282 {offsets = [9], sizes = [1], strides = [1]} : vector<16xi32> to vector<1xi32>
      %squeeze3A_320 = vector.extract %slice3A_319[0] : i32 from vector<1xi32>
      %mul3A_321 = arith.constant 32 : i32
      %mul3A_322 = arith.muli %squeeze3A_320, %mul3A_321 : i32
      %slice3A_323 = vector.extract_strided_slice %get3A_282 {offsets = [10], sizes = [1], strides = [1]} : vector<16xi32> to vector<1xi32>
      %squeeze3A_324 = vector.extract %slice3A_323[0] : i32 from vector<1xi32>
      %mul3A_325 = arith.constant 32 : i32
      %mul3A_326 = arith.muli %squeeze3A_324, %mul3A_325 : i32
      %slice3A_327 = vector.extract_strided_slice %get3A_282 {offsets = [11], sizes = [1], strides = [1]} : vector<16xi32> to vector<1xi32>
      %squeeze3A_328 = vector.extract %slice3A_327[0] : i32 from vector<1xi32>
      %mul3A_329 = arith.constant 32 : i32
      %mul3A_330 = arith.muli %squeeze3A_328, %mul3A_329 : i32
      %slice3A_331 = vector.extract_strided_slice %get3A_282 {offsets = [12], sizes = [1], strides = [1]} : vector<16xi32> to vector<1xi32>
      %squeeze3A_332 = vector.extract %slice3A_331[0] : i32 from vector<1xi32>
      %mul3A_333 = arith.constant 32 : i32
      %mul3A_334 = arith.muli %squeeze3A_332, %mul3A_333 : i32
      %slice3A_335 = vector.extract_strided_slice %get3A_282 {offsets = [13], sizes = [1], strides = [1]} : vector<16xi32> to vector<1xi32>
      %squeeze3A_336 = vector.extract %slice3A_335[0] : i32 from vector<1xi32>
      %mul3A_337 = arith.constant 32 : i32
      %mul3A_338 = arith.muli %squeeze3A_336, %mul3A_337 : i32
      %slice3A_339 = vector.extract_strided_slice %get3A_282 {offsets = [14], sizes = [1], strides = [1]} : vector<16xi32> to vector<1xi32>
      %squeeze3A_340 = vector.extract %slice3A_339[0] : i32 from vector<1xi32>
      %mul3A_341 = arith.constant 32 : i32
      %mul3A_342 = arith.muli %squeeze3A_340, %mul3A_341 : i32
      %slice3A_343 = vector.extract_strided_slice %get3A_282 {offsets = [15], sizes = [1], strides = [1]} : vector<16xi32> to vector<1xi32>
      %squeeze3A_344 = vector.extract %slice3A_343[0] : i32 from vector<1xi32>
      %mul3A_345 = arith.constant 32 : i32
      %mul3A_346 = arith.muli %squeeze3A_344, %mul3A_345 : i32
      %get3A_347 = arith.constant 80 : index
      %get3A_348 = tpu.vector_load %arg5[%get3A_347] {strides = array<i32>} : memref<112xi32, #tpu.memory_space<vmem>>, vector<16xi32>,
      %slice3A_349 = vector.extract_strided_slice %get3A_348 {offsets = [0], sizes = [1], strides = [1]} : vector<16xi32> to vector<1xi32>
      %squeeze3A_350 = vector.extract %slice3A_349[0] : i32 from vector<1xi32>
      %mul3A_351 = arith.constant 32 : i32
      %mul3A_352 = arith.muli %squeeze3A_350, %mul3A_351 : i32
      %slice3A_353 = vector.extract_strided_slice %get3A_348 {offsets = [1], sizes = [1], strides = [1]} : vector<16xi32> to vector<1xi32>
      %squeeze3A_354 = vector.extract %slice3A_353[0] : i32 from vector<1xi32>
      %mul3A_355 = arith.constant 32 : i32
      %mul3A_356 = arith.muli %squeeze3A_354, %mul3A_355 : i32
      %slice3A_357 = vector.extract_strided_slice %get3A_348 {offsets = [2], sizes = [1], strides = [1]} : vector<16xi32> to vector<1xi32>
      %squeeze3A_358 = vector.extract %slice3A_357[0] : i32 from vector<1xi32>
      %mul3A_359 = arith.constant 32 : i32
      %mul3A_360 = arith.muli %squeeze3A_358, %mul3A_359 : i32
      %slice3A_361 = vector.extract_strided_slice %get3A_348 {offsets = [3], sizes = [1], strides = [1]} : vector<16xi32> to vector<1xi32>
      %squeeze3A_362 = vector.extract %slice3A_361[0] : i32 from vector<1xi32>
      %mul3A_363 = arith.constant 32 : i32
      %mul3A_364 = arith.muli %squeeze3A_362, %mul3A_363 : i32
      %slice3A_365 = vector.extract_strided_slice %get3A_348 {offsets = [4], sizes = [1], strides = [1]} : vector<16xi32> to vector<1xi32>
      %squeeze3A_366 = vector.extract %slice3A_365[0] : i32 from vector<1xi32>
      %mul3A_367 = arith.constant 32 : i32
      %mul3A_368 = arith.muli %squeeze3A_366, %mul3A_367 : i32
      %slice3A_369 = vector.extract_strided_slice %get3A_348 {offsets = [5], sizes = [1], strides = [1]} : vector<16xi32> to vector<1xi32>
      %squeeze3A_370 = vector.extract %slice3A_369[0] : i32 from vector<1xi32>
      %mul3A_371 = arith.constant 32 : i32
      %mul3A_372 = arith.muli %squeeze3A_370, %mul3A_371 : i32
      %slice3A_373 = vector.extract_strided_slice %get3A_348 {offsets = [6], sizes = [1], strides = [1]} : vector<16xi32> to vector<1xi32>
      %squeeze3A_374 = vector.extract %slice3A_373[0] : i32 from vector<1xi32>
      %mul3A_375 = arith.constant 32 : i32
      %mul3A_376 = arith.muli %squeeze3A_374, %mul3A_375 : i32
      %slice3A_377 = vector.extract_strided_slice %get3A_348 {offsets = [7], sizes = [1], strides = [1]} : vector<16xi32> to vector<1xi32>
      %squeeze3A_378 = vector.extract %slice3A_377[0] : i32 from vector<1xi32>
      %mul3A_379 = arith.constant 32 : i32
      %mul3A_380 = arith.muli %squeeze3A_378, %mul3A_379 : i32
      %slice3A_381 = vector.extract_strided_slice %get3A_348 {offsets = [8], sizes = [1], strides = [1]} : vector<16xi32> to vector<1xi32>
      %squeeze3A_382 = vector.extract %slice3A_381[0] : i32 from vector<1xi32>
      %mul3A_383 = arith.constant 32 : i32
      %mul3A_384 = arith.muli %squeeze3A_382, %mul3A_383 : i32
      %slice3A_385 = vector.extract_strided_slice %get3A_348 {offsets = [9], sizes = [1], strides = [1]} : vector<16xi32> to vector<1xi32>
      %squeeze3A_386 = vector.extract %slice3A_385[0] : i32 from vector<1xi32>
      %mul3A_387 = arith.constant 32 : i32
      %mul3A_388 = arith.muli %squeeze3A_386, %mul3A_387 : i32
      %slice3A_389 = vector.extract_strided_slice %get3A_348 {offsets = [10], sizes = [1], strides = [1]} : vector<16xi32> to vector<1xi32>
      %squeeze3A_390 = vector.extract %slice3A_389[0] : i32 from vector<1xi32>
      %mul3A_391 = arith.constant 32 : i32
      %mul3A_392 = arith.muli %squeeze3A_390, %mul3A_391 : i32
      %slice3A_393 = vector.extract_strided_slice %get3A_348 {offsets = [11], sizes = [1], strides = [1]} : vector<16xi32> to vector<1xi32>
      %squeeze3A_394 = vector.extract %slice3A_393[0] : i32 from vector<1xi32>
      %mul3A_395 = arith.constant 32 : i32
      %mul3A_396 = arith.muli %squeeze3A_394, %mul3A_395 : i32
      %slice3A_397 = vector.extract_strided_slice %get3A_348 {offsets = [12], sizes = [1], strides = [1]} : vector<16xi32> to vector<1xi32>
      %squeeze3A_398 = vector.extract %slice3A_397[0] : i32 from vector<1xi32>
      %mul3A_399 = arith.constant 32 : i32
      %mul3A_400 = arith.muli %squeeze3A_398, %mul3A_399 : i32
      %slice3A_401 = vector.extract_strided_slice %get3A_348 {offsets = [13], sizes = [1], strides = [1]} : vector<16xi32> to vector<1xi32>
      %squeeze3A_402 = vector.extract %slice3A_401[0] : i32 from vector<1xi32>
      %mul3A_403 = arith.constant 32 : i32
      %mul3A_404 = arith.muli %squeeze3A_402, %mul3A_403 : i32
      %slice3A_405 = vector.extract_strided_slice %get3A_348 {offsets = [14], sizes = [1], strides = [1]} : vector<16xi32> to vector<1xi32>
      %squeeze3A_406 = vector.extract %slice3A_405[0] : i32 from vector<1xi32>
      %mul3A_407 = arith.constant 32 : i32
      %mul3A_408 = arith.muli %squeeze3A_406, %mul3A_407 : i32
      %slice3A_409 = vector.extract_strided_slice %get3A_348 {offsets = [15], sizes = [1], strides = [1]} : vector<16xi32> to vector<1xi32>
      %squeeze3A_410 = vector.extract %slice3A_409[0] : i32 from vector<1xi32>
      %mul3A_411 = arith.constant 32 : i32
      %mul3A_412 = arith.muli %squeeze3A_410, %mul3A_411 : i32
      %get3A_413 = arith.constant 96 : index
      %get3A_414 = tpu.vector_load %arg5[%get3A_413] {strides = array<i32>} : memref<112xi32, #tpu.memory_space<vmem>>, vector<16xi32>,
      %slice3A_415 = vector.extract_strided_slice %get3A_414 {offsets = [0], sizes = [1], strides = [1]} : vector<16xi32> to vector<1xi32>
      %squeeze3A_416 = vector.extract %slice3A_415[0] : i32 from vector<1xi32>
      %mul3A_417 = arith.constant 32 : i32
      %mul3A_418 = arith.muli %squeeze3A_416, %mul3A_417 : i32
      %slice3A_419 = vector.extract_strided_slice %get3A_414 {offsets = [1], sizes = [1], strides = [1]} : vector<16xi32> to vector<1xi32>
      %squeeze3A_420 = vector.extract %slice3A_419[0] : i32 from vector<1xi32>
      %mul3A_421 = arith.constant 32 : i32
      %mul3A_422 = arith.muli %squeeze3A_420, %mul3A_421 : i32
      %slice3A_423 = vector.extract_strided_slice %get3A_414 {offsets = [2], sizes = [1], strides = [1]} : vector<16xi32> to vector<1xi32>
      %squeeze3A_424 = vector.extract %slice3A_423[0] : i32 from vector<1xi32>
      %mul3A_425 = arith.constant 32 : i32
      %mul3A_426 = arith.muli %squeeze3A_424, %mul3A_425 : i32
      %slice3A_427 = vector.extract_strided_slice %get3A_414 {offsets = [3], sizes = [1], strides = [1]} : vector<16xi32> to vector<1xi32>
      %squeeze3A_428 = vector.extract %slice3A_427[0] : i32 from vector<1xi32>
      %mul3A_429 = arith.constant 32 : i32
      %mul3A_430 = arith.muli %squeeze3A_428, %mul3A_429 : i32
      %slice3A_431 = vector.extract_strided_slice %get3A_414 {offsets = [4], sizes = [1], strides = [1]} : vector<16xi32> to vector<1xi32>
      %squeeze3A_432 = vector.extract %slice3A_431[0] : i32 from vector<1xi32>
      %mul3A_433 = arith.constant 32 : i32
      %mul3A_434 = arith.muli %squeeze3A_432, %mul3A_433 : i32
      %slice3A_435 = vector.extract_strided_slice %get3A_414 {offsets = [5], sizes = [1], strides = [1]} : vector<16xi32> to vector<1xi32>
      %squeeze3A_436 = vector.extract %slice3A_435[0] : i32 from vector<1xi32>
      %mul3A_437 = arith.constant 32 : i32
      %mul3A_438 = arith.muli %squeeze3A_436, %mul3A_437 : i32
      %slice3A_439 = vector.extract_strided_slice %get3A_414 {offsets = [6], sizes = [1], strides = [1]} : vector<16xi32> to vector<1xi32>
      %squeeze3A_440 = vector.extract %slice3A_439[0] : i32 from vector<1xi32>
      %mul3A_441 = arith.constant 32 : i32
      %mul3A_442 = arith.muli %squeeze3A_440, %mul3A_441 : i32
      %slice3A_443 = vector.extract_strided_slice %get3A_414 {offsets = [7], sizes = [1], strides = [1]} : vector<16xi32> to vector<1xi32>
      %squeeze3A_444 = vector.extract %slice3A_443[0] : i32 from vector<1xi32>
      %mul3A_445 = arith.constant 32 : i32
      %mul3A_446 = arith.muli %squeeze3A_444, %mul3A_445 : i32
      %slice3A_447 = vector.extract_strided_slice %get3A_414 {offsets = [8], sizes = [1], strides = [1]} : vector<16xi32> to vector<1xi32>
      %squeeze3A_448 = vector.extract %slice3A_447[0] : i32 from vector<1xi32>
      %mul3A_449 = arith.constant 32 : i32
      %mul3A_450 = arith.muli %squeeze3A_448, %mul3A_449 : i32
      %slice3A_451 = vector.extract_strided_slice %get3A_414 {offsets = [9], sizes = [1], strides = [1]} : vector<16xi32> to vector<1xi32>
      %squeeze3A_452 = vector.extract %slice3A_451[0] : i32 from vector<1xi32>
      %mul3A_453 = arith.constant 32 : i32
      %mul3A_454 = arith.muli %squeeze3A_452, %mul3A_453 : i32
      %slice3A_455 = vector.extract_strided_slice %get3A_414 {offsets = [10], sizes = [1], strides = [1]} : vector<16xi32> to vector<1xi32>
      %squeeze3A_456 = vector.extract %slice3A_455[0] : i32 from vector<1xi32>
      %mul3A_457 = arith.constant 32 : i32
      %mul3A_458 = arith.muli %squeeze3A_456, %mul3A_457 : i32
      %slice3A_459 = vector.extract_strided_slice %get3A_414 {offsets = [11], sizes = [1], strides = [1]} : vector<16xi32> to vector<1xi32>
      %squeeze3A_460 = vector.extract %slice3A_459[0] : i32 from vector<1xi32>
      %mul3A_461 = arith.constant 32 : i32
      %mul3A_462 = arith.muli %squeeze3A_460, %mul3A_461 : i32
      %slice3A_463 = vector.extract_strided_slice %get3A_414 {offsets = [12], sizes = [1], strides = [1]} : vector<16xi32> to vector<1xi32>
      %squeeze3A_464 = vector.extract %slice3A_463[0] : i32 from vector<1xi32>
      %mul3A_465 = arith.constant 32 : i32
      %mul3A_466 = arith.muli %squeeze3A_464, %mul3A_465 : i32
      %slice3A_467 = vector.extract_strided_slice %get3A_414 {offsets = [13], sizes = [1], strides = [1]} : vector<16xi32> to vector<1xi32>
      %squeeze3A_468 = vector.extract %slice3A_467[0] : i32 from vector<1xi32>
      %mul3A_469 = arith.constant 32 : i32
      %mul3A_470 = arith.muli %squeeze3A_468, %mul3A_469 : i32
      %slice3A_471 = vector.extract_strided_slice %get3A_414 {offsets = [14], sizes = [1], strides = [1]} : vector<16xi32> to vector<1xi32>
      %squeeze3A_472 = vector.extract %slice3A_471[0] : i32 from vector<1xi32>
      %mul3A_473 = arith.constant 32 : i32
      %mul3A_474 = arith.muli %squeeze3A_472, %mul3A_473 : i32
      %slice3A_475 = vector.extract_strided_slice %get3A_414 {offsets = [15], sizes = [1], strides = [1]} : vector<16xi32> to vector<1xi32>
      %squeeze3A_476 = vector.extract %slice3A_475[0] : i32 from vector<1xi32>
      %mul3A_477 = arith.constant 32 : i32
      %mul3A_478 = arith.muli %squeeze3A_476, %mul3A_477 : i32
      %dma_start3A_479 = arith.constant 0 : i32
      %dma_start3A_480 = tpu.memref_slice %arg6[%dma_start3A_479] : memref<3584xf32, #tpu.memory_space<vmem>> -> memref<32xf32, #tpu.memory_space<vmem>>
      %dma_start3A_481 = tpu.memref_slice %arg3[%add3A_9, %mul3A_22] : memref<1024x102400xf32, #tpu.memory_space<hbm>> -> memref<1x32xf32, #tpu.memory_space<hbm>>
      %dma_start3A_482 = tpu.memref_squeeze %dma_start3A_481 : memref<1x32xf32, #tpu.memory_space<hbm>> -> memref<32xf32, #tpu.memory_space<hbm>>
      %dma_start3A_483 = arith.constant 0 : i32
      %dma_start3A_484 = tpu.memref_slice %arg6[%dma_start3A_483] : memref<3584xf32, #tpu.memory_space<vmem>> -> memref<32xf32, #tpu.memory_space<vmem>>
      %dma_start3A_485 = tpu.memref_slice %arg3[%add3A_9, %mul3A_22] : memref<1024x102400xf32, #tpu.memory_space<hbm>> -> memref<1x32xf32, #tpu.memory_space<hbm>>
      %dma_start3A_486 = tpu.memref_squeeze %dma_start3A_485 : memref<1x32xf32, #tpu.memory_space<hbm>> -> memref<32xf32, #tpu.memory_space<hbm>>
      tpu.enqueue_dma source(%dma_start3A_486 : memref<32xf32, #tpu.memory_space<hbm>>) target(%dma_start3A_484 : memref<32xf32, #tpu.memory_space<vmem>>) target_semaphore(%arg8 : memref<!tpu.dma_semaphore, #tpu.memory_space<semaphore_mem>>)
      %dma_start3A_487 = arith.constant 32 : i32
      %dma_start3A_488 = tpu.memref_slice %arg6[%dma_start3A_487] : memref<3584xf32, #tpu.memory_space<vmem>> -> memref<32xf32, #tpu.memory_space<vmem>>
      %dma_start3A_489 = tpu.memref_slice %arg3[%add3A_9, %mul3A_26] : memref<1024x102400xf32, #tpu.memory_space<hbm>> -> memref<1x32xf32, #tpu.memory_space<hbm>>
      %dma_start3A_490 = tpu.memref_squeeze %dma_start3A_489 : memref<1x32xf32, #tpu.memory_space<hbm>> -> memref<32xf32, #tpu.memory_space<hbm>>
      %dma_start3A_491 = arith.constant 32 : i32
      %dma_start3A_492 = tpu.memref_slice %arg6[%dma_start3A_491] : memref<3584xf32, #tpu.memory_space<vmem>> -> memref<32xf32, #tpu.memory_space<vmem>>
      %dma_start3A_493 = tpu.memref_slice %arg3[%add3A_9, %mul3A_26] : memref<1024x102400xf32, #tpu.memory_space<hbm>> -> memref<1x32xf32, #tpu.memory_space<hbm>>
      %dma_start3A_494 = tpu.memref_squeeze %dma_start3A_493 : memref<1x32xf32, #tpu.memory_space<hbm>> -> memref<32xf32, #tpu.memory_space<hbm>>
      tpu.enqueue_dma source(%dma_start3A_494 : memref<32xf32, #tpu.memory_space<hbm>>) target(%dma_start3A_492 : memref<32xf32, #tpu.memory_space<vmem>>) target_semaphore(%arg8 : memref<!tpu.dma_semaphore, #tpu.memory_space<semaphore_mem>>)
      %dma_start3A_495 = arith.constant 64 : i32
      %dma_start3A_496 = tpu.memref_slice %arg6[%dma_start3A_495] : memref<3584xf32, #tpu.memory_space<vmem>> -> memref<32xf32, #tpu.memory_space<vmem>>
      %dma_start3A_497 = tpu.memref_slice %arg3[%add3A_9, %mul3A_30] : memref<1024x102400xf32, #tpu.memory_space<hbm>> -> memref<1x32xf32, #tpu.memory_space<hbm>>
      %dma_start3A_498 = tpu.memref_squeeze %dma_start3A_497 : memref<1x32xf32, #tpu.memory_space<hbm>> -> memref<32xf32, #tpu.memory_space<hbm>>
      %dma_start3A_499 = arith.constant 64 : i32
      %dma_start3A_500 = tpu.memref_slice %arg6[%dma_start3A_499] : memref<3584xf32, #tpu.memory_space<vmem>> -> memref<32xf32, #tpu.memory_space<vmem>>
      %dma_start3A_501 = tpu.memref_slice %arg3[%add3A_9, %mul3A_30] : memref<1024x102400xf32, #tpu.memory_space<hbm>> -> memref<1x32xf32, #tpu.memory_space<hbm>>
      %dma_start3A_502 = tpu.memref_squeeze %dma_start3A_501 : memref<1x32xf32, #tpu.memory_space<hbm>> -> memref<32xf32, #tpu.memory_space<hbm>>
      tpu.enqueue_dma source(%dma_start3A_502 : memref<32xf32, #tpu.memory_space<hbm>>) target(%dma_start3A_500 : memref<32xf32, #tpu.memory_space<vmem>>) target_semaphore(%arg8 : memref<!tpu.dma_semaphore, #tpu.memory_space<semaphore_mem>>)
      %dma_start3A_503 = arith.constant 96 : i32
      %dma_start3A_504 = tpu.memref_slice %arg6[%dma_start3A_503] : memref<3584xf32, #tpu.memory_space<vmem>> -> memref<32xf32, #tpu.memory_space<vmem>>
      %dma_start3A_505 = tpu.memref_slice %arg3[%add3A_9, %mul3A_34] : memref<1024x102400xf32, #tpu.memory_space<hbm>> -> memref<1x32xf32, #tpu.memory_space<hbm>>
      %dma_start3A_506 = tpu.memref_squeeze %dma_start3A_505 : memref<1x32xf32, #tpu.memory_space<hbm>> -> memref<32xf32, #tpu.memory_space<hbm>>
      %dma_start3A_507 = arith.constant 96 : i32
      %dma_start3A_508 = tpu.memref_slice %arg6[%dma_start3A_507] : memref<3584xf32, #tpu.memory_space<vmem>> -> memref<32xf32, #tpu.memory_space<vmem>>
      %dma_start3A_509 = tpu.memref_slice %arg3[%add3A_9, %mul3A_34] : memref<1024x102400xf32, #tpu.memory_space<hbm>> -> memref<1x32xf32, #tpu.memory_space<hbm>>
      %dma_start3A_510 = tpu.memref_squeeze %dma_start3A_509 : memref<1x32xf32, #tpu.memory_space<hbm>> -> memref<32xf32, #tpu.memory_space<hbm>>
      tpu.enqueue_dma source(%dma_start3A_510 : memref<32xf32, #tpu.memory_space<hbm>>) target(%dma_start3A_508 : memref<32xf32, #tpu.memory_space<vmem>>) target_semaphore(%arg8 : memref<!tpu.dma_semaphore, #tpu.memory_space<semaphore_mem>>)
      %dma_start3A_511 = arith.constant 128 : i32
      %dma_start3A_512 = tpu.memref_slice %arg6[%dma_start3A_511] : memref<3584xf32, #tpu.memory_space<vmem>> -> memref<32xf32, #tpu.memory_space<vmem>>
      %dma_start3A_513 = tpu.memref_slice %arg3[%add3A_9, %mul3A_38] : memref<1024x102400xf32, #tpu.memory_space<hbm>> -> memref<1x32xf32, #tpu.memory_space<hbm>>
      %dma_start3A_514 = tpu.memref_squeeze %dma_start3A_513 : memref<1x32xf32, #tpu.memory_space<hbm>> -> memref<32xf32, #tpu.memory_space<hbm>>
      %dma_start3A_515 = arith.constant 128 : i32
      %dma_start3A_516 = tpu.memref_slice %arg6[%dma_start3A_515] : memref<3584xf32, #tpu.memory_space<vmem>> -> memref<32xf32, #tpu.memory_space<vmem>>
      %dma_start3A_517 = tpu.memref_slice %arg3[%add3A_9, %mul3A_38] : memref<1024x102400xf32, #tpu.memory_space<hbm>> -> memref<1x32xf32, #tpu.memory_space<hbm>>
      %dma_start3A_518 = tpu.memref_squeeze %dma_start3A_517 : memref<1x32xf32, #tpu.memory_space<hbm>> -> memref<32xf32, #tpu.memory_space<hbm>>
      tpu.enqueue_dma source(%dma_start3A_518 : memref<32xf32, #tpu.memory_space<hbm>>) target(%dma_start3A_516 : memref<32xf32, #tpu.memory_space<vmem>>) target_semaphore(%arg8 : memref<!tpu.dma_semaphore, #tpu.memory_space<semaphore_mem>>)
      %dma_start3A_519 = arith.constant 160 : i32
      %dma_start3A_520 = tpu.memref_slice %arg6[%dma_start3A_519] : memref<3584xf32, #tpu.memory_space<vmem>> -> memref<32xf32, #tpu.memory_space<vmem>>
      %dma_start3A_521 = tpu.memref_slice %arg3[%add3A_9, %mul3A_42] : memref<1024x102400xf32, #tpu.memory_space<hbm>> -> memref<1x32xf32, #tpu.memory_space<hbm>>
      %dma_start3A_522 = tpu.memref_squeeze %dma_start3A_521 : memref<1x32xf32, #tpu.memory_space<hbm>> -> memref<32xf32, #tpu.memory_space<hbm>>
      %dma_start3A_523 = arith.constant 160 : i32
      %dma_start3A_524 = tpu.memref_slice %arg6[%dma_start3A_523] : memref<3584xf32, #tpu.memory_space<vmem>> -> memref<32xf32, #tpu.memory_space<vmem>>
      %dma_start3A_525 = tpu.memref_slice %arg3[%add3A_9, %mul3A_42] : memref<1024x102400xf32, #tpu.memory_space<hbm>> -> memref<1x32xf32, #tpu.memory_space<hbm>>
      %dma_start3A_526 = tpu.memref_squeeze %dma_start3A_525 : memref<1x32xf32, #tpu.memory_space<hbm>> -> memref<32xf32, #tpu.memory_space<hbm>>
      tpu.enqueue_dma source(%dma_start3A_526 : memref<32xf32, #tpu.memory_space<hbm>>) target(%dma_start3A_524 : memref<32xf32, #tpu.memory_space<vmem>>) target_semaphore(%arg8 : memref<!tpu.dma_semaphore, #tpu.memory_space<semaphore_mem>>)
      %dma_start3A_527 = arith.constant 192 : i32
      %dma_start3A_528 = tpu.memref_slice %arg6[%dma_start3A_527] : memref<3584xf32, #tpu.memory_space<vmem>> -> memref<32xf32, #tpu.memory_space<vmem>>
      %dma_start3A_529 = tpu.memref_slice %arg3[%add3A_9, %mul3A_46] : memref<1024x102400xf32, #tpu.memory_space<hbm>> -> memref<1x32xf32, #tpu.memory_space<hbm>>
      %dma_start3A_530 = tpu.memref_squeeze %dma_start3A_529 : memref<1x32xf32, #tpu.memory_space<hbm>> -> memref<32xf32, #tpu.memory_space<hbm>>
      %dma_start3A_531 = arith.constant 192 : i32
      %dma_start3A_532 = tpu.memref_slice %arg6[%dma_start3A_531] : memref<3584xf32, #tpu.memory_space<vmem>> -> memref<32xf32, #tpu.memory_space<vmem>>
      %dma_start3A_533 = tpu.memref_slice %arg3[%add3A_9, %mul3A_46] : memref<1024x102400xf32, #tpu.memory_space<hbm>> -> memref<1x32xf32, #tpu.memory_space<hbm>>
      %dma_start3A_534 = tpu.memref_squeeze %dma_start3A_533 : memref<1x32xf32, #tpu.memory_space<hbm>> -> memref<32xf32, #tpu.memory_space<hbm>>
      tpu.enqueue_dma source(%dma_start3A_534 : memref<32xf32, #tpu.memory_space<hbm>>) target(%dma_start3A_532 : memref<32xf32, #tpu.memory_space<vmem>>) target_semaphore(%arg8 : memref<!tpu.dma_semaphore, #tpu.memory_space<semaphore_mem>>)
      %dma_start3A_535 = arith.constant 224 : i32
      %dma_start3A_536 = tpu.memref_slice %arg6[%dma_start3A_535] : memref<3584xf32, #tpu.memory_space<vmem>> -> memref<32xf32, #tpu.memory_space<vmem>>
      %dma_start3A_537 = tpu.memref_slice %arg3[%add3A_9, %mul3A_50] : memref<1024x102400xf32, #tpu.memory_space<hbm>> -> memref<1x32xf32, #tpu.memory_space<hbm>>
      %dma_start3A_538 = tpu.memref_squeeze %dma_start3A_537 : memref<1x32xf32, #tpu.memory_space<hbm>> -> memref<32xf32, #tpu.memory_space<hbm>>
      %dma_start3A_539 = arith.constant 224 : i32
      %dma_start3A_540 = tpu.memref_slice %arg6[%dma_start3A_539] : memref<3584xf32, #tpu.memory_space<vmem>> -> memref<32xf32, #tpu.memory_space<vmem>>
      %dma_start3A_541 = tpu.memref_slice %arg3[%add3A_9, %mul3A_50] : memref<1024x102400xf32, #tpu.memory_space<hbm>> -> memref<1x32xf32, #tpu.memory_space<hbm>>
      %dma_start3A_542 = tpu.memref_squeeze %dma_start3A_541 : memref<1x32xf32, #tpu.memory_space<hbm>> -> memref<32xf32, #tpu.memory_space<hbm>>
      tpu.enqueue_dma source(%dma_start3A_542 : memref<32xf32, #tpu.memory_space<hbm>>) target(%dma_start3A_540 : memref<32xf32, #tpu.memory_space<vmem>>) target_semaphore(%arg8 : memref<!tpu.dma_semaphore, #tpu.memory_space<semaphore_mem>>)
      %dma_start3A_543 = arith.constant 256 : i32
      %dma_start3A_544 = tpu.memref_slice %arg6[%dma_start3A_543] : memref<3584xf32, #tpu.memory_space<vmem>> -> memref<32xf32, #tpu.memory_space<vmem>>
      %dma_start3A_545 = tpu.memref_slice %arg3[%add3A_9, %mul3A_54] : memref<1024x102400xf32, #tpu.memory_space<hbm>> -> memref<1x32xf32, #tpu.memory_space<hbm>>
      %dma_start3A_546 = tpu.memref_squeeze %dma_start3A_545 : memref<1x32xf32, #tpu.memory_space<hbm>> -> memref<32xf32, #tpu.memory_space<hbm>>
      %dma_start3A_547 = arith.constant 256 : i32
      %dma_start3A_548 = tpu.memref_slice %arg6[%dma_start3A_547] : memref<3584xf32, #tpu.memory_space<vmem>> -> memref<32xf32, #tpu.memory_space<vmem>>
      %dma_start3A_549 = tpu.memref_slice %arg3[%add3A_9, %mul3A_54] : memref<1024x102400xf32, #tpu.memory_space<hbm>> -> memref<1x32xf32, #tpu.memory_space<hbm>>
      %dma_start3A_550 = tpu.memref_squeeze %dma_start3A_549 : memref<1x32xf32, #tpu.memory_space<hbm>> -> memref<32xf32, #tpu.memory_space<hbm>>
      tpu.enqueue_dma source(%dma_start3A_550 : memref<32xf32, #tpu.memory_space<hbm>>) target(%dma_start3A_548 : memref<32xf32, #tpu.memory_space<vmem>>) target_semaphore(%arg8 : memref<!tpu.dma_semaphore, #tpu.memory_space<semaphore_mem>>)
      %dma_start3A_551 = arith.constant 288 : i32
      %dma_start3A_552 = tpu.memref_slice %arg6[%dma_start3A_551] : memref<3584xf32, #tpu.memory_space<vmem>> -> memref<32xf32, #tpu.memory_space<vmem>>
      %dma_start3A_553 = tpu.memref_slice %arg3[%add3A_9, %mul3A_58] : memref<1024x102400xf32, #tpu.memory_space<hbm>> -> memref<1x32xf32, #tpu.memory_space<hbm>>
      %dma_start3A_554 = tpu.memref_squeeze %dma_start3A_553 : memref<1x32xf32, #tpu.memory_space<hbm>> -> memref<32xf32, #tpu.memory_space<hbm>>
      %dma_start3A_555 = arith.constant 288 : i32
      %dma_start3A_556 = tpu.memref_slice %arg6[%dma_start3A_555] : memref<3584xf32, #tpu.memory_space<vmem>> -> memref<32xf32, #tpu.memory_space<vmem>>
      %dma_start3A_557 = tpu.memref_slice %arg3[%add3A_9, %mul3A_58] : memref<1024x102400xf32, #tpu.memory_space<hbm>> -> memref<1x32xf32, #tpu.memory_space<hbm>>
      %dma_start3A_558 = tpu.memref_squeeze %dma_start3A_557 : memref<1x32xf32, #tpu.memory_space<hbm>> -> memref<32xf32, #tpu.memory_space<hbm>>
      tpu.enqueue_dma source(%dma_start3A_558 : memref<32xf32, #tpu.memory_space<hbm>>) target(%dma_start3A_556 : memref<32xf32, #tpu.memory_space<vmem>>) target_semaphore(%arg8 : memref<!tpu.dma_semaphore, #tpu.memory_space<semaphore_mem>>)
      %dma_start3A_559 = arith.constant 320 : i32
      %dma_start3A_560 = tpu.memref_slice %arg6[%dma_start3A_559] : memref<3584xf32, #tpu.memory_space<vmem>> -> memref<32xf32, #tpu.memory_space<vmem>>
      %dma_start3A_561 = tpu.memref_slice %arg3[%add3A_9, %mul3A_62] : memref<1024x102400xf32, #tpu.memory_space<hbm>> -> memref<1x32xf32, #tpu.memory_space<hbm>>
      %dma_start3A_562 = tpu.memref_squeeze %dma_start3A_561 : memref<1x32xf32, #tpu.memory_space<hbm>> -> memref<32xf32, #tpu.memory_space<hbm>>
      %dma_start3A_563 = arith.constant 320 : i32
      %dma_start3A_564 = tpu.memref_slice %arg6[%dma_start3A_563] : memref<3584xf32, #tpu.memory_space<vmem>> -> memref<32xf32, #tpu.memory_space<vmem>>
      %dma_start3A_565 = tpu.memref_slice %arg3[%add3A_9, %mul3A_62] : memref<1024x102400xf32, #tpu.memory_space<hbm>> -> memref<1x32xf32, #tpu.memory_space<hbm>>
      %dma_start3A_566 = tpu.memref_squeeze %dma_start3A_565 : memref<1x32xf32, #tpu.memory_space<hbm>> -> memref<32xf32, #tpu.memory_space<hbm>>
      tpu.enqueue_dma source(%dma_start3A_566 : memref<32xf32, #tpu.memory_space<hbm>>) target(%dma_start3A_564 : memref<32xf32, #tpu.memory_space<vmem>>) target_semaphore(%arg8 : memref<!tpu.dma_semaphore, #tpu.memory_space<semaphore_mem>>)
      %dma_start3A_567 = arith.constant 352 : i32
      %dma_start3A_568 = tpu.memref_slice %arg6[%dma_start3A_567] : memref<3584xf32, #tpu.memory_space<vmem>> -> memref<32xf32, #tpu.memory_space<vmem>>
      %dma_start3A_569 = tpu.memref_slice %arg3[%add3A_9, %mul3A_66] : memref<1024x102400xf32, #tpu.memory_space<hbm>> -> memref<1x32xf32, #tpu.memory_space<hbm>>
      %dma_start3A_570 = tpu.memref_squeeze %dma_start3A_569 : memref<1x32xf32, #tpu.memory_space<hbm>> -> memref<32xf32, #tpu.memory_space<hbm>>
      %dma_start3A_571 = arith.constant 352 : i32
      %dma_start3A_572 = tpu.memref_slice %arg6[%dma_start3A_571] : memref<3584xf32, #tpu.memory_space<vmem>> -> memref<32xf32, #tpu.memory_space<vmem>>
      %dma_start3A_573 = tpu.memref_slice %arg3[%add3A_9, %mul3A_66] : memref<1024x102400xf32, #tpu.memory_space<hbm>> -> memref<1x32xf32, #tpu.memory_space<hbm>>
      %dma_start3A_574 = tpu.memref_squeeze %dma_start3A_573 : memref<1x32xf32, #tpu.memory_space<hbm>> -> memref<32xf32, #tpu.memory_space<hbm>>
      tpu.enqueue_dma source(%dma_start3A_574 : memref<32xf32, #tpu.memory_space<hbm>>) target(%dma_start3A_572 : memref<32xf32, #tpu.memory_space<vmem>>) target_semaphore(%arg8 : memref<!tpu.dma_semaphore, #tpu.memory_space<semaphore_mem>>)
      %dma_start3A_575 = arith.constant 384 : i32
      %dma_start3A_576 = tpu.memref_slice %arg6[%dma_start3A_575] : memref<3584xf32, #tpu.memory_space<vmem>> -> memref<32xf32, #tpu.memory_space<vmem>>
      %dma_start3A_577 = tpu.memref_slice %arg3[%add3A_9, %mul3A_70] : memref<1024x102400xf32, #tpu.memory_space<hbm>> -> memref<1x32xf32, #tpu.memory_space<hbm>>
      %dma_start3A_578 = tpu.memref_squeeze %dma_start3A_577 : memref<1x32xf32, #tpu.memory_space<hbm>> -> memref<32xf32, #tpu.memory_space<hbm>>
      %dma_start3A_579 = arith.constant 384 : i32
      %dma_start3A_580 = tpu.memref_slice %arg6[%dma_start3A_579] : memref<3584xf32, #tpu.memory_space<vmem>> -> memref<32xf32, #tpu.memory_space<vmem>>
      %dma_start3A_581 = tpu.memref_slice %arg3[%add3A_9, %mul3A_70] : memref<1024x102400xf32, #tpu.memory_space<hbm>> -> memref<1x32xf32, #tpu.memory_space<hbm>>
      %dma_start3A_582 = tpu.memref_squeeze %dma_start3A_581 : memref<1x32xf32, #tpu.memory_space<hbm>> -> memref<32xf32, #tpu.memory_space<hbm>>
      tpu.enqueue_dma source(%dma_start3A_582 : memref<32xf32, #tpu.memory_space<hbm>>) target(%dma_start3A_580 : memref<32xf32, #tpu.memory_space<vmem>>) target_semaphore(%arg8 : memref<!tpu.dma_semaphore, #tpu.memory_space<semaphore_mem>>)
      %dma_start3A_583 = arith.constant 416 : i32
      %dma_start3A_584 = tpu.memref_slice %arg6[%dma_start3A_583] : memref<3584xf32, #tpu.memory_space<vmem>> -> memref<32xf32, #tpu.memory_space<vmem>>
      %dma_start3A_585 = tpu.memref_slice %arg3[%add3A_9, %mul3A_74] : memref<1024x102400xf32, #tpu.memory_space<hbm>> -> memref<1x32xf32, #tpu.memory_space<hbm>>
      %dma_start3A_586 = tpu.memref_squeeze %dma_start3A_585 : memref<1x32xf32, #tpu.memory_space<hbm>> -> memref<32xf32, #tpu.memory_space<hbm>>
      %dma_start3A_587 = arith.constant 416 : i32
      %dma_start3A_588 = tpu.memref_slice %arg6[%dma_start3A_587] : memref<3584xf32, #tpu.memory_space<vmem>> -> memref<32xf32, #tpu.memory_space<vmem>>
      %dma_start3A_589 = tpu.memref_slice %arg3[%add3A_9, %mul3A_74] : memref<1024x102400xf32, #tpu.memory_space<hbm>> -> memref<1x32xf32, #tpu.memory_space<hbm>>
      %dma_start3A_590 = tpu.memref_squeeze %dma_start3A_589 : memref<1x32xf32, #tpu.memory_space<hbm>> -> memref<32xf32, #tpu.memory_space<hbm>>
      tpu.enqueue_dma source(%dma_start3A_590 : memref<32xf32, #tpu.memory_space<hbm>>) target(%dma_start3A_588 : memref<32xf32, #tpu.memory_space<vmem>>) target_semaphore(%arg8 : memref<!tpu.dma_semaphore, #tpu.memory_space<semaphore_mem>>)
      %dma_start3A_591 = arith.constant 448 : i32
      %dma_start3A_592 = tpu.memref_slice %arg6[%dma_start3A_591] : memref<3584xf32, #tpu.memory_space<vmem>> -> memref<32xf32, #tpu.memory_space<vmem>>
      %dma_start3A_593 = tpu.memref_slice %arg3[%add3A_9, %mul3A_78] : memref<1024x102400xf32, #tpu.memory_space<hbm>> -> memref<1x32xf32, #tpu.memory_space<hbm>>
      %dma_start3A_594 = tpu.memref_squeeze %dma_start3A_593 : memref<1x32xf32, #tpu.memory_space<hbm>> -> memref<32xf32, #tpu.memory_space<hbm>>
      %dma_start3A_595 = arith.constant 448 : i32
      %dma_start3A_596 = tpu.memref_slice %arg6[%dma_start3A_595] : memref<3584xf32, #tpu.memory_space<vmem>> -> memref<32xf32, #tpu.memory_space<vmem>>
      %dma_start3A_597 = tpu.memref_slice %arg3[%add3A_9, %mul3A_78] : memref<1024x102400xf32, #tpu.memory_space<hbm>> -> memref<1x32xf32, #tpu.memory_space<hbm>>
      %dma_start3A_598 = tpu.memref_squeeze %dma_start3A_597 : memref<1x32xf32, #tpu.memory_space<hbm>> -> memref<32xf32, #tpu.memory_space<hbm>>
      tpu.enqueue_dma source(%dma_start3A_598 : memref<32xf32, #tpu.memory_space<hbm>>) target(%dma_start3A_596 : memref<32xf32, #tpu.memory_space<vmem>>) target_semaphore(%arg8 : memref<!tpu.dma_semaphore, #tpu.memory_space<semaphore_mem>>)
      %dma_start3A_599 = arith.constant 480 : i32
      %dma_start3A_600 = tpu.memref_slice %arg6[%dma_start3A_599] : memref<3584xf32, #tpu.memory_space<vmem>> -> memref<32xf32, #tpu.memory_space<vmem>>
      %dma_start3A_601 = tpu.memref_slice %arg3[%add3A_9, %mul3A_82] : memref<1024x102400xf32, #tpu.memory_space<hbm>> -> memref<1x32xf32, #tpu.memory_space<hbm>>
      %dma_start3A_602 = tpu.memref_squeeze %dma_start3A_601 : memref<1x32xf32, #tpu.memory_space<hbm>> -> memref<32xf32, #tpu.memory_space<hbm>>
      %dma_start3A_603 = arith.constant 480 : i32
      %dma_start3A_604 = tpu.memref_slice %arg6[%dma_start3A_603] : memref<3584xf32, #tpu.memory_space<vmem>> -> memref<32xf32, #tpu.memory_space<vmem>>
      %dma_start3A_605 = tpu.memref_slice %arg3[%add3A_9, %mul3A_82] : memref<1024x102400xf32, #tpu.memory_space<hbm>> -> memref<1x32xf32, #tpu.memory_space<hbm>>
      %dma_start3A_606 = tpu.memref_squeeze %dma_start3A_605 : memref<1x32xf32, #tpu.memory_space<hbm>> -> memref<32xf32, #tpu.memory_space<hbm>>
      tpu.enqueue_dma source(%dma_start3A_606 : memref<32xf32, #tpu.memory_space<hbm>>) target(%dma_start3A_604 : memref<32xf32, #tpu.memory_space<vmem>>) target_semaphore(%arg8 : memref<!tpu.dma_semaphore, #tpu.memory_space<semaphore_mem>>)
      %dma_start3A_607 = arith.constant 512 : i32
      %dma_start3A_608 = tpu.memref_slice %arg6[%dma_start3A_607] : memref<3584xf32, #tpu.memory_space<vmem>> -> memref<32xf32, #tpu.memory_space<vmem>>
      %dma_start3A_609 = tpu.memref_slice %arg3[%add3A_9, %mul3A_88] : memref<1024x102400xf32, #tpu.memory_space<hbm>> -> memref<1x32xf32, #tpu.memory_space<hbm>>
      %dma_start3A_610 = tpu.memref_squeeze %dma_start3A_609 : memref<1x32xf32, #tpu.memory_space<hbm>> -> memref<32xf32, #tpu.memory_space<hbm>>
      %dma_start3A_611 = arith.constant 512 : i32
      %dma_start3A_612 = tpu.memref_slice %arg6[%dma_start3A_611] : memref<3584xf32, #tpu.memory_space<vmem>> -> memref<32xf32, #tpu.memory_space<vmem>>
      %dma_start3A_613 = tpu.memref_slice %arg3[%add3A_9, %mul3A_88] : memref<1024x102400xf32, #tpu.memory_space<hbm>> -> memref<1x32xf32, #tpu.memory_space<hbm>>
      %dma_start3A_614 = tpu.memref_squeeze %dma_start3A_613 : memref<1x32xf32, #tpu.memory_space<hbm>> -> memref<32xf32, #tpu.memory_space<hbm>>
      tpu.enqueue_dma source(%dma_start3A_614 : memref<32xf32, #tpu.memory_space<hbm>>) target(%dma_start3A_612 : memref<32xf32, #tpu.memory_space<vmem>>) target_semaphore(%arg8 : memref<!tpu.dma_semaphore, #tpu.memory_space<semaphore_mem>>)
      %dma_start3A_615 = arith.constant 544 : i32
      %dma_start3A_616 = tpu.memref_slice %arg6[%dma_start3A_615] : memref<3584xf32, #tpu.memory_space<vmem>> -> memref<32xf32, #tpu.memory_space<vmem>>
      %dma_start3A_617 = tpu.memref_slice %arg3[%add3A_9, %mul3A_92] : memref<1024x102400xf32, #tpu.memory_space<hbm>> -> memref<1x32xf32, #tpu.memory_space<hbm>>
      %dma_start3A_618 = tpu.memref_squeeze %dma_start3A_617 : memref<1x32xf32, #tpu.memory_space<hbm>> -> memref<32xf32, #tpu.memory_space<hbm>>
      %dma_start3A_619 = arith.constant 544 : i32
      %dma_start3A_620 = tpu.memref_slice %arg6[%dma_start3A_619] : memref<3584xf32, #tpu.memory_space<vmem>> -> memref<32xf32, #tpu.memory_space<vmem>>
      %dma_start3A_621 = tpu.memref_slice %arg3[%add3A_9, %mul3A_92] : memref<1024x102400xf32, #tpu.memory_space<hbm>> -> memref<1x32xf32, #tpu.memory_space<hbm>>
      %dma_start3A_622 = tpu.memref_squeeze %dma_start3A_621 : memref<1x32xf32, #tpu.memory_space<hbm>> -> memref<32xf32, #tpu.memory_space<hbm>>
      tpu.enqueue_dma source(%dma_start3A_622 : memref<32xf32, #tpu.memory_space<hbm>>) target(%dma_start3A_620 : memref<32xf32, #tpu.memory_space<vmem>>) target_semaphore(%arg8 : memref<!tpu.dma_semaphore, #tpu.memory_space<semaphore_mem>>)
      %dma_start3A_623 = arith.constant 576 : i32
      %dma_start3A_624 = tpu.memref_slice %arg6[%dma_start3A_623] : memref<3584xf32, #tpu.memory_space<vmem>> -> memref<32xf32, #tpu.memory_space<vmem>>
      %dma_start3A_625 = tpu.memref_slice %arg3[%add3A_9, %mul3A_96] : memref<1024x102400xf32, #tpu.memory_space<hbm>> -> memref<1x32xf32, #tpu.memory_space<hbm>>
      %dma_start3A_626 = tpu.memref_squeeze %dma_start3A_625 : memref<1x32xf32, #tpu.memory_space<hbm>> -> memref<32xf32, #tpu.memory_space<hbm>>
      %dma_start3A_627 = arith.constant 576 : i32
      %dma_start3A_628 = tpu.memref_slice %arg6[%dma_start3A_627] : memref<3584xf32, #tpu.memory_space<vmem>> -> memref<32xf32, #tpu.memory_space<vmem>>
      %dma_start3A_629 = tpu.memref_slice %arg3[%add3A_9, %mul3A_96] : memref<1024x102400xf32, #tpu.memory_space<hbm>> -> memref<1x32xf32, #tpu.memory_space<hbm>>
      %dma_start3A_630 = tpu.memref_squeeze %dma_start3A_629 : memref<1x32xf32, #tpu.memory_space<hbm>> -> memref<32xf32, #tpu.memory_space<hbm>>
      tpu.enqueue_dma source(%dma_start3A_630 : memref<32xf32, #tpu.memory_space<hbm>>) target(%dma_start3A_628 : memref<32xf32, #tpu.memory_space<vmem>>) target_semaphore(%arg8 : memref<!tpu.dma_semaphore, #tpu.memory_space<semaphore_mem>>)
      %dma_start3A_631 = arith.constant 608 : i32
      %dma_start3A_632 = tpu.memref_slice %arg6[%dma_start3A_631] : memref<3584xf32, #tpu.memory_space<vmem>> -> memref<32xf32, #tpu.memory_space<vmem>>
      %dma_start3A_633 = tpu.memref_slice %arg3[%add3A_9, %mul3A_100] : memref<1024x102400xf32, #tpu.memory_space<hbm>> -> memref<1x32xf32, #tpu.memory_space<hbm>>
      %dma_start3A_634 = tpu.memref_squeeze %dma_start3A_633 : memref<1x32xf32, #tpu.memory_space<hbm>> -> memref<32xf32, #tpu.memory_space<hbm>>
      %dma_start3A_635 = arith.constant 608 : i32
      %dma_start3A_636 = tpu.memref_slice %arg6[%dma_start3A_635] : memref<3584xf32, #tpu.memory_space<vmem>> -> memref<32xf32, #tpu.memory_space<vmem>>
      %dma_start3A_637 = tpu.memref_slice %arg3[%add3A_9, %mul3A_100] : memref<1024x102400xf32, #tpu.memory_space<hbm>> -> memref<1x32xf32, #tpu.memory_space<hbm>>
      %dma_start3A_638 = tpu.memref_squeeze %dma_start3A_637 : memref<1x32xf32, #tpu.memory_space<hbm>> -> memref<32xf32, #tpu.memory_space<hbm>>
      tpu.enqueue_dma source(%dma_start3A_638 : memref<32xf32, #tpu.memory_space<hbm>>) target(%dma_start3A_636 : memref<32xf32, #tpu.memory_space<vmem>>) target_semaphore(%arg8 : memref<!tpu.dma_semaphore, #tpu.memory_space<semaphore_mem>>)
      %dma_start3A_639 = arith.constant 640 : i32
      %dma_start3A_640 = tpu.memref_slice %arg6[%dma_start3A_639] : memref<3584xf32, #tpu.memory_space<vmem>> -> memref<32xf32, #tpu.memory_space<vmem>>
      %dma_start3A_641 = tpu.memref_slice %arg3[%add3A_9, %mul3A_104] : memref<1024x102400xf32, #tpu.memory_space<hbm>> -> memref<1x32xf32, #tpu.memory_space<hbm>>
      %dma_start3A_642 = tpu.memref_squeeze %dma_start3A_641 : memref<1x32xf32, #tpu.memory_space<hbm>> -> memref<32xf32, #tpu.memory_space<hbm>>
      %dma_start3A_643 = arith.constant 640 : i32
      %dma_start3A_644 = tpu.memref_slice %arg6[%dma_start3A_643] : memref<3584xf32, #tpu.memory_space<vmem>> -> memref<32xf32, #tpu.memory_space<vmem>>
      %dma_start3A_645 = tpu.memref_slice %arg3[%add3A_9, %mul3A_104] : memref<1024x102400xf32, #tpu.memory_space<hbm>> -> memref<1x32xf32, #tpu.memory_space<hbm>>
      %dma_start3A_646 = tpu.memref_squeeze %dma_start3A_645 : memref<1x32xf32, #tpu.memory_space<hbm>> -> memref<32xf32, #tpu.memory_space<hbm>>
      tpu.enqueue_dma source(%dma_start3A_646 : memref<32xf32, #tpu.memory_space<hbm>>) target(%dma_start3A_644 : memref<32xf32, #tpu.memory_space<vmem>>) target_semaphore(%arg8 : memref<!tpu.dma_semaphore, #tpu.memory_space<semaphore_mem>>)
      %dma_start3A_647 = arith.constant 672 : i32
      %dma_start3A_648 = tpu.memref_slice %arg6[%dma_start3A_647] : memref<3584xf32, #tpu.memory_space<vmem>> -> memref<32xf32, #tpu.memory_space<vmem>>
      %dma_start3A_649 = tpu.memref_slice %arg3[%add3A_9, %mul3A_108] : memref<1024x102400xf32, #tpu.memory_space<hbm>> -> memref<1x32xf32, #tpu.memory_space<hbm>>
      %dma_start3A_650 = tpu.memref_squeeze %dma_start3A_649 : memref<1x32xf32, #tpu.memory_space<hbm>> -> memref<32xf32, #tpu.memory_space<hbm>>
      %dma_start3A_651 = arith.constant 672 : i32
      %dma_start3A_652 = tpu.memref_slice %arg6[%dma_start3A_651] : memref<3584xf32, #tpu.memory_space<vmem>> -> memref<32xf32, #tpu.memory_space<vmem>>
      %dma_start3A_653 = tpu.memref_slice %arg3[%add3A_9, %mul3A_108] : memref<1024x102400xf32, #tpu.memory_space<hbm>> -> memref<1x32xf32, #tpu.memory_space<hbm>>
      %dma_start3A_654 = tpu.memref_squeeze %dma_start3A_653 : memref<1x32xf32, #tpu.memory_space<hbm>> -> memref<32xf32, #tpu.memory_space<hbm>>
      tpu.enqueue_dma source(%dma_start3A_654 : memref<32xf32, #tpu.memory_space<hbm>>) target(%dma_start3A_652 : memref<32xf32, #tpu.memory_space<vmem>>) target_semaphore(%arg8 : memref<!tpu.dma_semaphore, #tpu.memory_space<semaphore_mem>>)
      %dma_start3A_655 = arith.constant 704 : i32
      %dma_start3A_656 = tpu.memref_slice %arg6[%dma_start3A_655] : memref<3584xf32, #tpu.memory_space<vmem>> -> memref<32xf32, #tpu.memory_space<vmem>>
      %dma_start3A_657 = tpu.memref_slice %arg3[%add3A_9, %mul3A_112] : memref<1024x102400xf32, #tpu.memory_space<hbm>> -> memref<1x32xf32, #tpu.memory_space<hbm>>
      %dma_start3A_658 = tpu.memref_squeeze %dma_start3A_657 : memref<1x32xf32, #tpu.memory_space<hbm>> -> memref<32xf32, #tpu.memory_space<hbm>>
      %dma_start3A_659 = arith.constant 704 : i32
      %dma_start3A_660 = tpu.memref_slice %arg6[%dma_start3A_659] : memref<3584xf32, #tpu.memory_space<vmem>> -> memref<32xf32, #tpu.memory_space<vmem>>
      %dma_start3A_661 = tpu.memref_slice %arg3[%add3A_9, %mul3A_112] : memref<1024x102400xf32, #tpu.memory_space<hbm>> -> memref<1x32xf32, #tpu.memory_space<hbm>>
      %dma_start3A_662 = tpu.memref_squeeze %dma_start3A_661 : memref<1x32xf32, #tpu.memory_space<hbm>> -> memref<32xf32, #tpu.memory_space<hbm>>
      tpu.enqueue_dma source(%dma_start3A_662 : memref<32xf32, #tpu.memory_space<hbm>>) target(%dma_start3A_660 : memref<32xf32, #tpu.memory_space<vmem>>) target_semaphore(%arg8 : memref<!tpu.dma_semaphore, #tpu.memory_space<semaphore_mem>>)
      %dma_start3A_663 = arith.constant 736 : i32
      %dma_start3A_664 = tpu.memref_slice %arg6[%dma_start3A_663] : memref<3584xf32, #tpu.memory_space<vmem>> -> memref<32xf32, #tpu.memory_space<vmem>>
      %dma_start3A_665 = tpu.memref_slice %arg3[%add3A_9, %mul3A_116] : memref<1024x102400xf32, #tpu.memory_space<hbm>> -> memref<1x32xf32, #tpu.memory_space<hbm>>
      %dma_start3A_666 = tpu.memref_squeeze %dma_start3A_665 : memref<1x32xf32, #tpu.memory_space<hbm>> -> memref<32xf32, #tpu.memory_space<hbm>>
      %dma_start3A_667 = arith.constant 736 : i32
      %dma_start3A_668 = tpu.memref_slice %arg6[%dma_start3A_667] : memref<3584xf32, #tpu.memory_space<vmem>> -> memref<32xf32, #tpu.memory_space<vmem>>
      %dma_start3A_669 = tpu.memref_slice %arg3[%add3A_9, %mul3A_116] : memref<1024x102400xf32, #tpu.memory_space<hbm>> -> memref<1x32xf32, #tpu.memory_space<hbm>>
      %dma_start3A_670 = tpu.memref_squeeze %dma_start3A_669 : memref<1x32xf32, #tpu.memory_space<hbm>> -> memref<32xf32, #tpu.memory_space<hbm>>
      tpu.enqueue_dma source(%dma_start3A_670 : memref<32xf32, #tpu.memory_space<hbm>>) target(%dma_start3A_668 : memref<32xf32, #tpu.memory_space<vmem>>) target_semaphore(%arg8 : memref<!tpu.dma_semaphore, #tpu.memory_space<semaphore_mem>>)
      %dma_start3A_671 = arith.constant 768 : i32
      %dma_start3A_672 = tpu.memref_slice %arg6[%dma_start3A_671] : memref<3584xf32, #tpu.memory_space<vmem>> -> memref<32xf32, #tpu.memory_space<vmem>>
      %dma_start3A_673 = tpu.memref_slice %arg3[%add3A_9, %mul3A_120] : memref<1024x102400xf32, #tpu.memory_space<hbm>> -> memref<1x32xf32, #tpu.memory_space<hbm>>
      %dma_start3A_674 = tpu.memref_squeeze %dma_start3A_673 : memref<1x32xf32, #tpu.memory_space<hbm>> -> memref<32xf32, #tpu.memory_space<hbm>>
      %dma_start3A_675 = arith.constant 768 : i32
      %dma_start3A_676 = tpu.memref_slice %arg6[%dma_start3A_675] : memref<3584xf32, #tpu.memory_space<vmem>> -> memref<32xf32, #tpu.memory_space<vmem>>
      %dma_start3A_677 = tpu.memref_slice %arg3[%add3A_9, %mul3A_120] : memref<1024x102400xf32, #tpu.memory_space<hbm>> -> memref<1x32xf32, #tpu.memory_space<hbm>>
      %dma_start3A_678 = tpu.memref_squeeze %dma_start3A_677 : memref<1x32xf32, #tpu.memory_space<hbm>> -> memref<32xf32, #tpu.memory_space<hbm>>
      tpu.enqueue_dma source(%dma_start3A_678 : memref<32xf32, #tpu.memory_space<hbm>>) target(%dma_start3A_676 : memref<32xf32, #tpu.memory_space<vmem>>) target_semaphore(%arg8 : memref<!tpu.dma_semaphore, #tpu.memory_space<semaphore_mem>>)
      %dma_start3A_679 = arith.constant 800 : i32
      %dma_start3A_680 = tpu.memref_slice %arg6[%dma_start3A_679] : memref<3584xf32, #tpu.memory_space<vmem>> -> memref<32xf32, #tpu.memory_space<vmem>>
      %dma_start3A_681 = tpu.memref_slice %arg3[%add3A_9, %mul3A_124] : memref<1024x102400xf32, #tpu.memory_space<hbm>> -> memref<1x32xf32, #tpu.memory_space<hbm>>
      %dma_start3A_682 = tpu.memref_squeeze %dma_start3A_681 : memref<1x32xf32, #tpu.memory_space<hbm>> -> memref<32xf32, #tpu.memory_space<hbm>>
      %dma_start3A_683 = arith.constant 800 : i32
      %dma_start3A_684 = tpu.memref_slice %arg6[%dma_start3A_683] : memref<3584xf32, #tpu.memory_space<vmem>> -> memref<32xf32, #tpu.memory_space<vmem>>
      %dma_start3A_685 = tpu.memref_slice %arg3[%add3A_9, %mul3A_124] : memref<1024x102400xf32, #tpu.memory_space<hbm>> -> memref<1x32xf32, #tpu.memory_space<hbm>>
      %dma_start3A_686 = tpu.memref_squeeze %dma_start3A_685 : memref<1x32xf32, #tpu.memory_space<hbm>> -> memref<32xf32, #tpu.memory_space<hbm>>
      tpu.enqueue_dma source(%dma_start3A_686 : memref<32xf32, #tpu.memory_space<hbm>>) target(%dma_start3A_684 : memref<32xf32, #tpu.memory_space<vmem>>) target_semaphore(%arg8 : memref<!tpu.dma_semaphore, #tpu.memory_space<semaphore_mem>>)
      %dma_start3A_687 = arith.constant 832 : i32
      %dma_start3A_688 = tpu.memref_slice %arg6[%dma_start3A_687] : memref<3584xf32, #tpu.memory_space<vmem>> -> memref<32xf32, #tpu.memory_space<vmem>>
      %dma_start3A_689 = tpu.memref_slice %arg3[%add3A_9, %mul3A_128] : memref<1024x102400xf32, #tpu.memory_space<hbm>> -> memref<1x32xf32, #tpu.memory_space<hbm>>
      %dma_start3A_690 = tpu.memref_squeeze %dma_start3A_689 : memref<1x32xf32, #tpu.memory_space<hbm>> -> memref<32xf32, #tpu.memory_space<hbm>>
      %dma_start3A_691 = arith.constant 832 : i32
      %dma_start3A_692 = tpu.memref_slice %arg6[%dma_start3A_691] : memref<3584xf32, #tpu.memory_space<vmem>> -> memref<32xf32, #tpu.memory_space<vmem>>
      %dma_start3A_693 = tpu.memref_slice %arg3[%add3A_9, %mul3A_128] : memref<1024x102400xf32, #tpu.memory_space<hbm>> -> memref<1x32xf32, #tpu.memory_space<hbm>>
      %dma_start3A_694 = tpu.memref_squeeze %dma_start3A_693 : memref<1x32xf32, #tpu.memory_space<hbm>> -> memref<32xf32, #tpu.memory_space<hbm>>
      tpu.enqueue_dma source(%dma_start3A_694 : memref<32xf32, #tpu.memory_space<hbm>>) target(%dma_start3A_692 : memref<32xf32, #tpu.memory_space<vmem>>) target_semaphore(%arg8 : memref<!tpu.dma_semaphore, #tpu.memory_space<semaphore_mem>>)
      %dma_start3A_695 = arith.constant 864 : i32
      %dma_start3A_696 = tpu.memref_slice %arg6[%dma_start3A_695] : memref<3584xf32, #tpu.memory_space<vmem>> -> memref<32xf32, #tpu.memory_space<vmem>>
      %dma_start3A_697 = tpu.memref_slice %arg3[%add3A_9, %mul3A_132] : memref<1024x102400xf32, #tpu.memory_space<hbm>> -> memref<1x32xf32, #tpu.memory_space<hbm>>
      %dma_start3A_698 = tpu.memref_squeeze %dma_start3A_697 : memref<1x32xf32, #tpu.memory_space<hbm>> -> memref<32xf32, #tpu.memory_space<hbm>>
      %dma_start3A_699 = arith.constant 864 : i32
      %dma_start3A_700 = tpu.memref_slice %arg6[%dma_start3A_699] : memref<3584xf32, #tpu.memory_space<vmem>> -> memref<32xf32, #tpu.memory_space<vmem>>
      %dma_start3A_701 = tpu.memref_slice %arg3[%add3A_9, %mul3A_132] : memref<1024x102400xf32, #tpu.memory_space<hbm>> -> memref<1x32xf32, #tpu.memory_space<hbm>>
      %dma_start3A_702 = tpu.memref_squeeze %dma_start3A_701 : memref<1x32xf32, #tpu.memory_space<hbm>> -> memref<32xf32, #tpu.memory_space<hbm>>
      tpu.enqueue_dma source(%dma_start3A_702 : memref<32xf32, #tpu.memory_space<hbm>>) target(%dma_start3A_700 : memref<32xf32, #tpu.memory_space<vmem>>) target_semaphore(%arg8 : memref<!tpu.dma_semaphore, #tpu.memory_space<semaphore_mem>>)
      %dma_start3A_703 = arith.constant 896 : i32
      %dma_start3A_704 = tpu.memref_slice %arg6[%dma_start3A_703] : memref<3584xf32, #tpu.memory_space<vmem>> -> memref<32xf32, #tpu.memory_space<vmem>>
      %dma_start3A_705 = tpu.memref_slice %arg3[%add3A_9, %mul3A_136] : memref<1024x102400xf32, #tpu.memory_space<hbm>> -> memref<1x32xf32, #tpu.memory_space<hbm>>
      %dma_start3A_706 = tpu.memref_squeeze %dma_start3A_705 : memref<1x32xf32, #tpu.memory_space<hbm>> -> memref<32xf32, #tpu.memory_space<hbm>>
      %dma_start3A_707 = arith.constant 896 : i32
      %dma_start3A_708 = tpu.memref_slice %arg6[%dma_start3A_707] : memref<3584xf32, #tpu.memory_space<vmem>> -> memref<32xf32, #tpu.memory_space<vmem>>
      %dma_start3A_709 = tpu.memref_slice %arg3[%add3A_9, %mul3A_136] : memref<1024x102400xf32, #tpu.memory_space<hbm>> -> memref<1x32xf32, #tpu.memory_space<hbm>>
      %dma_start3A_710 = tpu.memref_squeeze %dma_start3A_709 : memref<1x32xf32, #tpu.memory_space<hbm>> -> memref<32xf32, #tpu.memory_space<hbm>>
      tpu.enqueue_dma source(%dma_start3A_710 : memref<32xf32, #tpu.memory_space<hbm>>) target(%dma_start3A_708 : memref<32xf32, #tpu.memory_space<vmem>>) target_semaphore(%arg8 : memref<!tpu.dma_semaphore, #tpu.memory_space<semaphore_mem>>)
      %dma_start3A_711 = arith.constant 928 : i32
      %dma_start3A_712 = tpu.memref_slice %arg6[%dma_start3A_711] : memref<3584xf32, #tpu.memory_space<vmem>> -> memref<32xf32, #tpu.memory_space<vmem>>
      %dma_start3A_713 = tpu.memref_slice %arg3[%add3A_9, %mul3A_140] : memref<1024x102400xf32, #tpu.memory_space<hbm>> -> memref<1x32xf32, #tpu.memory_space<hbm>>
      %dma_start3A_714 = tpu.memref_squeeze %dma_start3A_713 : memref<1x32xf32, #tpu.memory_space<hbm>> -> memref<32xf32, #tpu.memory_space<hbm>>
      %dma_start3A_715 = arith.constant 928 : i32
      %dma_start3A_716 = tpu.memref_slice %arg6[%dma_start3A_715] : memref<3584xf32, #tpu.memory_space<vmem>> -> memref<32xf32, #tpu.memory_space<vmem>>
      %dma_start3A_717 = tpu.memref_slice %arg3[%add3A_9, %mul3A_140] : memref<1024x102400xf32, #tpu.memory_space<hbm>> -> memref<1x32xf32, #tpu.memory_space<hbm>>
      %dma_start3A_718 = tpu.memref_squeeze %dma_start3A_717 : memref<1x32xf32, #tpu.memory_space<hbm>> -> memref<32xf32, #tpu.memory_space<hbm>>
      tpu.enqueue_dma source(%dma_start3A_718 : memref<32xf32, #tpu.memory_space<hbm>>) target(%dma_start3A_716 : memref<32xf32, #tpu.memory_space<vmem>>) target_semaphore(%arg8 : memref<!tpu.dma_semaphore, #tpu.memory_space<semaphore_mem>>)
      %dma_start3A_719 = arith.constant 960 : i32
      %dma_start3A_720 = tpu.memref_slice %arg6[%dma_start3A_719] : memref<3584xf32, #tpu.memory_space<vmem>> -> memref<32xf32, #tpu.memory_space<vmem>>
      %dma_start3A_721 = tpu.memref_slice %arg3[%add3A_9, %mul3A_144] : memref<1024x102400xf32, #tpu.memory_space<hbm>> -> memref<1x32xf32, #tpu.memory_space<hbm>>
      %dma_start3A_722 = tpu.memref_squeeze %dma_start3A_721 : memref<1x32xf32, #tpu.memory_space<hbm>> -> memref<32xf32, #tpu.memory_space<hbm>>
      %dma_start3A_723 = arith.constant 960 : i32
      %dma_start3A_724 = tpu.memref_slice %arg6[%dma_start3A_723] : memref<3584xf32, #tpu.memory_space<vmem>> -> memref<32xf32, #tpu.memory_space<vmem>>
      %dma_start3A_725 = tpu.memref_slice %arg3[%add3A_9, %mul3A_144] : memref<1024x102400xf32, #tpu.memory_space<hbm>> -> memref<1x32xf32, #tpu.memory_space<hbm>>
      %dma_start3A_726 = tpu.memref_squeeze %dma_start3A_725 : memref<1x32xf32, #tpu.memory_space<hbm>> -> memref<32xf32, #tpu.memory_space<hbm>>
      tpu.enqueue_dma source(%dma_start3A_726 : memref<32xf32, #tpu.memory_space<hbm>>) target(%dma_start3A_724 : memref<32xf32, #tpu.memory_space<vmem>>) target_semaphore(%arg8 : memref<!tpu.dma_semaphore, #tpu.memory_space<semaphore_mem>>)
      %dma_start3A_727 = arith.constant 992 : i32
      %dma_start3A_728 = tpu.memref_slice %arg6[%dma_start3A_727] : memref<3584xf32, #tpu.memory_space<vmem>> -> memref<32xf32, #tpu.memory_space<vmem>>
      %dma_start3A_729 = tpu.memref_slice %arg3[%add3A_9, %mul3A_148] : memref<1024x102400xf32, #tpu.memory_space<hbm>> -> memref<1x32xf32, #tpu.memory_space<hbm>>
      %dma_start3A_730 = tpu.memref_squeeze %dma_start3A_729 : memref<1x32xf32, #tpu.memory_space<hbm>> -> memref<32xf32, #tpu.memory_space<hbm>>
      %dma_start3A_731 = arith.constant 992 : i32
      %dma_start3A_732 = tpu.memref_slice %arg6[%dma_start3A_731] : memref<3584xf32, #tpu.memory_space<vmem>> -> memref<32xf32, #tpu.memory_space<vmem>>
      %dma_start3A_733 = tpu.memref_slice %arg3[%add3A_9, %mul3A_148] : memref<1024x102400xf32, #tpu.memory_space<hbm>> -> memref<1x32xf32, #tpu.memory_space<hbm>>
      %dma_start3A_734 = tpu.memref_squeeze %dma_start3A_733 : memref<1x32xf32, #tpu.memory_space<hbm>> -> memref<32xf32, #tpu.memory_space<hbm>>
      tpu.enqueue_dma source(%dma_start3A_734 : memref<32xf32, #tpu.memory_space<hbm>>) target(%dma_start3A_732 : memref<32xf32, #tpu.memory_space<vmem>>) target_semaphore(%arg8 : memref<!tpu.dma_semaphore, #tpu.memory_space<semaphore_mem>>)
      %dma_start3A_735 = arith.constant 1024 : i32
      %dma_start3A_736 = tpu.memref_slice %arg6[%dma_start3A_735] : memref<3584xf32, #tpu.memory_space<vmem>> -> memref<32xf32, #tpu.memory_space<vmem>>
      %dma_start3A_737 = tpu.memref_slice %arg3[%add3A_9, %mul3A_154] : memref<1024x102400xf32, #tpu.memory_space<hbm>> -> memref<1x32xf32, #tpu.memory_space<hbm>>
      %dma_start3A_738 = tpu.memref_squeeze %dma_start3A_737 : memref<1x32xf32, #tpu.memory_space<hbm>> -> memref<32xf32, #tpu.memory_space<hbm>>
      %dma_start3A_739 = arith.constant 1024 : i32
      %dma_start3A_740 = tpu.memref_slice %arg6[%dma_start3A_739] : memref<3584xf32, #tpu.memory_space<vmem>> -> memref<32xf32, #tpu.memory_space<vmem>>
      %dma_start3A_741 = tpu.memref_slice %arg3[%add3A_9, %mul3A_154] : memref<1024x102400xf32, #tpu.memory_space<hbm>> -> memref<1x32xf32, #tpu.memory_space<hbm>>
      %dma_start3A_742 = tpu.memref_squeeze %dma_start3A_741 : memref<1x32xf32, #tpu.memory_space<hbm>> -> memref<32xf32, #tpu.memory_space<hbm>>
      tpu.enqueue_dma source(%dma_start3A_742 : memref<32xf32, #tpu.memory_space<hbm>>) target(%dma_start3A_740 : memref<32xf32, #tpu.memory_space<vmem>>) target_semaphore(%arg8 : memref<!tpu.dma_semaphore, #tpu.memory_space<semaphore_mem>>)
      %dma_start3A_743 = arith.constant 1056 : i32
      %dma_start3A_744 = tpu.memref_slice %arg6[%dma_start3A_743] : memref<3584xf32, #tpu.memory_space<vmem>> -> memref<32xf32, #tpu.memory_space<vmem>>
      %dma_start3A_745 = tpu.memref_slice %arg3[%add3A_9, %mul3A_158] : memref<1024x102400xf32, #tpu.memory_space<hbm>> -> memref<1x32xf32, #tpu.memory_space<hbm>>
      %dma_start3A_746 = tpu.memref_squeeze %dma_start3A_745 : memref<1x32xf32, #tpu.memory_space<hbm>> -> memref<32xf32, #tpu.memory_space<hbm>>
      %dma_start3A_747 = arith.constant 1056 : i32
      %dma_start3A_748 = tpu.memref_slice %arg6[%dma_start3A_747] : memref<3584xf32, #tpu.memory_space<vmem>> -> memref<32xf32, #tpu.memory_space<vmem>>
      %dma_start3A_749 = tpu.memref_slice %arg3[%add3A_9, %mul3A_158] : memref<1024x102400xf32, #tpu.memory_space<hbm>> -> memref<1x32xf32, #tpu.memory_space<hbm>>
      %dma_start3A_750 = tpu.memref_squeeze %dma_start3A_749 : memref<1x32xf32, #tpu.memory_space<hbm>> -> memref<32xf32, #tpu.memory_space<hbm>>
      tpu.enqueue_dma source(%dma_start3A_750 : memref<32xf32, #tpu.memory_space<hbm>>) target(%dma_start3A_748 : memref<32xf32, #tpu.memory_space<vmem>>) target_semaphore(%arg8 : memref<!tpu.dma_semaphore, #tpu.memory_space<semaphore_mem>>)
      %dma_start3A_751 = arith.constant 1088 : i32
      %dma_start3A_752 = tpu.memref_slice %arg6[%dma_start3A_751] : memref<3584xf32, #tpu.memory_space<vmem>> -> memref<32xf32, #tpu.memory_space<vmem>>
      %dma_start3A_753 = tpu.memref_slice %arg3[%add3A_9, %mul3A_162] : memref<1024x102400xf32, #tpu.memory_space<hbm>> -> memref<1x32xf32, #tpu.memory_space<hbm>>
      %dma_start3A_754 = tpu.memref_squeeze %dma_start3A_753 : memref<1x32xf32, #tpu.memory_space<hbm>> -> memref<32xf32, #tpu.memory_space<hbm>>
      %dma_start3A_755 = arith.constant 1088 : i32
      %dma_start3A_756 = tpu.memref_slice %arg6[%dma_start3A_755] : memref<3584xf32, #tpu.memory_space<vmem>> -> memref<32xf32, #tpu.memory_space<vmem>>
      %dma_start3A_757 = tpu.memref_slice %arg3[%add3A_9, %mul3A_162] : memref<1024x102400xf32, #tpu.memory_space<hbm>> -> memref<1x32xf32, #tpu.memory_space<hbm>>
      %dma_start3A_758 = tpu.memref_squeeze %dma_start3A_757 : memref<1x32xf32, #tpu.memory_space<hbm>> -> memref<32xf32, #tpu.memory_space<hbm>>
      tpu.enqueue_dma source(%dma_start3A_758 : memref<32xf32, #tpu.memory_space<hbm>>) target(%dma_start3A_756 : memref<32xf32, #tpu.memory_space<vmem>>) target_semaphore(%arg8 : memref<!tpu.dma_semaphore, #tpu.memory_space<semaphore_mem>>)
      %dma_start3A_759 = arith.constant 1120 : i32
      %dma_start3A_760 = tpu.memref_slice %arg6[%dma_start3A_759] : memref<3584xf32, #tpu.memory_space<vmem>> -> memref<32xf32, #tpu.memory_space<vmem>>
      %dma_start3A_761 = tpu.memref_slice %arg3[%add3A_9, %mul3A_166] : memref<1024x102400xf32, #tpu.memory_space<hbm>> -> memref<1x32xf32, #tpu.memory_space<hbm>>
      %dma_start3A_762 = tpu.memref_squeeze %dma_start3A_761 : memref<1x32xf32, #tpu.memory_space<hbm>> -> memref<32xf32, #tpu.memory_space<hbm>>
      %dma_start3A_763 = arith.constant 1120 : i32
      %dma_start3A_764 = tpu.memref_slice %arg6[%dma_start3A_763] : memref<3584xf32, #tpu.memory_space<vmem>> -> memref<32xf32, #tpu.memory_space<vmem>>
      %dma_start3A_765 = tpu.memref_slice %arg3[%add3A_9, %mul3A_166] : memref<1024x102400xf32, #tpu.memory_space<hbm>> -> memref<1x32xf32, #tpu.memory_space<hbm>>
      %dma_start3A_766 = tpu.memref_squeeze %dma_start3A_765 : memref<1x32xf32, #tpu.memory_space<hbm>> -> memref<32xf32, #tpu.memory_space<hbm>>
      tpu.enqueue_dma source(%dma_start3A_766 : memref<32xf32, #tpu.memory_space<hbm>>) target(%dma_start3A_764 : memref<32xf32, #tpu.memory_space<vmem>>) target_semaphore(%arg8 : memref<!tpu.dma_semaphore, #tpu.memory_space<semaphore_mem>>)
      %dma_start3A_767 = arith.constant 1152 : i32
      %dma_start3A_768 = tpu.memref_slice %arg6[%dma_start3A_767] : memref<3584xf32, #tpu.memory_space<vmem>> -> memref<32xf32, #tpu.memory_space<vmem>>
      %dma_start3A_769 = tpu.memref_slice %arg3[%add3A_9, %mul3A_170] : memref<1024x102400xf32, #tpu.memory_space<hbm>> -> memref<1x32xf32, #tpu.memory_space<hbm>>
      %dma_start3A_770 = tpu.memref_squeeze %dma_start3A_769 : memref<1x32xf32, #tpu.memory_space<hbm>> -> memref<32xf32, #tpu.memory_space<hbm>>
      %dma_start3A_771 = arith.constant 1152 : i32
      %dma_start3A_772 = tpu.memref_slice %arg6[%dma_start3A_771] : memref<3584xf32, #tpu.memory_space<vmem>> -> memref<32xf32, #tpu.memory_space<vmem>>
      %dma_start3A_773 = tpu.memref_slice %arg3[%add3A_9, %mul3A_170] : memref<1024x102400xf32, #tpu.memory_space<hbm>> -> memref<1x32xf32, #tpu.memory_space<hbm>>
      %dma_start3A_774 = tpu.memref_squeeze %dma_start3A_773 : memref<1x32xf32, #tpu.memory_space<hbm>> -> memref<32xf32, #tpu.memory_space<hbm>>
      tpu.enqueue_dma source(%dma_start3A_774 : memref<32xf32, #tpu.memory_space<hbm>>) target(%dma_start3A_772 : memref<32xf32, #tpu.memory_space<vmem>>) target_semaphore(%arg8 : memref<!tpu.dma_semaphore, #tpu.memory_space<semaphore_mem>>)
      %dma_start3A_775 = arith.constant 1184 : i32
      %dma_start3A_776 = tpu.memref_slice %arg6[%dma_start3A_775] : memref<3584xf32, #tpu.memory_space<vmem>> -> memref<32xf32, #tpu.memory_space<vmem>>
      %dma_start3A_777 = tpu.memref_slice %arg3[%add3A_9, %mul3A_174] : memref<1024x102400xf32, #tpu.memory_space<hbm>> -> memref<1x32xf32, #tpu.memory_space<hbm>>
      %dma_start3A_778 = tpu.memref_squeeze %dma_start3A_777 : memref<1x32xf32, #tpu.memory_space<hbm>> -> memref<32xf32, #tpu.memory_space<hbm>>
      %dma_start3A_779 = arith.constant 1184 : i32
      %dma_start3A_780 = tpu.memref_slice %arg6[%dma_start3A_779] : memref<3584xf32, #tpu.memory_space<vmem>> -> memref<32xf32, #tpu.memory_space<vmem>>
      %dma_start3A_781 = tpu.memref_slice %arg3[%add3A_9, %mul3A_174] : memref<1024x102400xf32, #tpu.memory_space<hbm>> -> memref<1x32xf32, #tpu.memory_space<hbm>>
      %dma_start3A_782 = tpu.memref_squeeze %dma_start3A_781 : memref<1x32xf32, #tpu.memory_space<hbm>> -> memref<32xf32, #tpu.memory_space<hbm>>
      tpu.enqueue_dma source(%dma_start3A_782 : memref<32xf32, #tpu.memory_space<hbm>>) target(%dma_start3A_780 : memref<32xf32, #tpu.memory_space<vmem>>) target_semaphore(%arg8 : memref<!tpu.dma_semaphore, #tpu.memory_space<semaphore_mem>>)
      %dma_start3A_783 = arith.constant 1216 : i32
      %dma_start3A_784 = tpu.memref_slice %arg6[%dma_start3A_783] : memref<3584xf32, #tpu.memory_space<vmem>> -> memref<32xf32, #tpu.memory_space<vmem>>
      %dma_start3A_785 = tpu.memref_slice %arg3[%add3A_9, %mul3A_178] : memref<1024x102400xf32, #tpu.memory_space<hbm>> -> memref<1x32xf32, #tpu.memory_space<hbm>>
      %dma_start3A_786 = tpu.memref_squeeze %dma_start3A_785 : memref<1x32xf32, #tpu.memory_space<hbm>> -> memref<32xf32, #tpu.memory_space<hbm>>
      %dma_start3A_787 = arith.constant 1216 : i32
      %dma_start3A_788 = tpu.memref_slice %arg6[%dma_start3A_787] : memref<3584xf32, #tpu.memory_space<vmem>> -> memref<32xf32, #tpu.memory_space<vmem>>
      %dma_start3A_789 = tpu.memref_slice %arg3[%add3A_9, %mul3A_178] : memref<1024x102400xf32, #tpu.memory_space<hbm>> -> memref<1x32xf32, #tpu.memory_space<hbm>>
      %dma_start3A_790 = tpu.memref_squeeze %dma_start3A_789 : memref<1x32xf32, #tpu.memory_space<hbm>> -> memref<32xf32, #tpu.memory_space<hbm>>
      tpu.enqueue_dma source(%dma_start3A_790 : memref<32xf32, #tpu.memory_space<hbm>>) target(%dma_start3A_788 : memref<32xf32, #tpu.memory_space<vmem>>) target_semaphore(%arg8 : memref<!tpu.dma_semaphore, #tpu.memory_space<semaphore_mem>>)
      %dma_start3A_791 = arith.constant 1248 : i32
      %dma_start3A_792 = tpu.memref_slice %arg6[%dma_start3A_791] : memref<3584xf32, #tpu.memory_space<vmem>> -> memref<32xf32, #tpu.memory_space<vmem>>
      %dma_start3A_793 = tpu.memref_slice %arg3[%add3A_9, %mul3A_182] : memref<1024x102400xf32, #tpu.memory_space<hbm>> -> memref<1x32xf32, #tpu.memory_space<hbm>>
      %dma_start3A_794 = tpu.memref_squeeze %dma_start3A_793 : memref<1x32xf32, #tpu.memory_space<hbm>> -> memref<32xf32, #tpu.memory_space<hbm>>
      %dma_start3A_795 = arith.constant 1248 : i32
      %dma_start3A_796 = tpu.memref_slice %arg6[%dma_start3A_795] : memref<3584xf32, #tpu.memory_space<vmem>> -> memref<32xf32, #tpu.memory_space<vmem>>
      %dma_start3A_797 = tpu.memref_slice %arg3[%add3A_9, %mul3A_182] : memref<1024x102400xf32, #tpu.memory_space<hbm>> -> memref<1x32xf32, #tpu.memory_space<hbm>>
      %dma_start3A_798 = tpu.memref_squeeze %dma_start3A_797 : memref<1x32xf32, #tpu.memory_space<hbm>> -> memref<32xf32, #tpu.memory_space<hbm>>
      tpu.enqueue_dma source(%dma_start3A_798 : memref<32xf32, #tpu.memory_space<hbm>>) target(%dma_start3A_796 : memref<32xf32, #tpu.memory_space<vmem>>) target_semaphore(%arg8 : memref<!tpu.dma_semaphore, #tpu.memory_space<semaphore_mem>>)
      %dma_start3A_799 = arith.constant 1280 : i32
      %dma_start3A_800 = tpu.memref_slice %arg6[%dma_start3A_799] : memref<3584xf32, #tpu.memory_space<vmem>> -> memref<32xf32, #tpu.memory_space<vmem>>
      %dma_start3A_801 = tpu.memref_slice %arg3[%add3A_9, %mul3A_186] : memref<1024x102400xf32, #tpu.memory_space<hbm>> -> memref<1x32xf32, #tpu.memory_space<hbm>>
      %dma_start3A_802 = tpu.memref_squeeze %dma_start3A_801 : memref<1x32xf32, #tpu.memory_space<hbm>> -> memref<32xf32, #tpu.memory_space<hbm>>
      %dma_start3A_803 = arith.constant 1280 : i32
      %dma_start3A_804 = tpu.memref_slice %arg6[%dma_start3A_803] : memref<3584xf32, #tpu.memory_space<vmem>> -> memref<32xf32, #tpu.memory_space<vmem>>
      %dma_start3A_805 = tpu.memref_slice %arg3[%add3A_9, %mul3A_186] : memref<1024x102400xf32, #tpu.memory_space<hbm>> -> memref<1x32xf32, #tpu.memory_space<hbm>>
      %dma_start3A_806 = tpu.memref_squeeze %dma_start3A_805 : memref<1x32xf32, #tpu.memory_space<hbm>> -> memref<32xf32, #tpu.memory_space<hbm>>
      tpu.enqueue_dma source(%dma_start3A_806 : memref<32xf32, #tpu.memory_space<hbm>>) target(%dma_start3A_804 : memref<32xf32, #tpu.memory_space<vmem>>) target_semaphore(%arg8 : memref<!tpu.dma_semaphore, #tpu.memory_space<semaphore_mem>>)
      %dma_start3A_807 = arith.constant 1312 : i32
      %dma_start3A_808 = tpu.memref_slice %arg6[%dma_start3A_807] : memref<3584xf32, #tpu.memory_space<vmem>> -> memref<32xf32, #tpu.memory_space<vmem>>
      %dma_start3A_809 = tpu.memref_slice %arg3[%add3A_9, %mul3A_190] : memref<1024x102400xf32, #tpu.memory_space<hbm>> -> memref<1x32xf32, #tpu.memory_space<hbm>>
      %dma_start3A_810 = tpu.memref_squeeze %dma_start3A_809 : memref<1x32xf32, #tpu.memory_space<hbm>> -> memref<32xf32, #tpu.memory_space<hbm>>
      %dma_start3A_811 = arith.constant 1312 : i32
      %dma_start3A_812 = tpu.memref_slice %arg6[%dma_start3A_811] : memref<3584xf32, #tpu.memory_space<vmem>> -> memref<32xf32, #tpu.memory_space<vmem>>
      %dma_start3A_813 = tpu.memref_slice %arg3[%add3A_9, %mul3A_190] : memref<1024x102400xf32, #tpu.memory_space<hbm>> -> memref<1x32xf32, #tpu.memory_space<hbm>>
      %dma_start3A_814 = tpu.memref_squeeze %dma_start3A_813 : memref<1x32xf32, #tpu.memory_space<hbm>> -> memref<32xf32, #tpu.memory_space<hbm>>
      tpu.enqueue_dma source(%dma_start3A_814 : memref<32xf32, #tpu.memory_space<hbm>>) target(%dma_start3A_812 : memref<32xf32, #tpu.memory_space<vmem>>) target_semaphore(%arg8 : memref<!tpu.dma_semaphore, #tpu.memory_space<semaphore_mem>>)
      %dma_start3A_815 = arith.constant 1344 : i32
      %dma_start3A_816 = tpu.memref_slice %arg6[%dma_start3A_815] : memref<3584xf32, #tpu.memory_space<vmem>> -> memref<32xf32, #tpu.memory_space<vmem>>
      %dma_start3A_817 = tpu.memref_slice %arg3[%add3A_9, %mul3A_194] : memref<1024x102400xf32, #tpu.memory_space<hbm>> -> memref<1x32xf32, #tpu.memory_space<hbm>>
      %dma_start3A_818 = tpu.memref_squeeze %dma_start3A_817 : memref<1x32xf32, #tpu.memory_space<hbm>> -> memref<32xf32, #tpu.memory_space<hbm>>
      %dma_start3A_819 = arith.constant 1344 : i32
      %dma_start3A_820 = tpu.memref_slice %arg6[%dma_start3A_819] : memref<3584xf32, #tpu.memory_space<vmem>> -> memref<32xf32, #tpu.memory_space<vmem>>
      %dma_start3A_821 = tpu.memref_slice %arg3[%add3A_9, %mul3A_194] : memref<1024x102400xf32, #tpu.memory_space<hbm>> -> memref<1x32xf32, #tpu.memory_space<hbm>>
      %dma_start3A_822 = tpu.memref_squeeze %dma_start3A_821 : memref<1x32xf32, #tpu.memory_space<hbm>> -> memref<32xf32, #tpu.memory_space<hbm>>
      tpu.enqueue_dma source(%dma_start3A_822 : memref<32xf32, #tpu.memory_space<hbm>>) target(%dma_start3A_820 : memref<32xf32, #tpu.memory_space<vmem>>) target_semaphore(%arg8 : memref<!tpu.dma_semaphore, #tpu.memory_space<semaphore_mem>>)
      %dma_start3A_823 = arith.constant 1376 : i32
      %dma_start3A_824 = tpu.memref_slice %arg6[%dma_start3A_823] : memref<3584xf32, #tpu.memory_space<vmem>> -> memref<32xf32, #tpu.memory_space<vmem>>
      %dma_start3A_825 = tpu.memref_slice %arg3[%add3A_9, %mul3A_198] : memref<1024x102400xf32, #tpu.memory_space<hbm>> -> memref<1x32xf32, #tpu.memory_space<hbm>>
      %dma_start3A_826 = tpu.memref_squeeze %dma_start3A_825 : memref<1x32xf32, #tpu.memory_space<hbm>> -> memref<32xf32, #tpu.memory_space<hbm>>
      %dma_start3A_827 = arith.constant 1376 : i32
      %dma_start3A_828 = tpu.memref_slice %arg6[%dma_start3A_827] : memref<3584xf32, #tpu.memory_space<vmem>> -> memref<32xf32, #tpu.memory_space<vmem>>
      %dma_start3A_829 = tpu.memref_slice %arg3[%add3A_9, %mul3A_198] : memref<1024x102400xf32, #tpu.memory_space<hbm>> -> memref<1x32xf32, #tpu.memory_space<hbm>>
      %dma_start3A_830 = tpu.memref_squeeze %dma_start3A_829 : memref<1x32xf32, #tpu.memory_space<hbm>> -> memref<32xf32, #tpu.memory_space<hbm>>
      tpu.enqueue_dma source(%dma_start3A_830 : memref<32xf32, #tpu.memory_space<hbm>>) target(%dma_start3A_828 : memref<32xf32, #tpu.memory_space<vmem>>) target_semaphore(%arg8 : memref<!tpu.dma_semaphore, #tpu.memory_space<semaphore_mem>>)
      %dma_start3A_831 = arith.constant 1408 : i32
      %dma_start3A_832 = tpu.memref_slice %arg6[%dma_start3A_831] : memref<3584xf32, #tpu.memory_space<vmem>> -> memref<32xf32, #tpu.memory_space<vmem>>
      %dma_start3A_833 = tpu.memref_slice %arg3[%add3A_9, %mul3A_202] : memref<1024x102400xf32, #tpu.memory_space<hbm>> -> memref<1x32xf32, #tpu.memory_space<hbm>>
      %dma_start3A_834 = tpu.memref_squeeze %dma_start3A_833 : memref<1x32xf32, #tpu.memory_space<hbm>> -> memref<32xf32, #tpu.memory_space<hbm>>
      %dma_start3A_835 = arith.constant 1408 : i32
      %dma_start3A_836 = tpu.memref_slice %arg6[%dma_start3A_835] : memref<3584xf32, #tpu.memory_space<vmem>> -> memref<32xf32, #tpu.memory_space<vmem>>
      %dma_start3A_837 = tpu.memref_slice %arg3[%add3A_9, %mul3A_202] : memref<1024x102400xf32, #tpu.memory_space<hbm>> -> memref<1x32xf32, #tpu.memory_space<hbm>>
      %dma_start3A_838 = tpu.memref_squeeze %dma_start3A_837 : memref<1x32xf32, #tpu.memory_space<hbm>> -> memref<32xf32, #tpu.memory_space<hbm>>
      tpu.enqueue_dma source(%dma_start3A_838 : memref<32xf32, #tpu.memory_space<hbm>>) target(%dma_start3A_836 : memref<32xf32, #tpu.memory_space<vmem>>) target_semaphore(%arg8 : memref<!tpu.dma_semaphore, #tpu.memory_space<semaphore_mem>>)
      %dma_start3A_839 = arith.constant 1440 : i32
      %dma_start3A_840 = tpu.memref_slice %arg6[%dma_start3A_839] : memref<3584xf32, #tpu.memory_space<vmem>> -> memref<32xf32, #tpu.memory_space<vmem>>
      %dma_start3A_841 = tpu.memref_slice %arg3[%add3A_9, %mul3A_206] : memref<1024x102400xf32, #tpu.memory_space<hbm>> -> memref<1x32xf32, #tpu.memory_space<hbm>>
      %dma_start3A_842 = tpu.memref_squeeze %dma_start3A_841 : memref<1x32xf32, #tpu.memory_space<hbm>> -> memref<32xf32, #tpu.memory_space<hbm>>
      %dma_start3A_843 = arith.constant 1440 : i32
      %dma_start3A_844 = tpu.memref_slice %arg6[%dma_start3A_843] : memref<3584xf32, #tpu.memory_space<vmem>> -> memref<32xf32, #tpu.memory_space<vmem>>
      %dma_start3A_845 = tpu.memref_slice %arg3[%add3A_9, %mul3A_206] : memref<1024x102400xf32, #tpu.memory_space<hbm>> -> memref<1x32xf32, #tpu.memory_space<hbm>>
      %dma_start3A_846 = tpu.memref_squeeze %dma_start3A_845 : memref<1x32xf32, #tpu.memory_space<hbm>> -> memref<32xf32, #tpu.memory_space<hbm>>
      tpu.enqueue_dma source(%dma_start3A_846 : memref<32xf32, #tpu.memory_space<hbm>>) target(%dma_start3A_844 : memref<32xf32, #tpu.memory_space<vmem>>) target_semaphore(%arg8 : memref<!tpu.dma_semaphore, #tpu.memory_space<semaphore_mem>>)
      %dma_start3A_847 = arith.constant 1472 : i32
      %dma_start3A_848 = tpu.memref_slice %arg6[%dma_start3A_847] : memref<3584xf32, #tpu.memory_space<vmem>> -> memref<32xf32, #tpu.memory_space<vmem>>
      %dma_start3A_849 = tpu.memref_slice %arg3[%add3A_9, %mul3A_210] : memref<1024x102400xf32, #tpu.memory_space<hbm>> -> memref<1x32xf32, #tpu.memory_space<hbm>>
      %dma_start3A_850 = tpu.memref_squeeze %dma_start3A_849 : memref<1x32xf32, #tpu.memory_space<hbm>> -> memref<32xf32, #tpu.memory_space<hbm>>
      %dma_start3A_851 = arith.constant 1472 : i32
      %dma_start3A_852 = tpu.memref_slice %arg6[%dma_start3A_851] : memref<3584xf32, #tpu.memory_space<vmem>> -> memref<32xf32, #tpu.memory_space<vmem>>
      %dma_start3A_853 = tpu.memref_slice %arg3[%add3A_9, %mul3A_210] : memref<1024x102400xf32, #tpu.memory_space<hbm>> -> memref<1x32xf32, #tpu.memory_space<hbm>>
      %dma_start3A_854 = tpu.memref_squeeze %dma_start3A_853 : memref<1x32xf32, #tpu.memory_space<hbm>> -> memref<32xf32, #tpu.memory_space<hbm>>
      tpu.enqueue_dma source(%dma_start3A_854 : memref<32xf32, #tpu.memory_space<hbm>>) target(%dma_start3A_852 : memref<32xf32, #tpu.memory_space<vmem>>) target_semaphore(%arg8 : memref<!tpu.dma_semaphore, #tpu.memory_space<semaphore_mem>>)
      %dma_start3A_855 = arith.constant 1504 : i32
      %dma_start3A_856 = tpu.memref_slice %arg6[%dma_start3A_855] : memref<3584xf32, #tpu.memory_space<vmem>> -> memref<32xf32, #tpu.memory_space<vmem>>
      %dma_start3A_857 = tpu.memref_slice %arg3[%add3A_9, %mul3A_214] : memref<1024x102400xf32, #tpu.memory_space<hbm>> -> memref<1x32xf32, #tpu.memory_space<hbm>>
      %dma_start3A_858 = tpu.memref_squeeze %dma_start3A_857 : memref<1x32xf32, #tpu.memory_space<hbm>> -> memref<32xf32, #tpu.memory_space<hbm>>
      %dma_start3A_859 = arith.constant 1504 : i32
      %dma_start3A_860 = tpu.memref_slice %arg6[%dma_start3A_859] : memref<3584xf32, #tpu.memory_space<vmem>> -> memref<32xf32, #tpu.memory_space<vmem>>
      %dma_start3A_861 = tpu.memref_slice %arg3[%add3A_9, %mul3A_214] : memref<1024x102400xf32, #tpu.memory_space<hbm>> -> memref<1x32xf32, #tpu.memory_space<hbm>>
      %dma_start3A_862 = tpu.memref_squeeze %dma_start3A_861 : memref<1x32xf32, #tpu.memory_space<hbm>> -> memref<32xf32, #tpu.memory_space<hbm>>
      tpu.enqueue_dma source(%dma_start3A_862 : memref<32xf32, #tpu.memory_space<hbm>>) target(%dma_start3A_860 : memref<32xf32, #tpu.memory_space<vmem>>) target_semaphore(%arg8 : memref<!tpu.dma_semaphore, #tpu.memory_space<semaphore_mem>>)
      %dma_start3A_863 = arith.constant 1536 : i32
      %dma_start3A_864 = tpu.memref_slice %arg6[%dma_start3A_863] : memref<3584xf32, #tpu.memory_space<vmem>> -> memref<32xf32, #tpu.memory_space<vmem>>
      %dma_start3A_865 = tpu.memref_slice %arg3[%add3A_9, %mul3A_220] : memref<1024x102400xf32, #tpu.memory_space<hbm>> -> memref<1x32xf32, #tpu.memory_space<hbm>>
      %dma_start3A_866 = tpu.memref_squeeze %dma_start3A_865 : memref<1x32xf32, #tpu.memory_space<hbm>> -> memref<32xf32, #tpu.memory_space<hbm>>
      %dma_start3A_867 = arith.constant 1536 : i32
      %dma_start3A_868 = tpu.memref_slice %arg6[%dma_start3A_867] : memref<3584xf32, #tpu.memory_space<vmem>> -> memref<32xf32, #tpu.memory_space<vmem>>
      %dma_start3A_869 = tpu.memref_slice %arg3[%add3A_9, %mul3A_220] : memref<1024x102400xf32, #tpu.memory_space<hbm>> -> memref<1x32xf32, #tpu.memory_space<hbm>>
      %dma_start3A_870 = tpu.memref_squeeze %dma_start3A_869 : memref<1x32xf32, #tpu.memory_space<hbm>> -> memref<32xf32, #tpu.memory_space<hbm>>
      tpu.enqueue_dma source(%dma_start3A_870 : memref<32xf32, #tpu.memory_space<hbm>>) target(%dma_start3A_868 : memref<32xf32, #tpu.memory_space<vmem>>) target_semaphore(%arg8 : memref<!tpu.dma_semaphore, #tpu.memory_space<semaphore_mem>>)
      %dma_start3A_871 = arith.constant 1568 : i32
      %dma_start3A_872 = tpu.memref_slice %arg6[%dma_start3A_871] : memref<3584xf32, #tpu.memory_space<vmem>> -> memref<32xf32, #tpu.memory_space<vmem>>
      %dma_start3A_873 = tpu.memref_slice %arg3[%add3A_9, %mul3A_224] : memref<1024x102400xf32, #tpu.memory_space<hbm>> -> memref<1x32xf32, #tpu.memory_space<hbm>>
      %dma_start3A_874 = tpu.memref_squeeze %dma_start3A_873 : memref<1x32xf32, #tpu.memory_space<hbm>> -> memref<32xf32, #tpu.memory_space<hbm>>
      %dma_start3A_875 = arith.constant 1568 : i32
      %dma_start3A_876 = tpu.memref_slice %arg6[%dma_start3A_875] : memref<3584xf32, #tpu.memory_space<vmem>> -> memref<32xf32, #tpu.memory_space<vmem>>
      %dma_start3A_877 = tpu.memref_slice %arg3[%add3A_9, %mul3A_224] : memref<1024x102400xf32, #tpu.memory_space<hbm>> -> memref<1x32xf32, #tpu.memory_space<hbm>>
      %dma_start3A_878 = tpu.memref_squeeze %dma_start3A_877 : memref<1x32xf32, #tpu.memory_space<hbm>> -> memref<32xf32, #tpu.memory_space<hbm>>
      tpu.enqueue_dma source(%dma_start3A_878 : memref<32xf32, #tpu.memory_space<hbm>>) target(%dma_start3A_876 : memref<32xf32, #tpu.memory_space<vmem>>) target_semaphore(%arg8 : memref<!tpu.dma_semaphore, #tpu.memory_space<semaphore_mem>>)
      %dma_start3A_879 = arith.constant 1600 : i32
      %dma_start3A_880 = tpu.memref_slice %arg6[%dma_start3A_879] : memref<3584xf32, #tpu.memory_space<vmem>> -> memref<32xf32, #tpu.memory_space<vmem>>
      %dma_start3A_881 = tpu.memref_slice %arg3[%add3A_9, %mul3A_228] : memref<1024x102400xf32, #tpu.memory_space<hbm>> -> memref<1x32xf32, #tpu.memory_space<hbm>>
      %dma_start3A_882 = tpu.memref_squeeze %dma_start3A_881 : memref<1x32xf32, #tpu.memory_space<hbm>> -> memref<32xf32, #tpu.memory_space<hbm>>
      %dma_start3A_883 = arith.constant 1600 : i32
      %dma_start3A_884 = tpu.memref_slice %arg6[%dma_start3A_883] : memref<3584xf32, #tpu.memory_space<vmem>> -> memref<32xf32, #tpu.memory_space<vmem>>
      %dma_start3A_885 = tpu.memref_slice %arg3[%add3A_9, %mul3A_228] : memref<1024x102400xf32, #tpu.memory_space<hbm>> -> memref<1x32xf32, #tpu.memory_space<hbm>>
      %dma_start3A_886 = tpu.memref_squeeze %dma_start3A_885 : memref<1x32xf32, #tpu.memory_space<hbm>> -> memref<32xf32, #tpu.memory_space<hbm>>
      tpu.enqueue_dma source(%dma_start3A_886 : memref<32xf32, #tpu.memory_space<hbm>>) target(%dma_start3A_884 : memref<32xf32, #tpu.memory_space<vmem>>) target_semaphore(%arg8 : memref<!tpu.dma_semaphore, #tpu.memory_space<semaphore_mem>>)
      %dma_start3A_887 = arith.constant 1632 : i32
      %dma_start3A_888 = tpu.memref_slice %arg6[%dma_start3A_887] : memref<3584xf32, #tpu.memory_space<vmem>> -> memref<32xf32, #tpu.memory_space<vmem>>
      %dma_start3A_889 = tpu.memref_slice %arg3[%add3A_9, %mul3A_232] : memref<1024x102400xf32, #tpu.memory_space<hbm>> -> memref<1x32xf32, #tpu.memory_space<hbm>>
      %dma_start3A_890 = tpu.memref_squeeze %dma_start3A_889 : memref<1x32xf32, #tpu.memory_space<hbm>> -> memref<32xf32, #tpu.memory_space<hbm>>
      %dma_start3A_891 = arith.constant 1632 : i32
      %dma_start3A_892 = tpu.memref_slice %arg6[%dma_start3A_891] : memref<3584xf32, #tpu.memory_space<vmem>> -> memref<32xf32, #tpu.memory_space<vmem>>
      %dma_start3A_893 = tpu.memref_slice %arg3[%add3A_9, %mul3A_232] : memref<1024x102400xf32, #tpu.memory_space<hbm>> -> memref<1x32xf32, #tpu.memory_space<hbm>>
      %dma_start3A_894 = tpu.memref_squeeze %dma_start3A_893 : memref<1x32xf32, #tpu.memory_space<hbm>> -> memref<32xf32, #tpu.memory_space<hbm>>
      tpu.enqueue_dma source(%dma_start3A_894 : memref<32xf32, #tpu.memory_space<hbm>>) target(%dma_start3A_892 : memref<32xf32, #tpu.memory_space<vmem>>) target_semaphore(%arg8 : memref<!tpu.dma_semaphore, #tpu.memory_space<semaphore_mem>>)
      %dma_start3A_895 = arith.constant 1664 : i32
      %dma_start3A_896 = tpu.memref_slice %arg6[%dma_start3A_895] : memref<3584xf32, #tpu.memory_space<vmem>> -> memref<32xf32, #tpu.memory_space<vmem>>
      %dma_start3A_897 = tpu.memref_slice %arg3[%add3A_9, %mul3A_236] : memref<1024x102400xf32, #tpu.memory_space<hbm>> -> memref<1x32xf32, #tpu.memory_space<hbm>>
      %dma_start3A_898 = tpu.memref_squeeze %dma_start3A_897 : memref<1x32xf32, #tpu.memory_space<hbm>> -> memref<32xf32, #tpu.memory_space<hbm>>
      %dma_start3A_899 = arith.constant 1664 : i32
      %dma_start3A_900 = tpu.memref_slice %arg6[%dma_start3A_899] : memref<3584xf32, #tpu.memory_space<vmem>> -> memref<32xf32, #tpu.memory_space<vmem>>
      %dma_start3A_901 = tpu.memref_slice %arg3[%add3A_9, %mul3A_236] : memref<1024x102400xf32, #tpu.memory_space<hbm>> -> memref<1x32xf32, #tpu.memory_space<hbm>>
      %dma_start3A_902 = tpu.memref_squeeze %dma_start3A_901 : memref<1x32xf32, #tpu.memory_space<hbm>> -> memref<32xf32, #tpu.memory_space<hbm>>
      tpu.enqueue_dma source(%dma_start3A_902 : memref<32xf32, #tpu.memory_space<hbm>>) target(%dma_start3A_900 : memref<32xf32, #tpu.memory_space<vmem>>) target_semaphore(%arg8 : memref<!tpu.dma_semaphore, #tpu.memory_space<semaphore_mem>>)
      %dma_start3A_903 = arith.constant 1696 : i32
      %dma_start3A_904 = tpu.memref_slice %arg6[%dma_start3A_903] : memref<3584xf32, #tpu.memory_space<vmem>> -> memref<32xf32, #tpu.memory_space<vmem>>
      %dma_start3A_905 = tpu.memref_slice %arg3[%add3A_9, %mul3A_240] : memref<1024x102400xf32, #tpu.memory_space<hbm>> -> memref<1x32xf32, #tpu.memory_space<hbm>>
      %dma_start3A_906 = tpu.memref_squeeze %dma_start3A_905 : memref<1x32xf32, #tpu.memory_space<hbm>> -> memref<32xf32, #tpu.memory_space<hbm>>
      %dma_start3A_907 = arith.constant 1696 : i32
      %dma_start3A_908 = tpu.memref_slice %arg6[%dma_start3A_907] : memref<3584xf32, #tpu.memory_space<vmem>> -> memref<32xf32, #tpu.memory_space<vmem>>
      %dma_start3A_909 = tpu.memref_slice %arg3[%add3A_9, %mul3A_240] : memref<1024x102400xf32, #tpu.memory_space<hbm>> -> memref<1x32xf32, #tpu.memory_space<hbm>>
      %dma_start3A_910 = tpu.memref_squeeze %dma_start3A_909 : memref<1x32xf32, #tpu.memory_space<hbm>> -> memref<32xf32, #tpu.memory_space<hbm>>
      tpu.enqueue_dma source(%dma_start3A_910 : memref<32xf32, #tpu.memory_space<hbm>>) target(%dma_start3A_908 : memref<32xf32, #tpu.memory_space<vmem>>) target_semaphore(%arg8 : memref<!tpu.dma_semaphore, #tpu.memory_space<semaphore_mem>>)
      %dma_start3A_911 = arith.constant 1728 : i32
      %dma_start3A_912 = tpu.memref_slice %arg6[%dma_start3A_911] : memref<3584xf32, #tpu.memory_space<vmem>> -> memref<32xf32, #tpu.memory_space<vmem>>
      %dma_start3A_913 = tpu.memref_slice %arg3[%add3A_9, %mul3A_244] : memref<1024x102400xf32, #tpu.memory_space<hbm>> -> memref<1x32xf32, #tpu.memory_space<hbm>>
      %dma_start3A_914 = tpu.memref_squeeze %dma_start3A_913 : memref<1x32xf32, #tpu.memory_space<hbm>> -> memref<32xf32, #tpu.memory_space<hbm>>
      %dma_start3A_915 = arith.constant 1728 : i32
      %dma_start3A_916 = tpu.memref_slice %arg6[%dma_start3A_915] : memref<3584xf32, #tpu.memory_space<vmem>> -> memref<32xf32, #tpu.memory_space<vmem>>
      %dma_start3A_917 = tpu.memref_slice %arg3[%add3A_9, %mul3A_244] : memref<1024x102400xf32, #tpu.memory_space<hbm>> -> memref<1x32xf32, #tpu.memory_space<hbm>>
      %dma_start3A_918 = tpu.memref_squeeze %dma_start3A_917 : memref<1x32xf32, #tpu.memory_space<hbm>> -> memref<32xf32, #tpu.memory_space<hbm>>
      tpu.enqueue_dma source(%dma_start3A_918 : memref<32xf32, #tpu.memory_space<hbm>>) target(%dma_start3A_916 : memref<32xf32, #tpu.memory_space<vmem>>) target_semaphore(%arg8 : memref<!tpu.dma_semaphore, #tpu.memory_space<semaphore_mem>>)
      %dma_start3A_919 = arith.constant 1760 : i32
      %dma_start3A_920 = tpu.memref_slice %arg6[%dma_start3A_919] : memref<3584xf32, #tpu.memory_space<vmem>> -> memref<32xf32, #tpu.memory_space<vmem>>
      %dma_start3A_921 = tpu.memref_slice %arg3[%add3A_9, %mul3A_248] : memref<1024x102400xf32, #tpu.memory_space<hbm>> -> memref<1x32xf32, #tpu.memory_space<hbm>>
      %dma_start3A_922 = tpu.memref_squeeze %dma_start3A_921 : memref<1x32xf32, #tpu.memory_space<hbm>> -> memref<32xf32, #tpu.memory_space<hbm>>
      %dma_start3A_923 = arith.constant 1760 : i32
      %dma_start3A_924 = tpu.memref_slice %arg6[%dma_start3A_923] : memref<3584xf32, #tpu.memory_space<vmem>> -> memref<32xf32, #tpu.memory_space<vmem>>
      %dma_start3A_925 = tpu.memref_slice %arg3[%add3A_9, %mul3A_248] : memref<1024x102400xf32, #tpu.memory_space<hbm>> -> memref<1x32xf32, #tpu.memory_space<hbm>>
      %dma_start3A_926 = tpu.memref_squeeze %dma_start3A_925 : memref<1x32xf32, #tpu.memory_space<hbm>> -> memref<32xf32, #tpu.memory_space<hbm>>
      tpu.enqueue_dma source(%dma_start3A_926 : memref<32xf32, #tpu.memory_space<hbm>>) target(%dma_start3A_924 : memref<32xf32, #tpu.memory_space<vmem>>) target_semaphore(%arg8 : memref<!tpu.dma_semaphore, #tpu.memory_space<semaphore_mem>>)
      %dma_start3A_927 = arith.constant 1792 : i32
      %dma_start3A_928 = tpu.memref_slice %arg6[%dma_start3A_927] : memref<3584xf32, #tpu.memory_space<vmem>> -> memref<32xf32, #tpu.memory_space<vmem>>
      %dma_start3A_929 = tpu.memref_slice %arg3[%add3A_9, %mul3A_252] : memref<1024x102400xf32, #tpu.memory_space<hbm>> -> memref<1x32xf32, #tpu.memory_space<hbm>>
      %dma_start3A_930 = tpu.memref_squeeze %dma_start3A_929 : memref<1x32xf32, #tpu.memory_space<hbm>> -> memref<32xf32, #tpu.memory_space<hbm>>
      %dma_start3A_931 = arith.constant 1792 : i32
      %dma_start3A_932 = tpu.memref_slice %arg6[%dma_start3A_931] : memref<3584xf32, #tpu.memory_space<vmem>> -> memref<32xf32, #tpu.memory_space<vmem>>
      %dma_start3A_933 = tpu.memref_slice %arg3[%add3A_9, %mul3A_252] : memref<1024x102400xf32, #tpu.memory_space<hbm>> -> memref<1x32xf32, #tpu.memory_space<hbm>>
      %dma_start3A_934 = tpu.memref_squeeze %dma_start3A_933 : memref<1x32xf32, #tpu.memory_space<hbm>> -> memref<32xf32, #tpu.memory_space<hbm>>
      tpu.enqueue_dma source(%dma_start3A_934 : memref<32xf32, #tpu.memory_space<hbm>>) target(%dma_start3A_932 : memref<32xf32, #tpu.memory_space<vmem>>) target_semaphore(%arg8 : memref<!tpu.dma_semaphore, #tpu.memory_space<semaphore_mem>>)
      %dma_start3A_935 = arith.constant 1824 : i32
      %dma_start3A_936 = tpu.memref_slice %arg6[%dma_start3A_935] : memref<3584xf32, #tpu.memory_space<vmem>> -> memref<32xf32, #tpu.memory_space<vmem>>
      %dma_start3A_937 = tpu.memref_slice %arg3[%add3A_9, %mul3A_256] : memref<1024x102400xf32, #tpu.memory_space<hbm>> -> memref<1x32xf32, #tpu.memory_space<hbm>>
      %dma_start3A_938 = tpu.memref_squeeze %dma_start3A_937 : memref<1x32xf32, #tpu.memory_space<hbm>> -> memref<32xf32, #tpu.memory_space<hbm>>
      %dma_start3A_939 = arith.constant 1824 : i32
      %dma_start3A_940 = tpu.memref_slice %arg6[%dma_start3A_939] : memref<3584xf32, #tpu.memory_space<vmem>> -> memref<32xf32, #tpu.memory_space<vmem>>
      %dma_start3A_941 = tpu.memref_slice %arg3[%add3A_9, %mul3A_256] : memref<1024x102400xf32, #tpu.memory_space<hbm>> -> memref<1x32xf32, #tpu.memory_space<hbm>>
      %dma_start3A_942 = tpu.memref_squeeze %dma_start3A_941 : memref<1x32xf32, #tpu.memory_space<hbm>> -> memref<32xf32, #tpu.memory_space<hbm>>
      tpu.enqueue_dma source(%dma_start3A_942 : memref<32xf32, #tpu.memory_space<hbm>>) target(%dma_start3A_940 : memref<32xf32, #tpu.memory_space<vmem>>) target_semaphore(%arg8 : memref<!tpu.dma_semaphore, #tpu.memory_space<semaphore_mem>>)
      %dma_start3A_943 = arith.constant 1856 : i32
      %dma_start3A_944 = tpu.memref_slice %arg6[%dma_start3A_943] : memref<3584xf32, #tpu.memory_space<vmem>> -> memref<32xf32, #tpu.memory_space<vmem>>
      %dma_start3A_945 = tpu.memref_slice %arg3[%add3A_9, %mul3A_260] : memref<1024x102400xf32, #tpu.memory_space<hbm>> -> memref<1x32xf32, #tpu.memory_space<hbm>>
      %dma_start3A_946 = tpu.memref_squeeze %dma_start3A_945 : memref<1x32xf32, #tpu.memory_space<hbm>> -> memref<32xf32, #tpu.memory_space<hbm>>
      %dma_start3A_947 = arith.constant 1856 : i32
      %dma_start3A_948 = tpu.memref_slice %arg6[%dma_start3A_947] : memref<3584xf32, #tpu.memory_space<vmem>> -> memref<32xf32, #tpu.memory_space<vmem>>
      %dma_start3A_949 = tpu.memref_slice %arg3[%add3A_9, %mul3A_260] : memref<1024x102400xf32, #tpu.memory_space<hbm>> -> memref<1x32xf32, #tpu.memory_space<hbm>>
      %dma_start3A_950 = tpu.memref_squeeze %dma_start3A_949 : memref<1x32xf32, #tpu.memory_space<hbm>> -> memref<32xf32, #tpu.memory_space<hbm>>
      tpu.enqueue_dma source(%dma_start3A_950 : memref<32xf32, #tpu.memory_space<hbm>>) target(%dma_start3A_948 : memref<32xf32, #tpu.memory_space<vmem>>) target_semaphore(%arg8 : memref<!tpu.dma_semaphore, #tpu.memory_space<semaphore_mem>>)
      %dma_start3A_951 = arith.constant 1888 : i32
      %dma_start3A_952 = tpu.memref_slice %arg6[%dma_start3A_951] : memref<3584xf32, #tpu.memory_space<vmem>> -> memref<32xf32, #tpu.memory_space<vmem>>
      %dma_start3A_953 = tpu.memref_slice %arg3[%add3A_9, %mul3A_264] : memref<1024x102400xf32, #tpu.memory_space<hbm>> -> memref<1x32xf32, #tpu.memory_space<hbm>>
      %dma_start3A_954 = tpu.memref_squeeze %dma_start3A_953 : memref<1x32xf32, #tpu.memory_space<hbm>> -> memref<32xf32, #tpu.memory_space<hbm>>
      %dma_start3A_955 = arith.constant 1888 : i32
      %dma_start3A_956 = tpu.memref_slice %arg6[%dma_start3A_955] : memref<3584xf32, #tpu.memory_space<vmem>> -> memref<32xf32, #tpu.memory_space<vmem>>
      %dma_start3A_957 = tpu.memref_slice %arg3[%add3A_9, %mul3A_264] : memref<1024x102400xf32, #tpu.memory_space<hbm>> -> memref<1x32xf32, #tpu.memory_space<hbm>>
      %dma_start3A_958 = tpu.memref_squeeze %dma_start3A_957 : memref<1x32xf32, #tpu.memory_space<hbm>> -> memref<32xf32, #tpu.memory_space<hbm>>
      tpu.enqueue_dma source(%dma_start3A_958 : memref<32xf32, #tpu.memory_space<hbm>>) target(%dma_start3A_956 : memref<32xf32, #tpu.memory_space<vmem>>) target_semaphore(%arg8 : memref<!tpu.dma_semaphore, #tpu.memory_space<semaphore_mem>>)
      %dma_start3A_959 = arith.constant 1920 : i32
      %dma_start3A_960 = tpu.memref_slice %arg6[%dma_start3A_959] : memref<3584xf32, #tpu.memory_space<vmem>> -> memref<32xf32, #tpu.memory_space<vmem>>
      %dma_start3A_961 = tpu.memref_slice %arg3[%add3A_9, %mul3A_268] : memref<1024x102400xf32, #tpu.memory_space<hbm>> -> memref<1x32xf32, #tpu.memory_space<hbm>>
      %dma_start3A_962 = tpu.memref_squeeze %dma_start3A_961 : memref<1x32xf32, #tpu.memory_space<hbm>> -> memref<32xf32, #tpu.memory_space<hbm>>
      %dma_start3A_963 = arith.constant 1920 : i32
      %dma_start3A_964 = tpu.memref_slice %arg6[%dma_start3A_963] : memref<3584xf32, #tpu.memory_space<vmem>> -> memref<32xf32, #tpu.memory_space<vmem>>
      %dma_start3A_965 = tpu.memref_slice %arg3[%add3A_9, %mul3A_268] : memref<1024x102400xf32, #tpu.memory_space<hbm>> -> memref<1x32xf32, #tpu.memory_space<hbm>>
      %dma_start3A_966 = tpu.memref_squeeze %dma_start3A_965 : memref<1x32xf32, #tpu.memory_space<hbm>> -> memref<32xf32, #tpu.memory_space<hbm>>
      tpu.enqueue_dma source(%dma_start3A_966 : memref<32xf32, #tpu.memory_space<hbm>>) target(%dma_start3A_964 : memref<32xf32, #tpu.memory_space<vmem>>) target_semaphore(%arg8 : memref<!tpu.dma_semaphore, #tpu.memory_space<semaphore_mem>>)
      %dma_start3A_967 = arith.constant 1952 : i32
      %dma_start3A_968 = tpu.memref_slice %arg6[%dma_start3A_967] : memref<3584xf32, #tpu.memory_space<vmem>> -> memref<32xf32, #tpu.memory_space<vmem>>
      %dma_start3A_969 = tpu.memref_slice %arg3[%add3A_9, %mul3A_272] : memref<1024x102400xf32, #tpu.memory_space<hbm>> -> memref<1x32xf32, #tpu.memory_space<hbm>>
      %dma_start3A_970 = tpu.memref_squeeze %dma_start3A_969 : memref<1x32xf32, #tpu.memory_space<hbm>> -> memref<32xf32, #tpu.memory_space<hbm>>
      %dma_start3A_971 = arith.constant 1952 : i32
      %dma_start3A_972 = tpu.memref_slice %arg6[%dma_start3A_971] : memref<3584xf32, #tpu.memory_space<vmem>> -> memref<32xf32, #tpu.memory_space<vmem>>
      %dma_start3A_973 = tpu.memref_slice %arg3[%add3A_9, %mul3A_272] : memref<1024x102400xf32, #tpu.memory_space<hbm>> -> memref<1x32xf32, #tpu.memory_space<hbm>>
      %dma_start3A_974 = tpu.memref_squeeze %dma_start3A_973 : memref<1x32xf32, #tpu.memory_space<hbm>> -> memref<32xf32, #tpu.memory_space<hbm>>
      tpu.enqueue_dma source(%dma_start3A_974 : memref<32xf32, #tpu.memory_space<hbm>>) target(%dma_start3A_972 : memref<32xf32, #tpu.memory_space<vmem>>) target_semaphore(%arg8 : memref<!tpu.dma_semaphore, #tpu.memory_space<semaphore_mem>>)
      %dma_start3A_975 = arith.constant 1984 : i32
      %dma_start3A_976 = tpu.memref_slice %arg6[%dma_start3A_975] : memref<3584xf32, #tpu.memory_space<vmem>> -> memref<32xf32, #tpu.memory_space<vmem>>
      %dma_start3A_977 = tpu.memref_slice %arg3[%add3A_9, %mul3A_276] : memref<1024x102400xf32, #tpu.memory_space<hbm>> -> memref<1x32xf32, #tpu.memory_space<hbm>>
      %dma_start3A_978 = tpu.memref_squeeze %dma_start3A_977 : memref<1x32xf32, #tpu.memory_space<hbm>> -> memref<32xf32, #tpu.memory_space<hbm>>
      %dma_start3A_979 = arith.constant 1984 : i32
      %dma_start3A_980 = tpu.memref_slice %arg6[%dma_start3A_979] : memref<3584xf32, #tpu.memory_space<vmem>> -> memref<32xf32, #tpu.memory_space<vmem>>
      %dma_start3A_981 = tpu.memref_slice %arg3[%add3A_9, %mul3A_276] : memref<1024x102400xf32, #tpu.memory_space<hbm>> -> memref<1x32xf32, #tpu.memory_space<hbm>>
      %dma_start3A_982 = tpu.memref_squeeze %dma_start3A_981 : memref<1x32xf32, #tpu.memory_space<hbm>> -> memref<32xf32, #tpu.memory_space<hbm>>
      tpu.enqueue_dma source(%dma_start3A_982 : memref<32xf32, #tpu.memory_space<hbm>>) target(%dma_start3A_980 : memref<32xf32, #tpu.memory_space<vmem>>) target_semaphore(%arg8 : memref<!tpu.dma_semaphore, #tpu.memory_space<semaphore_mem>>)
      %dma_start3A_983 = arith.constant 2016 : i32
      %dma_start3A_984 = tpu.memref_slice %arg6[%dma_start3A_983] : memref<3584xf32, #tpu.memory_space<vmem>> -> memref<32xf32, #tpu.memory_space<vmem>>
      %dma_start3A_985 = tpu.memref_slice %arg3[%add3A_9, %mul3A_280] : memref<1024x102400xf32, #tpu.memory_space<hbm>> -> memref<1x32xf32, #tpu.memory_space<hbm>>
      %dma_start3A_986 = tpu.memref_squeeze %dma_start3A_985 : memref<1x32xf32, #tpu.memory_space<hbm>> -> memref<32xf32, #tpu.memory_space<hbm>>
      %dma_start3A_987 = arith.constant 2016 : i32
      %dma_start3A_988 = tpu.memref_slice %arg6[%dma_start3A_987] : memref<3584xf32, #tpu.memory_space<vmem>> -> memref<32xf32, #tpu.memory_space<vmem>>
      %dma_start3A_989 = tpu.memref_slice %arg3[%add3A_9, %mul3A_280] : memref<1024x102400xf32, #tpu.memory_space<hbm>> -> memref<1x32xf32, #tpu.memory_space<hbm>>
      %dma_start3A_990 = tpu.memref_squeeze %dma_start3A_989 : memref<1x32xf32, #tpu.memory_space<hbm>> -> memref<32xf32, #tpu.memory_space<hbm>>
      tpu.enqueue_dma source(%dma_start3A_990 : memref<32xf32, #tpu.memory_space<hbm>>) target(%dma_start3A_988 : memref<32xf32, #tpu.memory_space<vmem>>) target_semaphore(%arg8 : memref<!tpu.dma_semaphore, #tpu.memory_space<semaphore_mem>>)
      %dma_start3A_991 = arith.constant 2048 : i32
      %dma_start3A_992 = tpu.memref_slice %arg6[%dma_start3A_991] : memref<3584xf32, #tpu.memory_space<vmem>> -> memref<32xf32, #tpu.memory_space<vmem>>
      %dma_start3A_993 = tpu.memref_slice %arg3[%add3A_9, %mul3A_286] : memref<1024x102400xf32, #tpu.memory_space<hbm>> -> memref<1x32xf32, #tpu.memory_space<hbm>>
      %dma_start3A_994 = tpu.memref_squeeze %dma_start3A_993 : memref<1x32xf32, #tpu.memory_space<hbm>> -> memref<32xf32, #tpu.memory_space<hbm>>
      %dma_start3A_995 = arith.constant 2048 : i32
      %dma_start3A_996 = tpu.memref_slice %arg6[%dma_start3A_995] : memref<3584xf32, #tpu.memory_space<vmem>> -> memref<32xf32, #tpu.memory_space<vmem>>
      %dma_start3A_997 = tpu.memref_slice %arg3[%add3A_9, %mul3A_286] : memref<1024x102400xf32, #tpu.memory_space<hbm>> -> memref<1x32xf32, #tpu.memory_space<hbm>>
      %dma_start3A_998 = tpu.memref_squeeze %dma_start3A_997 : memref<1x32xf32, #tpu.memory_space<hbm>> -> memref<32xf32, #tpu.memory_space<hbm>>
      tpu.enqueue_dma source(%dma_start3A_998 : memref<32xf32, #tpu.memory_space<hbm>>) target(%dma_start3A_996 : memref<32xf32, #tpu.memory_space<vmem>>) target_semaphore(%arg8 : memref<!tpu.dma_semaphore, #tpu.memory_space<semaphore_mem>>)
      %dma_start3A_999 = arith.constant 2080 : i32
      %dma_start3A_1000 = tpu.memref_slice %arg6[%dma_start3A_999] : memref<3584xf32, #tpu.memory_space<vmem>> -> memref<32xf32, #tpu.memory_space<vmem>>
      %dma_start3A_1001 = tpu.memref_slice %arg3[%add3A_9, %mul3A_290] : memref<1024x102400xf32, #tpu.memory_space<hbm>> -> memref<1x32xf32, #tpu.memory_space<hbm>>
      %dma_start3A_1002 = tpu.memref_squeeze %dma_start3A_1001 : memref<1x32xf32, #tpu.memory_space<hbm>> -> memref<32xf32, #tpu.memory_space<hbm>>
      %dma_start3A_1003 = arith.constant 2080 : i32
      %dma_start3A_1004 = tpu.memref_slice %arg6[%dma_start3A_1003] : memref<3584xf32, #tpu.memory_space<vmem>> -> memref<32xf32, #tpu.memory_space<vmem>>
      %dma_start3A_1005 = tpu.memref_slice %arg3[%add3A_9, %mul3A_290] : memref<1024x102400xf32, #tpu.memory_space<hbm>> -> memref<1x32xf32, #tpu.memory_space<hbm>>
      %dma_start3A_1006 = tpu.memref_squeeze %dma_start3A_1005 : memref<1x32xf32, #tpu.memory_space<hbm>> -> memref<32xf32, #tpu.memory_space<hbm>>
      tpu.enqueue_dma source(%dma_start3A_1006 : memref<32xf32, #tpu.memory_space<hbm>>) target(%dma_start3A_1004 : memref<32xf32, #tpu.memory_space<vmem>>) target_semaphore(%arg8 : memref<!tpu.dma_semaphore, #tpu.memory_space<semaphore_mem>>)
      %dma_start3A_1007 = arith.constant 2112 : i32
      %dma_start3A_1008 = tpu.memref_slice %arg6[%dma_start3A_1007] : memref<3584xf32, #tpu.memory_space<vmem>> -> memref<32xf32, #tpu.memory_space<vmem>>
      %dma_start3A_1009 = tpu.memref_slice %arg3[%add3A_9, %mul3A_294] : memref<1024x102400xf32, #tpu.memory_space<hbm>> -> memref<1x32xf32, #tpu.memory_space<hbm>>
      %dma_start3A_1010 = tpu.memref_squeeze %dma_start3A_1009 : memref<1x32xf32, #tpu.memory_space<hbm>> -> memref<32xf32, #tpu.memory_space<hbm>>
      %dma_start3A_1011 = arith.constant 2112 : i32
      %dma_start3A_1012 = tpu.memref_slice %arg6[%dma_start3A_1011] : memref<3584xf32, #tpu.memory_space<vmem>> -> memref<32xf32, #tpu.memory_space<vmem>>
      %dma_start3A_1013 = tpu.memref_slice %arg3[%add3A_9, %mul3A_294] : memref<1024x102400xf32, #tpu.memory_space<hbm>> -> memref<1x32xf32, #tpu.memory_space<hbm>>
      %dma_start3A_1014 = tpu.memref_squeeze %dma_start3A_1013 : memref<1x32xf32, #tpu.memory_space<hbm>> -> memref<32xf32, #tpu.memory_space<hbm>>
      tpu.enqueue_dma source(%dma_start3A_1014 : memref<32xf32, #tpu.memory_space<hbm>>) target(%dma_start3A_1012 : memref<32xf32, #tpu.memory_space<vmem>>) target_semaphore(%arg8 : memref<!tpu.dma_semaphore, #tpu.memory_space<semaphore_mem>>)
      %dma_start3A_1015 = arith.constant 2144 : i32
      %dma_start3A_1016 = tpu.memref_slice %arg6[%dma_start3A_1015] : memref<3584xf32, #tpu.memory_space<vmem>> -> memref<32xf32, #tpu.memory_space<vmem>>
      %dma_start3A_1017 = tpu.memref_slice %arg3[%add3A_9, %mul3A_298] : memref<1024x102400xf32, #tpu.memory_space<hbm>> -> memref<1x32xf32, #tpu.memory_space<hbm>>
      %dma_start3A_1018 = tpu.memref_squeeze %dma_start3A_1017 : memref<1x32xf32, #tpu.memory_space<hbm>> -> memref<32xf32, #tpu.memory_space<hbm>>
      %dma_start3A_1019 = arith.constant 2144 : i32
      %dma_start3A_1020 = tpu.memref_slice %arg6[%dma_start3A_1019] : memref<3584xf32, #tpu.memory_space<vmem>> -> memref<32xf32, #tpu.memory_space<vmem>>
      %dma_start3A_1021 = tpu.memref_slice %arg3[%add3A_9, %mul3A_298] : memref<1024x102400xf32, #tpu.memory_space<hbm>> -> memref<1x32xf32, #tpu.memory_space<hbm>>
      %dma_start3A_1022 = tpu.memref_squeeze %dma_start3A_1021 : memref<1x32xf32, #tpu.memory_space<hbm>> -> memref<32xf32, #tpu.memory_space<hbm>>
      tpu.enqueue_dma source(%dma_start3A_1022 : memref<32xf32, #tpu.memory_space<hbm>>) target(%dma_start3A_1020 : memref<32xf32, #tpu.memory_space<vmem>>) target_semaphore(%arg8 : memref<!tpu.dma_semaphore, #tpu.memory_space<semaphore_mem>>)
      %dma_start3A_1023 = arith.constant 2176 : i32
      %dma_start3A_1024 = tpu.memref_slice %arg6[%dma_start3A_1023] : memref<3584xf32, #tpu.memory_space<vmem>> -> memref<32xf32, #tpu.memory_space<vmem>>
      %dma_start3A_1025 = tpu.memref_slice %arg3[%add3A_9, %mul3A_302] : memref<1024x102400xf32, #tpu.memory_space<hbm>> -> memref<1x32xf32, #tpu.memory_space<hbm>>
      %dma_start3A_1026 = tpu.memref_squeeze %dma_start3A_1025 : memref<1x32xf32, #tpu.memory_space<hbm>> -> memref<32xf32, #tpu.memory_space<hbm>>
      %dma_start3A_1027 = arith.constant 2176 : i32
      %dma_start3A_1028 = tpu.memref_slice %arg6[%dma_start3A_1027] : memref<3584xf32, #tpu.memory_space<vmem>> -> memref<32xf32, #tpu.memory_space<vmem>>
      %dma_start3A_1029 = tpu.memref_slice %arg3[%add3A_9, %mul3A_302] : memref<1024x102400xf32, #tpu.memory_space<hbm>> -> memref<1x32xf32, #tpu.memory_space<hbm>>
      %dma_start3A_1030 = tpu.memref_squeeze %dma_start3A_1029 : memref<1x32xf32, #tpu.memory_space<hbm>> -> memref<32xf32, #tpu.memory_space<hbm>>
      tpu.enqueue_dma source(%dma_start3A_1030 : memref<32xf32, #tpu.memory_space<hbm>>) target(%dma_start3A_1028 : memref<32xf32, #tpu.memory_space<vmem>>) target_semaphore(%arg8 : memref<!tpu.dma_semaphore, #tpu.memory_space<semaphore_mem>>)
      %dma_start3A_1031 = arith.constant 2208 : i32
      %dma_start3A_1032 = tpu.memref_slice %arg6[%dma_start3A_1031] : memref<3584xf32, #tpu.memory_space<vmem>> -> memref<32xf32, #tpu.memory_space<vmem>>
      %dma_start3A_1033 = tpu.memref_slice %arg3[%add3A_9, %mul3A_306] : memref<1024x102400xf32, #tpu.memory_space<hbm>> -> memref<1x32xf32, #tpu.memory_space<hbm>>
      %dma_start3A_1034 = tpu.memref_squeeze %dma_start3A_1033 : memref<1x32xf32, #tpu.memory_space<hbm>> -> memref<32xf32, #tpu.memory_space<hbm>>
      %dma_start3A_1035 = arith.constant 2208 : i32
      %dma_start3A_1036 = tpu.memref_slice %arg6[%dma_start3A_1035] : memref<3584xf32, #tpu.memory_space<vmem>> -> memref<32xf32, #tpu.memory_space<vmem>>
      %dma_start3A_1037 = tpu.memref_slice %arg3[%add3A_9, %mul3A_306] : memref<1024x102400xf32, #tpu.memory_space<hbm>> -> memref<1x32xf32, #tpu.memory_space<hbm>>
      %dma_start3A_1038 = tpu.memref_squeeze %dma_start3A_1037 : memref<1x32xf32, #tpu.memory_space<hbm>> -> memref<32xf32, #tpu.memory_space<hbm>>
      tpu.enqueue_dma source(%dma_start3A_1038 : memref<32xf32, #tpu.memory_space<hbm>>) target(%dma_start3A_1036 : memref<32xf32, #tpu.memory_space<vmem>>) target_semaphore(%arg8 : memref<!tpu.dma_semaphore, #tpu.memory_space<semaphore_mem>>)
      %dma_start3A_1039 = arith.constant 2240 : i32
      %dma_start3A_1040 = tpu.memref_slice %arg6[%dma_start3A_1039] : memref<3584xf32, #tpu.memory_space<vmem>> -> memref<32xf32, #tpu.memory_space<vmem>>
      %dma_start3A_1041 = tpu.memref_slice %arg3[%add3A_9, %mul3A_310] : memref<1024x102400xf32, #tpu.memory_space<hbm>> -> memref<1x32xf32, #tpu.memory_space<hbm>>
      %dma_start3A_1042 = tpu.memref_squeeze %dma_start3A_1041 : memref<1x32xf32, #tpu.memory_space<hbm>> -> memref<32xf32, #tpu.memory_space<hbm>>
      %dma_start3A_1043 = arith.constant 2240 : i32
      %dma_start3A_1044 = tpu.memref_slice %arg6[%dma_start3A_1043] : memref<3584xf32, #tpu.memory_space<vmem>> -> memref<32xf32, #tpu.memory_space<vmem>>
      %dma_start3A_1045 = tpu.memref_slice %arg3[%add3A_9, %mul3A_310] : memref<1024x102400xf32, #tpu.memory_space<hbm>> -> memref<1x32xf32, #tpu.memory_space<hbm>>
      %dma_start3A_1046 = tpu.memref_squeeze %dma_start3A_1045 : memref<1x32xf32, #tpu.memory_space<hbm>> -> memref<32xf32, #tpu.memory_space<hbm>>
      tpu.enqueue_dma source(%dma_start3A_1046 : memref<32xf32, #tpu.memory_space<hbm>>) target(%dma_start3A_1044 : memref<32xf32, #tpu.memory_space<vmem>>) target_semaphore(%arg8 : memref<!tpu.dma_semaphore, #tpu.memory_space<semaphore_mem>>)
      %dma_start3A_1047 = arith.constant 2272 : i32
      %dma_start3A_1048 = tpu.memref_slice %arg6[%dma_start3A_1047] : memref<3584xf32, #tpu.memory_space<vmem>> -> memref<32xf32, #tpu.memory_space<vmem>>
      %dma_start3A_1049 = tpu.memref_slice %arg3[%add3A_9, %mul3A_314] : memref<1024x102400xf32, #tpu.memory_space<hbm>> -> memref<1x32xf32, #tpu.memory_space<hbm>>
      %dma_start3A_1050 = tpu.memref_squeeze %dma_start3A_1049 : memref<1x32xf32, #tpu.memory_space<hbm>> -> memref<32xf32, #tpu.memory_space<hbm>>
      %dma_start3A_1051 = arith.constant 2272 : i32
      %dma_start3A_1052 = tpu.memref_slice %arg6[%dma_start3A_1051] : memref<3584xf32, #tpu.memory_space<vmem>> -> memref<32xf32, #tpu.memory_space<vmem>>
      %dma_start3A_1053 = tpu.memref_slice %arg3[%add3A_9, %mul3A_314] : memref<1024x102400xf32, #tpu.memory_space<hbm>> -> memref<1x32xf32, #tpu.memory_space<hbm>>
      %dma_start3A_1054 = tpu.memref_squeeze %dma_start3A_1053 : memref<1x32xf32, #tpu.memory_space<hbm>> -> memref<32xf32, #tpu.memory_space<hbm>>
      tpu.enqueue_dma source(%dma_start3A_1054 : memref<32xf32, #tpu.memory_space<hbm>>) target(%dma_start3A_1052 : memref<32xf32, #tpu.memory_space<vmem>>) target_semaphore(%arg8 : memref<!tpu.dma_semaphore, #tpu.memory_space<semaphore_mem>>)
      %dma_start3A_1055 = arith.constant 2304 : i32
      %dma_start3A_1056 = tpu.memref_slice %arg6[%dma_start3A_1055] : memref<3584xf32, #tpu.memory_space<vmem>> -> memref<32xf32, #tpu.memory_space<vmem>>
      %dma_start3A_1057 = tpu.memref_slice %arg3[%add3A_9, %mul3A_318] : memref<1024x102400xf32, #tpu.memory_space<hbm>> -> memref<1x32xf32, #tpu.memory_space<hbm>>
      %dma_start3A_1058 = tpu.memref_squeeze %dma_start3A_1057 : memref<1x32xf32, #tpu.memory_space<hbm>> -> memref<32xf32, #tpu.memory_space<hbm>>
      %dma_start3A_1059 = arith.constant 2304 : i32
      %dma_start3A_1060 = tpu.memref_slice %arg6[%dma_start3A_1059] : memref<3584xf32, #tpu.memory_space<vmem>> -> memref<32xf32, #tpu.memory_space<vmem>>
      %dma_start3A_1061 = tpu.memref_slice %arg3[%add3A_9, %mul3A_318] : memref<1024x102400xf32, #tpu.memory_space<hbm>> -> memref<1x32xf32, #tpu.memory_space<hbm>>
      %dma_start3A_1062 = tpu.memref_squeeze %dma_start3A_1061 : memref<1x32xf32, #tpu.memory_space<hbm>> -> memref<32xf32, #tpu.memory_space<hbm>>
      tpu.enqueue_dma source(%dma_start3A_1062 : memref<32xf32, #tpu.memory_space<hbm>>) target(%dma_start3A_1060 : memref<32xf32, #tpu.memory_space<vmem>>) target_semaphore(%arg8 : memref<!tpu.dma_semaphore, #tpu.memory_space<semaphore_mem>>)
      %dma_start3A_1063 = arith.constant 2336 : i32
      %dma_start3A_1064 = tpu.memref_slice %arg6[%dma_start3A_1063] : memref<3584xf32, #tpu.memory_space<vmem>> -> memref<32xf32, #tpu.memory_space<vmem>>
      %dma_start3A_1065 = tpu.memref_slice %arg3[%add3A_9, %mul3A_322] : memref<1024x102400xf32, #tpu.memory_space<hbm>> -> memref<1x32xf32, #tpu.memory_space<hbm>>
      %dma_start3A_1066 = tpu.memref_squeeze %dma_start3A_1065 : memref<1x32xf32, #tpu.memory_space<hbm>> -> memref<32xf32, #tpu.memory_space<hbm>>
      %dma_start3A_1067 = arith.constant 2336 : i32
      %dma_start3A_1068 = tpu.memref_slice %arg6[%dma_start3A_1067] : memref<3584xf32, #tpu.memory_space<vmem>> -> memref<32xf32, #tpu.memory_space<vmem>>
      %dma_start3A_1069 = tpu.memref_slice %arg3[%add3A_9, %mul3A_322] : memref<1024x102400xf32, #tpu.memory_space<hbm>> -> memref<1x32xf32, #tpu.memory_space<hbm>>
      %dma_start3A_1070 = tpu.memref_squeeze %dma_start3A_1069 : memref<1x32xf32, #tpu.memory_space<hbm>> -> memref<32xf32, #tpu.memory_space<hbm>>
      tpu.enqueue_dma source(%dma_start3A_1070 : memref<32xf32, #tpu.memory_space<hbm>>) target(%dma_start3A_1068 : memref<32xf32, #tpu.memory_space<vmem>>) target_semaphore(%arg8 : memref<!tpu.dma_semaphore, #tpu.memory_space<semaphore_mem>>)
      %dma_start3A_1071 = arith.constant 2368 : i32
      %dma_start3A_1072 = tpu.memref_slice %arg6[%dma_start3A_1071] : memref<3584xf32, #tpu.memory_space<vmem>> -> memref<32xf32, #tpu.memory_space<vmem>>
      %dma_start3A_1073 = tpu.memref_slice %arg3[%add3A_9, %mul3A_326] : memref<1024x102400xf32, #tpu.memory_space<hbm>> -> memref<1x32xf32, #tpu.memory_space<hbm>>
      %dma_start3A_1074 = tpu.memref_squeeze %dma_start3A_1073 : memref<1x32xf32, #tpu.memory_space<hbm>> -> memref<32xf32, #tpu.memory_space<hbm>>
      %dma_start3A_1075 = arith.constant 2368 : i32
      %dma_start3A_1076 = tpu.memref_slice %arg6[%dma_start3A_1075] : memref<3584xf32, #tpu.memory_space<vmem>> -> memref<32xf32, #tpu.memory_space<vmem>>
      %dma_start3A_1077 = tpu.memref_slice %arg3[%add3A_9, %mul3A_326] : memref<1024x102400xf32, #tpu.memory_space<hbm>> -> memref<1x32xf32, #tpu.memory_space<hbm>>
      %dma_start3A_1078 = tpu.memref_squeeze %dma_start3A_1077 : memref<1x32xf32, #tpu.memory_space<hbm>> -> memref<32xf32, #tpu.memory_space<hbm>>
      tpu.enqueue_dma source(%dma_start3A_1078 : memref<32xf32, #tpu.memory_space<hbm>>) target(%dma_start3A_1076 : memref<32xf32, #tpu.memory_space<vmem>>) target_semaphore(%arg8 : memref<!tpu.dma_semaphore, #tpu.memory_space<semaphore_mem>>)
      %dma_start3A_1079 = arith.constant 2400 : i32
      %dma_start3A_1080 = tpu.memref_slice %arg6[%dma_start3A_1079] : memref<3584xf32, #tpu.memory_space<vmem>> -> memref<32xf32, #tpu.memory_space<vmem>>
      %dma_start3A_1081 = tpu.memref_slice %arg3[%add3A_9, %mul3A_330] : memref<1024x102400xf32, #tpu.memory_space<hbm>> -> memref<1x32xf32, #tpu.memory_space<hbm>>
      %dma_start3A_1082 = tpu.memref_squeeze %dma_start3A_1081 : memref<1x32xf32, #tpu.memory_space<hbm>> -> memref<32xf32, #tpu.memory_space<hbm>>
      %dma_start3A_1083 = arith.constant 2400 : i32
      %dma_start3A_1084 = tpu.memref_slice %arg6[%dma_start3A_1083] : memref<3584xf32, #tpu.memory_space<vmem>> -> memref<32xf32, #tpu.memory_space<vmem>>
      %dma_start3A_1085 = tpu.memref_slice %arg3[%add3A_9, %mul3A_330] : memref<1024x102400xf32, #tpu.memory_space<hbm>> -> memref<1x32xf32, #tpu.memory_space<hbm>>
      %dma_start3A_1086 = tpu.memref_squeeze %dma_start3A_1085 : memref<1x32xf32, #tpu.memory_space<hbm>> -> memref<32xf32, #tpu.memory_space<hbm>>
      tpu.enqueue_dma source(%dma_start3A_1086 : memref<32xf32, #tpu.memory_space<hbm>>) target(%dma_start3A_1084 : memref<32xf32, #tpu.memory_space<vmem>>) target_semaphore(%arg8 : memref<!tpu.dma_semaphore, #tpu.memory_space<semaphore_mem>>)
      %dma_start3A_1087 = arith.constant 2432 : i32
      %dma_start3A_1088 = tpu.memref_slice %arg6[%dma_start3A_1087] : memref<3584xf32, #tpu.memory_space<vmem>> -> memref<32xf32, #tpu.memory_space<vmem>>
      %dma_start3A_1089 = tpu.memref_slice %arg3[%add3A_9, %mul3A_334] : memref<1024x102400xf32, #tpu.memory_space<hbm>> -> memref<1x32xf32, #tpu.memory_space<hbm>>
      %dma_start3A_1090 = tpu.memref_squeeze %dma_start3A_1089 : memref<1x32xf32, #tpu.memory_space<hbm>> -> memref<32xf32, #tpu.memory_space<hbm>>
      %dma_start3A_1091 = arith.constant 2432 : i32
      %dma_start3A_1092 = tpu.memref_slice %arg6[%dma_start3A_1091] : memref<3584xf32, #tpu.memory_space<vmem>> -> memref<32xf32, #tpu.memory_space<vmem>>
      %dma_start3A_1093 = tpu.memref_slice %arg3[%add3A_9, %mul3A_334] : memref<1024x102400xf32, #tpu.memory_space<hbm>> -> memref<1x32xf32, #tpu.memory_space<hbm>>
      %dma_start3A_1094 = tpu.memref_squeeze %dma_start3A_1093 : memref<1x32xf32, #tpu.memory_space<hbm>> -> memref<32xf32, #tpu.memory_space<hbm>>
      tpu.enqueue_dma source(%dma_start3A_1094 : memref<32xf32, #tpu.memory_space<hbm>>) target(%dma_start3A_1092 : memref<32xf32, #tpu.memory_space<vmem>>) target_semaphore(%arg8 : memref<!tpu.dma_semaphore, #tpu.memory_space<semaphore_mem>>)
      %dma_start3A_1095 = arith.constant 2464 : i32
      %dma_start3A_1096 = tpu.memref_slice %arg6[%dma_start3A_1095] : memref<3584xf32, #tpu.memory_space<vmem>> -> memref<32xf32, #tpu.memory_space<vmem>>
      %dma_start3A_1097 = tpu.memref_slice %arg3[%add3A_9, %mul3A_338] : memref<1024x102400xf32, #tpu.memory_space<hbm>> -> memref<1x32xf32, #tpu.memory_space<hbm>>
      %dma_start3A_1098 = tpu.memref_squeeze %dma_start3A_1097 : memref<1x32xf32, #tpu.memory_space<hbm>> -> memref<32xf32, #tpu.memory_space<hbm>>
      %dma_start3A_1099 = arith.constant 2464 : i32
      %dma_start3A_1100 = tpu.memref_slice %arg6[%dma_start3A_1099] : memref<3584xf32, #tpu.memory_space<vmem>> -> memref<32xf32, #tpu.memory_space<vmem>>
      %dma_start3A_1101 = tpu.memref_slice %arg3[%add3A_9, %mul3A_338] : memref<1024x102400xf32, #tpu.memory_space<hbm>> -> memref<1x32xf32, #tpu.memory_space<hbm>>
      %dma_start3A_1102 = tpu.memref_squeeze %dma_start3A_1101 : memref<1x32xf32, #tpu.memory_space<hbm>> -> memref<32xf32, #tpu.memory_space<hbm>>
      tpu.enqueue_dma source(%dma_start3A_1102 : memref<32xf32, #tpu.memory_space<hbm>>) target(%dma_start3A_1100 : memref<32xf32, #tpu.memory_space<vmem>>) target_semaphore(%arg8 : memref<!tpu.dma_semaphore, #tpu.memory_space<semaphore_mem>>)
      %dma_start3A_1103 = arith.constant 2496 : i32
      %dma_start3A_1104 = tpu.memref_slice %arg6[%dma_start3A_1103] : memref<3584xf32, #tpu.memory_space<vmem>> -> memref<32xf32, #tpu.memory_space<vmem>>
      %dma_start3A_1105 = tpu.memref_slice %arg3[%add3A_9, %mul3A_342] : memref<1024x102400xf32, #tpu.memory_space<hbm>> -> memref<1x32xf32, #tpu.memory_space<hbm>>
      %dma_start3A_1106 = tpu.memref_squeeze %dma_start3A_1105 : memref<1x32xf32, #tpu.memory_space<hbm>> -> memref<32xf32, #tpu.memory_space<hbm>>
      %dma_start3A_1107 = arith.constant 2496 : i32
      %dma_start3A_1108 = tpu.memref_slice %arg6[%dma_start3A_1107] : memref<3584xf32, #tpu.memory_space<vmem>> -> memref<32xf32, #tpu.memory_space<vmem>>
      %dma_start3A_1109 = tpu.memref_slice %arg3[%add3A_9, %mul3A_342] : memref<1024x102400xf32, #tpu.memory_space<hbm>> -> memref<1x32xf32, #tpu.memory_space<hbm>>
      %dma_start3A_1110 = tpu.memref_squeeze %dma_start3A_1109 : memref<1x32xf32, #tpu.memory_space<hbm>> -> memref<32xf32, #tpu.memory_space<hbm>>
      tpu.enqueue_dma source(%dma_start3A_1110 : memref<32xf32, #tpu.memory_space<hbm>>) target(%dma_start3A_1108 : memref<32xf32, #tpu.memory_space<vmem>>) target_semaphore(%arg8 : memref<!tpu.dma_semaphore, #tpu.memory_space<semaphore_mem>>)
      %dma_start3A_1111 = arith.constant 2528 : i32
      %dma_start3A_1112 = tpu.memref_slice %arg6[%dma_start3A_1111] : memref<3584xf32, #tpu.memory_space<vmem>> -> memref<32xf32, #tpu.memory_space<vmem>>
      %dma_start3A_1113 = tpu.memref_slice %arg3[%add3A_9, %mul3A_346] : memref<1024x102400xf32, #tpu.memory_space<hbm>> -> memref<1x32xf32, #tpu.memory_space<hbm>>
      %dma_start3A_1114 = tpu.memref_squeeze %dma_start3A_1113 : memref<1x32xf32, #tpu.memory_space<hbm>> -> memref<32xf32, #tpu.memory_space<hbm>>
      %dma_start3A_1115 = arith.constant 2528 : i32
      %dma_start3A_1116 = tpu.memref_slice %arg6[%dma_start3A_1115] : memref<3584xf32, #tpu.memory_space<vmem>> -> memref<32xf32, #tpu.memory_space<vmem>>
      %dma_start3A_1117 = tpu.memref_slice %arg3[%add3A_9, %mul3A_346] : memref<1024x102400xf32, #tpu.memory_space<hbm>> -> memref<1x32xf32, #tpu.memory_space<hbm>>
      %dma_start3A_1118 = tpu.memref_squeeze %dma_start3A_1117 : memref<1x32xf32, #tpu.memory_space<hbm>> -> memref<32xf32, #tpu.memory_space<hbm>>
      tpu.enqueue_dma source(%dma_start3A_1118 : memref<32xf32, #tpu.memory_space<hbm>>) target(%dma_start3A_1116 : memref<32xf32, #tpu.memory_space<vmem>>) target_semaphore(%arg8 : memref<!tpu.dma_semaphore, #tpu.memory_space<semaphore_mem>>)
      %dma_start3A_1119 = arith.constant 2560 : i32
      %dma_start3A_1120 = tpu.memref_slice %arg6[%dma_start3A_1119] : memref<3584xf32, #tpu.memory_space<vmem>> -> memref<32xf32, #tpu.memory_space<vmem>>
      %dma_start3A_1121 = tpu.memref_slice %arg3[%add3A_9, %mul3A_352] : memref<1024x102400xf32, #tpu.memory_space<hbm>> -> memref<1x32xf32, #tpu.memory_space<hbm>>
      %dma_start3A_1122 = tpu.memref_squeeze %dma_start3A_1121 : memref<1x32xf32, #tpu.memory_space<hbm>> -> memref<32xf32, #tpu.memory_space<hbm>>
      %dma_start3A_1123 = arith.constant 2560 : i32
      %dma_start3A_1124 = tpu.memref_slice %arg6[%dma_start3A_1123] : memref<3584xf32, #tpu.memory_space<vmem>> -> memref<32xf32, #tpu.memory_space<vmem>>
      %dma_start3A_1125 = tpu.memref_slice %arg3[%add3A_9, %mul3A_352] : memref<1024x102400xf32, #tpu.memory_space<hbm>> -> memref<1x32xf32, #tpu.memory_space<hbm>>
      %dma_start3A_1126 = tpu.memref_squeeze %dma_start3A_1125 : memref<1x32xf32, #tpu.memory_space<hbm>> -> memref<32xf32, #tpu.memory_space<hbm>>
      tpu.enqueue_dma source(%dma_start3A_1126 : memref<32xf32, #tpu.memory_space<hbm>>) target(%dma_start3A_1124 : memref<32xf32, #tpu.memory_space<vmem>>) target_semaphore(%arg8 : memref<!tpu.dma_semaphore, #tpu.memory_space<semaphore_mem>>)
      %dma_start3A_1127 = arith.constant 2592 : i32
      %dma_start3A_1128 = tpu.memref_slice %arg6[%dma_start3A_1127] : memref<3584xf32, #tpu.memory_space<vmem>> -> memref<32xf32, #tpu.memory_space<vmem>>
      %dma_start3A_1129 = tpu.memref_slice %arg3[%add3A_9, %mul3A_356] : memref<1024x102400xf32, #tpu.memory_space<hbm>> -> memref<1x32xf32, #tpu.memory_space<hbm>>
      %dma_start3A_1130 = tpu.memref_squeeze %dma_start3A_1129 : memref<1x32xf32, #tpu.memory_space<hbm>> -> memref<32xf32, #tpu.memory_space<hbm>>
      %dma_start3A_1131 = arith.constant 2592 : i32
      %dma_start3A_1132 = tpu.memref_slice %arg6[%dma_start3A_1131] : memref<3584xf32, #tpu.memory_space<vmem>> -> memref<32xf32, #tpu.memory_space<vmem>>
      %dma_start3A_1133 = tpu.memref_slice %arg3[%add3A_9, %mul3A_356] : memref<1024x102400xf32, #tpu.memory_space<hbm>> -> memref<1x32xf32, #tpu.memory_space<hbm>>
      %dma_start3A_1134 = tpu.memref_squeeze %dma_start3A_1133 : memref<1x32xf32, #tpu.memory_space<hbm>> -> memref<32xf32, #tpu.memory_space<hbm>>
      tpu.enqueue_dma source(%dma_start3A_1134 : memref<32xf32, #tpu.memory_space<hbm>>) target(%dma_start3A_1132 : memref<32xf32, #tpu.memory_space<vmem>>) target_semaphore(%arg8 : memref<!tpu.dma_semaphore, #tpu.memory_space<semaphore_mem>>)
      %dma_start3A_1135 = arith.constant 2624 : i32
      %dma_start3A_1136 = tpu.memref_slice %arg6[%dma_start3A_1135] : memref<3584xf32, #tpu.memory_space<vmem>> -> memref<32xf32, #tpu.memory_space<vmem>>
      %dma_start3A_1137 = tpu.memref_slice %arg3[%add3A_9, %mul3A_360] : memref<1024x102400xf32, #tpu.memory_space<hbm>> -> memref<1x32xf32, #tpu.memory_space<hbm>>
      %dma_start3A_1138 = tpu.memref_squeeze %dma_start3A_1137 : memref<1x32xf32, #tpu.memory_space<hbm>> -> memref<32xf32, #tpu.memory_space<hbm>>
      %dma_start3A_1139 = arith.constant 2624 : i32
      %dma_start3A_1140 = tpu.memref_slice %arg6[%dma_start3A_1139] : memref<3584xf32, #tpu.memory_space<vmem>> -> memref<32xf32, #tpu.memory_space<vmem>>
      %dma_start3A_1141 = tpu.memref_slice %arg3[%add3A_9, %mul3A_360] : memref<1024x102400xf32, #tpu.memory_space<hbm>> -> memref<1x32xf32, #tpu.memory_space<hbm>>
      %dma_start3A_1142 = tpu.memref_squeeze %dma_start3A_1141 : memref<1x32xf32, #tpu.memory_space<hbm>> -> memref<32xf32, #tpu.memory_space<hbm>>
      tpu.enqueue_dma source(%dma_start3A_1142 : memref<32xf32, #tpu.memory_space<hbm>>) target(%dma_start3A_1140 : memref<32xf32, #tpu.memory_space<vmem>>) target_semaphore(%arg8 : memref<!tpu.dma_semaphore, #tpu.memory_space<semaphore_mem>>)
      %dma_start3A_1143 = arith.constant 2656 : i32
      %dma_start3A_1144 = tpu.memref_slice %arg6[%dma_start3A_1143] : memref<3584xf32, #tpu.memory_space<vmem>> -> memref<32xf32, #tpu.memory_space<vmem>>
      %dma_start3A_1145 = tpu.memref_slice %arg3[%add3A_9, %mul3A_364] : memref<1024x102400xf32, #tpu.memory_space<hbm>> -> memref<1x32xf32, #tpu.memory_space<hbm>>
      %dma_start3A_1146 = tpu.memref_squeeze %dma_start3A_1145 : memref<1x32xf32, #tpu.memory_space<hbm>> -> memref<32xf32, #tpu.memory_space<hbm>>
      %dma_start3A_1147 = arith.constant 2656 : i32
      %dma_start3A_1148 = tpu.memref_slice %arg6[%dma_start3A_1147] : memref<3584xf32, #tpu.memory_space<vmem>> -> memref<32xf32, #tpu.memory_space<vmem>>
      %dma_start3A_1149 = tpu.memref_slice %arg3[%add3A_9, %mul3A_364] : memref<1024x102400xf32, #tpu.memory_space<hbm>> -> memref<1x32xf32, #tpu.memory_space<hbm>>
      %dma_start3A_1150 = tpu.memref_squeeze %dma_start3A_1149 : memref<1x32xf32, #tpu.memory_space<hbm>> -> memref<32xf32, #tpu.memory_space<hbm>>
      tpu.enqueue_dma source(%dma_start3A_1150 : memref<32xf32, #tpu.memory_space<hbm>>) target(%dma_start3A_1148 : memref<32xf32, #tpu.memory_space<vmem>>) target_semaphore(%arg8 : memref<!tpu.dma_semaphore, #tpu.memory_space<semaphore_mem>>)
      %dma_start3A_1151 = arith.constant 2688 : i32
      %dma_start3A_1152 = tpu.memref_slice %arg6[%dma_start3A_1151] : memref<3584xf32, #tpu.memory_space<vmem>> -> memref<32xf32, #tpu.memory_space<vmem>>
      %dma_start3A_1153 = tpu.memref_slice %arg3[%add3A_9, %mul3A_368] : memref<1024x102400xf32, #tpu.memory_space<hbm>> -> memref<1x32xf32, #tpu.memory_space<hbm>>
      %dma_start3A_1154 = tpu.memref_squeeze %dma_start3A_1153 : memref<1x32xf32, #tpu.memory_space<hbm>> -> memref<32xf32, #tpu.memory_space<hbm>>
      %dma_start3A_1155 = arith.constant 2688 : i32
      %dma_start3A_1156 = tpu.memref_slice %arg6[%dma_start3A_1155] : memref<3584xf32, #tpu.memory_space<vmem>> -> memref<32xf32, #tpu.memory_space<vmem>>
      %dma_start3A_1157 = tpu.memref_slice %arg3[%add3A_9, %mul3A_368] : memref<1024x102400xf32, #tpu.memory_space<hbm>> -> memref<1x32xf32, #tpu.memory_space<hbm>>
      %dma_start3A_1158 = tpu.memref_squeeze %dma_start3A_1157 : memref<1x32xf32, #tpu.memory_space<hbm>> -> memref<32xf32, #tpu.memory_space<hbm>>
      tpu.enqueue_dma source(%dma_start3A_1158 : memref<32xf32, #tpu.memory_space<hbm>>) target(%dma_start3A_1156 : memref<32xf32, #tpu.memory_space<vmem>>) target_semaphore(%arg8 : memref<!tpu.dma_semaphore, #tpu.memory_space<semaphore_mem>>)
      %dma_start3A_1159 = arith.constant 2720 : i32
      %dma_start3A_1160 = tpu.memref_slice %arg6[%dma_start3A_1159] : memref<3584xf32, #tpu.memory_space<vmem>> -> memref<32xf32, #tpu.memory_space<vmem>>
      %dma_start3A_1161 = tpu.memref_slice %arg3[%add3A_9, %mul3A_372] : memref<1024x102400xf32, #tpu.memory_space<hbm>> -> memref<1x32xf32, #tpu.memory_space<hbm>>
      %dma_start3A_1162 = tpu.memref_squeeze %dma_start3A_1161 : memref<1x32xf32, #tpu.memory_space<hbm>> -> memref<32xf32, #tpu.memory_space<hbm>>
      %dma_start3A_1163 = arith.constant 2720 : i32
      %dma_start3A_1164 = tpu.memref_slice %arg6[%dma_start3A_1163] : memref<3584xf32, #tpu.memory_space<vmem>> -> memref<32xf32, #tpu.memory_space<vmem>>
      %dma_start3A_1165 = tpu.memref_slice %arg3[%add3A_9, %mul3A_372] : memref<1024x102400xf32, #tpu.memory_space<hbm>> -> memref<1x32xf32, #tpu.memory_space<hbm>>
      %dma_start3A_1166 = tpu.memref_squeeze %dma_start3A_1165 : memref<1x32xf32, #tpu.memory_space<hbm>> -> memref<32xf32, #tpu.memory_space<hbm>>
      tpu.enqueue_dma source(%dma_start3A_1166 : memref<32xf32, #tpu.memory_space<hbm>>) target(%dma_start3A_1164 : memref<32xf32, #tpu.memory_space<vmem>>) target_semaphore(%arg8 : memref<!tpu.dma_semaphore, #tpu.memory_space<semaphore_mem>>)
      %dma_start3A_1167 = arith.constant 2752 : i32
      %dma_start3A_1168 = tpu.memref_slice %arg6[%dma_start3A_1167] : memref<3584xf32, #tpu.memory_space<vmem>> -> memref<32xf32, #tpu.memory_space<vmem>>
      %dma_start3A_1169 = tpu.memref_slice %arg3[%add3A_9, %mul3A_376] : memref<1024x102400xf32, #tpu.memory_space<hbm>> -> memref<1x32xf32, #tpu.memory_space<hbm>>
      %dma_start3A_1170 = tpu.memref_squeeze %dma_start3A_1169 : memref<1x32xf32, #tpu.memory_space<hbm>> -> memref<32xf32, #tpu.memory_space<hbm>>
      %dma_start3A_1171 = arith.constant 2752 : i32
      %dma_start3A_1172 = tpu.memref_slice %arg6[%dma_start3A_1171] : memref<3584xf32, #tpu.memory_space<vmem>> -> memref<32xf32, #tpu.memory_space<vmem>>
      %dma_start3A_1173 = tpu.memref_slice %arg3[%add3A_9, %mul3A_376] : memref<1024x102400xf32, #tpu.memory_space<hbm>> -> memref<1x32xf32, #tpu.memory_space<hbm>>
      %dma_start3A_1174 = tpu.memref_squeeze %dma_start3A_1173 : memref<1x32xf32, #tpu.memory_space<hbm>> -> memref<32xf32, #tpu.memory_space<hbm>>
      tpu.enqueue_dma source(%dma_start3A_1174 : memref<32xf32, #tpu.memory_space<hbm>>) target(%dma_start3A_1172 : memref<32xf32, #tpu.memory_space<vmem>>) target_semaphore(%arg8 : memref<!tpu.dma_semaphore, #tpu.memory_space<semaphore_mem>>)
      %dma_start3A_1175 = arith.constant 2784 : i32
      %dma_start3A_1176 = tpu.memref_slice %arg6[%dma_start3A_1175] : memref<3584xf32, #tpu.memory_space<vmem>> -> memref<32xf32, #tpu.memory_space<vmem>>
      %dma_start3A_1177 = tpu.memref_slice %arg3[%add3A_9, %mul3A_380] : memref<1024x102400xf32, #tpu.memory_space<hbm>> -> memref<1x32xf32, #tpu.memory_space<hbm>>
      %dma_start3A_1178 = tpu.memref_squeeze %dma_start3A_1177 : memref<1x32xf32, #tpu.memory_space<hbm>> -> memref<32xf32, #tpu.memory_space<hbm>>
      %dma_start3A_1179 = arith.constant 2784 : i32
      %dma_start3A_1180 = tpu.memref_slice %arg6[%dma_start3A_1179] : memref<3584xf32, #tpu.memory_space<vmem>> -> memref<32xf32, #tpu.memory_space<vmem>>
      %dma_start3A_1181 = tpu.memref_slice %arg3[%add3A_9, %mul3A_380] : memref<1024x102400xf32, #tpu.memory_space<hbm>> -> memref<1x32xf32, #tpu.memory_space<hbm>>
      %dma_start3A_1182 = tpu.memref_squeeze %dma_start3A_1181 : memref<1x32xf32, #tpu.memory_space<hbm>> -> memref<32xf32, #tpu.memory_space<hbm>>
      tpu.enqueue_dma source(%dma_start3A_1182 : memref<32xf32, #tpu.memory_space<hbm>>) target(%dma_start3A_1180 : memref<32xf32, #tpu.memory_space<vmem>>) target_semaphore(%arg8 : memref<!tpu.dma_semaphore, #tpu.memory_space<semaphore_mem>>)
      %dma_start3A_1183 = arith.constant 2816 : i32
      %dma_start3A_1184 = tpu.memref_slice %arg6[%dma_start3A_1183] : memref<3584xf32, #tpu.memory_space<vmem>> -> memref<32xf32, #tpu.memory_space<vmem>>
      %dma_start3A_1185 = tpu.memref_slice %arg3[%add3A_9, %mul3A_384] : memref<1024x102400xf32, #tpu.memory_space<hbm>> -> memref<1x32xf32, #tpu.memory_space<hbm>>
      %dma_start3A_1186 = tpu.memref_squeeze %dma_start3A_1185 : memref<1x32xf32, #tpu.memory_space<hbm>> -> memref<32xf32, #tpu.memory_space<hbm>>
      %dma_start3A_1187 = arith.constant 2816 : i32
      %dma_start3A_1188 = tpu.memref_slice %arg6[%dma_start3A_1187] : memref<3584xf32, #tpu.memory_space<vmem>> -> memref<32xf32, #tpu.memory_space<vmem>>
      %dma_start3A_1189 = tpu.memref_slice %arg3[%add3A_9, %mul3A_384] : memref<1024x102400xf32, #tpu.memory_space<hbm>> -> memref<1x32xf32, #tpu.memory_space<hbm>>
      %dma_start3A_1190 = tpu.memref_squeeze %dma_start3A_1189 : memref<1x32xf32, #tpu.memory_space<hbm>> -> memref<32xf32, #tpu.memory_space<hbm>>
      tpu.enqueue_dma source(%dma_start3A_1190 : memref<32xf32, #tpu.memory_space<hbm>>) target(%dma_start3A_1188 : memref<32xf32, #tpu.memory_space<vmem>>) target_semaphore(%arg8 : memref<!tpu.dma_semaphore, #tpu.memory_space<semaphore_mem>>)
      %dma_start3A_1191 = arith.constant 2848 : i32
      %dma_start3A_1192 = tpu.memref_slice %arg6[%dma_start3A_1191] : memref<3584xf32, #tpu.memory_space<vmem>> -> memref<32xf32, #tpu.memory_space<vmem>>
      %dma_start3A_1193 = tpu.memref_slice %arg3[%add3A_9, %mul3A_388] : memref<1024x102400xf32, #tpu.memory_space<hbm>> -> memref<1x32xf32, #tpu.memory_space<hbm>>
      %dma_start3A_1194 = tpu.memref_squeeze %dma_start3A_1193 : memref<1x32xf32, #tpu.memory_space<hbm>> -> memref<32xf32, #tpu.memory_space<hbm>>
      %dma_start3A_1195 = arith.constant 2848 : i32
      %dma_start3A_1196 = tpu.memref_slice %arg6[%dma_start3A_1195] : memref<3584xf32, #tpu.memory_space<vmem>> -> memref<32xf32, #tpu.memory_space<vmem>>
      %dma_start3A_1197 = tpu.memref_slice %arg3[%add3A_9, %mul3A_388] : memref<1024x102400xf32, #tpu.memory_space<hbm>> -> memref<1x32xf32, #tpu.memory_space<hbm>>
      %dma_start3A_1198 = tpu.memref_squeeze %dma_start3A_1197 : memref<1x32xf32, #tpu.memory_space<hbm>> -> memref<32xf32, #tpu.memory_space<hbm>>
      tpu.enqueue_dma source(%dma_start3A_1198 : memref<32xf32, #tpu.memory_space<hbm>>) target(%dma_start3A_1196 : memref<32xf32, #tpu.memory_space<vmem>>) target_semaphore(%arg8 : memref<!tpu.dma_semaphore, #tpu.memory_space<semaphore_mem>>)
      %dma_start3A_1199 = arith.constant 2880 : i32
      %dma_start3A_1200 = tpu.memref_slice %arg6[%dma_start3A_1199] : memref<3584xf32, #tpu.memory_space<vmem>> -> memref<32xf32, #tpu.memory_space<vmem>>
      %dma_start3A_1201 = tpu.memref_slice %arg3[%add3A_9, %mul3A_392] : memref<1024x102400xf32, #tpu.memory_space<hbm>> -> memref<1x32xf32, #tpu.memory_space<hbm>>
      %dma_start3A_1202 = tpu.memref_squeeze %dma_start3A_1201 : memref<1x32xf32, #tpu.memory_space<hbm>> -> memref<32xf32, #tpu.memory_space<hbm>>
      %dma_start3A_1203 = arith.constant 2880 : i32
      %dma_start3A_1204 = tpu.memref_slice %arg6[%dma_start3A_1203] : memref<3584xf32, #tpu.memory_space<vmem>> -> memref<32xf32, #tpu.memory_space<vmem>>
      %dma_start3A_1205 = tpu.memref_slice %arg3[%add3A_9, %mul3A_392] : memref<1024x102400xf32, #tpu.memory_space<hbm>> -> memref<1x32xf32, #tpu.memory_space<hbm>>
      %dma_start3A_1206 = tpu.memref_squeeze %dma_start3A_1205 : memref<1x32xf32, #tpu.memory_space<hbm>> -> memref<32xf32, #tpu.memory_space<hbm>>
      tpu.enqueue_dma source(%dma_start3A_1206 : memref<32xf32, #tpu.memory_space<hbm>>) target(%dma_start3A_1204 : memref<32xf32, #tpu.memory_space<vmem>>) target_semaphore(%arg8 : memref<!tpu.dma_semaphore, #tpu.memory_space<semaphore_mem>>)
      %dma_start3A_1207 = arith.constant 2912 : i32
      %dma_start3A_1208 = tpu.memref_slice %arg6[%dma_start3A_1207] : memref<3584xf32, #tpu.memory_space<vmem>> -> memref<32xf32, #tpu.memory_space<vmem>>
      %dma_start3A_1209 = tpu.memref_slice %arg3[%add3A_9, %mul3A_396] : memref<1024x102400xf32, #tpu.memory_space<hbm>> -> memref<1x32xf32, #tpu.memory_space<hbm>>
      %dma_start3A_1210 = tpu.memref_squeeze %dma_start3A_1209 : memref<1x32xf32, #tpu.memory_space<hbm>> -> memref<32xf32, #tpu.memory_space<hbm>>
      %dma_start3A_1211 = arith.constant 2912 : i32
      %dma_start3A_1212 = tpu.memref_slice %arg6[%dma_start3A_1211] : memref<3584xf32, #tpu.memory_space<vmem>> -> memref<32xf32, #tpu.memory_space<vmem>>
      %dma_start3A_1213 = tpu.memref_slice %arg3[%add3A_9, %mul3A_396] : memref<1024x102400xf32, #tpu.memory_space<hbm>> -> memref<1x32xf32, #tpu.memory_space<hbm>>
      %dma_start3A_1214 = tpu.memref_squeeze %dma_start3A_1213 : memref<1x32xf32, #tpu.memory_space<hbm>> -> memref<32xf32, #tpu.memory_space<hbm>>
      tpu.enqueue_dma source(%dma_start3A_1214 : memref<32xf32, #tpu.memory_space<hbm>>) target(%dma_start3A_1212 : memref<32xf32, #tpu.memory_space<vmem>>) target_semaphore(%arg8 : memref<!tpu.dma_semaphore, #tpu.memory_space<semaphore_mem>>)
      %dma_start3A_1215 = arith.constant 2944 : i32
      %dma_start3A_1216 = tpu.memref_slice %arg6[%dma_start3A_1215] : memref<3584xf32, #tpu.memory_space<vmem>> -> memref<32xf32, #tpu.memory_space<vmem>>
      %dma_start3A_1217 = tpu.memref_slice %arg3[%add3A_9, %mul3A_400] : memref<1024x102400xf32, #tpu.memory_space<hbm>> -> memref<1x32xf32, #tpu.memory_space<hbm>>
      %dma_start3A_1218 = tpu.memref_squeeze %dma_start3A_1217 : memref<1x32xf32, #tpu.memory_space<hbm>> -> memref<32xf32, #tpu.memory_space<hbm>>
      %dma_start3A_1219 = arith.constant 2944 : i32
      %dma_start3A_1220 = tpu.memref_slice %arg6[%dma_start3A_1219] : memref<3584xf32, #tpu.memory_space<vmem>> -> memref<32xf32, #tpu.memory_space<vmem>>
      %dma_start3A_1221 = tpu.memref_slice %arg3[%add3A_9, %mul3A_400] : memref<1024x102400xf32, #tpu.memory_space<hbm>> -> memref<1x32xf32, #tpu.memory_space<hbm>>
      %dma_start3A_1222 = tpu.memref_squeeze %dma_start3A_1221 : memref<1x32xf32, #tpu.memory_space<hbm>> -> memref<32xf32, #tpu.memory_space<hbm>>
      tpu.enqueue_dma source(%dma_start3A_1222 : memref<32xf32, #tpu.memory_space<hbm>>) target(%dma_start3A_1220 : memref<32xf32, #tpu.memory_space<vmem>>) target_semaphore(%arg8 : memref<!tpu.dma_semaphore, #tpu.memory_space<semaphore_mem>>)
      %dma_start3A_1223 = arith.constant 2976 : i32
      %dma_start3A_1224 = tpu.memref_slice %arg6[%dma_start3A_1223] : memref<3584xf32, #tpu.memory_space<vmem>> -> memref<32xf32, #tpu.memory_space<vmem>>
      %dma_start3A_1225 = tpu.memref_slice %arg3[%add3A_9, %mul3A_404] : memref<1024x102400xf32, #tpu.memory_space<hbm>> -> memref<1x32xf32, #tpu.memory_space<hbm>>
      %dma_start3A_1226 = tpu.memref_squeeze %dma_start3A_1225 : memref<1x32xf32, #tpu.memory_space<hbm>> -> memref<32xf32, #tpu.memory_space<hbm>>
      %dma_start3A_1227 = arith.constant 2976 : i32
      %dma_start3A_1228 = tpu.memref_slice %arg6[%dma_start3A_1227] : memref<3584xf32, #tpu.memory_space<vmem>> -> memref<32xf32, #tpu.memory_space<vmem>>
      %dma_start3A_1229 = tpu.memref_slice %arg3[%add3A_9, %mul3A_404] : memref<1024x102400xf32, #tpu.memory_space<hbm>> -> memref<1x32xf32, #tpu.memory_space<hbm>>
      %dma_start3A_1230 = tpu.memref_squeeze %dma_start3A_1229 : memref<1x32xf32, #tpu.memory_space<hbm>> -> memref<32xf32, #tpu.memory_space<hbm>>
      tpu.enqueue_dma source(%dma_start3A_1230 : memref<32xf32, #tpu.memory_space<hbm>>) target(%dma_start3A_1228 : memref<32xf32, #tpu.memory_space<vmem>>) target_semaphore(%arg8 : memref<!tpu.dma_semaphore, #tpu.memory_space<semaphore_mem>>)
      %dma_start3A_1231 = arith.constant 3008 : i32
      %dma_start3A_1232 = tpu.memref_slice %arg6[%dma_start3A_1231] : memref<3584xf32, #tpu.memory_space<vmem>> -> memref<32xf32, #tpu.memory_space<vmem>>
      %dma_start3A_1233 = tpu.memref_slice %arg3[%add3A_9, %mul3A_408] : memref<1024x102400xf32, #tpu.memory_space<hbm>> -> memref<1x32xf32, #tpu.memory_space<hbm>>
      %dma_start3A_1234 = tpu.memref_squeeze %dma_start3A_1233 : memref<1x32xf32, #tpu.memory_space<hbm>> -> memref<32xf32, #tpu.memory_space<hbm>>
      %dma_start3A_1235 = arith.constant 3008 : i32
      %dma_start3A_1236 = tpu.memref_slice %arg6[%dma_start3A_1235] : memref<3584xf32, #tpu.memory_space<vmem>> -> memref<32xf32, #tpu.memory_space<vmem>>
      %dma_start3A_1237 = tpu.memref_slice %arg3[%add3A_9, %mul3A_408] : memref<1024x102400xf32, #tpu.memory_space<hbm>> -> memref<1x32xf32, #tpu.memory_space<hbm>>
      %dma_start3A_1238 = tpu.memref_squeeze %dma_start3A_1237 : memref<1x32xf32, #tpu.memory_space<hbm>> -> memref<32xf32, #tpu.memory_space<hbm>>
      tpu.enqueue_dma source(%dma_start3A_1238 : memref<32xf32, #tpu.memory_space<hbm>>) target(%dma_start3A_1236 : memref<32xf32, #tpu.memory_space<vmem>>) target_semaphore(%arg8 : memref<!tpu.dma_semaphore, #tpu.memory_space<semaphore_mem>>)
      %dma_start3A_1239 = arith.constant 3040 : i32
      %dma_start3A_1240 = tpu.memref_slice %arg6[%dma_start3A_1239] : memref<3584xf32, #tpu.memory_space<vmem>> -> memref<32xf32, #tpu.memory_space<vmem>>
      %dma_start3A_1241 = tpu.memref_slice %arg3[%add3A_9, %mul3A_412] : memref<1024x102400xf32, #tpu.memory_space<hbm>> -> memref<1x32xf32, #tpu.memory_space<hbm>>
      %dma_start3A_1242 = tpu.memref_squeeze %dma_start3A_1241 : memref<1x32xf32, #tpu.memory_space<hbm>> -> memref<32xf32, #tpu.memory_space<hbm>>
      %dma_start3A_1243 = arith.constant 3040 : i32
      %dma_start3A_1244 = tpu.memref_slice %arg6[%dma_start3A_1243] : memref<3584xf32, #tpu.memory_space<vmem>> -> memref<32xf32, #tpu.memory_space<vmem>>
      %dma_start3A_1245 = tpu.memref_slice %arg3[%add3A_9, %mul3A_412] : memref<1024x102400xf32, #tpu.memory_space<hbm>> -> memref<1x32xf32, #tpu.memory_space<hbm>>
      %dma_start3A_1246 = tpu.memref_squeeze %dma_start3A_1245 : memref<1x32xf32, #tpu.memory_space<hbm>> -> memref<32xf32, #tpu.memory_space<hbm>>
      tpu.enqueue_dma source(%dma_start3A_1246 : memref<32xf32, #tpu.memory_space<hbm>>) target(%dma_start3A_1244 : memref<32xf32, #tpu.memory_space<vmem>>) target_semaphore(%arg8 : memref<!tpu.dma_semaphore, #tpu.memory_space<semaphore_mem>>)
      %dma_start3A_1247 = arith.constant 3072 : i32
      %dma_start3A_1248 = tpu.memref_slice %arg6[%dma_start3A_1247] : memref<3584xf32, #tpu.memory_space<vmem>> -> memref<32xf32, #tpu.memory_space<vmem>>
      %dma_start3A_1249 = tpu.memref_slice %arg3[%add3A_9, %mul3A_418] : memref<1024x102400xf32, #tpu.memory_space<hbm>> -> memref<1x32xf32, #tpu.memory_space<hbm>>
      %dma_start3A_1250 = tpu.memref_squeeze %dma_start3A_1249 : memref<1x32xf32, #tpu.memory_space<hbm>> -> memref<32xf32, #tpu.memory_space<hbm>>
      %dma_start3A_1251 = arith.constant 3072 : i32
      %dma_start3A_1252 = tpu.memref_slice %arg6[%dma_start3A_1251] : memref<3584xf32, #tpu.memory_space<vmem>> -> memref<32xf32, #tpu.memory_space<vmem>>
      %dma_start3A_1253 = tpu.memref_slice %arg3[%add3A_9, %mul3A_418] : memref<1024x102400xf32, #tpu.memory_space<hbm>> -> memref<1x32xf32, #tpu.memory_space<hbm>>
      %dma_start3A_1254 = tpu.memref_squeeze %dma_start3A_1253 : memref<1x32xf32, #tpu.memory_space<hbm>> -> memref<32xf32, #tpu.memory_space<hbm>>
      tpu.enqueue_dma source(%dma_start3A_1254 : memref<32xf32, #tpu.memory_space<hbm>>) target(%dma_start3A_1252 : memref<32xf32, #tpu.memory_space<vmem>>) target_semaphore(%arg8 : memref<!tpu.dma_semaphore, #tpu.memory_space<semaphore_mem>>)
      %dma_start3A_1255 = arith.constant 3104 : i32
      %dma_start3A_1256 = tpu.memref_slice %arg6[%dma_start3A_1255] : memref<3584xf32, #tpu.memory_space<vmem>> -> memref<32xf32, #tpu.memory_space<vmem>>
      %dma_start3A_1257 = tpu.memref_slice %arg3[%add3A_9, %mul3A_422] : memref<1024x102400xf32, #tpu.memory_space<hbm>> -> memref<1x32xf32, #tpu.memory_space<hbm>>
      %dma_start3A_1258 = tpu.memref_squeeze %dma_start3A_1257 : memref<1x32xf32, #tpu.memory_space<hbm>> -> memref<32xf32, #tpu.memory_space<hbm>>
      %dma_start3A_1259 = arith.constant 3104 : i32
      %dma_start3A_1260 = tpu.memref_slice %arg6[%dma_start3A_1259] : memref<3584xf32, #tpu.memory_space<vmem>> -> memref<32xf32, #tpu.memory_space<vmem>>
      %dma_start3A_1261 = tpu.memref_slice %arg3[%add3A_9, %mul3A_422] : memref<1024x102400xf32, #tpu.memory_space<hbm>> -> memref<1x32xf32, #tpu.memory_space<hbm>>
      %dma_start3A_1262 = tpu.memref_squeeze %dma_start3A_1261 : memref<1x32xf32, #tpu.memory_space<hbm>> -> memref<32xf32, #tpu.memory_space<hbm>>
      tpu.enqueue_dma source(%dma_start3A_1262 : memref<32xf32, #tpu.memory_space<hbm>>) target(%dma_start3A_1260 : memref<32xf32, #tpu.memory_space<vmem>>) target_semaphore(%arg8 : memref<!tpu.dma_semaphore, #tpu.memory_space<semaphore_mem>>)
      %dma_start3A_1263 = arith.constant 3136 : i32
      %dma_start3A_1264 = tpu.memref_slice %arg6[%dma_start3A_1263] : memref<3584xf32, #tpu.memory_space<vmem>> -> memref<32xf32, #tpu.memory_space<vmem>>
      %dma_start3A_1265 = tpu.memref_slice %arg3[%add3A_9, %mul3A_426] : memref<1024x102400xf32, #tpu.memory_space<hbm>> -> memref<1x32xf32, #tpu.memory_space<hbm>>
      %dma_start3A_1266 = tpu.memref_squeeze %dma_start3A_1265 : memref<1x32xf32, #tpu.memory_space<hbm>> -> memref<32xf32, #tpu.memory_space<hbm>>
      %dma_start3A_1267 = arith.constant 3136 : i32
      %dma_start3A_1268 = tpu.memref_slice %arg6[%dma_start3A_1267] : memref<3584xf32, #tpu.memory_space<vmem>> -> memref<32xf32, #tpu.memory_space<vmem>>
      %dma_start3A_1269 = tpu.memref_slice %arg3[%add3A_9, %mul3A_426] : memref<1024x102400xf32, #tpu.memory_space<hbm>> -> memref<1x32xf32, #tpu.memory_space<hbm>>
      %dma_start3A_1270 = tpu.memref_squeeze %dma_start3A_1269 : memref<1x32xf32, #tpu.memory_space<hbm>> -> memref<32xf32, #tpu.memory_space<hbm>>
      tpu.enqueue_dma source(%dma_start3A_1270 : memref<32xf32, #tpu.memory_space<hbm>>) target(%dma_start3A_1268 : memref<32xf32, #tpu.memory_space<vmem>>) target_semaphore(%arg8 : memref<!tpu.dma_semaphore, #tpu.memory_space<semaphore_mem>>)
      %dma_start3A_1271 = arith.constant 3168 : i32
      %dma_start3A_1272 = tpu.memref_slice %arg6[%dma_start3A_1271] : memref<3584xf32, #tpu.memory_space<vmem>> -> memref<32xf32, #tpu.memory_space<vmem>>
      %dma_start3A_1273 = tpu.memref_slice %arg3[%add3A_9, %mul3A_430] : memref<1024x102400xf32, #tpu.memory_space<hbm>> -> memref<1x32xf32, #tpu.memory_space<hbm>>
      %dma_start3A_1274 = tpu.memref_squeeze %dma_start3A_1273 : memref<1x32xf32, #tpu.memory_space<hbm>> -> memref<32xf32, #tpu.memory_space<hbm>>
      %dma_start3A_1275 = arith.constant 3168 : i32
      %dma_start3A_1276 = tpu.memref_slice %arg6[%dma_start3A_1275] : memref<3584xf32, #tpu.memory_space<vmem>> -> memref<32xf32, #tpu.memory_space<vmem>>
      %dma_start3A_1277 = tpu.memref_slice %arg3[%add3A_9, %mul3A_430] : memref<1024x102400xf32, #tpu.memory_space<hbm>> -> memref<1x32xf32, #tpu.memory_space<hbm>>
      %dma_start3A_1278 = tpu.memref_squeeze %dma_start3A_1277 : memref<1x32xf32, #tpu.memory_space<hbm>> -> memref<32xf32, #tpu.memory_space<hbm>>
      tpu.enqueue_dma source(%dma_start3A_1278 : memref<32xf32, #tpu.memory_space<hbm>>) target(%dma_start3A_1276 : memref<32xf32, #tpu.memory_space<vmem>>) target_semaphore(%arg8 : memref<!tpu.dma_semaphore, #tpu.memory_space<semaphore_mem>>)
      %dma_start3A_1279 = arith.constant 3200 : i32
      %dma_start3A_1280 = tpu.memref_slice %arg6[%dma_start3A_1279] : memref<3584xf32, #tpu.memory_space<vmem>> -> memref<32xf32, #tpu.memory_space<vmem>>
      %dma_start3A_1281 = tpu.memref_slice %arg3[%add3A_9, %mul3A_434] : memref<1024x102400xf32, #tpu.memory_space<hbm>> -> memref<1x32xf32, #tpu.memory_space<hbm>>
      %dma_start3A_1282 = tpu.memref_squeeze %dma_start3A_1281 : memref<1x32xf32, #tpu.memory_space<hbm>> -> memref<32xf32, #tpu.memory_space<hbm>>
      %dma_start3A_1283 = arith.constant 3200 : i32
      %dma_start3A_1284 = tpu.memref_slice %arg6[%dma_start3A_1283] : memref<3584xf32, #tpu.memory_space<vmem>> -> memref<32xf32, #tpu.memory_space<vmem>>
      %dma_start3A_1285 = tpu.memref_slice %arg3[%add3A_9, %mul3A_434] : memref<1024x102400xf32, #tpu.memory_space<hbm>> -> memref<1x32xf32, #tpu.memory_space<hbm>>
      %dma_start3A_1286 = tpu.memref_squeeze %dma_start3A_1285 : memref<1x32xf32, #tpu.memory_space<hbm>> -> memref<32xf32, #tpu.memory_space<hbm>>
      tpu.enqueue_dma source(%dma_start3A_1286 : memref<32xf32, #tpu.memory_space<hbm>>) target(%dma_start3A_1284 : memref<32xf32, #tpu.memory_space<vmem>>) target_semaphore(%arg8 : memref<!tpu.dma_semaphore, #tpu.memory_space<semaphore_mem>>)
      %dma_start3A_1287 = arith.constant 3232 : i32
      %dma_start3A_1288 = tpu.memref_slice %arg6[%dma_start3A_1287] : memref<3584xf32, #tpu.memory_space<vmem>> -> memref<32xf32, #tpu.memory_space<vmem>>
      %dma_start3A_1289 = tpu.memref_slice %arg3[%add3A_9, %mul3A_438] : memref<1024x102400xf32, #tpu.memory_space<hbm>> -> memref<1x32xf32, #tpu.memory_space<hbm>>
      %dma_start3A_1290 = tpu.memref_squeeze %dma_start3A_1289 : memref<1x32xf32, #tpu.memory_space<hbm>> -> memref<32xf32, #tpu.memory_space<hbm>>
      %dma_start3A_1291 = arith.constant 3232 : i32
      %dma_start3A_1292 = tpu.memref_slice %arg6[%dma_start3A_1291] : memref<3584xf32, #tpu.memory_space<vmem>> -> memref<32xf32, #tpu.memory_space<vmem>>
      %dma_start3A_1293 = tpu.memref_slice %arg3[%add3A_9, %mul3A_438] : memref<1024x102400xf32, #tpu.memory_space<hbm>> -> memref<1x32xf32, #tpu.memory_space<hbm>>
      %dma_start3A_1294 = tpu.memref_squeeze %dma_start3A_1293 : memref<1x32xf32, #tpu.memory_space<hbm>> -> memref<32xf32, #tpu.memory_space<hbm>>
      tpu.enqueue_dma source(%dma_start3A_1294 : memref<32xf32, #tpu.memory_space<hbm>>) target(%dma_start3A_1292 : memref<32xf32, #tpu.memory_space<vmem>>) target_semaphore(%arg8 : memref<!tpu.dma_semaphore, #tpu.memory_space<semaphore_mem>>)
      %dma_start3A_1295 = arith.constant 3264 : i32
      %dma_start3A_1296 = tpu.memref_slice %arg6[%dma_start3A_1295] : memref<3584xf32, #tpu.memory_space<vmem>> -> memref<32xf32, #tpu.memory_space<vmem>>
      %dma_start3A_1297 = tpu.memref_slice %arg3[%add3A_9, %mul3A_442] : memref<1024x102400xf32, #tpu.memory_space<hbm>> -> memref<1x32xf32, #tpu.memory_space<hbm>>
      %dma_start3A_1298 = tpu.memref_squeeze %dma_start3A_1297 : memref<1x32xf32, #tpu.memory_space<hbm>> -> memref<32xf32, #tpu.memory_space<hbm>>
      %dma_start3A_1299 = arith.constant 3264 : i32
      %dma_start3A_1300 = tpu.memref_slice %arg6[%dma_start3A_1299] : memref<3584xf32, #tpu.memory_space<vmem>> -> memref<32xf32, #tpu.memory_space<vmem>>
      %dma_start3A_1301 = tpu.memref_slice %arg3[%add3A_9, %mul3A_442] : memref<1024x102400xf32, #tpu.memory_space<hbm>> -> memref<1x32xf32, #tpu.memory_space<hbm>>
      %dma_start3A_1302 = tpu.memref_squeeze %dma_start3A_1301 : memref<1x32xf32, #tpu.memory_space<hbm>> -> memref<32xf32, #tpu.memory_space<hbm>>
      tpu.enqueue_dma source(%dma_start3A_1302 : memref<32xf32, #tpu.memory_space<hbm>>) target(%dma_start3A_1300 : memref<32xf32, #tpu.memory_space<vmem>>) target_semaphore(%arg8 : memref<!tpu.dma_semaphore, #tpu.memory_space<semaphore_mem>>)
      %dma_start3A_1303 = arith.constant 3296 : i32
      %dma_start3A_1304 = tpu.memref_slice %arg6[%dma_start3A_1303] : memref<3584xf32, #tpu.memory_space<vmem>> -> memref<32xf32, #tpu.memory_space<vmem>>
      %dma_start3A_1305 = tpu.memref_slice %arg3[%add3A_9, %mul3A_446] : memref<1024x102400xf32, #tpu.memory_space<hbm>> -> memref<1x32xf32, #tpu.memory_space<hbm>>
      %dma_start3A_1306 = tpu.memref_squeeze %dma_start3A_1305 : memref<1x32xf32, #tpu.memory_space<hbm>> -> memref<32xf32, #tpu.memory_space<hbm>>
      %dma_start3A_1307 = arith.constant 3296 : i32
      %dma_start3A_1308 = tpu.memref_slice %arg6[%dma_start3A_1307] : memref<3584xf32, #tpu.memory_space<vmem>> -> memref<32xf32, #tpu.memory_space<vmem>>
      %dma_start3A_1309 = tpu.memref_slice %arg3[%add3A_9, %mul3A_446] : memref<1024x102400xf32, #tpu.memory_space<hbm>> -> memref<1x32xf32, #tpu.memory_space<hbm>>
      %dma_start3A_1310 = tpu.memref_squeeze %dma_start3A_1309 : memref<1x32xf32, #tpu.memory_space<hbm>> -> memref<32xf32, #tpu.memory_space<hbm>>
      tpu.enqueue_dma source(%dma_start3A_1310 : memref<32xf32, #tpu.memory_space<hbm>>) target(%dma_start3A_1308 : memref<32xf32, #tpu.memory_space<vmem>>) target_semaphore(%arg8 : memref<!tpu.dma_semaphore, #tpu.memory_space<semaphore_mem>>)
      %dma_start3A_1311 = arith.constant 3328 : i32
      %dma_start3A_1312 = tpu.memref_slice %arg6[%dma_start3A_1311] : memref<3584xf32, #tpu.memory_space<vmem>> -> memref<32xf32, #tpu.memory_space<vmem>>
      %dma_start3A_1313 = tpu.memref_slice %arg3[%add3A_9, %mul3A_450] : memref<1024x102400xf32, #tpu.memory_space<hbm>> -> memref<1x32xf32, #tpu.memory_space<hbm>>
      %dma_start3A_1314 = tpu.memref_squeeze %dma_start3A_1313 : memref<1x32xf32, #tpu.memory_space<hbm>> -> memref<32xf32, #tpu.memory_space<hbm>>
      %dma_start3A_1315 = arith.constant 3328 : i32
      %dma_start3A_1316 = tpu.memref_slice %arg6[%dma_start3A_1315] : memref<3584xf32, #tpu.memory_space<vmem>> -> memref<32xf32, #tpu.memory_space<vmem>>
      %dma_start3A_1317 = tpu.memref_slice %arg3[%add3A_9, %mul3A_450] : memref<1024x102400xf32, #tpu.memory_space<hbm>> -> memref<1x32xf32, #tpu.memory_space<hbm>>
      %dma_start3A_1318 = tpu.memref_squeeze %dma_start3A_1317 : memref<1x32xf32, #tpu.memory_space<hbm>> -> memref<32xf32, #tpu.memory_space<hbm>>
      tpu.enqueue_dma source(%dma_start3A_1318 : memref<32xf32, #tpu.memory_space<hbm>>) target(%dma_start3A_1316 : memref<32xf32, #tpu.memory_space<vmem>>) target_semaphore(%arg8 : memref<!tpu.dma_semaphore, #tpu.memory_space<semaphore_mem>>)
      %dma_start3A_1319 = arith.constant 3360 : i32
      %dma_start3A_1320 = tpu.memref_slice %arg6[%dma_start3A_1319] : memref<3584xf32, #tpu.memory_space<vmem>> -> memref<32xf32, #tpu.memory_space<vmem>>
      %dma_start3A_1321 = tpu.memref_slice %arg3[%add3A_9, %mul3A_454] : memref<1024x102400xf32, #tpu.memory_space<hbm>> -> memref<1x32xf32, #tpu.memory_space<hbm>>
      %dma_start3A_1322 = tpu.memref_squeeze %dma_start3A_1321 : memref<1x32xf32, #tpu.memory_space<hbm>> -> memref<32xf32, #tpu.memory_space<hbm>>
      %dma_start3A_1323 = arith.constant 3360 : i32
      %dma_start3A_1324 = tpu.memref_slice %arg6[%dma_start3A_1323] : memref<3584xf32, #tpu.memory_space<vmem>> -> memref<32xf32, #tpu.memory_space<vmem>>
      %dma_start3A_1325 = tpu.memref_slice %arg3[%add3A_9, %mul3A_454] : memref<1024x102400xf32, #tpu.memory_space<hbm>> -> memref<1x32xf32, #tpu.memory_space<hbm>>
      %dma_start3A_1326 = tpu.memref_squeeze %dma_start3A_1325 : memref<1x32xf32, #tpu.memory_space<hbm>> -> memref<32xf32, #tpu.memory_space<hbm>>
      tpu.enqueue_dma source(%dma_start3A_1326 : memref<32xf32, #tpu.memory_space<hbm>>) target(%dma_start3A_1324 : memref<32xf32, #tpu.memory_space<vmem>>) target_semaphore(%arg8 : memref<!tpu.dma_semaphore, #tpu.memory_space<semaphore_mem>>)
      %dma_start3A_1327 = arith.constant 3392 : i32
      %dma_start3A_1328 = tpu.memref_slice %arg6[%dma_start3A_1327] : memref<3584xf32, #tpu.memory_space<vmem>> -> memref<32xf32, #tpu.memory_space<vmem>>
      %dma_start3A_1329 = tpu.memref_slice %arg3[%add3A_9, %mul3A_458] : memref<1024x102400xf32, #tpu.memory_space<hbm>> -> memref<1x32xf32, #tpu.memory_space<hbm>>
      %dma_start3A_1330 = tpu.memref_squeeze %dma_start3A_1329 : memref<1x32xf32, #tpu.memory_space<hbm>> -> memref<32xf32, #tpu.memory_space<hbm>>
      %dma_start3A_1331 = arith.constant 3392 : i32
      %dma_start3A_1332 = tpu.memref_slice %arg6[%dma_start3A_1331] : memref<3584xf32, #tpu.memory_space<vmem>> -> memref<32xf32, #tpu.memory_space<vmem>>
      %dma_start3A_1333 = tpu.memref_slice %arg3[%add3A_9, %mul3A_458] : memref<1024x102400xf32, #tpu.memory_space<hbm>> -> memref<1x32xf32, #tpu.memory_space<hbm>>
      %dma_start3A_1334 = tpu.memref_squeeze %dma_start3A_1333 : memref<1x32xf32, #tpu.memory_space<hbm>> -> memref<32xf32, #tpu.memory_space<hbm>>
      tpu.enqueue_dma source(%dma_start3A_1334 : memref<32xf32, #tpu.memory_space<hbm>>) target(%dma_start3A_1332 : memref<32xf32, #tpu.memory_space<vmem>>) target_semaphore(%arg8 : memref<!tpu.dma_semaphore, #tpu.memory_space<semaphore_mem>>)
      %dma_start3A_1335 = arith.constant 3424 : i32
      %dma_start3A_1336 = tpu.memref_slice %arg6[%dma_start3A_1335] : memref<3584xf32, #tpu.memory_space<vmem>> -> memref<32xf32, #tpu.memory_space<vmem>>
      %dma_start3A_1337 = tpu.memref_slice %arg3[%add3A_9, %mul3A_462] : memref<1024x102400xf32, #tpu.memory_space<hbm>> -> memref<1x32xf32, #tpu.memory_space<hbm>>
      %dma_start3A_1338 = tpu.memref_squeeze %dma_start3A_1337 : memref<1x32xf32, #tpu.memory_space<hbm>> -> memref<32xf32, #tpu.memory_space<hbm>>
      %dma_start3A_1339 = arith.constant 3424 : i32
      %dma_start3A_1340 = tpu.memref_slice %arg6[%dma_start3A_1339] : memref<3584xf32, #tpu.memory_space<vmem>> -> memref<32xf32, #tpu.memory_space<vmem>>
      %dma_start3A_1341 = tpu.memref_slice %arg3[%add3A_9, %mul3A_462] : memref<1024x102400xf32, #tpu.memory_space<hbm>> -> memref<1x32xf32, #tpu.memory_space<hbm>>
      %dma_start3A_1342 = tpu.memref_squeeze %dma_start3A_1341 : memref<1x32xf32, #tpu.memory_space<hbm>> -> memref<32xf32, #tpu.memory_space<hbm>>
      tpu.enqueue_dma source(%dma_start3A_1342 : memref<32xf32, #tpu.memory_space<hbm>>) target(%dma_start3A_1340 : memref<32xf32, #tpu.memory_space<vmem>>) target_semaphore(%arg8 : memref<!tpu.dma_semaphore, #tpu.memory_space<semaphore_mem>>)
      %dma_start3A_1343 = arith.constant 3456 : i32
      %dma_start3A_1344 = tpu.memref_slice %arg6[%dma_start3A_1343] : memref<3584xf32, #tpu.memory_space<vmem>> -> memref<32xf32, #tpu.memory_space<vmem>>
      %dma_start3A_1345 = tpu.memref_slice %arg3[%add3A_9, %mul3A_466] : memref<1024x102400xf32, #tpu.memory_space<hbm>> -> memref<1x32xf32, #tpu.memory_space<hbm>>
      %dma_start3A_1346 = tpu.memref_squeeze %dma_start3A_1345 : memref<1x32xf32, #tpu.memory_space<hbm>> -> memref<32xf32, #tpu.memory_space<hbm>>
      %dma_start3A_1347 = arith.constant 3456 : i32
      %dma_start3A_1348 = tpu.memref_slice %arg6[%dma_start3A_1347] : memref<3584xf32, #tpu.memory_space<vmem>> -> memref<32xf32, #tpu.memory_space<vmem>>
      %dma_start3A_1349 = tpu.memref_slice %arg3[%add3A_9, %mul3A_466] : memref<1024x102400xf32, #tpu.memory_space<hbm>> -> memref<1x32xf32, #tpu.memory_space<hbm>>
      %dma_start3A_1350 = tpu.memref_squeeze %dma_start3A_1349 : memref<1x32xf32, #tpu.memory_space<hbm>> -> memref<32xf32, #tpu.memory_space<hbm>>
      tpu.enqueue_dma source(%dma_start3A_1350 : memref<32xf32, #tpu.memory_space<hbm>>) target(%dma_start3A_1348 : memref<32xf32, #tpu.memory_space<vmem>>) target_semaphore(%arg8 : memref<!tpu.dma_semaphore, #tpu.memory_space<semaphore_mem>>)
      %dma_start3A_1351 = arith.constant 3488 : i32
      %dma_start3A_1352 = tpu.memref_slice %arg6[%dma_start3A_1351] : memref<3584xf32, #tpu.memory_space<vmem>> -> memref<32xf32, #tpu.memory_space<vmem>>
      %dma_start3A_1353 = tpu.memref_slice %arg3[%add3A_9, %mul3A_470] : memref<1024x102400xf32, #tpu.memory_space<hbm>> -> memref<1x32xf32, #tpu.memory_space<hbm>>
      %dma_start3A_1354 = tpu.memref_squeeze %dma_start3A_1353 : memref<1x32xf32, #tpu.memory_space<hbm>> -> memref<32xf32, #tpu.memory_space<hbm>>
      %dma_start3A_1355 = arith.constant 3488 : i32
      %dma_start3A_1356 = tpu.memref_slice %arg6[%dma_start3A_1355] : memref<3584xf32, #tpu.memory_space<vmem>> -> memref<32xf32, #tpu.memory_space<vmem>>
      %dma_start3A_1357 = tpu.memref_slice %arg3[%add3A_9, %mul3A_470] : memref<1024x102400xf32, #tpu.memory_space<hbm>> -> memref<1x32xf32, #tpu.memory_space<hbm>>
      %dma_start3A_1358 = tpu.memref_squeeze %dma_start3A_1357 : memref<1x32xf32, #tpu.memory_space<hbm>> -> memref<32xf32, #tpu.memory_space<hbm>>
      tpu.enqueue_dma source(%dma_start3A_1358 : memref<32xf32, #tpu.memory_space<hbm>>) target(%dma_start3A_1356 : memref<32xf32, #tpu.memory_space<vmem>>) target_semaphore(%arg8 : memref<!tpu.dma_semaphore, #tpu.memory_space<semaphore_mem>>)
      %dma_start3A_1359 = arith.constant 3520 : i32
      %dma_start3A_1360 = tpu.memref_slice %arg6[%dma_start3A_1359] : memref<3584xf32, #tpu.memory_space<vmem>> -> memref<32xf32, #tpu.memory_space<vmem>>
      %dma_start3A_1361 = tpu.memref_slice %arg3[%add3A_9, %mul3A_474] : memref<1024x102400xf32, #tpu.memory_space<hbm>> -> memref<1x32xf32, #tpu.memory_space<hbm>>
      %dma_start3A_1362 = tpu.memref_squeeze %dma_start3A_1361 : memref<1x32xf32, #tpu.memory_space<hbm>> -> memref<32xf32, #tpu.memory_space<hbm>>
      %dma_start3A_1363 = arith.constant 3520 : i32
      %dma_start3A_1364 = tpu.memref_slice %arg6[%dma_start3A_1363] : memref<3584xf32, #tpu.memory_space<vmem>> -> memref<32xf32, #tpu.memory_space<vmem>>
      %dma_start3A_1365 = tpu.memref_slice %arg3[%add3A_9, %mul3A_474] : memref<1024x102400xf32, #tpu.memory_space<hbm>> -> memref<1x32xf32, #tpu.memory_space<hbm>>
      %dma_start3A_1366 = tpu.memref_squeeze %dma_start3A_1365 : memref<1x32xf32, #tpu.memory_space<hbm>> -> memref<32xf32, #tpu.memory_space<hbm>>
      tpu.enqueue_dma source(%dma_start3A_1366 : memref<32xf32, #tpu.memory_space<hbm>>) target(%dma_start3A_1364 : memref<32xf32, #tpu.memory_space<vmem>>) target_semaphore(%arg8 : memref<!tpu.dma_semaphore, #tpu.memory_space<semaphore_mem>>)
      %dma_start3A_1367 = arith.constant 3552 : i32
      %dma_start3A_1368 = tpu.memref_slice %arg6[%dma_start3A_1367] : memref<3584xf32, #tpu.memory_space<vmem>> -> memref<32xf32, #tpu.memory_space<vmem>>
      %dma_start3A_1369 = tpu.memref_slice %arg3[%add3A_9, %mul3A_478] : memref<1024x102400xf32, #tpu.memory_space<hbm>> -> memref<1x32xf32, #tpu.memory_space<hbm>>
      %dma_start3A_1370 = tpu.memref_squeeze %dma_start3A_1369 : memref<1x32xf32, #tpu.memory_space<hbm>> -> memref<32xf32, #tpu.memory_space<hbm>>
      %dma_start3A_1371 = arith.constant 3552 : i32
      %dma_start3A_1372 = tpu.memref_slice %arg6[%dma_start3A_1371] : memref<3584xf32, #tpu.memory_space<vmem>> -> memref<32xf32, #tpu.memory_space<vmem>>
      %dma_start3A_1373 = tpu.memref_slice %arg3[%add3A_9, %mul3A_478] : memref<1024x102400xf32, #tpu.memory_space<hbm>> -> memref<1x32xf32, #tpu.memory_space<hbm>>
      %dma_start3A_1374 = tpu.memref_squeeze %dma_start3A_1373 : memref<1x32xf32, #tpu.memory_space<hbm>> -> memref<32xf32, #tpu.memory_space<hbm>>
      tpu.enqueue_dma source(%dma_start3A_1374 : memref<32xf32, #tpu.memory_space<hbm>>) target(%dma_start3A_1372 : memref<32xf32, #tpu.memory_space<vmem>>) target_semaphore(%arg8 : memref<!tpu.dma_semaphore, #tpu.memory_space<semaphore_mem>>)
      %dma_wait3A_1375 = arith.constant 0 : i32
      %dma_wait3A_1376 = tpu.memref_slice %arg6[%dma_wait3A_1375] : memref<3584xf32, #tpu.memory_space<vmem>> -> memref<32xf32, #tpu.memory_space<vmem>>
      %dma_wait3A_1377 = tpu.memref_slice %arg3[%add3A_9, %mul3A_22] : memref<1024x102400xf32, #tpu.memory_space<hbm>> -> memref<1x32xf32, #tpu.memory_space<hbm>>
      %dma_wait3A_1378 = tpu.memref_squeeze %dma_wait3A_1377 : memref<1x32xf32, #tpu.memory_space<hbm>> -> memref<32xf32, #tpu.memory_space<hbm>>
      %dma_wait3A_1379 = arith.constant 0 : i32
      %dma_wait3A_1380 = tpu.memref_slice %arg6[%dma_wait3A_1379] : memref<3584xf32, #tpu.memory_space<vmem>> -> memref<32xf32, #tpu.memory_space<vmem>>
      %dma_wait3A_1381 = tpu.memref_slice %arg3[%add3A_9, %mul3A_22] : memref<1024x102400xf32, #tpu.memory_space<hbm>> -> memref<1x32xf32, #tpu.memory_space<hbm>>
      %dma_wait3A_1382 = tpu.memref_squeeze %dma_wait3A_1381 : memref<1x32xf32, #tpu.memory_space<hbm>> -> memref<32xf32, #tpu.memory_space<hbm>>
      tpu.wait_dma2 semaphore(%arg8 : memref<!tpu.dma_semaphore, #tpu.memory_space<semaphore_mem>>) src(%dma_wait3A_1382 : memref<32xf32, #tpu.memory_space<hbm>>) dst(%dma_wait3A_1380 : memref<32xf32, #tpu.memory_space<vmem>>)
      %dma_wait3A_1383 = arith.constant 32 : i32
      %dma_wait3A_1384 = tpu.memref_slice %arg6[%dma_wait3A_1383] : memref<3584xf32, #tpu.memory_space<vmem>> -> memref<32xf32, #tpu.memory_space<vmem>>
      %dma_wait3A_1385 = tpu.memref_slice %arg3[%add3A_9, %mul3A_26] : memref<1024x102400xf32, #tpu.memory_space<hbm>> -> memref<1x32xf32, #tpu.memory_space<hbm>>
      %dma_wait3A_1386 = tpu.memref_squeeze %dma_wait3A_1385 : memref<1x32xf32, #tpu.memory_space<hbm>> -> memref<32xf32, #tpu.memory_space<hbm>>
      %dma_wait3A_1387 = arith.constant 32 : i32
      %dma_wait3A_1388 = tpu.memref_slice %arg6[%dma_wait3A_1387] : memref<3584xf32, #tpu.memory_space<vmem>> -> memref<32xf32, #tpu.memory_space<vmem>>
      %dma_wait3A_1389 = tpu.memref_slice %arg3[%add3A_9, %mul3A_26] : memref<1024x102400xf32, #tpu.memory_space<hbm>> -> memref<1x32xf32, #tpu.memory_space<hbm>>
      %dma_wait3A_1390 = tpu.memref_squeeze %dma_wait3A_1389 : memref<1x32xf32, #tpu.memory_space<hbm>> -> memref<32xf32, #tpu.memory_space<hbm>>
      tpu.wait_dma2 semaphore(%arg8 : memref<!tpu.dma_semaphore, #tpu.memory_space<semaphore_mem>>) src(%dma_wait3A_1390 : memref<32xf32, #tpu.memory_space<hbm>>) dst(%dma_wait3A_1388 : memref<32xf32, #tpu.memory_space<vmem>>)
      %dma_wait3A_1391 = arith.constant 64 : i32
      %dma_wait3A_1392 = tpu.memref_slice %arg6[%dma_wait3A_1391] : memref<3584xf32, #tpu.memory_space<vmem>> -> memref<32xf32, #tpu.memory_space<vmem>>
      %dma_wait3A_1393 = tpu.memref_slice %arg3[%add3A_9, %mul3A_30] : memref<1024x102400xf32, #tpu.memory_space<hbm>> -> memref<1x32xf32, #tpu.memory_space<hbm>>
      %dma_wait3A_1394 = tpu.memref_squeeze %dma_wait3A_1393 : memref<1x32xf32, #tpu.memory_space<hbm>> -> memref<32xf32, #tpu.memory_space<hbm>>
      %dma_wait3A_1395 = arith.constant 64 : i32
      %dma_wait3A_1396 = tpu.memref_slice %arg6[%dma_wait3A_1395] : memref<3584xf32, #tpu.memory_space<vmem>> -> memref<32xf32, #tpu.memory_space<vmem>>
      %dma_wait3A_1397 = tpu.memref_slice %arg3[%add3A_9, %mul3A_30] : memref<1024x102400xf32, #tpu.memory_space<hbm>> -> memref<1x32xf32, #tpu.memory_space<hbm>>
      %dma_wait3A_1398 = tpu.memref_squeeze %dma_wait3A_1397 : memref<1x32xf32, #tpu.memory_space<hbm>> -> memref<32xf32, #tpu.memory_space<hbm>>
      tpu.wait_dma2 semaphore(%arg8 : memref<!tpu.dma_semaphore, #tpu.memory_space<semaphore_mem>>) src(%dma_wait3A_1398 : memref<32xf32, #tpu.memory_space<hbm>>) dst(%dma_wait3A_1396 : memref<32xf32, #tpu.memory_space<vmem>>)
      %dma_wait3A_1399 = arith.constant 96 : i32
      %dma_wait3A_1400 = tpu.memref_slice %arg6[%dma_wait3A_1399] : memref<3584xf32, #tpu.memory_space<vmem>> -> memref<32xf32, #tpu.memory_space<vmem>>
      %dma_wait3A_1401 = tpu.memref_slice %arg3[%add3A_9, %mul3A_34] : memref<1024x102400xf32, #tpu.memory_space<hbm>> -> memref<1x32xf32, #tpu.memory_space<hbm>>
      %dma_wait3A_1402 = tpu.memref_squeeze %dma_wait3A_1401 : memref<1x32xf32, #tpu.memory_space<hbm>> -> memref<32xf32, #tpu.memory_space<hbm>>
      %dma_wait3A_1403 = arith.constant 96 : i32
      %dma_wait3A_1404 = tpu.memref_slice %arg6[%dma_wait3A_1403] : memref<3584xf32, #tpu.memory_space<vmem>> -> memref<32xf32, #tpu.memory_space<vmem>>
      %dma_wait3A_1405 = tpu.memref_slice %arg3[%add3A_9, %mul3A_34] : memref<1024x102400xf32, #tpu.memory_space<hbm>> -> memref<1x32xf32, #tpu.memory_space<hbm>>
      %dma_wait3A_1406 = tpu.memref_squeeze %dma_wait3A_1405 : memref<1x32xf32, #tpu.memory_space<hbm>> -> memref<32xf32, #tpu.memory_space<hbm>>
      tpu.wait_dma2 semaphore(%arg8 : memref<!tpu.dma_semaphore, #tpu.memory_space<semaphore_mem>>) src(%dma_wait3A_1406 : memref<32xf32, #tpu.memory_space<hbm>>) dst(%dma_wait3A_1404 : memref<32xf32, #tpu.memory_space<vmem>>)
      %dma_wait3A_1407 = arith.constant 128 : i32
      %dma_wait3A_1408 = tpu.memref_slice %arg6[%dma_wait3A_1407] : memref<3584xf32, #tpu.memory_space<vmem>> -> memref<32xf32, #tpu.memory_space<vmem>>
      %dma_wait3A_1409 = tpu.memref_slice %arg3[%add3A_9, %mul3A_38] : memref<1024x102400xf32, #tpu.memory_space<hbm>> -> memref<1x32xf32, #tpu.memory_space<hbm>>
      %dma_wait3A_1410 = tpu.memref_squeeze %dma_wait3A_1409 : memref<1x32xf32, #tpu.memory_space<hbm>> -> memref<32xf32, #tpu.memory_space<hbm>>
      %dma_wait3A_1411 = arith.constant 128 : i32
      %dma_wait3A_1412 = tpu.memref_slice %arg6[%dma_wait3A_1411] : memref<3584xf32, #tpu.memory_space<vmem>> -> memref<32xf32, #tpu.memory_space<vmem>>
      %dma_wait3A_1413 = tpu.memref_slice %arg3[%add3A_9, %mul3A_38] : memref<1024x102400xf32, #tpu.memory_space<hbm>> -> memref<1x32xf32, #tpu.memory_space<hbm>>
      %dma_wait3A_1414 = tpu.memref_squeeze %dma_wait3A_1413 : memref<1x32xf32, #tpu.memory_space<hbm>> -> memref<32xf32, #tpu.memory_space<hbm>>
      tpu.wait_dma2 semaphore(%arg8 : memref<!tpu.dma_semaphore, #tpu.memory_space<semaphore_mem>>) src(%dma_wait3A_1414 : memref<32xf32, #tpu.memory_space<hbm>>) dst(%dma_wait3A_1412 : memref<32xf32, #tpu.memory_space<vmem>>)
      %dma_wait3A_1415 = arith.constant 160 : i32
      %dma_wait3A_1416 = tpu.memref_slice %arg6[%dma_wait3A_1415] : memref<3584xf32, #tpu.memory_space<vmem>> -> memref<32xf32, #tpu.memory_space<vmem>>
      %dma_wait3A_1417 = tpu.memref_slice %arg3[%add3A_9, %mul3A_42] : memref<1024x102400xf32, #tpu.memory_space<hbm>> -> memref<1x32xf32, #tpu.memory_space<hbm>>
      %dma_wait3A_1418 = tpu.memref_squeeze %dma_wait3A_1417 : memref<1x32xf32, #tpu.memory_space<hbm>> -> memref<32xf32, #tpu.memory_space<hbm>>
      %dma_wait3A_1419 = arith.constant 160 : i32
      %dma_wait3A_1420 = tpu.memref_slice %arg6[%dma_wait3A_1419] : memref<3584xf32, #tpu.memory_space<vmem>> -> memref<32xf32, #tpu.memory_space<vmem>>
      %dma_wait3A_1421 = tpu.memref_slice %arg3[%add3A_9, %mul3A_42] : memref<1024x102400xf32, #tpu.memory_space<hbm>> -> memref<1x32xf32, #tpu.memory_space<hbm>>
      %dma_wait3A_1422 = tpu.memref_squeeze %dma_wait3A_1421 : memref<1x32xf32, #tpu.memory_space<hbm>> -> memref<32xf32, #tpu.memory_space<hbm>>
      tpu.wait_dma2 semaphore(%arg8 : memref<!tpu.dma_semaphore, #tpu.memory_space<semaphore_mem>>) src(%dma_wait3A_1422 : memref<32xf32, #tpu.memory_space<hbm>>) dst(%dma_wait3A_1420 : memref<32xf32, #tpu.memory_space<vmem>>)
      %dma_wait3A_1423 = arith.constant 192 : i32
      %dma_wait3A_1424 = tpu.memref_slice %arg6[%dma_wait3A_1423] : memref<3584xf32, #tpu.memory_space<vmem>> -> memref<32xf32, #tpu.memory_space<vmem>>
      %dma_wait3A_1425 = tpu.memref_slice %arg3[%add3A_9, %mul3A_46] : memref<1024x102400xf32, #tpu.memory_space<hbm>> -> memref<1x32xf32, #tpu.memory_space<hbm>>
      %dma_wait3A_1426 = tpu.memref_squeeze %dma_wait3A_1425 : memref<1x32xf32, #tpu.memory_space<hbm>> -> memref<32xf32, #tpu.memory_space<hbm>>
      %dma_wait3A_1427 = arith.constant 192 : i32
      %dma_wait3A_1428 = tpu.memref_slice %arg6[%dma_wait3A_1427] : memref<3584xf32, #tpu.memory_space<vmem>> -> memref<32xf32, #tpu.memory_space<vmem>>
      %dma_wait3A_1429 = tpu.memref_slice %arg3[%add3A_9, %mul3A_46] : memref<1024x102400xf32, #tpu.memory_space<hbm>> -> memref<1x32xf32, #tpu.memory_space<hbm>>
      %dma_wait3A_1430 = tpu.memref_squeeze %dma_wait3A_1429 : memref<1x32xf32, #tpu.memory_space<hbm>> -> memref<32xf32, #tpu.memory_space<hbm>>
      tpu.wait_dma2 semaphore(%arg8 : memref<!tpu.dma_semaphore, #tpu.memory_space<semaphore_mem>>) src(%dma_wait3A_1430 : memref<32xf32, #tpu.memory_space<hbm>>) dst(%dma_wait3A_1428 : memref<32xf32, #tpu.memory_space<vmem>>)
      %dma_wait3A_1431 = arith.constant 224 : i32
      %dma_wait3A_1432 = tpu.memref_slice %arg6[%dma_wait3A_1431] : memref<3584xf32, #tpu.memory_space<vmem>> -> memref<32xf32, #tpu.memory_space<vmem>>
      %dma_wait3A_1433 = tpu.memref_slice %arg3[%add3A_9, %mul3A_50] : memref<1024x102400xf32, #tpu.memory_space<hbm>> -> memref<1x32xf32, #tpu.memory_space<hbm>>
      %dma_wait3A_1434 = tpu.memref_squeeze %dma_wait3A_1433 : memref<1x32xf32, #tpu.memory_space<hbm>> -> memref<32xf32, #tpu.memory_space<hbm>>
      %dma_wait3A_1435 = arith.constant 224 : i32
      %dma_wait3A_1436 = tpu.memref_slice %arg6[%dma_wait3A_1435] : memref<3584xf32, #tpu.memory_space<vmem>> -> memref<32xf32, #tpu.memory_space<vmem>>
      %dma_wait3A_1437 = tpu.memref_slice %arg3[%add3A_9, %mul3A_50] : memref<1024x102400xf32, #tpu.memory_space<hbm>> -> memref<1x32xf32, #tpu.memory_space<hbm>>
      %dma_wait3A_1438 = tpu.memref_squeeze %dma_wait3A_1437 : memref<1x32xf32, #tpu.memory_space<hbm>> -> memref<32xf32, #tpu.memory_space<hbm>>
      tpu.wait_dma2 semaphore(%arg8 : memref<!tpu.dma_semaphore, #tpu.memory_space<semaphore_mem>>) src(%dma_wait3A_1438 : memref<32xf32, #tpu.memory_space<hbm>>) dst(%dma_wait3A_1436 : memref<32xf32, #tpu.memory_space<vmem>>)
      %dma_wait3A_1439 = arith.constant 256 : i32
      %dma_wait3A_1440 = tpu.memref_slice %arg6[%dma_wait3A_1439] : memref<3584xf32, #tpu.memory_space<vmem>> -> memref<32xf32, #tpu.memory_space<vmem>>
      %dma_wait3A_1441 = tpu.memref_slice %arg3[%add3A_9, %mul3A_54] : memref<1024x102400xf32, #tpu.memory_space<hbm>> -> memref<1x32xf32, #tpu.memory_space<hbm>>
      %dma_wait3A_1442 = tpu.memref_squeeze %dma_wait3A_1441 : memref<1x32xf32, #tpu.memory_space<hbm>> -> memref<32xf32, #tpu.memory_space<hbm>>
      %dma_wait3A_1443 = arith.constant 256 : i32
      %dma_wait3A_1444 = tpu.memref_slice %arg6[%dma_wait3A_1443] : memref<3584xf32, #tpu.memory_space<vmem>> -> memref<32xf32, #tpu.memory_space<vmem>>
      %dma_wait3A_1445 = tpu.memref_slice %arg3[%add3A_9, %mul3A_54] : memref<1024x102400xf32, #tpu.memory_space<hbm>> -> memref<1x32xf32, #tpu.memory_space<hbm>>
      %dma_wait3A_1446 = tpu.memref_squeeze %dma_wait3A_1445 : memref<1x32xf32, #tpu.memory_space<hbm>> -> memref<32xf32, #tpu.memory_space<hbm>>
      tpu.wait_dma2 semaphore(%arg8 : memref<!tpu.dma_semaphore, #tpu.memory_space<semaphore_mem>>) src(%dma_wait3A_1446 : memref<32xf32, #tpu.memory_space<hbm>>) dst(%dma_wait3A_1444 : memref<32xf32, #tpu.memory_space<vmem>>)
      %dma_wait3A_1447 = arith.constant 288 : i32
      %dma_wait3A_1448 = tpu.memref_slice %arg6[%dma_wait3A_1447] : memref<3584xf32, #tpu.memory_space<vmem>> -> memref<32xf32, #tpu.memory_space<vmem>>
      %dma_wait3A_1449 = tpu.memref_slice %arg3[%add3A_9, %mul3A_58] : memref<1024x102400xf32, #tpu.memory_space<hbm>> -> memref<1x32xf32, #tpu.memory_space<hbm>>
      %dma_wait3A_1450 = tpu.memref_squeeze %dma_wait3A_1449 : memref<1x32xf32, #tpu.memory_space<hbm>> -> memref<32xf32, #tpu.memory_space<hbm>>
      %dma_wait3A_1451 = arith.constant 288 : i32
      %dma_wait3A_1452 = tpu.memref_slice %arg6[%dma_wait3A_1451] : memref<3584xf32, #tpu.memory_space<vmem>> -> memref<32xf32, #tpu.memory_space<vmem>>
      %dma_wait3A_1453 = tpu.memref_slice %arg3[%add3A_9, %mul3A_58] : memref<1024x102400xf32, #tpu.memory_space<hbm>> -> memref<1x32xf32, #tpu.memory_space<hbm>>
      %dma_wait3A_1454 = tpu.memref_squeeze %dma_wait3A_1453 : memref<1x32xf32, #tpu.memory_space<hbm>> -> memref<32xf32, #tpu.memory_space<hbm>>
      tpu.wait_dma2 semaphore(%arg8 : memref<!tpu.dma_semaphore, #tpu.memory_space<semaphore_mem>>) src(%dma_wait3A_1454 : memref<32xf32, #tpu.memory_space<hbm>>) dst(%dma_wait3A_1452 : memref<32xf32, #tpu.memory_space<vmem>>)
      %dma_wait3A_1455 = arith.constant 320 : i32
      %dma_wait3A_1456 = tpu.memref_slice %arg6[%dma_wait3A_1455] : memref<3584xf32, #tpu.memory_space<vmem>> -> memref<32xf32, #tpu.memory_space<vmem>>
      %dma_wait3A_1457 = tpu.memref_slice %arg3[%add3A_9, %mul3A_62] : memref<1024x102400xf32, #tpu.memory_space<hbm>> -> memref<1x32xf32, #tpu.memory_space<hbm>>
      %dma_wait3A_1458 = tpu.memref_squeeze %dma_wait3A_1457 : memref<1x32xf32, #tpu.memory_space<hbm>> -> memref<32xf32, #tpu.memory_space<hbm>>
      %dma_wait3A_1459 = arith.constant 320 : i32
      %dma_wait3A_1460 = tpu.memref_slice %arg6[%dma_wait3A_1459] : memref<3584xf32, #tpu.memory_space<vmem>> -> memref<32xf32, #tpu.memory_space<vmem>>
      %dma_wait3A_1461 = tpu.memref_slice %arg3[%add3A_9, %mul3A_62] : memref<1024x102400xf32, #tpu.memory_space<hbm>> -> memref<1x32xf32, #tpu.memory_space<hbm>>
      %dma_wait3A_1462 = tpu.memref_squeeze %dma_wait3A_1461 : memref<1x32xf32, #tpu.memory_space<hbm>> -> memref<32xf32, #tpu.memory_space<hbm>>
      tpu.wait_dma2 semaphore(%arg8 : memref<!tpu.dma_semaphore, #tpu.memory_space<semaphore_mem>>) src(%dma_wait3A_1462 : memref<32xf32, #tpu.memory_space<hbm>>) dst(%dma_wait3A_1460 : memref<32xf32, #tpu.memory_space<vmem>>)
      %dma_wait3A_1463 = arith.constant 352 : i32
      %dma_wait3A_1464 = tpu.memref_slice %arg6[%dma_wait3A_1463] : memref<3584xf32, #tpu.memory_space<vmem>> -> memref<32xf32, #tpu.memory_space<vmem>>
      %dma_wait3A_1465 = tpu.memref_slice %arg3[%add3A_9, %mul3A_66] : memref<1024x102400xf32, #tpu.memory_space<hbm>> -> memref<1x32xf32, #tpu.memory_space<hbm>>
      %dma_wait3A_1466 = tpu.memref_squeeze %dma_wait3A_1465 : memref<1x32xf32, #tpu.memory_space<hbm>> -> memref<32xf32, #tpu.memory_space<hbm>>
      %dma_wait3A_1467 = arith.constant 352 : i32
      %dma_wait3A_1468 = tpu.memref_slice %arg6[%dma_wait3A_1467] : memref<3584xf32, #tpu.memory_space<vmem>> -> memref<32xf32, #tpu.memory_space<vmem>>
      %dma_wait3A_1469 = tpu.memref_slice %arg3[%add3A_9, %mul3A_66] : memref<1024x102400xf32, #tpu.memory_space<hbm>> -> memref<1x32xf32, #tpu.memory_space<hbm>>
      %dma_wait3A_1470 = tpu.memref_squeeze %dma_wait3A_1469 : memref<1x32xf32, #tpu.memory_space<hbm>> -> memref<32xf32, #tpu.memory_space<hbm>>
      tpu.wait_dma2 semaphore(%arg8 : memref<!tpu.dma_semaphore, #tpu.memory_space<semaphore_mem>>) src(%dma_wait3A_1470 : memref<32xf32, #tpu.memory_space<hbm>>) dst(%dma_wait3A_1468 : memref<32xf32, #tpu.memory_space<vmem>>)
      %dma_wait3A_1471 = arith.constant 384 : i32
      %dma_wait3A_1472 = tpu.memref_slice %arg6[%dma_wait3A_1471] : memref<3584xf32, #tpu.memory_space<vmem>> -> memref<32xf32, #tpu.memory_space<vmem>>
      %dma_wait3A_1473 = tpu.memref_slice %arg3[%add3A_9, %mul3A_70] : memref<1024x102400xf32, #tpu.memory_space<hbm>> -> memref<1x32xf32, #tpu.memory_space<hbm>>
      %dma_wait3A_1474 = tpu.memref_squeeze %dma_wait3A_1473 : memref<1x32xf32, #tpu.memory_space<hbm>> -> memref<32xf32, #tpu.memory_space<hbm>>
      %dma_wait3A_1475 = arith.constant 384 : i32
      %dma_wait3A_1476 = tpu.memref_slice %arg6[%dma_wait3A_1475] : memref<3584xf32, #tpu.memory_space<vmem>> -> memref<32xf32, #tpu.memory_space<vmem>>
      %dma_wait3A_1477 = tpu.memref_slice %arg3[%add3A_9, %mul3A_70] : memref<1024x102400xf32, #tpu.memory_space<hbm>> -> memref<1x32xf32, #tpu.memory_space<hbm>>
      %dma_wait3A_1478 = tpu.memref_squeeze %dma_wait3A_1477 : memref<1x32xf32, #tpu.memory_space<hbm>> -> memref<32xf32, #tpu.memory_space<hbm>>
      tpu.wait_dma2 semaphore(%arg8 : memref<!tpu.dma_semaphore, #tpu.memory_space<semaphore_mem>>) src(%dma_wait3A_1478 : memref<32xf32, #tpu.memory_space<hbm>>) dst(%dma_wait3A_1476 : memref<32xf32, #tpu.memory_space<vmem>>)
      %dma_wait3A_1479 = arith.constant 416 : i32
      %dma_wait3A_1480 = tpu.memref_slice %arg6[%dma_wait3A_1479] : memref<3584xf32, #tpu.memory_space<vmem>> -> memref<32xf32, #tpu.memory_space<vmem>>
      %dma_wait3A_1481 = tpu.memref_slice %arg3[%add3A_9, %mul3A_74] : memref<1024x102400xf32, #tpu.memory_space<hbm>> -> memref<1x32xf32, #tpu.memory_space<hbm>>
      %dma_wait3A_1482 = tpu.memref_squeeze %dma_wait3A_1481 : memref<1x32xf32, #tpu.memory_space<hbm>> -> memref<32xf32, #tpu.memory_space<hbm>>
      %dma_wait3A_1483 = arith.constant 416 : i32
      %dma_wait3A_1484 = tpu.memref_slice %arg6[%dma_wait3A_1483] : memref<3584xf32, #tpu.memory_space<vmem>> -> memref<32xf32, #tpu.memory_space<vmem>>
      %dma_wait3A_1485 = tpu.memref_slice %arg3[%add3A_9, %mul3A_74] : memref<1024x102400xf32, #tpu.memory_space<hbm>> -> memref<1x32xf32, #tpu.memory_space<hbm>>
      %dma_wait3A_1486 = tpu.memref_squeeze %dma_wait3A_1485 : memref<1x32xf32, #tpu.memory_space<hbm>> -> memref<32xf32, #tpu.memory_space<hbm>>
      tpu.wait_dma2 semaphore(%arg8 : memref<!tpu.dma_semaphore, #tpu.memory_space<semaphore_mem>>) src(%dma_wait3A_1486 : memref<32xf32, #tpu.memory_space<hbm>>) dst(%dma_wait3A_1484 : memref<32xf32, #tpu.memory_space<vmem>>)
      %dma_wait3A_1487 = arith.constant 448 : i32
      %dma_wait3A_1488 = tpu.memref_slice %arg6[%dma_wait3A_1487] : memref<3584xf32, #tpu.memory_space<vmem>> -> memref<32xf32, #tpu.memory_space<vmem>>
      %dma_wait3A_1489 = tpu.memref_slice %arg3[%add3A_9, %mul3A_78] : memref<1024x102400xf32, #tpu.memory_space<hbm>> -> memref<1x32xf32, #tpu.memory_space<hbm>>
      %dma_wait3A_1490 = tpu.memref_squeeze %dma_wait3A_1489 : memref<1x32xf32, #tpu.memory_space<hbm>> -> memref<32xf32, #tpu.memory_space<hbm>>
      %dma_wait3A_1491 = arith.constant 448 : i32
      %dma_wait3A_1492 = tpu.memref_slice %arg6[%dma_wait3A_1491] : memref<3584xf32, #tpu.memory_space<vmem>> -> memref<32xf32, #tpu.memory_space<vmem>>
      %dma_wait3A_1493 = tpu.memref_slice %arg3[%add3A_9, %mul3A_78] : memref<1024x102400xf32, #tpu.memory_space<hbm>> -> memref<1x32xf32, #tpu.memory_space<hbm>>
      %dma_wait3A_1494 = tpu.memref_squeeze %dma_wait3A_1493 : memref<1x32xf32, #tpu.memory_space<hbm>> -> memref<32xf32, #tpu.memory_space<hbm>>
      tpu.wait_dma2 semaphore(%arg8 : memref<!tpu.dma_semaphore, #tpu.memory_space<semaphore_mem>>) src(%dma_wait3A_1494 : memref<32xf32, #tpu.memory_space<hbm>>) dst(%dma_wait3A_1492 : memref<32xf32, #tpu.memory_space<vmem>>)
      %dma_wait3A_1495 = arith.constant 480 : i32
      %dma_wait3A_1496 = tpu.memref_slice %arg6[%dma_wait3A_1495] : memref<3584xf32, #tpu.memory_space<vmem>> -> memref<32xf32, #tpu.memory_space<vmem>>
      %dma_wait3A_1497 = tpu.memref_slice %arg3[%add3A_9, %mul3A_82] : memref<1024x102400xf32, #tpu.memory_space<hbm>> -> memref<1x32xf32, #tpu.memory_space<hbm>>
      %dma_wait3A_1498 = tpu.memref_squeeze %dma_wait3A_1497 : memref<1x32xf32, #tpu.memory_space<hbm>> -> memref<32xf32, #tpu.memory_space<hbm>>
      %dma_wait3A_1499 = arith.constant 480 : i32
      %dma_wait3A_1500 = tpu.memref_slice %arg6[%dma_wait3A_1499] : memref<3584xf32, #tpu.memory_space<vmem>> -> memref<32xf32, #tpu.memory_space<vmem>>
      %dma_wait3A_1501 = tpu.memref_slice %arg3[%add3A_9, %mul3A_82] : memref<1024x102400xf32, #tpu.memory_space<hbm>> -> memref<1x32xf32, #tpu.memory_space<hbm>>
      %dma_wait3A_1502 = tpu.memref_squeeze %dma_wait3A_1501 : memref<1x32xf32, #tpu.memory_space<hbm>> -> memref<32xf32, #tpu.memory_space<hbm>>
      tpu.wait_dma2 semaphore(%arg8 : memref<!tpu.dma_semaphore, #tpu.memory_space<semaphore_mem>>) src(%dma_wait3A_1502 : memref<32xf32, #tpu.memory_space<hbm>>) dst(%dma_wait3A_1500 : memref<32xf32, #tpu.memory_space<vmem>>)
      %dma_wait3A_1503 = arith.constant 512 : i32
      %dma_wait3A_1504 = tpu.memref_slice %arg6[%dma_wait3A_1503] : memref<3584xf32, #tpu.memory_space<vmem>> -> memref<32xf32, #tpu.memory_space<vmem>>
      %dma_wait3A_1505 = tpu.memref_slice %arg3[%add3A_9, %mul3A_88] : memref<1024x102400xf32, #tpu.memory_space<hbm>> -> memref<1x32xf32, #tpu.memory_space<hbm>>
      %dma_wait3A_1506 = tpu.memref_squeeze %dma_wait3A_1505 : memref<1x32xf32, #tpu.memory_space<hbm>> -> memref<32xf32, #tpu.memory_space<hbm>>
      %dma_wait3A_1507 = arith.constant 512 : i32
      %dma_wait3A_1508 = tpu.memref_slice %arg6[%dma_wait3A_1507] : memref<3584xf32, #tpu.memory_space<vmem>> -> memref<32xf32, #tpu.memory_space<vmem>>
      %dma_wait3A_1509 = tpu.memref_slice %arg3[%add3A_9, %mul3A_88] : memref<1024x102400xf32, #tpu.memory_space<hbm>> -> memref<1x32xf32, #tpu.memory_space<hbm>>
      %dma_wait3A_1510 = tpu.memref_squeeze %dma_wait3A_1509 : memref<1x32xf32, #tpu.memory_space<hbm>> -> memref<32xf32, #tpu.memory_space<hbm>>
      tpu.wait_dma2 semaphore(%arg8 : memref<!tpu.dma_semaphore, #tpu.memory_space<semaphore_mem>>) src(%dma_wait3A_1510 : memref<32xf32, #tpu.memory_space<hbm>>) dst(%dma_wait3A_1508 : memref<32xf32, #tpu.memory_space<vmem>>)
      %dma_wait3A_1511 = arith.constant 544 : i32
      %dma_wait3A_1512 = tpu.memref_slice %arg6[%dma_wait3A_1511] : memref<3584xf32, #tpu.memory_space<vmem>> -> memref<32xf32, #tpu.memory_space<vmem>>
      %dma_wait3A_1513 = tpu.memref_slice %arg3[%add3A_9, %mul3A_92] : memref<1024x102400xf32, #tpu.memory_space<hbm>> -> memref<1x32xf32, #tpu.memory_space<hbm>>
      %dma_wait3A_1514 = tpu.memref_squeeze %dma_wait3A_1513 : memref<1x32xf32, #tpu.memory_space<hbm>> -> memref<32xf32, #tpu.memory_space<hbm>>
      %dma_wait3A_1515 = arith.constant 544 : i32
      %dma_wait3A_1516 = tpu.memref_slice %arg6[%dma_wait3A_1515] : memref<3584xf32, #tpu.memory_space<vmem>> -> memref<32xf32, #tpu.memory_space<vmem>>
      %dma_wait3A_1517 = tpu.memref_slice %arg3[%add3A_9, %mul3A_92] : memref<1024x102400xf32, #tpu.memory_space<hbm>> -> memref<1x32xf32, #tpu.memory_space<hbm>>
      %dma_wait3A_1518 = tpu.memref_squeeze %dma_wait3A_1517 : memref<1x32xf32, #tpu.memory_space<hbm>> -> memref<32xf32, #tpu.memory_space<hbm>>
      tpu.wait_dma2 semaphore(%arg8 : memref<!tpu.dma_semaphore, #tpu.memory_space<semaphore_mem>>) src(%dma_wait3A_1518 : memref<32xf32, #tpu.memory_space<hbm>>) dst(%dma_wait3A_1516 : memref<32xf32, #tpu.memory_space<vmem>>)
      %dma_wait3A_1519 = arith.constant 576 : i32
      %dma_wait3A_1520 = tpu.memref_slice %arg6[%dma_wait3A_1519] : memref<3584xf32, #tpu.memory_space<vmem>> -> memref<32xf32, #tpu.memory_space<vmem>>
      %dma_wait3A_1521 = tpu.memref_slice %arg3[%add3A_9, %mul3A_96] : memref<1024x102400xf32, #tpu.memory_space<hbm>> -> memref<1x32xf32, #tpu.memory_space<hbm>>
      %dma_wait3A_1522 = tpu.memref_squeeze %dma_wait3A_1521 : memref<1x32xf32, #tpu.memory_space<hbm>> -> memref<32xf32, #tpu.memory_space<hbm>>
      %dma_wait3A_1523 = arith.constant 576 : i32
      %dma_wait3A_1524 = tpu.memref_slice %arg6[%dma_wait3A_1523] : memref<3584xf32, #tpu.memory_space<vmem>> -> memref<32xf32, #tpu.memory_space<vmem>>
      %dma_wait3A_1525 = tpu.memref_slice %arg3[%add3A_9, %mul3A_96] : memref<1024x102400xf32, #tpu.memory_space<hbm>> -> memref<1x32xf32, #tpu.memory_space<hbm>>
      %dma_wait3A_1526 = tpu.memref_squeeze %dma_wait3A_1525 : memref<1x32xf32, #tpu.memory_space<hbm>> -> memref<32xf32, #tpu.memory_space<hbm>>
      tpu.wait_dma2 semaphore(%arg8 : memref<!tpu.dma_semaphore, #tpu.memory_space<semaphore_mem>>) src(%dma_wait3A_1526 : memref<32xf32, #tpu.memory_space<hbm>>) dst(%dma_wait3A_1524 : memref<32xf32, #tpu.memory_space<vmem>>)
      %dma_wait3A_1527 = arith.constant 608 : i32
      %dma_wait3A_1528 = tpu.memref_slice %arg6[%dma_wait3A_1527] : memref<3584xf32, #tpu.memory_space<vmem>> -> memref<32xf32, #tpu.memory_space<vmem>>
      %dma_wait3A_1529 = tpu.memref_slice %arg3[%add3A_9, %mul3A_100] : memref<1024x102400xf32, #tpu.memory_space<hbm>> -> memref<1x32xf32, #tpu.memory_space<hbm>>
      %dma_wait3A_1530 = tpu.memref_squeeze %dma_wait3A_1529 : memref<1x32xf32, #tpu.memory_space<hbm>> -> memref<32xf32, #tpu.memory_space<hbm>>
      %dma_wait3A_1531 = arith.constant 608 : i32
      %dma_wait3A_1532 = tpu.memref_slice %arg6[%dma_wait3A_1531] : memref<3584xf32, #tpu.memory_space<vmem>> -> memref<32xf32, #tpu.memory_space<vmem>>
      %dma_wait3A_1533 = tpu.memref_slice %arg3[%add3A_9, %mul3A_100] : memref<1024x102400xf32, #tpu.memory_space<hbm>> -> memref<1x32xf32, #tpu.memory_space<hbm>>
      %dma_wait3A_1534 = tpu.memref_squeeze %dma_wait3A_1533 : memref<1x32xf32, #tpu.memory_space<hbm>> -> memref<32xf32, #tpu.memory_space<hbm>>
      tpu.wait_dma2 semaphore(%arg8 : memref<!tpu.dma_semaphore, #tpu.memory_space<semaphore_mem>>) src(%dma_wait3A_1534 : memref<32xf32, #tpu.memory_space<hbm>>) dst(%dma_wait3A_1532 : memref<32xf32, #tpu.memory_space<vmem>>)
      %dma_wait3A_1535 = arith.constant 640 : i32
      %dma_wait3A_1536 = tpu.memref_slice %arg6[%dma_wait3A_1535] : memref<3584xf32, #tpu.memory_space<vmem>> -> memref<32xf32, #tpu.memory_space<vmem>>
      %dma_wait3A_1537 = tpu.memref_slice %arg3[%add3A_9, %mul3A_104] : memref<1024x102400xf32, #tpu.memory_space<hbm>> -> memref<1x32xf32, #tpu.memory_space<hbm>>
      %dma_wait3A_1538 = tpu.memref_squeeze %dma_wait3A_1537 : memref<1x32xf32, #tpu.memory_space<hbm>> -> memref<32xf32, #tpu.memory_space<hbm>>
      %dma_wait3A_1539 = arith.constant 640 : i32
      %dma_wait3A_1540 = tpu.memref_slice %arg6[%dma_wait3A_1539] : memref<3584xf32, #tpu.memory_space<vmem>> -> memref<32xf32, #tpu.memory_space<vmem>>
      %dma_wait3A_1541 = tpu.memref_slice %arg3[%add3A_9, %mul3A_104] : memref<1024x102400xf32, #tpu.memory_space<hbm>> -> memref<1x32xf32, #tpu.memory_space<hbm>>
      %dma_wait3A_1542 = tpu.memref_squeeze %dma_wait3A_1541 : memref<1x32xf32, #tpu.memory_space<hbm>> -> memref<32xf32, #tpu.memory_space<hbm>>
      tpu.wait_dma2 semaphore(%arg8 : memref<!tpu.dma_semaphore, #tpu.memory_space<semaphore_mem>>) src(%dma_wait3A_1542 : memref<32xf32, #tpu.memory_space<hbm>>) dst(%dma_wait3A_1540 : memref<32xf32, #tpu.memory_space<vmem>>)
      %dma_wait3A_1543 = arith.constant 672 : i32
      %dma_wait3A_1544 = tpu.memref_slice %arg6[%dma_wait3A_1543] : memref<3584xf32, #tpu.memory_space<vmem>> -> memref<32xf32, #tpu.memory_space<vmem>>
      %dma_wait3A_1545 = tpu.memref_slice %arg3[%add3A_9, %mul3A_108] : memref<1024x102400xf32, #tpu.memory_space<hbm>> -> memref<1x32xf32, #tpu.memory_space<hbm>>
      %dma_wait3A_1546 = tpu.memref_squeeze %dma_wait3A_1545 : memref<1x32xf32, #tpu.memory_space<hbm>> -> memref<32xf32, #tpu.memory_space<hbm>>
      %dma_wait3A_1547 = arith.constant 672 : i32
      %dma_wait3A_1548 = tpu.memref_slice %arg6[%dma_wait3A_1547] : memref<3584xf32, #tpu.memory_space<vmem>> -> memref<32xf32, #tpu.memory_space<vmem>>
      %dma_wait3A_1549 = tpu.memref_slice %arg3[%add3A_9, %mul3A_108] : memref<1024x102400xf32, #tpu.memory_space<hbm>> -> memref<1x32xf32, #tpu.memory_space<hbm>>
      %dma_wait3A_1550 = tpu.memref_squeeze %dma_wait3A_1549 : memref<1x32xf32, #tpu.memory_space<hbm>> -> memref<32xf32, #tpu.memory_space<hbm>>
      tpu.wait_dma2 semaphore(%arg8 : memref<!tpu.dma_semaphore, #tpu.memory_space<semaphore_mem>>) src(%dma_wait3A_1550 : memref<32xf32, #tpu.memory_space<hbm>>) dst(%dma_wait3A_1548 : memref<32xf32, #tpu.memory_space<vmem>>)
      %dma_wait3A_1551 = arith.constant 704 : i32
      %dma_wait3A_1552 = tpu.memref_slice %arg6[%dma_wait3A_1551] : memref<3584xf32, #tpu.memory_space<vmem>> -> memref<32xf32, #tpu.memory_space<vmem>>
      %dma_wait3A_1553 = tpu.memref_slice %arg3[%add3A_9, %mul3A_112] : memref<1024x102400xf32, #tpu.memory_space<hbm>> -> memref<1x32xf32, #tpu.memory_space<hbm>>
      %dma_wait3A_1554 = tpu.memref_squeeze %dma_wait3A_1553 : memref<1x32xf32, #tpu.memory_space<hbm>> -> memref<32xf32, #tpu.memory_space<hbm>>
      %dma_wait3A_1555 = arith.constant 704 : i32
      %dma_wait3A_1556 = tpu.memref_slice %arg6[%dma_wait3A_1555] : memref<3584xf32, #tpu.memory_space<vmem>> -> memref<32xf32, #tpu.memory_space<vmem>>
      %dma_wait3A_1557 = tpu.memref_slice %arg3[%add3A_9, %mul3A_112] : memref<1024x102400xf32, #tpu.memory_space<hbm>> -> memref<1x32xf32, #tpu.memory_space<hbm>>
      %dma_wait3A_1558 = tpu.memref_squeeze %dma_wait3A_1557 : memref<1x32xf32, #tpu.memory_space<hbm>> -> memref<32xf32, #tpu.memory_space<hbm>>
      tpu.wait_dma2 semaphore(%arg8 : memref<!tpu.dma_semaphore, #tpu.memory_space<semaphore_mem>>) src(%dma_wait3A_1558 : memref<32xf32, #tpu.memory_space<hbm>>) dst(%dma_wait3A_1556 : memref<32xf32, #tpu.memory_space<vmem>>)
      %dma_wait3A_1559 = arith.constant 736 : i32
      %dma_wait3A_1560 = tpu.memref_slice %arg6[%dma_wait3A_1559] : memref<3584xf32, #tpu.memory_space<vmem>> -> memref<32xf32, #tpu.memory_space<vmem>>
      %dma_wait3A_1561 = tpu.memref_slice %arg3[%add3A_9, %mul3A_116] : memref<1024x102400xf32, #tpu.memory_space<hbm>> -> memref<1x32xf32, #tpu.memory_space<hbm>>
      %dma_wait3A_1562 = tpu.memref_squeeze %dma_wait3A_1561 : memref<1x32xf32, #tpu.memory_space<hbm>> -> memref<32xf32, #tpu.memory_space<hbm>>
      %dma_wait3A_1563 = arith.constant 736 : i32
      %dma_wait3A_1564 = tpu.memref_slice %arg6[%dma_wait3A_1563] : memref<3584xf32, #tpu.memory_space<vmem>> -> memref<32xf32, #tpu.memory_space<vmem>>
      %dma_wait3A_1565 = tpu.memref_slice %arg3[%add3A_9, %mul3A_116] : memref<1024x102400xf32, #tpu.memory_space<hbm>> -> memref<1x32xf32, #tpu.memory_space<hbm>>
      %dma_wait3A_1566 = tpu.memref_squeeze %dma_wait3A_1565 : memref<1x32xf32, #tpu.memory_space<hbm>> -> memref<32xf32, #tpu.memory_space<hbm>>
      tpu.wait_dma2 semaphore(%arg8 : memref<!tpu.dma_semaphore, #tpu.memory_space<semaphore_mem>>) src(%dma_wait3A_1566 : memref<32xf32, #tpu.memory_space<hbm>>) dst(%dma_wait3A_1564 : memref<32xf32, #tpu.memory_space<vmem>>)
      %dma_wait3A_1567 = arith.constant 768 : i32
      %dma_wait3A_1568 = tpu.memref_slice %arg6[%dma_wait3A_1567] : memref<3584xf32, #tpu.memory_space<vmem>> -> memref<32xf32, #tpu.memory_space<vmem>>
      %dma_wait3A_1569 = tpu.memref_slice %arg3[%add3A_9, %mul3A_120] : memref<1024x102400xf32, #tpu.memory_space<hbm>> -> memref<1x32xf32, #tpu.memory_space<hbm>>
      %dma_wait3A_1570 = tpu.memref_squeeze %dma_wait3A_1569 : memref<1x32xf32, #tpu.memory_space<hbm>> -> memref<32xf32, #tpu.memory_space<hbm>>
      %dma_wait3A_1571 = arith.constant 768 : i32
      %dma_wait3A_1572 = tpu.memref_slice %arg6[%dma_wait3A_1571] : memref<3584xf32, #tpu.memory_space<vmem>> -> memref<32xf32, #tpu.memory_space<vmem>>
      %dma_wait3A_1573 = tpu.memref_slice %arg3[%add3A_9, %mul3A_120] : memref<1024x102400xf32, #tpu.memory_space<hbm>> -> memref<1x32xf32, #tpu.memory_space<hbm>>
      %dma_wait3A_1574 = tpu.memref_squeeze %dma_wait3A_1573 : memref<1x32xf32, #tpu.memory_space<hbm>> -> memref<32xf32, #tpu.memory_space<hbm>>
      tpu.wait_dma2 semaphore(%arg8 : memref<!tpu.dma_semaphore, #tpu.memory_space<semaphore_mem>>) src(%dma_wait3A_1574 : memref<32xf32, #tpu.memory_space<hbm>>) dst(%dma_wait3A_1572 : memref<32xf32, #tpu.memory_space<vmem>>)
      %dma_wait3A_1575 = arith.constant 800 : i32
      %dma_wait3A_1576 = tpu.memref_slice %arg6[%dma_wait3A_1575] : memref<3584xf32, #tpu.memory_space<vmem>> -> memref<32xf32, #tpu.memory_space<vmem>>
      %dma_wait3A_1577 = tpu.memref_slice %arg3[%add3A_9, %mul3A_124] : memref<1024x102400xf32, #tpu.memory_space<hbm>> -> memref<1x32xf32, #tpu.memory_space<hbm>>
      %dma_wait3A_1578 = tpu.memref_squeeze %dma_wait3A_1577 : memref<1x32xf32, #tpu.memory_space<hbm>> -> memref<32xf32, #tpu.memory_space<hbm>>
      %dma_wait3A_1579 = arith.constant 800 : i32
      %dma_wait3A_1580 = tpu.memref_slice %arg6[%dma_wait3A_1579] : memref<3584xf32, #tpu.memory_space<vmem>> -> memref<32xf32, #tpu.memory_space<vmem>>
      %dma_wait3A_1581 = tpu.memref_slice %arg3[%add3A_9, %mul3A_124] : memref<1024x102400xf32, #tpu.memory_space<hbm>> -> memref<1x32xf32, #tpu.memory_space<hbm>>
      %dma_wait3A_1582 = tpu.memref_squeeze %dma_wait3A_1581 : memref<1x32xf32, #tpu.memory_space<hbm>> -> memref<32xf32, #tpu.memory_space<hbm>>
      tpu.wait_dma2 semaphore(%arg8 : memref<!tpu.dma_semaphore, #tpu.memory_space<semaphore_mem>>) src(%dma_wait3A_1582 : memref<32xf32, #tpu.memory_space<hbm>>) dst(%dma_wait3A_1580 : memref<32xf32, #tpu.memory_space<vmem>>)
      %dma_wait3A_1583 = arith.constant 832 : i32
      %dma_wait3A_1584 = tpu.memref_slice %arg6[%dma_wait3A_1583] : memref<3584xf32, #tpu.memory_space<vmem>> -> memref<32xf32, #tpu.memory_space<vmem>>
      %dma_wait3A_1585 = tpu.memref_slice %arg3[%add3A_9, %mul3A_128] : memref<1024x102400xf32, #tpu.memory_space<hbm>> -> memref<1x32xf32, #tpu.memory_space<hbm>>
      %dma_wait3A_1586 = tpu.memref_squeeze %dma_wait3A_1585 : memref<1x32xf32, #tpu.memory_space<hbm>> -> memref<32xf32, #tpu.memory_space<hbm>>
      %dma_wait3A_1587 = arith.constant 832 : i32
      %dma_wait3A_1588 = tpu.memref_slice %arg6[%dma_wait3A_1587] : memref<3584xf32, #tpu.memory_space<vmem>> -> memref<32xf32, #tpu.memory_space<vmem>>
      %dma_wait3A_1589 = tpu.memref_slice %arg3[%add3A_9, %mul3A_128] : memref<1024x102400xf32, #tpu.memory_space<hbm>> -> memref<1x32xf32, #tpu.memory_space<hbm>>
      %dma_wait3A_1590 = tpu.memref_squeeze %dma_wait3A_1589 : memref<1x32xf32, #tpu.memory_space<hbm>> -> memref<32xf32, #tpu.memory_space<hbm>>
      tpu.wait_dma2 semaphore(%arg8 : memref<!tpu.dma_semaphore, #tpu.memory_space<semaphore_mem>>) src(%dma_wait3A_1590 : memref<32xf32, #tpu.memory_space<hbm>>) dst(%dma_wait3A_1588 : memref<32xf32, #tpu.memory_space<vmem>>)
      %dma_wait3A_1591 = arith.constant 864 : i32
      %dma_wait3A_1592 = tpu.memref_slice %arg6[%dma_wait3A_1591] : memref<3584xf32, #tpu.memory_space<vmem>> -> memref<32xf32, #tpu.memory_space<vmem>>
      %dma_wait3A_1593 = tpu.memref_slice %arg3[%add3A_9, %mul3A_132] : memref<1024x102400xf32, #tpu.memory_space<hbm>> -> memref<1x32xf32, #tpu.memory_space<hbm>>
      %dma_wait3A_1594 = tpu.memref_squeeze %dma_wait3A_1593 : memref<1x32xf32, #tpu.memory_space<hbm>> -> memref<32xf32, #tpu.memory_space<hbm>>
      %dma_wait3A_1595 = arith.constant 864 : i32
      %dma_wait3A_1596 = tpu.memref_slice %arg6[%dma_wait3A_1595] : memref<3584xf32, #tpu.memory_space<vmem>> -> memref<32xf32, #tpu.memory_space<vmem>>
      %dma_wait3A_1597 = tpu.memref_slice %arg3[%add3A_9, %mul3A_132] : memref<1024x102400xf32, #tpu.memory_space<hbm>> -> memref<1x32xf32, #tpu.memory_space<hbm>>
      %dma_wait3A_1598 = tpu.memref_squeeze %dma_wait3A_1597 : memref<1x32xf32, #tpu.memory_space<hbm>> -> memref<32xf32, #tpu.memory_space<hbm>>
      tpu.wait_dma2 semaphore(%arg8 : memref<!tpu.dma_semaphore, #tpu.memory_space<semaphore_mem>>) src(%dma_wait3A_1598 : memref<32xf32, #tpu.memory_space<hbm>>) dst(%dma_wait3A_1596 : memref<32xf32, #tpu.memory_space<vmem>>)
      %dma_wait3A_1599 = arith.constant 896 : i32
      %dma_wait3A_1600 = tpu.memref_slice %arg6[%dma_wait3A_1599] : memref<3584xf32, #tpu.memory_space<vmem>> -> memref<32xf32, #tpu.memory_space<vmem>>
      %dma_wait3A_1601 = tpu.memref_slice %arg3[%add3A_9, %mul3A_136] : memref<1024x102400xf32, #tpu.memory_space<hbm>> -> memref<1x32xf32, #tpu.memory_space<hbm>>
      %dma_wait3A_1602 = tpu.memref_squeeze %dma_wait3A_1601 : memref<1x32xf32, #tpu.memory_space<hbm>> -> memref<32xf32, #tpu.memory_space<hbm>>
      %dma_wait3A_1603 = arith.constant 896 : i32
      %dma_wait3A_1604 = tpu.memref_slice %arg6[%dma_wait3A_1603] : memref<3584xf32, #tpu.memory_space<vmem>> -> memref<32xf32, #tpu.memory_space<vmem>>
      %dma_wait3A_1605 = tpu.memref_slice %arg3[%add3A_9, %mul3A_136] : memref<1024x102400xf32, #tpu.memory_space<hbm>> -> memref<1x32xf32, #tpu.memory_space<hbm>>
      %dma_wait3A_1606 = tpu.memref_squeeze %dma_wait3A_1605 : memref<1x32xf32, #tpu.memory_space<hbm>> -> memref<32xf32, #tpu.memory_space<hbm>>
      tpu.wait_dma2 semaphore(%arg8 : memref<!tpu.dma_semaphore, #tpu.memory_space<semaphore_mem>>) src(%dma_wait3A_1606 : memref<32xf32, #tpu.memory_space<hbm>>) dst(%dma_wait3A_1604 : memref<32xf32, #tpu.memory_space<vmem>>)
      %dma_wait3A_1607 = arith.constant 928 : i32
      %dma_wait3A_1608 = tpu.memref_slice %arg6[%dma_wait3A_1607] : memref<3584xf32, #tpu.memory_space<vmem>> -> memref<32xf32, #tpu.memory_space<vmem>>
      %dma_wait3A_1609 = tpu.memref_slice %arg3[%add3A_9, %mul3A_140] : memref<1024x102400xf32, #tpu.memory_space<hbm>> -> memref<1x32xf32, #tpu.memory_space<hbm>>
      %dma_wait3A_1610 = tpu.memref_squeeze %dma_wait3A_1609 : memref<1x32xf32, #tpu.memory_space<hbm>> -> memref<32xf32, #tpu.memory_space<hbm>>
      %dma_wait3A_1611 = arith.constant 928 : i32
      %dma_wait3A_1612 = tpu.memref_slice %arg6[%dma_wait3A_1611] : memref<3584xf32, #tpu.memory_space<vmem>> -> memref<32xf32, #tpu.memory_space<vmem>>
      %dma_wait3A_1613 = tpu.memref_slice %arg3[%add3A_9, %mul3A_140] : memref<1024x102400xf32, #tpu.memory_space<hbm>> -> memref<1x32xf32, #tpu.memory_space<hbm>>
      %dma_wait3A_1614 = tpu.memref_squeeze %dma_wait3A_1613 : memref<1x32xf32, #tpu.memory_space<hbm>> -> memref<32xf32, #tpu.memory_space<hbm>>
      tpu.wait_dma2 semaphore(%arg8 : memref<!tpu.dma_semaphore, #tpu.memory_space<semaphore_mem>>) src(%dma_wait3A_1614 : memref<32xf32, #tpu.memory_space<hbm>>) dst(%dma_wait3A_1612 : memref<32xf32, #tpu.memory_space<vmem>>)
      %dma_wait3A_1615 = arith.constant 960 : i32
      %dma_wait3A_1616 = tpu.memref_slice %arg6[%dma_wait3A_1615] : memref<3584xf32, #tpu.memory_space<vmem>> -> memref<32xf32, #tpu.memory_space<vmem>>
      %dma_wait3A_1617 = tpu.memref_slice %arg3[%add3A_9, %mul3A_144] : memref<1024x102400xf32, #tpu.memory_space<hbm>> -> memref<1x32xf32, #tpu.memory_space<hbm>>
      %dma_wait3A_1618 = tpu.memref_squeeze %dma_wait3A_1617 : memref<1x32xf32, #tpu.memory_space<hbm>> -> memref<32xf32, #tpu.memory_space<hbm>>
      %dma_wait3A_1619 = arith.constant 960 : i32
      %dma_wait3A_1620 = tpu.memref_slice %arg6[%dma_wait3A_1619] : memref<3584xf32, #tpu.memory_space<vmem>> -> memref<32xf32, #tpu.memory_space<vmem>>
      %dma_wait3A_1621 = tpu.memref_slice %arg3[%add3A_9, %mul3A_144] : memref<1024x102400xf32, #tpu.memory_space<hbm>> -> memref<1x32xf32, #tpu.memory_space<hbm>>
      %dma_wait3A_1622 = tpu.memref_squeeze %dma_wait3A_1621 : memref<1x32xf32, #tpu.memory_space<hbm>> -> memref<32xf32, #tpu.memory_space<hbm>>
      tpu.wait_dma2 semaphore(%arg8 : memref<!tpu.dma_semaphore, #tpu.memory_space<semaphore_mem>>) src(%dma_wait3A_1622 : memref<32xf32, #tpu.memory_space<hbm>>) dst(%dma_wait3A_1620 : memref<32xf32, #tpu.memory_space<vmem>>)
      %dma_wait3A_1623 = arith.constant 992 : i32
      %dma_wait3A_1624 = tpu.memref_slice %arg6[%dma_wait3A_1623] : memref<3584xf32, #tpu.memory_space<vmem>> -> memref<32xf32, #tpu.memory_space<vmem>>
      %dma_wait3A_1625 = tpu.memref_slice %arg3[%add3A_9, %mul3A_148] : memref<1024x102400xf32, #tpu.memory_space<hbm>> -> memref<1x32xf32, #tpu.memory_space<hbm>>
      %dma_wait3A_1626 = tpu.memref_squeeze %dma_wait3A_1625 : memref<1x32xf32, #tpu.memory_space<hbm>> -> memref<32xf32, #tpu.memory_space<hbm>>
      %dma_wait3A_1627 = arith.constant 992 : i32
      %dma_wait3A_1628 = tpu.memref_slice %arg6[%dma_wait3A_1627] : memref<3584xf32, #tpu.memory_space<vmem>> -> memref<32xf32, #tpu.memory_space<vmem>>
      %dma_wait3A_1629 = tpu.memref_slice %arg3[%add3A_9, %mul3A_148] : memref<1024x102400xf32, #tpu.memory_space<hbm>> -> memref<1x32xf32, #tpu.memory_space<hbm>>
      %dma_wait3A_1630 = tpu.memref_squeeze %dma_wait3A_1629 : memref<1x32xf32, #tpu.memory_space<hbm>> -> memref<32xf32, #tpu.memory_space<hbm>>
      tpu.wait_dma2 semaphore(%arg8 : memref<!tpu.dma_semaphore, #tpu.memory_space<semaphore_mem>>) src(%dma_wait3A_1630 : memref<32xf32, #tpu.memory_space<hbm>>) dst(%dma_wait3A_1628 : memref<32xf32, #tpu.memory_space<vmem>>)
      %dma_wait3A_1631 = arith.constant 1024 : i32
      %dma_wait3A_1632 = tpu.memref_slice %arg6[%dma_wait3A_1631] : memref<3584xf32, #tpu.memory_space<vmem>> -> memref<32xf32, #tpu.memory_space<vmem>>
      %dma_wait3A_1633 = tpu.memref_slice %arg3[%add3A_9, %mul3A_154] : memref<1024x102400xf32, #tpu.memory_space<hbm>> -> memref<1x32xf32, #tpu.memory_space<hbm>>
      %dma_wait3A_1634 = tpu.memref_squeeze %dma_wait3A_1633 : memref<1x32xf32, #tpu.memory_space<hbm>> -> memref<32xf32, #tpu.memory_space<hbm>>
      %dma_wait3A_1635 = arith.constant 1024 : i32
      %dma_wait3A_1636 = tpu.memref_slice %arg6[%dma_wait3A_1635] : memref<3584xf32, #tpu.memory_space<vmem>> -> memref<32xf32, #tpu.memory_space<vmem>>
      %dma_wait3A_1637 = tpu.memref_slice %arg3[%add3A_9, %mul3A_154] : memref<1024x102400xf32, #tpu.memory_space<hbm>> -> memref<1x32xf32, #tpu.memory_space<hbm>>
      %dma_wait3A_1638 = tpu.memref_squeeze %dma_wait3A_1637 : memref<1x32xf32, #tpu.memory_space<hbm>> -> memref<32xf32, #tpu.memory_space<hbm>>
      tpu.wait_dma2 semaphore(%arg8 : memref<!tpu.dma_semaphore, #tpu.memory_space<semaphore_mem>>) src(%dma_wait3A_1638 : memref<32xf32, #tpu.memory_space<hbm>>) dst(%dma_wait3A_1636 : memref<32xf32, #tpu.memory_space<vmem>>)
      %dma_wait3A_1639 = arith.constant 1056 : i32
      %dma_wait3A_1640 = tpu.memref_slice %arg6[%dma_wait3A_1639] : memref<3584xf32, #tpu.memory_space<vmem>> -> memref<32xf32, #tpu.memory_space<vmem>>
      %dma_wait3A_1641 = tpu.memref_slice %arg3[%add3A_9, %mul3A_158] : memref<1024x102400xf32, #tpu.memory_space<hbm>> -> memref<1x32xf32, #tpu.memory_space<hbm>>
      %dma_wait3A_1642 = tpu.memref_squeeze %dma_wait3A_1641 : memref<1x32xf32, #tpu.memory_space<hbm>> -> memref<32xf32, #tpu.memory_space<hbm>>
      %dma_wait3A_1643 = arith.constant 1056 : i32
      %dma_wait3A_1644 = tpu.memref_slice %arg6[%dma_wait3A_1643] : memref<3584xf32, #tpu.memory_space<vmem>> -> memref<32xf32, #tpu.memory_space<vmem>>
      %dma_wait3A_1645 = tpu.memref_slice %arg3[%add3A_9, %mul3A_158] : memref<1024x102400xf32, #tpu.memory_space<hbm>> -> memref<1x32xf32, #tpu.memory_space<hbm>>
      %dma_wait3A_1646 = tpu.memref_squeeze %dma_wait3A_1645 : memref<1x32xf32, #tpu.memory_space<hbm>> -> memref<32xf32, #tpu.memory_space<hbm>>
      tpu.wait_dma2 semaphore(%arg8 : memref<!tpu.dma_semaphore, #tpu.memory_space<semaphore_mem>>) src(%dma_wait3A_1646 : memref<32xf32, #tpu.memory_space<hbm>>) dst(%dma_wait3A_1644 : memref<32xf32, #tpu.memory_space<vmem>>)
      %dma_wait3A_1647 = arith.constant 1088 : i32
      %dma_wait3A_1648 = tpu.memref_slice %arg6[%dma_wait3A_1647] : memref<3584xf32, #tpu.memory_space<vmem>> -> memref<32xf32, #tpu.memory_space<vmem>>
      %dma_wait3A_1649 = tpu.memref_slice %arg3[%add3A_9, %mul3A_162] : memref<1024x102400xf32, #tpu.memory_space<hbm>> -> memref<1x32xf32, #tpu.memory_space<hbm>>
      %dma_wait3A_1650 = tpu.memref_squeeze %dma_wait3A_1649 : memref<1x32xf32, #tpu.memory_space<hbm>> -> memref<32xf32, #tpu.memory_space<hbm>>
      %dma_wait3A_1651 = arith.constant 1088 : i32
      %dma_wait3A_1652 = tpu.memref_slice %arg6[%dma_wait3A_1651] : memref<3584xf32, #tpu.memory_space<vmem>> -> memref<32xf32, #tpu.memory_space<vmem>>
      %dma_wait3A_1653 = tpu.memref_slice %arg3[%add3A_9, %mul3A_162] : memref<1024x102400xf32, #tpu.memory_space<hbm>> -> memref<1x32xf32, #tpu.memory_space<hbm>>
      %dma_wait3A_1654 = tpu.memref_squeeze %dma_wait3A_1653 : memref<1x32xf32, #tpu.memory_space<hbm>> -> memref<32xf32, #tpu.memory_space<hbm>>
      tpu.wait_dma2 semaphore(%arg8 : memref<!tpu.dma_semaphore, #tpu.memory_space<semaphore_mem>>) src(%dma_wait3A_1654 : memref<32xf32, #tpu.memory_space<hbm>>) dst(%dma_wait3A_1652 : memref<32xf32, #tpu.memory_space<vmem>>)
      %dma_wait3A_1655 = arith.constant 1120 : i32
      %dma_wait3A_1656 = tpu.memref_slice %arg6[%dma_wait3A_1655] : memref<3584xf32, #tpu.memory_space<vmem>> -> memref<32xf32, #tpu.memory_space<vmem>>
      %dma_wait3A_1657 = tpu.memref_slice %arg3[%add3A_9, %mul3A_166] : memref<1024x102400xf32, #tpu.memory_space<hbm>> -> memref<1x32xf32, #tpu.memory_space<hbm>>
      %dma_wait3A_1658 = tpu.memref_squeeze %dma_wait3A_1657 : memref<1x32xf32, #tpu.memory_space<hbm>> -> memref<32xf32, #tpu.memory_space<hbm>>
      %dma_wait3A_1659 = arith.constant 1120 : i32
      %dma_wait3A_1660 = tpu.memref_slice %arg6[%dma_wait3A_1659] : memref<3584xf32, #tpu.memory_space<vmem>> -> memref<32xf32, #tpu.memory_space<vmem>>
      %dma_wait3A_1661 = tpu.memref_slice %arg3[%add3A_9, %mul3A_166] : memref<1024x102400xf32, #tpu.memory_space<hbm>> -> memref<1x32xf32, #tpu.memory_space<hbm>>
      %dma_wait3A_1662 = tpu.memref_squeeze %dma_wait3A_1661 : memref<1x32xf32, #tpu.memory_space<hbm>> -> memref<32xf32, #tpu.memory_space<hbm>>
      tpu.wait_dma2 semaphore(%arg8 : memref<!tpu.dma_semaphore, #tpu.memory_space<semaphore_mem>>) src(%dma_wait3A_1662 : memref<32xf32, #tpu.memory_space<hbm>>) dst(%dma_wait3A_1660 : memref<32xf32, #tpu.memory_space<vmem>>)
      %dma_wait3A_1663 = arith.constant 1152 : i32
      %dma_wait3A_1664 = tpu.memref_slice %arg6[%dma_wait3A_1663] : memref<3584xf32, #tpu.memory_space<vmem>> -> memref<32xf32, #tpu.memory_space<vmem>>
      %dma_wait3A_1665 = tpu.memref_slice %arg3[%add3A_9, %mul3A_170] : memref<1024x102400xf32, #tpu.memory_space<hbm>> -> memref<1x32xf32, #tpu.memory_space<hbm>>
      %dma_wait3A_1666 = tpu.memref_squeeze %dma_wait3A_1665 : memref<1x32xf32, #tpu.memory_space<hbm>> -> memref<32xf32, #tpu.memory_space<hbm>>
      %dma_wait3A_1667 = arith.constant 1152 : i32
      %dma_wait3A_1668 = tpu.memref_slice %arg6[%dma_wait3A_1667] : memref<3584xf32, #tpu.memory_space<vmem>> -> memref<32xf32, #tpu.memory_space<vmem>>
      %dma_wait3A_1669 = tpu.memref_slice %arg3[%add3A_9, %mul3A_170] : memref<1024x102400xf32, #tpu.memory_space<hbm>> -> memref<1x32xf32, #tpu.memory_space<hbm>>
      %dma_wait3A_1670 = tpu.memref_squeeze %dma_wait3A_1669 : memref<1x32xf32, #tpu.memory_space<hbm>> -> memref<32xf32, #tpu.memory_space<hbm>>
      tpu.wait_dma2 semaphore(%arg8 : memref<!tpu.dma_semaphore, #tpu.memory_space<semaphore_mem>>) src(%dma_wait3A_1670 : memref<32xf32, #tpu.memory_space<hbm>>) dst(%dma_wait3A_1668 : memref<32xf32, #tpu.memory_space<vmem>>)
      %dma_wait3A_1671 = arith.constant 1184 : i32
      %dma_wait3A_1672 = tpu.memref_slice %arg6[%dma_wait3A_1671] : memref<3584xf32, #tpu.memory_space<vmem>> -> memref<32xf32, #tpu.memory_space<vmem>>
      %dma_wait3A_1673 = tpu.memref_slice %arg3[%add3A_9, %mul3A_174] : memref<1024x102400xf32, #tpu.memory_space<hbm>> -> memref<1x32xf32, #tpu.memory_space<hbm>>
      %dma_wait3A_1674 = tpu.memref_squeeze %dma_wait3A_1673 : memref<1x32xf32, #tpu.memory_space<hbm>> -> memref<32xf32, #tpu.memory_space<hbm>>
      %dma_wait3A_1675 = arith.constant 1184 : i32
      %dma_wait3A_1676 = tpu.memref_slice %arg6[%dma_wait3A_1675] : memref<3584xf32, #tpu.memory_space<vmem>> -> memref<32xf32, #tpu.memory_space<vmem>>
      %dma_wait3A_1677 = tpu.memref_slice %arg3[%add3A_9, %mul3A_174] : memref<1024x102400xf32, #tpu.memory_space<hbm>> -> memref<1x32xf32, #tpu.memory_space<hbm>>
      %dma_wait3A_1678 = tpu.memref_squeeze %dma_wait3A_1677 : memref<1x32xf32, #tpu.memory_space<hbm>> -> memref<32xf32, #tpu.memory_space<hbm>>
      tpu.wait_dma2 semaphore(%arg8 : memref<!tpu.dma_semaphore, #tpu.memory_space<semaphore_mem>>) src(%dma_wait3A_1678 : memref<32xf32, #tpu.memory_space<hbm>>) dst(%dma_wait3A_1676 : memref<32xf32, #tpu.memory_space<vmem>>)
      %dma_wait3A_1679 = arith.constant 1216 : i32
      %dma_wait3A_1680 = tpu.memref_slice %arg6[%dma_wait3A_1679] : memref<3584xf32, #tpu.memory_space<vmem>> -> memref<32xf32, #tpu.memory_space<vmem>>
      %dma_wait3A_1681 = tpu.memref_slice %arg3[%add3A_9, %mul3A_178] : memref<1024x102400xf32, #tpu.memory_space<hbm>> -> memref<1x32xf32, #tpu.memory_space<hbm>>
      %dma_wait3A_1682 = tpu.memref_squeeze %dma_wait3A_1681 : memref<1x32xf32, #tpu.memory_space<hbm>> -> memref<32xf32, #tpu.memory_space<hbm>>
      %dma_wait3A_1683 = arith.constant 1216 : i32
      %dma_wait3A_1684 = tpu.memref_slice %arg6[%dma_wait3A_1683] : memref<3584xf32, #tpu.memory_space<vmem>> -> memref<32xf32, #tpu.memory_space<vmem>>
      %dma_wait3A_1685 = tpu.memref_slice %arg3[%add3A_9, %mul3A_178] : memref<1024x102400xf32, #tpu.memory_space<hbm>> -> memref<1x32xf32, #tpu.memory_space<hbm>>
      %dma_wait3A_1686 = tpu.memref_squeeze %dma_wait3A_1685 : memref<1x32xf32, #tpu.memory_space<hbm>> -> memref<32xf32, #tpu.memory_space<hbm>>
      tpu.wait_dma2 semaphore(%arg8 : memref<!tpu.dma_semaphore, #tpu.memory_space<semaphore_mem>>) src(%dma_wait3A_1686 : memref<32xf32, #tpu.memory_space<hbm>>) dst(%dma_wait3A_1684 : memref<32xf32, #tpu.memory_space<vmem>>)
      %dma_wait3A_1687 = arith.constant 1248 : i32
      %dma_wait3A_1688 = tpu.memref_slice %arg6[%dma_wait3A_1687] : memref<3584xf32, #tpu.memory_space<vmem>> -> memref<32xf32, #tpu.memory_space<vmem>>
      %dma_wait3A_1689 = tpu.memref_slice %arg3[%add3A_9, %mul3A_182] : memref<1024x102400xf32, #tpu.memory_space<hbm>> -> memref<1x32xf32, #tpu.memory_space<hbm>>
      %dma_wait3A_1690 = tpu.memref_squeeze %dma_wait3A_1689 : memref<1x32xf32, #tpu.memory_space<hbm>> -> memref<32xf32, #tpu.memory_space<hbm>>
      %dma_wait3A_1691 = arith.constant 1248 : i32
      %dma_wait3A_1692 = tpu.memref_slice %arg6[%dma_wait3A_1691] : memref<3584xf32, #tpu.memory_space<vmem>> -> memref<32xf32, #tpu.memory_space<vmem>>
      %dma_wait3A_1693 = tpu.memref_slice %arg3[%add3A_9, %mul3A_182] : memref<1024x102400xf32, #tpu.memory_space<hbm>> -> memref<1x32xf32, #tpu.memory_space<hbm>>
      %dma_wait3A_1694 = tpu.memref_squeeze %dma_wait3A_1693 : memref<1x32xf32, #tpu.memory_space<hbm>> -> memref<32xf32, #tpu.memory_space<hbm>>
      tpu.wait_dma2 semaphore(%arg8 : memref<!tpu.dma_semaphore, #tpu.memory_space<semaphore_mem>>) src(%dma_wait3A_1694 : memref<32xf32, #tpu.memory_space<hbm>>) dst(%dma_wait3A_1692 : memref<32xf32, #tpu.memory_space<vmem>>)
      %dma_wait3A_1695 = arith.constant 1280 : i32
      %dma_wait3A_1696 = tpu.memref_slice %arg6[%dma_wait3A_1695] : memref<3584xf32, #tpu.memory_space<vmem>> -> memref<32xf32, #tpu.memory_space<vmem>>
      %dma_wait3A_1697 = tpu.memref_slice %arg3[%add3A_9, %mul3A_186] : memref<1024x102400xf32, #tpu.memory_space<hbm>> -> memref<1x32xf32, #tpu.memory_space<hbm>>
      %dma_wait3A_1698 = tpu.memref_squeeze %dma_wait3A_1697 : memref<1x32xf32, #tpu.memory_space<hbm>> -> memref<32xf32, #tpu.memory_space<hbm>>
      %dma_wait3A_1699 = arith.constant 1280 : i32
      %dma_wait3A_1700 = tpu.memref_slice %arg6[%dma_wait3A_1699] : memref<3584xf32, #tpu.memory_space<vmem>> -> memref<32xf32, #tpu.memory_space<vmem>>
      %dma_wait3A_1701 = tpu.memref_slice %arg3[%add3A_9, %mul3A_186] : memref<1024x102400xf32, #tpu.memory_space<hbm>> -> memref<1x32xf32, #tpu.memory_space<hbm>>
      %dma_wait3A_1702 = tpu.memref_squeeze %dma_wait3A_1701 : memref<1x32xf32, #tpu.memory_space<hbm>> -> memref<32xf32, #tpu.memory_space<hbm>>
      tpu.wait_dma2 semaphore(%arg8 : memref<!tpu.dma_semaphore, #tpu.memory_space<semaphore_mem>>) src(%dma_wait3A_1702 : memref<32xf32, #tpu.memory_space<hbm>>) dst(%dma_wait3A_1700 : memref<32xf32, #tpu.memory_space<vmem>>)
      %dma_wait3A_1703 = arith.constant 1312 : i32
      %dma_wait3A_1704 = tpu.memref_slice %arg6[%dma_wait3A_1703] : memref<3584xf32, #tpu.memory_space<vmem>> -> memref<32xf32, #tpu.memory_space<vmem>>
      %dma_wait3A_1705 = tpu.memref_slice %arg3[%add3A_9, %mul3A_190] : memref<1024x102400xf32, #tpu.memory_space<hbm>> -> memref<1x32xf32, #tpu.memory_space<hbm>>
      %dma_wait3A_1706 = tpu.memref_squeeze %dma_wait3A_1705 : memref<1x32xf32, #tpu.memory_space<hbm>> -> memref<32xf32, #tpu.memory_space<hbm>>
      %dma_wait3A_1707 = arith.constant 1312 : i32
      %dma_wait3A_1708 = tpu.memref_slice %arg6[%dma_wait3A_1707] : memref<3584xf32, #tpu.memory_space<vmem>> -> memref<32xf32, #tpu.memory_space<vmem>>
      %dma_wait3A_1709 = tpu.memref_slice %arg3[%add3A_9, %mul3A_190] : memref<1024x102400xf32, #tpu.memory_space<hbm>> -> memref<1x32xf32, #tpu.memory_space<hbm>>
      %dma_wait3A_1710 = tpu.memref_squeeze %dma_wait3A_1709 : memref<1x32xf32, #tpu.memory_space<hbm>> -> memref<32xf32, #tpu.memory_space<hbm>>
      tpu.wait_dma2 semaphore(%arg8 : memref<!tpu.dma_semaphore, #tpu.memory_space<semaphore_mem>>) src(%dma_wait3A_1710 : memref<32xf32, #tpu.memory_space<hbm>>) dst(%dma_wait3A_1708 : memref<32xf32, #tpu.memory_space<vmem>>)
      %dma_wait3A_1711 = arith.constant 1344 : i32
      %dma_wait3A_1712 = tpu.memref_slice %arg6[%dma_wait3A_1711] : memref<3584xf32, #tpu.memory_space<vmem>> -> memref<32xf32, #tpu.memory_space<vmem>>
      %dma_wait3A_1713 = tpu.memref_slice %arg3[%add3A_9, %mul3A_194] : memref<1024x102400xf32, #tpu.memory_space<hbm>> -> memref<1x32xf32, #tpu.memory_space<hbm>>
      %dma_wait3A_1714 = tpu.memref_squeeze %dma_wait3A_1713 : memref<1x32xf32, #tpu.memory_space<hbm>> -> memref<32xf32, #tpu.memory_space<hbm>>
      %dma_wait3A_1715 = arith.constant 1344 : i32
      %dma_wait3A_1716 = tpu.memref_slice %arg6[%dma_wait3A_1715] : memref<3584xf32, #tpu.memory_space<vmem>> -> memref<32xf32, #tpu.memory_space<vmem>>
      %dma_wait3A_1717 = tpu.memref_slice %arg3[%add3A_9, %mul3A_194] : memref<1024x102400xf32, #tpu.memory_space<hbm>> -> memref<1x32xf32, #tpu.memory_space<hbm>>
      %dma_wait3A_1718 = tpu.memref_squeeze %dma_wait3A_1717 : memref<1x32xf32, #tpu.memory_space<hbm>> -> memref<32xf32, #tpu.memory_space<hbm>>
      tpu.wait_dma2 semaphore(%arg8 : memref<!tpu.dma_semaphore, #tpu.memory_space<semaphore_mem>>) src(%dma_wait3A_1718 : memref<32xf32, #tpu.memory_space<hbm>>) dst(%dma_wait3A_1716 : memref<32xf32, #tpu.memory_space<vmem>>)
      %dma_wait3A_1719 = arith.constant 1376 : i32
      %dma_wait3A_1720 = tpu.memref_slice %arg6[%dma_wait3A_1719] : memref<3584xf32, #tpu.memory_space<vmem>> -> memref<32xf32, #tpu.memory_space<vmem>>
      %dma_wait3A_1721 = tpu.memref_slice %arg3[%add3A_9, %mul3A_198] : memref<1024x102400xf32, #tpu.memory_space<hbm>> -> memref<1x32xf32, #tpu.memory_space<hbm>>
      %dma_wait3A_1722 = tpu.memref_squeeze %dma_wait3A_1721 : memref<1x32xf32, #tpu.memory_space<hbm>> -> memref<32xf32, #tpu.memory_space<hbm>>
      %dma_wait3A_1723 = arith.constant 1376 : i32
      %dma_wait3A_1724 = tpu.memref_slice %arg6[%dma_wait3A_1723] : memref<3584xf32, #tpu.memory_space<vmem>> -> memref<32xf32, #tpu.memory_space<vmem>>
      %dma_wait3A_1725 = tpu.memref_slice %arg3[%add3A_9, %mul3A_198] : memref<1024x102400xf32, #tpu.memory_space<hbm>> -> memref<1x32xf32, #tpu.memory_space<hbm>>
      %dma_wait3A_1726 = tpu.memref_squeeze %dma_wait3A_1725 : memref<1x32xf32, #tpu.memory_space<hbm>> -> memref<32xf32, #tpu.memory_space<hbm>>
      tpu.wait_dma2 semaphore(%arg8 : memref<!tpu.dma_semaphore, #tpu.memory_space<semaphore_mem>>) src(%dma_wait3A_1726 : memref<32xf32, #tpu.memory_space<hbm>>) dst(%dma_wait3A_1724 : memref<32xf32, #tpu.memory_space<vmem>>)
      %dma_wait3A_1727 = arith.constant 1408 : i32
      %dma_wait3A_1728 = tpu.memref_slice %arg6[%dma_wait3A_1727] : memref<3584xf32, #tpu.memory_space<vmem>> -> memref<32xf32, #tpu.memory_space<vmem>>
      %dma_wait3A_1729 = tpu.memref_slice %arg3[%add3A_9, %mul3A_202] : memref<1024x102400xf32, #tpu.memory_space<hbm>> -> memref<1x32xf32, #tpu.memory_space<hbm>>
      %dma_wait3A_1730 = tpu.memref_squeeze %dma_wait3A_1729 : memref<1x32xf32, #tpu.memory_space<hbm>> -> memref<32xf32, #tpu.memory_space<hbm>>
      %dma_wait3A_1731 = arith.constant 1408 : i32
      %dma_wait3A_1732 = tpu.memref_slice %arg6[%dma_wait3A_1731] : memref<3584xf32, #tpu.memory_space<vmem>> -> memref<32xf32, #tpu.memory_space<vmem>>
      %dma_wait3A_1733 = tpu.memref_slice %arg3[%add3A_9, %mul3A_202] : memref<1024x102400xf32, #tpu.memory_space<hbm>> -> memref<1x32xf32, #tpu.memory_space<hbm>>
      %dma_wait3A_1734 = tpu.memref_squeeze %dma_wait3A_1733 : memref<1x32xf32, #tpu.memory_space<hbm>> -> memref<32xf32, #tpu.memory_space<hbm>>
      tpu.wait_dma2 semaphore(%arg8 : memref<!tpu.dma_semaphore, #tpu.memory_space<semaphore_mem>>) src(%dma_wait3A_1734 : memref<32xf32, #tpu.memory_space<hbm>>) dst(%dma_wait3A_1732 : memref<32xf32, #tpu.memory_space<vmem>>)
      %dma_wait3A_1735 = arith.constant 1440 : i32
      %dma_wait3A_1736 = tpu.memref_slice %arg6[%dma_wait3A_1735] : memref<3584xf32, #tpu.memory_space<vmem>> -> memref<32xf32, #tpu.memory_space<vmem>>
      %dma_wait3A_1737 = tpu.memref_slice %arg3[%add3A_9, %mul3A_206] : memref<1024x102400xf32, #tpu.memory_space<hbm>> -> memref<1x32xf32, #tpu.memory_space<hbm>>
      %dma_wait3A_1738 = tpu.memref_squeeze %dma_wait3A_1737 : memref<1x32xf32, #tpu.memory_space<hbm>> -> memref<32xf32, #tpu.memory_space<hbm>>
      %dma_wait3A_1739 = arith.constant 1440 : i32
      %dma_wait3A_1740 = tpu.memref_slice %arg6[%dma_wait3A_1739] : memref<3584xf32, #tpu.memory_space<vmem>> -> memref<32xf32, #tpu.memory_space<vmem>>
      %dma_wait3A_1741 = tpu.memref_slice %arg3[%add3A_9, %mul3A_206] : memref<1024x102400xf32, #tpu.memory_space<hbm>> -> memref<1x32xf32, #tpu.memory_space<hbm>>
      %dma_wait3A_1742 = tpu.memref_squeeze %dma_wait3A_1741 : memref<1x32xf32, #tpu.memory_space<hbm>> -> memref<32xf32, #tpu.memory_space<hbm>>
      tpu.wait_dma2 semaphore(%arg8 : memref<!tpu.dma_semaphore, #tpu.memory_space<semaphore_mem>>) src(%dma_wait3A_1742 : memref<32xf32, #tpu.memory_space<hbm>>) dst(%dma_wait3A_1740 : memref<32xf32, #tpu.memory_space<vmem>>)
      %dma_wait3A_1743 = arith.constant 1472 : i32
      %dma_wait3A_1744 = tpu.memref_slice %arg6[%dma_wait3A_1743] : memref<3584xf32, #tpu.memory_space<vmem>> -> memref<32xf32, #tpu.memory_space<vmem>>
      %dma_wait3A_1745 = tpu.memref_slice %arg3[%add3A_9, %mul3A_210] : memref<1024x102400xf32, #tpu.memory_space<hbm>> -> memref<1x32xf32, #tpu.memory_space<hbm>>
      %dma_wait3A_1746 = tpu.memref_squeeze %dma_wait3A_1745 : memref<1x32xf32, #tpu.memory_space<hbm>> -> memref<32xf32, #tpu.memory_space<hbm>>
      %dma_wait3A_1747 = arith.constant 1472 : i32
      %dma_wait3A_1748 = tpu.memref_slice %arg6[%dma_wait3A_1747] : memref<3584xf32, #tpu.memory_space<vmem>> -> memref<32xf32, #tpu.memory_space<vmem>>
      %dma_wait3A_1749 = tpu.memref_slice %arg3[%add3A_9, %mul3A_210] : memref<1024x102400xf32, #tpu.memory_space<hbm>> -> memref<1x32xf32, #tpu.memory_space<hbm>>
      %dma_wait3A_1750 = tpu.memref_squeeze %dma_wait3A_1749 : memref<1x32xf32, #tpu.memory_space<hbm>> -> memref<32xf32, #tpu.memory_space<hbm>>
      tpu.wait_dma2 semaphore(%arg8 : memref<!tpu.dma_semaphore, #tpu.memory_space<semaphore_mem>>) src(%dma_wait3A_1750 : memref<32xf32, #tpu.memory_space<hbm>>) dst(%dma_wait3A_1748 : memref<32xf32, #tpu.memory_space<vmem>>)
      %dma_wait3A_1751 = arith.constant 1504 : i32
      %dma_wait3A_1752 = tpu.memref_slice %arg6[%dma_wait3A_1751] : memref<3584xf32, #tpu.memory_space<vmem>> -> memref<32xf32, #tpu.memory_space<vmem>>
      %dma_wait3A_1753 = tpu.memref_slice %arg3[%add3A_9, %mul3A_214] : memref<1024x102400xf32, #tpu.memory_space<hbm>> -> memref<1x32xf32, #tpu.memory_space<hbm>>
      %dma_wait3A_1754 = tpu.memref_squeeze %dma_wait3A_1753 : memref<1x32xf32, #tpu.memory_space<hbm>> -> memref<32xf32, #tpu.memory_space<hbm>>
      %dma_wait3A_1755 = arith.constant 1504 : i32
      %dma_wait3A_1756 = tpu.memref_slice %arg6[%dma_wait3A_1755] : memref<3584xf32, #tpu.memory_space<vmem>> -> memref<32xf32, #tpu.memory_space<vmem>>
      %dma_wait3A_1757 = tpu.memref_slice %arg3[%add3A_9, %mul3A_214] : memref<1024x102400xf32, #tpu.memory_space<hbm>> -> memref<1x32xf32, #tpu.memory_space<hbm>>
      %dma_wait3A_1758 = tpu.memref_squeeze %dma_wait3A_1757 : memref<1x32xf32, #tpu.memory_space<hbm>> -> memref<32xf32, #tpu.memory_space<hbm>>
      tpu.wait_dma2 semaphore(%arg8 : memref<!tpu.dma_semaphore, #tpu.memory_space<semaphore_mem>>) src(%dma_wait3A_1758 : memref<32xf32, #tpu.memory_space<hbm>>) dst(%dma_wait3A_1756 : memref<32xf32, #tpu.memory_space<vmem>>)
      %dma_wait3A_1759 = arith.constant 1536 : i32
      %dma_wait3A_1760 = tpu.memref_slice %arg6[%dma_wait3A_1759] : memref<3584xf32, #tpu.memory_space<vmem>> -> memref<32xf32, #tpu.memory_space<vmem>>
      %dma_wait3A_1761 = tpu.memref_slice %arg3[%add3A_9, %mul3A_220] : memref<1024x102400xf32, #tpu.memory_space<hbm>> -> memref<1x32xf32, #tpu.memory_space<hbm>>
      %dma_wait3A_1762 = tpu.memref_squeeze %dma_wait3A_1761 : memref<1x32xf32, #tpu.memory_space<hbm>> -> memref<32xf32, #tpu.memory_space<hbm>>
      %dma_wait3A_1763 = arith.constant 1536 : i32
      %dma_wait3A_1764 = tpu.memref_slice %arg6[%dma_wait3A_1763] : memref<3584xf32, #tpu.memory_space<vmem>> -> memref<32xf32, #tpu.memory_space<vmem>>
      %dma_wait3A_1765 = tpu.memref_slice %arg3[%add3A_9, %mul3A_220] : memref<1024x102400xf32, #tpu.memory_space<hbm>> -> memref<1x32xf32, #tpu.memory_space<hbm>>
      %dma_wait3A_1766 = tpu.memref_squeeze %dma_wait3A_1765 : memref<1x32xf32, #tpu.memory_space<hbm>> -> memref<32xf32, #tpu.memory_space<hbm>>
      tpu.wait_dma2 semaphore(%arg8 : memref<!tpu.dma_semaphore, #tpu.memory_space<semaphore_mem>>) src(%dma_wait3A_1766 : memref<32xf32, #tpu.memory_space<hbm>>) dst(%dma_wait3A_1764 : memref<32xf32, #tpu.memory_space<vmem>>)
      %dma_wait3A_1767 = arith.constant 1568 : i32
      %dma_wait3A_1768 = tpu.memref_slice %arg6[%dma_wait3A_1767] : memref<3584xf32, #tpu.memory_space<vmem>> -> memref<32xf32, #tpu.memory_space<vmem>>
      %dma_wait3A_1769 = tpu.memref_slice %arg3[%add3A_9, %mul3A_224] : memref<1024x102400xf32, #tpu.memory_space<hbm>> -> memref<1x32xf32, #tpu.memory_space<hbm>>
      %dma_wait3A_1770 = tpu.memref_squeeze %dma_wait3A_1769 : memref<1x32xf32, #tpu.memory_space<hbm>> -> memref<32xf32, #tpu.memory_space<hbm>>
      %dma_wait3A_1771 = arith.constant 1568 : i32
      %dma_wait3A_1772 = tpu.memref_slice %arg6[%dma_wait3A_1771] : memref<3584xf32, #tpu.memory_space<vmem>> -> memref<32xf32, #tpu.memory_space<vmem>>
      %dma_wait3A_1773 = tpu.memref_slice %arg3[%add3A_9, %mul3A_224] : memref<1024x102400xf32, #tpu.memory_space<hbm>> -> memref<1x32xf32, #tpu.memory_space<hbm>>
      %dma_wait3A_1774 = tpu.memref_squeeze %dma_wait3A_1773 : memref<1x32xf32, #tpu.memory_space<hbm>> -> memref<32xf32, #tpu.memory_space<hbm>>
      tpu.wait_dma2 semaphore(%arg8 : memref<!tpu.dma_semaphore, #tpu.memory_space<semaphore_mem>>) src(%dma_wait3A_1774 : memref<32xf32, #tpu.memory_space<hbm>>) dst(%dma_wait3A_1772 : memref<32xf32, #tpu.memory_space<vmem>>)
      %dma_wait3A_1775 = arith.constant 1600 : i32
      %dma_wait3A_1776 = tpu.memref_slice %arg6[%dma_wait3A_1775] : memref<3584xf32, #tpu.memory_space<vmem>> -> memref<32xf32, #tpu.memory_space<vmem>>
      %dma_wait3A_1777 = tpu.memref_slice %arg3[%add3A_9, %mul3A_228] : memref<1024x102400xf32, #tpu.memory_space<hbm>> -> memref<1x32xf32, #tpu.memory_space<hbm>>
      %dma_wait3A_1778 = tpu.memref_squeeze %dma_wait3A_1777 : memref<1x32xf32, #tpu.memory_space<hbm>> -> memref<32xf32, #tpu.memory_space<hbm>>
      %dma_wait3A_1779 = arith.constant 1600 : i32
      %dma_wait3A_1780 = tpu.memref_slice %arg6[%dma_wait3A_1779] : memref<3584xf32, #tpu.memory_space<vmem>> -> memref<32xf32, #tpu.memory_space<vmem>>
      %dma_wait3A_1781 = tpu.memref_slice %arg3[%add3A_9, %mul3A_228] : memref<1024x102400xf32, #tpu.memory_space<hbm>> -> memref<1x32xf32, #tpu.memory_space<hbm>>
      %dma_wait3A_1782 = tpu.memref_squeeze %dma_wait3A_1781 : memref<1x32xf32, #tpu.memory_space<hbm>> -> memref<32xf32, #tpu.memory_space<hbm>>
      tpu.wait_dma2 semaphore(%arg8 : memref<!tpu.dma_semaphore, #tpu.memory_space<semaphore_mem>>) src(%dma_wait3A_1782 : memref<32xf32, #tpu.memory_space<hbm>>) dst(%dma_wait3A_1780 : memref<32xf32, #tpu.memory_space<vmem>>)
      %dma_wait3A_1783 = arith.constant 1632 : i32
      %dma_wait3A_1784 = tpu.memref_slice %arg6[%dma_wait3A_1783] : memref<3584xf32, #tpu.memory_space<vmem>> -> memref<32xf32, #tpu.memory_space<vmem>>
      %dma_wait3A_1785 = tpu.memref_slice %arg3[%add3A_9, %mul3A_232] : memref<1024x102400xf32, #tpu.memory_space<hbm>> -> memref<1x32xf32, #tpu.memory_space<hbm>>
      %dma_wait3A_1786 = tpu.memref_squeeze %dma_wait3A_1785 : memref<1x32xf32, #tpu.memory_space<hbm>> -> memref<32xf32, #tpu.memory_space<hbm>>
      %dma_wait3A_1787 = arith.constant 1632 : i32
      %dma_wait3A_1788 = tpu.memref_slice %arg6[%dma_wait3A_1787] : memref<3584xf32, #tpu.memory_space<vmem>> -> memref<32xf32, #tpu.memory_space<vmem>>
      %dma_wait3A_1789 = tpu.memref_slice %arg3[%add3A_9, %mul3A_232] : memref<1024x102400xf32, #tpu.memory_space<hbm>> -> memref<1x32xf32, #tpu.memory_space<hbm>>
      %dma_wait3A_1790 = tpu.memref_squeeze %dma_wait3A_1789 : memref<1x32xf32, #tpu.memory_space<hbm>> -> memref<32xf32, #tpu.memory_space<hbm>>
      tpu.wait_dma2 semaphore(%arg8 : memref<!tpu.dma_semaphore, #tpu.memory_space<semaphore_mem>>) src(%dma_wait3A_1790 : memref<32xf32, #tpu.memory_space<hbm>>) dst(%dma_wait3A_1788 : memref<32xf32, #tpu.memory_space<vmem>>)
      %dma_wait3A_1791 = arith.constant 1664 : i32
      %dma_wait3A_1792 = tpu.memref_slice %arg6[%dma_wait3A_1791] : memref<3584xf32, #tpu.memory_space<vmem>> -> memref<32xf32, #tpu.memory_space<vmem>>
      %dma_wait3A_1793 = tpu.memref_slice %arg3[%add3A_9, %mul3A_236] : memref<1024x102400xf32, #tpu.memory_space<hbm>> -> memref<1x32xf32, #tpu.memory_space<hbm>>
      %dma_wait3A_1794 = tpu.memref_squeeze %dma_wait3A_1793 : memref<1x32xf32, #tpu.memory_space<hbm>> -> memref<32xf32, #tpu.memory_space<hbm>>
      %dma_wait3A_1795 = arith.constant 1664 : i32
      %dma_wait3A_1796 = tpu.memref_slice %arg6[%dma_wait3A_1795] : memref<3584xf32, #tpu.memory_space<vmem>> -> memref<32xf32, #tpu.memory_space<vmem>>
      %dma_wait3A_1797 = tpu.memref_slice %arg3[%add3A_9, %mul3A_236] : memref<1024x102400xf32, #tpu.memory_space<hbm>> -> memref<1x32xf32, #tpu.memory_space<hbm>>
      %dma_wait3A_1798 = tpu.memref_squeeze %dma_wait3A_1797 : memref<1x32xf32, #tpu.memory_space<hbm>> -> memref<32xf32, #tpu.memory_space<hbm>>
      tpu.wait_dma2 semaphore(%arg8 : memref<!tpu.dma_semaphore, #tpu.memory_space<semaphore_mem>>) src(%dma_wait3A_1798 : memref<32xf32, #tpu.memory_space<hbm>>) dst(%dma_wait3A_1796 : memref<32xf32, #tpu.memory_space<vmem>>)
      %dma_wait3A_1799 = arith.constant 1696 : i32
      %dma_wait3A_1800 = tpu.memref_slice %arg6[%dma_wait3A_1799] : memref<3584xf32, #tpu.memory_space<vmem>> -> memref<32xf32, #tpu.memory_space<vmem>>
      %dma_wait3A_1801 = tpu.memref_slice %arg3[%add3A_9, %mul3A_240] : memref<1024x102400xf32, #tpu.memory_space<hbm>> -> memref<1x32xf32, #tpu.memory_space<hbm>>
      %dma_wait3A_1802 = tpu.memref_squeeze %dma_wait3A_1801 : memref<1x32xf32, #tpu.memory_space<hbm>> -> memref<32xf32, #tpu.memory_space<hbm>>
      %dma_wait3A_1803 = arith.constant 1696 : i32
      %dma_wait3A_1804 = tpu.memref_slice %arg6[%dma_wait3A_1803] : memref<3584xf32, #tpu.memory_space<vmem>> -> memref<32xf32, #tpu.memory_space<vmem>>
      %dma_wait3A_1805 = tpu.memref_slice %arg3[%add3A_9, %mul3A_240] : memref<1024x102400xf32, #tpu.memory_space<hbm>> -> memref<1x32xf32, #tpu.memory_space<hbm>>
      %dma_wait3A_1806 = tpu.memref_squeeze %dma_wait3A_1805 : memref<1x32xf32, #tpu.memory_space<hbm>> -> memref<32xf32, #tpu.memory_space<hbm>>
      tpu.wait_dma2 semaphore(%arg8 : memref<!tpu.dma_semaphore, #tpu.memory_space<semaphore_mem>>) src(%dma_wait3A_1806 : memref<32xf32, #tpu.memory_space<hbm>>) dst(%dma_wait3A_1804 : memref<32xf32, #tpu.memory_space<vmem>>)
      %dma_wait3A_1807 = arith.constant 1728 : i32
      %dma_wait3A_1808 = tpu.memref_slice %arg6[%dma_wait3A_1807] : memref<3584xf32, #tpu.memory_space<vmem>> -> memref<32xf32, #tpu.memory_space<vmem>>
      %dma_wait3A_1809 = tpu.memref_slice %arg3[%add3A_9, %mul3A_244] : memref<1024x102400xf32, #tpu.memory_space<hbm>> -> memref<1x32xf32, #tpu.memory_space<hbm>>
      %dma_wait3A_1810 = tpu.memref_squeeze %dma_wait3A_1809 : memref<1x32xf32, #tpu.memory_space<hbm>> -> memref<32xf32, #tpu.memory_space<hbm>>
      %dma_wait3A_1811 = arith.constant 1728 : i32
      %dma_wait3A_1812 = tpu.memref_slice %arg6[%dma_wait3A_1811] : memref<3584xf32, #tpu.memory_space<vmem>> -> memref<32xf32, #tpu.memory_space<vmem>>
      %dma_wait3A_1813 = tpu.memref_slice %arg3[%add3A_9, %mul3A_244] : memref<1024x102400xf32, #tpu.memory_space<hbm>> -> memref<1x32xf32, #tpu.memory_space<hbm>>
      %dma_wait3A_1814 = tpu.memref_squeeze %dma_wait3A_1813 : memref<1x32xf32, #tpu.memory_space<hbm>> -> memref<32xf32, #tpu.memory_space<hbm>>
      tpu.wait_dma2 semaphore(%arg8 : memref<!tpu.dma_semaphore, #tpu.memory_space<semaphore_mem>>) src(%dma_wait3A_1814 : memref<32xf32, #tpu.memory_space<hbm>>) dst(%dma_wait3A_1812 : memref<32xf32, #tpu.memory_space<vmem>>)
      %dma_wait3A_1815 = arith.constant 1760 : i32
      %dma_wait3A_1816 = tpu.memref_slice %arg6[%dma_wait3A_1815] : memref<3584xf32, #tpu.memory_space<vmem>> -> memref<32xf32, #tpu.memory_space<vmem>>
      %dma_wait3A_1817 = tpu.memref_slice %arg3[%add3A_9, %mul3A_248] : memref<1024x102400xf32, #tpu.memory_space<hbm>> -> memref<1x32xf32, #tpu.memory_space<hbm>>
      %dma_wait3A_1818 = tpu.memref_squeeze %dma_wait3A_1817 : memref<1x32xf32, #tpu.memory_space<hbm>> -> memref<32xf32, #tpu.memory_space<hbm>>
      %dma_wait3A_1819 = arith.constant 1760 : i32
      %dma_wait3A_1820 = tpu.memref_slice %arg6[%dma_wait3A_1819] : memref<3584xf32, #tpu.memory_space<vmem>> -> memref<32xf32, #tpu.memory_space<vmem>>
      %dma_wait3A_1821 = tpu.memref_slice %arg3[%add3A_9, %mul3A_248] : memref<1024x102400xf32, #tpu.memory_space<hbm>> -> memref<1x32xf32, #tpu.memory_space<hbm>>
      %dma_wait3A_1822 = tpu.memref_squeeze %dma_wait3A_1821 : memref<1x32xf32, #tpu.memory_space<hbm>> -> memref<32xf32, #tpu.memory_space<hbm>>
      tpu.wait_dma2 semaphore(%arg8 : memref<!tpu.dma_semaphore, #tpu.memory_space<semaphore_mem>>) src(%dma_wait3A_1822 : memref<32xf32, #tpu.memory_space<hbm>>) dst(%dma_wait3A_1820 : memref<32xf32, #tpu.memory_space<vmem>>)
      %dma_wait3A_1823 = arith.constant 1792 : i32
      %dma_wait3A_1824 = tpu.memref_slice %arg6[%dma_wait3A_1823] : memref<3584xf32, #tpu.memory_space<vmem>> -> memref<32xf32, #tpu.memory_space<vmem>>
      %dma_wait3A_1825 = tpu.memref_slice %arg3[%add3A_9, %mul3A_252] : memref<1024x102400xf32, #tpu.memory_space<hbm>> -> memref<1x32xf32, #tpu.memory_space<hbm>>
      %dma_wait3A_1826 = tpu.memref_squeeze %dma_wait3A_1825 : memref<1x32xf32, #tpu.memory_space<hbm>> -> memref<32xf32, #tpu.memory_space<hbm>>
      %dma_wait3A_1827 = arith.constant 1792 : i32
      %dma_wait3A_1828 = tpu.memref_slice %arg6[%dma_wait3A_1827] : memref<3584xf32, #tpu.memory_space<vmem>> -> memref<32xf32, #tpu.memory_space<vmem>>
      %dma_wait3A_1829 = tpu.memref_slice %arg3[%add3A_9, %mul3A_252] : memref<1024x102400xf32, #tpu.memory_space<hbm>> -> memref<1x32xf32, #tpu.memory_space<hbm>>
      %dma_wait3A_1830 = tpu.memref_squeeze %dma_wait3A_1829 : memref<1x32xf32, #tpu.memory_space<hbm>> -> memref<32xf32, #tpu.memory_space<hbm>>
      tpu.wait_dma2 semaphore(%arg8 : memref<!tpu.dma_semaphore, #tpu.memory_space<semaphore_mem>>) src(%dma_wait3A_1830 : memref<32xf32, #tpu.memory_space<hbm>>) dst(%dma_wait3A_1828 : memref<32xf32, #tpu.memory_space<vmem>>)
      %dma_wait3A_1831 = arith.constant 1824 : i32
      %dma_wait3A_1832 = tpu.memref_slice %arg6[%dma_wait3A_1831] : memref<3584xf32, #tpu.memory_space<vmem>> -> memref<32xf32, #tpu.memory_space<vmem>>
      %dma_wait3A_1833 = tpu.memref_slice %arg3[%add3A_9, %mul3A_256] : memref<1024x102400xf32, #tpu.memory_space<hbm>> -> memref<1x32xf32, #tpu.memory_space<hbm>>
      %dma_wait3A_1834 = tpu.memref_squeeze %dma_wait3A_1833 : memref<1x32xf32, #tpu.memory_space<hbm>> -> memref<32xf32, #tpu.memory_space<hbm>>
      %dma_wait3A_1835 = arith.constant 1824 : i32
      %dma_wait3A_1836 = tpu.memref_slice %arg6[%dma_wait3A_1835] : memref<3584xf32, #tpu.memory_space<vmem>> -> memref<32xf32, #tpu.memory_space<vmem>>
      %dma_wait3A_1837 = tpu.memref_slice %arg3[%add3A_9, %mul3A_256] : memref<1024x102400xf32, #tpu.memory_space<hbm>> -> memref<1x32xf32, #tpu.memory_space<hbm>>
      %dma_wait3A_1838 = tpu.memref_squeeze %dma_wait3A_1837 : memref<1x32xf32, #tpu.memory_space<hbm>> -> memref<32xf32, #tpu.memory_space<hbm>>
      tpu.wait_dma2 semaphore(%arg8 : memref<!tpu.dma_semaphore, #tpu.memory_space<semaphore_mem>>) src(%dma_wait3A_1838 : memref<32xf32, #tpu.memory_space<hbm>>) dst(%dma_wait3A_1836 : memref<32xf32, #tpu.memory_space<vmem>>)
      %dma_wait3A_1839 = arith.constant 1856 : i32
      %dma_wait3A_1840 = tpu.memref_slice %arg6[%dma_wait3A_1839] : memref<3584xf32, #tpu.memory_space<vmem>> -> memref<32xf32, #tpu.memory_space<vmem>>
      %dma_wait3A_1841 = tpu.memref_slice %arg3[%add3A_9, %mul3A_260] : memref<1024x102400xf32, #tpu.memory_space<hbm>> -> memref<1x32xf32, #tpu.memory_space<hbm>>
      %dma_wait3A_1842 = tpu.memref_squeeze %dma_wait3A_1841 : memref<1x32xf32, #tpu.memory_space<hbm>> -> memref<32xf32, #tpu.memory_space<hbm>>
      %dma_wait3A_1843 = arith.constant 1856 : i32
      %dma_wait3A_1844 = tpu.memref_slice %arg6[%dma_wait3A_1843] : memref<3584xf32, #tpu.memory_space<vmem>> -> memref<32xf32, #tpu.memory_space<vmem>>
      %dma_wait3A_1845 = tpu.memref_slice %arg3[%add3A_9, %mul3A_260] : memref<1024x102400xf32, #tpu.memory_space<hbm>> -> memref<1x32xf32, #tpu.memory_space<hbm>>
      %dma_wait3A_1846 = tpu.memref_squeeze %dma_wait3A_1845 : memref<1x32xf32, #tpu.memory_space<hbm>> -> memref<32xf32, #tpu.memory_space<hbm>>
      tpu.wait_dma2 semaphore(%arg8 : memref<!tpu.dma_semaphore, #tpu.memory_space<semaphore_mem>>) src(%dma_wait3A_1846 : memref<32xf32, #tpu.memory_space<hbm>>) dst(%dma_wait3A_1844 : memref<32xf32, #tpu.memory_space<vmem>>)
      %dma_wait3A_1847 = arith.constant 1888 : i32
      %dma_wait3A_1848 = tpu.memref_slice %arg6[%dma_wait3A_1847] : memref<3584xf32, #tpu.memory_space<vmem>> -> memref<32xf32, #tpu.memory_space<vmem>>
      %dma_wait3A_1849 = tpu.memref_slice %arg3[%add3A_9, %mul3A_264] : memref<1024x102400xf32, #tpu.memory_space<hbm>> -> memref<1x32xf32, #tpu.memory_space<hbm>>
      %dma_wait3A_1850 = tpu.memref_squeeze %dma_wait3A_1849 : memref<1x32xf32, #tpu.memory_space<hbm>> -> memref<32xf32, #tpu.memory_space<hbm>>
      %dma_wait3A_1851 = arith.constant 1888 : i32
      %dma_wait3A_1852 = tpu.memref_slice %arg6[%dma_wait3A_1851] : memref<3584xf32, #tpu.memory_space<vmem>> -> memref<32xf32, #tpu.memory_space<vmem>>
      %dma_wait3A_1853 = tpu.memref_slice %arg3[%add3A_9, %mul3A_264] : memref<1024x102400xf32, #tpu.memory_space<hbm>> -> memref<1x32xf32, #tpu.memory_space<hbm>>
      %dma_wait3A_1854 = tpu.memref_squeeze %dma_wait3A_1853 : memref<1x32xf32, #tpu.memory_space<hbm>> -> memref<32xf32, #tpu.memory_space<hbm>>
      tpu.wait_dma2 semaphore(%arg8 : memref<!tpu.dma_semaphore, #tpu.memory_space<semaphore_mem>>) src(%dma_wait3A_1854 : memref<32xf32, #tpu.memory_space<hbm>>) dst(%dma_wait3A_1852 : memref<32xf32, #tpu.memory_space<vmem>>)
      %dma_wait3A_1855 = arith.constant 1920 : i32
      %dma_wait3A_1856 = tpu.memref_slice %arg6[%dma_wait3A_1855] : memref<3584xf32, #tpu.memory_space<vmem>> -> memref<32xf32, #tpu.memory_space<vmem>>
      %dma_wait3A_1857 = tpu.memref_slice %arg3[%add3A_9, %mul3A_268] : memref<1024x102400xf32, #tpu.memory_space<hbm>> -> memref<1x32xf32, #tpu.memory_space<hbm>>
      %dma_wait3A_1858 = tpu.memref_squeeze %dma_wait3A_1857 : memref<1x32xf32, #tpu.memory_space<hbm>> -> memref<32xf32, #tpu.memory_space<hbm>>
      %dma_wait3A_1859 = arith.constant 1920 : i32
      %dma_wait3A_1860 = tpu.memref_slice %arg6[%dma_wait3A_1859] : memref<3584xf32, #tpu.memory_space<vmem>> -> memref<32xf32, #tpu.memory_space<vmem>>
      %dma_wait3A_1861 = tpu.memref_slice %arg3[%add3A_9, %mul3A_268] : memref<1024x102400xf32, #tpu.memory_space<hbm>> -> memref<1x32xf32, #tpu.memory_space<hbm>>
      %dma_wait3A_1862 = tpu.memref_squeeze %dma_wait3A_1861 : memref<1x32xf32, #tpu.memory_space<hbm>> -> memref<32xf32, #tpu.memory_space<hbm>>
      tpu.wait_dma2 semaphore(%arg8 : memref<!tpu.dma_semaphore, #tpu.memory_space<semaphore_mem>>) src(%dma_wait3A_1862 : memref<32xf32, #tpu.memory_space<hbm>>) dst(%dma_wait3A_1860 : memref<32xf32, #tpu.memory_space<vmem>>)
      %dma_wait3A_1863 = arith.constant 1952 : i32
      %dma_wait3A_1864 = tpu.memref_slice %arg6[%dma_wait3A_1863] : memref<3584xf32, #tpu.memory_space<vmem>> -> memref<32xf32, #tpu.memory_space<vmem>>
      %dma_wait3A_1865 = tpu.memref_slice %arg3[%add3A_9, %mul3A_272] : memref<1024x102400xf32, #tpu.memory_space<hbm>> -> memref<1x32xf32, #tpu.memory_space<hbm>>
      %dma_wait3A_1866 = tpu.memref_squeeze %dma_wait3A_1865 : memref<1x32xf32, #tpu.memory_space<hbm>> -> memref<32xf32, #tpu.memory_space<hbm>>
      %dma_wait3A_1867 = arith.constant 1952 : i32
      %dma_wait3A_1868 = tpu.memref_slice %arg6[%dma_wait3A_1867] : memref<3584xf32, #tpu.memory_space<vmem>> -> memref<32xf32, #tpu.memory_space<vmem>>
      %dma_wait3A_1869 = tpu.memref_slice %arg3[%add3A_9, %mul3A_272] : memref<1024x102400xf32, #tpu.memory_space<hbm>> -> memref<1x32xf32, #tpu.memory_space<hbm>>
      %dma_wait3A_1870 = tpu.memref_squeeze %dma_wait3A_1869 : memref<1x32xf32, #tpu.memory_space<hbm>> -> memref<32xf32, #tpu.memory_space<hbm>>
      tpu.wait_dma2 semaphore(%arg8 : memref<!tpu.dma_semaphore, #tpu.memory_space<semaphore_mem>>) src(%dma_wait3A_1870 : memref<32xf32, #tpu.memory_space<hbm>>) dst(%dma_wait3A_1868 : memref<32xf32, #tpu.memory_space<vmem>>)
      %dma_wait3A_1871 = arith.constant 1984 : i32
      %dma_wait3A_1872 = tpu.memref_slice %arg6[%dma_wait3A_1871] : memref<3584xf32, #tpu.memory_space<vmem>> -> memref<32xf32, #tpu.memory_space<vmem>>
      %dma_wait3A_1873 = tpu.memref_slice %arg3[%add3A_9, %mul3A_276] : memref<1024x102400xf32, #tpu.memory_space<hbm>> -> memref<1x32xf32, #tpu.memory_space<hbm>>
      %dma_wait3A_1874 = tpu.memref_squeeze %dma_wait3A_1873 : memref<1x32xf32, #tpu.memory_space<hbm>> -> memref<32xf32, #tpu.memory_space<hbm>>
      %dma_wait3A_1875 = arith.constant 1984 : i32
      %dma_wait3A_1876 = tpu.memref_slice %arg6[%dma_wait3A_1875] : memref<3584xf32, #tpu.memory_space<vmem>> -> memref<32xf32, #tpu.memory_space<vmem>>
      %dma_wait3A_1877 = tpu.memref_slice %arg3[%add3A_9, %mul3A_276] : memref<1024x102400xf32, #tpu.memory_space<hbm>> -> memref<1x32xf32, #tpu.memory_space<hbm>>
      %dma_wait3A_1878 = tpu.memref_squeeze %dma_wait3A_1877 : memref<1x32xf32, #tpu.memory_space<hbm>> -> memref<32xf32, #tpu.memory_space<hbm>>
      tpu.wait_dma2 semaphore(%arg8 : memref<!tpu.dma_semaphore, #tpu.memory_space<semaphore_mem>>) src(%dma_wait3A_1878 : memref<32xf32, #tpu.memory_space<hbm>>) dst(%dma_wait3A_1876 : memref<32xf32, #tpu.memory_space<vmem>>)
      %dma_wait3A_1879 = arith.constant 2016 : i32
      %dma_wait3A_1880 = tpu.memref_slice %arg6[%dma_wait3A_1879] : memref<3584xf32, #tpu.memory_space<vmem>> -> memref<32xf32, #tpu.memory_space<vmem>>
      %dma_wait3A_1881 = tpu.memref_slice %arg3[%add3A_9, %mul3A_280] : memref<1024x102400xf32, #tpu.memory_space<hbm>> -> memref<1x32xf32, #tpu.memory_space<hbm>>
      %dma_wait3A_1882 = tpu.memref_squeeze %dma_wait3A_1881 : memref<1x32xf32, #tpu.memory_space<hbm>> -> memref<32xf32, #tpu.memory_space<hbm>>
      %dma_wait3A_1883 = arith.constant 2016 : i32
      %dma_wait3A_1884 = tpu.memref_slice %arg6[%dma_wait3A_1883] : memref<3584xf32, #tpu.memory_space<vmem>> -> memref<32xf32, #tpu.memory_space<vmem>>
      %dma_wait3A_1885 = tpu.memref_slice %arg3[%add3A_9, %mul3A_280] : memref<1024x102400xf32, #tpu.memory_space<hbm>> -> memref<1x32xf32, #tpu.memory_space<hbm>>
      %dma_wait3A_1886 = tpu.memref_squeeze %dma_wait3A_1885 : memref<1x32xf32, #tpu.memory_space<hbm>> -> memref<32xf32, #tpu.memory_space<hbm>>
      tpu.wait_dma2 semaphore(%arg8 : memref<!tpu.dma_semaphore, #tpu.memory_space<semaphore_mem>>) src(%dma_wait3A_1886 : memref<32xf32, #tpu.memory_space<hbm>>) dst(%dma_wait3A_1884 : memref<32xf32, #tpu.memory_space<vmem>>)
      %dma_wait3A_1887 = arith.constant 2048 : i32
      %dma_wait3A_1888 = tpu.memref_slice %arg6[%dma_wait3A_1887] : memref<3584xf32, #tpu.memory_space<vmem>> -> memref<32xf32, #tpu.memory_space<vmem>>
      %dma_wait3A_1889 = tpu.memref_slice %arg3[%add3A_9, %mul3A_286] : memref<1024x102400xf32, #tpu.memory_space<hbm>> -> memref<1x32xf32, #tpu.memory_space<hbm>>
      %dma_wait3A_1890 = tpu.memref_squeeze %dma_wait3A_1889 : memref<1x32xf32, #tpu.memory_space<hbm>> -> memref<32xf32, #tpu.memory_space<hbm>>
      %dma_wait3A_1891 = arith.constant 2048 : i32
      %dma_wait3A_1892 = tpu.memref_slice %arg6[%dma_wait3A_1891] : memref<3584xf32, #tpu.memory_space<vmem>> -> memref<32xf32, #tpu.memory_space<vmem>>
      %dma_wait3A_1893 = tpu.memref_slice %arg3[%add3A_9, %mul3A_286] : memref<1024x102400xf32, #tpu.memory_space<hbm>> -> memref<1x32xf32, #tpu.memory_space<hbm>>
      %dma_wait3A_1894 = tpu.memref_squeeze %dma_wait3A_1893 : memref<1x32xf32, #tpu.memory_space<hbm>> -> memref<32xf32, #tpu.memory_space<hbm>>
      tpu.wait_dma2 semaphore(%arg8 : memref<!tpu.dma_semaphore, #tpu.memory_space<semaphore_mem>>) src(%dma_wait3A_1894 : memref<32xf32, #tpu.memory_space<hbm>>) dst(%dma_wait3A_1892 : memref<32xf32, #tpu.memory_space<vmem>>)
      %dma_wait3A_1895 = arith.constant 2080 : i32
      %dma_wait3A_1896 = tpu.memref_slice %arg6[%dma_wait3A_1895] : memref<3584xf32, #tpu.memory_space<vmem>> -> memref<32xf32, #tpu.memory_space<vmem>>
      %dma_wait3A_1897 = tpu.memref_slice %arg3[%add3A_9, %mul3A_290] : memref<1024x102400xf32, #tpu.memory_space<hbm>> -> memref<1x32xf32, #tpu.memory_space<hbm>>
      %dma_wait3A_1898 = tpu.memref_squeeze %dma_wait3A_1897 : memref<1x32xf32, #tpu.memory_space<hbm>> -> memref<32xf32, #tpu.memory_space<hbm>>
      %dma_wait3A_1899 = arith.constant 2080 : i32
      %dma_wait3A_1900 = tpu.memref_slice %arg6[%dma_wait3A_1899] : memref<3584xf32, #tpu.memory_space<vmem>> -> memref<32xf32, #tpu.memory_space<vmem>>
      %dma_wait3A_1901 = tpu.memref_slice %arg3[%add3A_9, %mul3A_290] : memref<1024x102400xf32, #tpu.memory_space<hbm>> -> memref<1x32xf32, #tpu.memory_space<hbm>>
      %dma_wait3A_1902 = tpu.memref_squeeze %dma_wait3A_1901 : memref<1x32xf32, #tpu.memory_space<hbm>> -> memref<32xf32, #tpu.memory_space<hbm>>
      tpu.wait_dma2 semaphore(%arg8 : memref<!tpu.dma_semaphore, #tpu.memory_space<semaphore_mem>>) src(%dma_wait3A_1902 : memref<32xf32, #tpu.memory_space<hbm>>) dst(%dma_wait3A_1900 : memref<32xf32, #tpu.memory_space<vmem>>)
      %dma_wait3A_1903 = arith.constant 2112 : i32
      %dma_wait3A_1904 = tpu.memref_slice %arg6[%dma_wait3A_1903] : memref<3584xf32, #tpu.memory_space<vmem>> -> memref<32xf32, #tpu.memory_space<vmem>>
      %dma_wait3A_1905 = tpu.memref_slice %arg3[%add3A_9, %mul3A_294] : memref<1024x102400xf32, #tpu.memory_space<hbm>> -> memref<1x32xf32, #tpu.memory_space<hbm>>
      %dma_wait3A_1906 = tpu.memref_squeeze %dma_wait3A_1905 : memref<1x32xf32, #tpu.memory_space<hbm>> -> memref<32xf32, #tpu.memory_space<hbm>>
      %dma_wait3A_1907 = arith.constant 2112 : i32
      %dma_wait3A_1908 = tpu.memref_slice %arg6[%dma_wait3A_1907] : memref<3584xf32, #tpu.memory_space<vmem>> -> memref<32xf32, #tpu.memory_space<vmem>>
      %dma_wait3A_1909 = tpu.memref_slice %arg3[%add3A_9, %mul3A_294] : memref<1024x102400xf32, #tpu.memory_space<hbm>> -> memref<1x32xf32, #tpu.memory_space<hbm>>
      %dma_wait3A_1910 = tpu.memref_squeeze %dma_wait3A_1909 : memref<1x32xf32, #tpu.memory_space<hbm>> -> memref<32xf32, #tpu.memory_space<hbm>>
      tpu.wait_dma2 semaphore(%arg8 : memref<!tpu.dma_semaphore, #tpu.memory_space<semaphore_mem>>) src(%dma_wait3A_1910 : memref<32xf32, #tpu.memory_space<hbm>>) dst(%dma_wait3A_1908 : memref<32xf32, #tpu.memory_space<vmem>>)
      %dma_wait3A_1911 = arith.constant 2144 : i32
      %dma_wait3A_1912 = tpu.memref_slice %arg6[%dma_wait3A_1911] : memref<3584xf32, #tpu.memory_space<vmem>> -> memref<32xf32, #tpu.memory_space<vmem>>
      %dma_wait3A_1913 = tpu.memref_slice %arg3[%add3A_9, %mul3A_298] : memref<1024x102400xf32, #tpu.memory_space<hbm>> -> memref<1x32xf32, #tpu.memory_space<hbm>>
      %dma_wait3A_1914 = tpu.memref_squeeze %dma_wait3A_1913 : memref<1x32xf32, #tpu.memory_space<hbm>> -> memref<32xf32, #tpu.memory_space<hbm>>
      %dma_wait3A_1915 = arith.constant 2144 : i32
      %dma_wait3A_1916 = tpu.memref_slice %arg6[%dma_wait3A_1915] : memref<3584xf32, #tpu.memory_space<vmem>> -> memref<32xf32, #tpu.memory_space<vmem>>
      %dma_wait3A_1917 = tpu.memref_slice %arg3[%add3A_9, %mul3A_298] : memref<1024x102400xf32, #tpu.memory_space<hbm>> -> memref<1x32xf32, #tpu.memory_space<hbm>>
      %dma_wait3A_1918 = tpu.memref_squeeze %dma_wait3A_1917 : memref<1x32xf32, #tpu.memory_space<hbm>> -> memref<32xf32, #tpu.memory_space<hbm>>
      tpu.wait_dma2 semaphore(%arg8 : memref<!tpu.dma_semaphore, #tpu.memory_space<semaphore_mem>>) src(%dma_wait3A_1918 : memref<32xf32, #tpu.memory_space<hbm>>) dst(%dma_wait3A_1916 : memref<32xf32, #tpu.memory_space<vmem>>)
      %dma_wait3A_1919 = arith.constant 2176 : i32
      %dma_wait3A_1920 = tpu.memref_slice %arg6[%dma_wait3A_1919] : memref<3584xf32, #tpu.memory_space<vmem>> -> memref<32xf32, #tpu.memory_space<vmem>>
      %dma_wait3A_1921 = tpu.memref_slice %arg3[%add3A_9, %mul3A_302] : memref<1024x102400xf32, #tpu.memory_space<hbm>> -> memref<1x32xf32, #tpu.memory_space<hbm>>
      %dma_wait3A_1922 = tpu.memref_squeeze %dma_wait3A_1921 : memref<1x32xf32, #tpu.memory_space<hbm>> -> memref<32xf32, #tpu.memory_space<hbm>>
      %dma_wait3A_1923 = arith.constant 2176 : i32
      %dma_wait3A_1924 = tpu.memref_slice %arg6[%dma_wait3A_1923] : memref<3584xf32, #tpu.memory_space<vmem>> -> memref<32xf32, #tpu.memory_space<vmem>>
      %dma_wait3A_1925 = tpu.memref_slice %arg3[%add3A_9, %mul3A_302] : memref<1024x102400xf32, #tpu.memory_space<hbm>> -> memref<1x32xf32, #tpu.memory_space<hbm>>
      %dma_wait3A_1926 = tpu.memref_squeeze %dma_wait3A_1925 : memref<1x32xf32, #tpu.memory_space<hbm>> -> memref<32xf32, #tpu.memory_space<hbm>>
      tpu.wait_dma2 semaphore(%arg8 : memref<!tpu.dma_semaphore, #tpu.memory_space<semaphore_mem>>) src(%dma_wait3A_1926 : memref<32xf32, #tpu.memory_space<hbm>>) dst(%dma_wait3A_1924 : memref<32xf32, #tpu.memory_space<vmem>>)
      %dma_wait3A_1927 = arith.constant 2208 : i32
      %dma_wait3A_1928 = tpu.memref_slice %arg6[%dma_wait3A_1927] : memref<3584xf32, #tpu.memory_space<vmem>> -> memref<32xf32, #tpu.memory_space<vmem>>
      %dma_wait3A_1929 = tpu.memref_slice %arg3[%add3A_9, %mul3A_306] : memref<1024x102400xf32, #tpu.memory_space<hbm>> -> memref<1x32xf32, #tpu.memory_space<hbm>>
      %dma_wait3A_1930 = tpu.memref_squeeze %dma_wait3A_1929 : memref<1x32xf32, #tpu.memory_space<hbm>> -> memref<32xf32, #tpu.memory_space<hbm>>
      %dma_wait3A_1931 = arith.constant 2208 : i32
      %dma_wait3A_1932 = tpu.memref_slice %arg6[%dma_wait3A_1931] : memref<3584xf32, #tpu.memory_space<vmem>> -> memref<32xf32, #tpu.memory_space<vmem>>
      %dma_wait3A_1933 = tpu.memref_slice %arg3[%add3A_9, %mul3A_306] : memref<1024x102400xf32, #tpu.memory_space<hbm>> -> memref<1x32xf32, #tpu.memory_space<hbm>>
      %dma_wait3A_1934 = tpu.memref_squeeze %dma_wait3A_1933 : memref<1x32xf32, #tpu.memory_space<hbm>> -> memref<32xf32, #tpu.memory_space<hbm>>
      tpu.wait_dma2 semaphore(%arg8 : memref<!tpu.dma_semaphore, #tpu.memory_space<semaphore_mem>>) src(%dma_wait3A_1934 : memref<32xf32, #tpu.memory_space<hbm>>) dst(%dma_wait3A_1932 : memref<32xf32, #tpu.memory_space<vmem>>)
      %dma_wait3A_1935 = arith.constant 2240 : i32
      %dma_wait3A_1936 = tpu.memref_slice %arg6[%dma_wait3A_1935] : memref<3584xf32, #tpu.memory_space<vmem>> -> memref<32xf32, #tpu.memory_space<vmem>>
      %dma_wait3A_1937 = tpu.memref_slice %arg3[%add3A_9, %mul3A_310] : memref<1024x102400xf32, #tpu.memory_space<hbm>> -> memref<1x32xf32, #tpu.memory_space<hbm>>
      %dma_wait3A_1938 = tpu.memref_squeeze %dma_wait3A_1937 : memref<1x32xf32, #tpu.memory_space<hbm>> -> memref<32xf32, #tpu.memory_space<hbm>>
      %dma_wait3A_1939 = arith.constant 2240 : i32
      %dma_wait3A_1940 = tpu.memref_slice %arg6[%dma_wait3A_1939] : memref<3584xf32, #tpu.memory_space<vmem>> -> memref<32xf32, #tpu.memory_space<vmem>>
      %dma_wait3A_1941 = tpu.memref_slice %arg3[%add3A_9, %mul3A_310] : memref<1024x102400xf32, #tpu.memory_space<hbm>> -> memref<1x32xf32, #tpu.memory_space<hbm>>
      %dma_wait3A_1942 = tpu.memref_squeeze %dma_wait3A_1941 : memref<1x32xf32, #tpu.memory_space<hbm>> -> memref<32xf32, #tpu.memory_space<hbm>>
      tpu.wait_dma2 semaphore(%arg8 : memref<!tpu.dma_semaphore, #tpu.memory_space<semaphore_mem>>) src(%dma_wait3A_1942 : memref<32xf32, #tpu.memory_space<hbm>>) dst(%dma_wait3A_1940 : memref<32xf32, #tpu.memory_space<vmem>>)
      %dma_wait3A_1943 = arith.constant 2272 : i32
      %dma_wait3A_1944 = tpu.memref_slice %arg6[%dma_wait3A_1943] : memref<3584xf32, #tpu.memory_space<vmem>> -> memref<32xf32, #tpu.memory_space<vmem>>
      %dma_wait3A_1945 = tpu.memref_slice %arg3[%add3A_9, %mul3A_314] : memref<1024x102400xf32, #tpu.memory_space<hbm>> -> memref<1x32xf32, #tpu.memory_space<hbm>>
      %dma_wait3A_1946 = tpu.memref_squeeze %dma_wait3A_1945 : memref<1x32xf32, #tpu.memory_space<hbm>> -> memref<32xf32, #tpu.memory_space<hbm>>
      %dma_wait3A_1947 = arith.constant 2272 : i32
      %dma_wait3A_1948 = tpu.memref_slice %arg6[%dma_wait3A_1947] : memref<3584xf32, #tpu.memory_space<vmem>> -> memref<32xf32, #tpu.memory_space<vmem>>
      %dma_wait3A_1949 = tpu.memref_slice %arg3[%add3A_9, %mul3A_314] : memref<1024x102400xf32, #tpu.memory_space<hbm>> -> memref<1x32xf32, #tpu.memory_space<hbm>>
      %dma_wait3A_1950 = tpu.memref_squeeze %dma_wait3A_1949 : memref<1x32xf32, #tpu.memory_space<hbm>> -> memref<32xf32, #tpu.memory_space<hbm>>
      tpu.wait_dma2 semaphore(%arg8 : memref<!tpu.dma_semaphore, #tpu.memory_space<semaphore_mem>>) src(%dma_wait3A_1950 : memref<32xf32, #tpu.memory_space<hbm>>) dst(%dma_wait3A_1948 : memref<32xf32, #tpu.memory_space<vmem>>)
      %dma_wait3A_1951 = arith.constant 2304 : i32
      %dma_wait3A_1952 = tpu.memref_slice %arg6[%dma_wait3A_1951] : memref<3584xf32, #tpu.memory_space<vmem>> -> memref<32xf32, #tpu.memory_space<vmem>>
      %dma_wait3A_1953 = tpu.memref_slice %arg3[%add3A_9, %mul3A_318] : memref<1024x102400xf32, #tpu.memory_space<hbm>> -> memref<1x32xf32, #tpu.memory_space<hbm>>
      %dma_wait3A_1954 = tpu.memref_squeeze %dma_wait3A_1953 : memref<1x32xf32, #tpu.memory_space<hbm>> -> memref<32xf32, #tpu.memory_space<hbm>>
      %dma_wait3A_1955 = arith.constant 2304 : i32
      %dma_wait3A_1956 = tpu.memref_slice %arg6[%dma_wait3A_1955] : memref<3584xf32, #tpu.memory_space<vmem>> -> memref<32xf32, #tpu.memory_space<vmem>>
      %dma_wait3A_1957 = tpu.memref_slice %arg3[%add3A_9, %mul3A_318] : memref<1024x102400xf32, #tpu.memory_space<hbm>> -> memref<1x32xf32, #tpu.memory_space<hbm>>
      %dma_wait3A_1958 = tpu.memref_squeeze %dma_wait3A_1957 : memref<1x32xf32, #tpu.memory_space<hbm>> -> memref<32xf32, #tpu.memory_space<hbm>>
      tpu.wait_dma2 semaphore(%arg8 : memref<!tpu.dma_semaphore, #tpu.memory_space<semaphore_mem>>) src(%dma_wait3A_1958 : memref<32xf32, #tpu.memory_space<hbm>>) dst(%dma_wait3A_1956 : memref<32xf32, #tpu.memory_space<vmem>>)
      %dma_wait3A_1959 = arith.constant 2336 : i32
      %dma_wait3A_1960 = tpu.memref_slice %arg6[%dma_wait3A_1959] : memref<3584xf32, #tpu.memory_space<vmem>> -> memref<32xf32, #tpu.memory_space<vmem>>
      %dma_wait3A_1961 = tpu.memref_slice %arg3[%add3A_9, %mul3A_322] : memref<1024x102400xf32, #tpu.memory_space<hbm>> -> memref<1x32xf32, #tpu.memory_space<hbm>>
      %dma_wait3A_1962 = tpu.memref_squeeze %dma_wait3A_1961 : memref<1x32xf32, #tpu.memory_space<hbm>> -> memref<32xf32, #tpu.memory_space<hbm>>
      %dma_wait3A_1963 = arith.constant 2336 : i32
      %dma_wait3A_1964 = tpu.memref_slice %arg6[%dma_wait3A_1963] : memref<3584xf32, #tpu.memory_space<vmem>> -> memref<32xf32, #tpu.memory_space<vmem>>
      %dma_wait3A_1965 = tpu.memref_slice %arg3[%add3A_9, %mul3A_322] : memref<1024x102400xf32, #tpu.memory_space<hbm>> -> memref<1x32xf32, #tpu.memory_space<hbm>>
      %dma_wait3A_1966 = tpu.memref_squeeze %dma_wait3A_1965 : memref<1x32xf32, #tpu.memory_space<hbm>> -> memref<32xf32, #tpu.memory_space<hbm>>
      tpu.wait_dma2 semaphore(%arg8 : memref<!tpu.dma_semaphore, #tpu.memory_space<semaphore_mem>>) src(%dma_wait3A_1966 : memref<32xf32, #tpu.memory_space<hbm>>) dst(%dma_wait3A_1964 : memref<32xf32, #tpu.memory_space<vmem>>)
      %dma_wait3A_1967 = arith.constant 2368 : i32
      %dma_wait3A_1968 = tpu.memref_slice %arg6[%dma_wait3A_1967] : memref<3584xf32, #tpu.memory_space<vmem>> -> memref<32xf32, #tpu.memory_space<vmem>>
      %dma_wait3A_1969 = tpu.memref_slice %arg3[%add3A_9, %mul3A_326] : memref<1024x102400xf32, #tpu.memory_space<hbm>> -> memref<1x32xf32, #tpu.memory_space<hbm>>
      %dma_wait3A_1970 = tpu.memref_squeeze %dma_wait3A_1969 : memref<1x32xf32, #tpu.memory_space<hbm>> -> memref<32xf32, #tpu.memory_space<hbm>>
      %dma_wait3A_1971 = arith.constant 2368 : i32
      %dma_wait3A_1972 = tpu.memref_slice %arg6[%dma_wait3A_1971] : memref<3584xf32, #tpu.memory_space<vmem>> -> memref<32xf32, #tpu.memory_space<vmem>>
      %dma_wait3A_1973 = tpu.memref_slice %arg3[%add3A_9, %mul3A_326] : memref<1024x102400xf32, #tpu.memory_space<hbm>> -> memref<1x32xf32, #tpu.memory_space<hbm>>
      %dma_wait3A_1974 = tpu.memref_squeeze %dma_wait3A_1973 : memref<1x32xf32, #tpu.memory_space<hbm>> -> memref<32xf32, #tpu.memory_space<hbm>>
      tpu.wait_dma2 semaphore(%arg8 : memref<!tpu.dma_semaphore, #tpu.memory_space<semaphore_mem>>) src(%dma_wait3A_1974 : memref<32xf32, #tpu.memory_space<hbm>>) dst(%dma_wait3A_1972 : memref<32xf32, #tpu.memory_space<vmem>>)
      %dma_wait3A_1975 = arith.constant 2400 : i32
      %dma_wait3A_1976 = tpu.memref_slice %arg6[%dma_wait3A_1975] : memref<3584xf32, #tpu.memory_space<vmem>> -> memref<32xf32, #tpu.memory_space<vmem>>
      %dma_wait3A_1977 = tpu.memref_slice %arg3[%add3A_9, %mul3A_330] : memref<1024x102400xf32, #tpu.memory_space<hbm>> -> memref<1x32xf32, #tpu.memory_space<hbm>>
      %dma_wait3A_1978 = tpu.memref_squeeze %dma_wait3A_1977 : memref<1x32xf32, #tpu.memory_space<hbm>> -> memref<32xf32, #tpu.memory_space<hbm>>
      %dma_wait3A_1979 = arith.constant 2400 : i32
      %dma_wait3A_1980 = tpu.memref_slice %arg6[%dma_wait3A_1979] : memref<3584xf32, #tpu.memory_space<vmem>> -> memref<32xf32, #tpu.memory_space<vmem>>
      %dma_wait3A_1981 = tpu.memref_slice %arg3[%add3A_9, %mul3A_330] : memref<1024x102400xf32, #tpu.memory_space<hbm>> -> memref<1x32xf32, #tpu.memory_space<hbm>>
      %dma_wait3A_1982 = tpu.memref_squeeze %dma_wait3A_1981 : memref<1x32xf32, #tpu.memory_space<hbm>> -> memref<32xf32, #tpu.memory_space<hbm>>
      tpu.wait_dma2 semaphore(%arg8 : memref<!tpu.dma_semaphore, #tpu.memory_space<semaphore_mem>>) src(%dma_wait3A_1982 : memref<32xf32, #tpu.memory_space<hbm>>) dst(%dma_wait3A_1980 : memref<32xf32, #tpu.memory_space<vmem>>)
      %dma_wait3A_1983 = arith.constant 2432 : i32
      %dma_wait3A_1984 = tpu.memref_slice %arg6[%dma_wait3A_1983] : memref<3584xf32, #tpu.memory_space<vmem>> -> memref<32xf32, #tpu.memory_space<vmem>>
      %dma_wait3A_1985 = tpu.memref_slice %arg3[%add3A_9, %mul3A_334] : memref<1024x102400xf32, #tpu.memory_space<hbm>> -> memref<1x32xf32, #tpu.memory_space<hbm>>
      %dma_wait3A_1986 = tpu.memref_squeeze %dma_wait3A_1985 : memref<1x32xf32, #tpu.memory_space<hbm>> -> memref<32xf32, #tpu.memory_space<hbm>>
      %dma_wait3A_1987 = arith.constant 2432 : i32
      %dma_wait3A_1988 = tpu.memref_slice %arg6[%dma_wait3A_1987] : memref<3584xf32, #tpu.memory_space<vmem>> -> memref<32xf32, #tpu.memory_space<vmem>>
      %dma_wait3A_1989 = tpu.memref_slice %arg3[%add3A_9, %mul3A_334] : memref<1024x102400xf32, #tpu.memory_space<hbm>> -> memref<1x32xf32, #tpu.memory_space<hbm>>
      %dma_wait3A_1990 = tpu.memref_squeeze %dma_wait3A_1989 : memref<1x32xf32, #tpu.memory_space<hbm>> -> memref<32xf32, #tpu.memory_space<hbm>>
      tpu.wait_dma2 semaphore(%arg8 : memref<!tpu.dma_semaphore, #tpu.memory_space<semaphore_mem>>) src(%dma_wait3A_1990 : memref<32xf32, #tpu.memory_space<hbm>>) dst(%dma_wait3A_1988 : memref<32xf32, #tpu.memory_space<vmem>>)
      %dma_wait3A_1991 = arith.constant 2464 : i32
      %dma_wait3A_1992 = tpu.memref_slice %arg6[%dma_wait3A_1991] : memref<3584xf32, #tpu.memory_space<vmem>> -> memref<32xf32, #tpu.memory_space<vmem>>
      %dma_wait3A_1993 = tpu.memref_slice %arg3[%add3A_9, %mul3A_338] : memref<1024x102400xf32, #tpu.memory_space<hbm>> -> memref<1x32xf32, #tpu.memory_space<hbm>>
      %dma_wait3A_1994 = tpu.memref_squeeze %dma_wait3A_1993 : memref<1x32xf32, #tpu.memory_space<hbm>> -> memref<32xf32, #tpu.memory_space<hbm>>
      %dma_wait3A_1995 = arith.constant 2464 : i32
      %dma_wait3A_1996 = tpu.memref_slice %arg6[%dma_wait3A_1995] : memref<3584xf32, #tpu.memory_space<vmem>> -> memref<32xf32, #tpu.memory_space<vmem>>
      %dma_wait3A_1997 = tpu.memref_slice %arg3[%add3A_9, %mul3A_338] : memref<1024x102400xf32, #tpu.memory_space<hbm>> -> memref<1x32xf32, #tpu.memory_space<hbm>>
      %dma_wait3A_1998 = tpu.memref_squeeze %dma_wait3A_1997 : memref<1x32xf32, #tpu.memory_space<hbm>> -> memref<32xf32, #tpu.memory_space<hbm>>
      tpu.wait_dma2 semaphore(%arg8 : memref<!tpu.dma_semaphore, #tpu.memory_space<semaphore_mem>>) src(%dma_wait3A_1998 : memref<32xf32, #tpu.memory_space<hbm>>) dst(%dma_wait3A_1996 : memref<32xf32, #tpu.memory_space<vmem>>)
      %dma_wait3A_1999 = arith.constant 2496 : i32
      %dma_wait3A_2000 = tpu.memref_slice %arg6[%dma_wait3A_1999] : memref<3584xf32, #tpu.memory_space<vmem>> -> memref<32xf32, #tpu.memory_space<vmem>>
      %dma_wait3A_2001 = tpu.memref_slice %arg3[%add3A_9, %mul3A_342] : memref<1024x102400xf32, #tpu.memory_space<hbm>> -> memref<1x32xf32, #tpu.memory_space<hbm>>
      %dma_wait3A_2002 = tpu.memref_squeeze %dma_wait3A_2001 : memref<1x32xf32, #tpu.memory_space<hbm>> -> memref<32xf32, #tpu.memory_space<hbm>>
      %dma_wait3A_2003 = arith.constant 2496 : i32
      %dma_wait3A_2004 = tpu.memref_slice %arg6[%dma_wait3A_2003] : memref<3584xf32, #tpu.memory_space<vmem>> -> memref<32xf32, #tpu.memory_space<vmem>>
      %dma_wait3A_2005 = tpu.memref_slice %arg3[%add3A_9, %mul3A_342] : memref<1024x102400xf32, #tpu.memory_space<hbm>> -> memref<1x32xf32, #tpu.memory_space<hbm>>
      %dma_wait3A_2006 = tpu.memref_squeeze %dma_wait3A_2005 : memref<1x32xf32, #tpu.memory_space<hbm>> -> memref<32xf32, #tpu.memory_space<hbm>>
      tpu.wait_dma2 semaphore(%arg8 : memref<!tpu.dma_semaphore, #tpu.memory_space<semaphore_mem>>) src(%dma_wait3A_2006 : memref<32xf32, #tpu.memory_space<hbm>>) dst(%dma_wait3A_2004 : memref<32xf32, #tpu.memory_space<vmem>>)
      %dma_wait3A_2007 = arith.constant 2528 : i32
      %dma_wait3A_2008 = tpu.memref_slice %arg6[%dma_wait3A_2007] : memref<3584xf32, #tpu.memory_space<vmem>> -> memref<32xf32, #tpu.memory_space<vmem>>
      %dma_wait3A_2009 = tpu.memref_slice %arg3[%add3A_9, %mul3A_346] : memref<1024x102400xf32, #tpu.memory_space<hbm>> -> memref<1x32xf32, #tpu.memory_space<hbm>>
      %dma_wait3A_2010 = tpu.memref_squeeze %dma_wait3A_2009 : memref<1x32xf32, #tpu.memory_space<hbm>> -> memref<32xf32, #tpu.memory_space<hbm>>
      %dma_wait3A_2011 = arith.constant 2528 : i32
      %dma_wait3A_2012 = tpu.memref_slice %arg6[%dma_wait3A_2011] : memref<3584xf32, #tpu.memory_space<vmem>> -> memref<32xf32, #tpu.memory_space<vmem>>
      %dma_wait3A_2013 = tpu.memref_slice %arg3[%add3A_9, %mul3A_346] : memref<1024x102400xf32, #tpu.memory_space<hbm>> -> memref<1x32xf32, #tpu.memory_space<hbm>>
      %dma_wait3A_2014 = tpu.memref_squeeze %dma_wait3A_2013 : memref<1x32xf32, #tpu.memory_space<hbm>> -> memref<32xf32, #tpu.memory_space<hbm>>
      tpu.wait_dma2 semaphore(%arg8 : memref<!tpu.dma_semaphore, #tpu.memory_space<semaphore_mem>>) src(%dma_wait3A_2014 : memref<32xf32, #tpu.memory_space<hbm>>) dst(%dma_wait3A_2012 : memref<32xf32, #tpu.memory_space<vmem>>)
      %dma_wait3A_2015 = arith.constant 2560 : i32
      %dma_wait3A_2016 = tpu.memref_slice %arg6[%dma_wait3A_2015] : memref<3584xf32, #tpu.memory_space<vmem>> -> memref<32xf32, #tpu.memory_space<vmem>>
      %dma_wait3A_2017 = tpu.memref_slice %arg3[%add3A_9, %mul3A_352] : memref<1024x102400xf32, #tpu.memory_space<hbm>> -> memref<1x32xf32, #tpu.memory_space<hbm>>
      %dma_wait3A_2018 = tpu.memref_squeeze %dma_wait3A_2017 : memref<1x32xf32, #tpu.memory_space<hbm>> -> memref<32xf32, #tpu.memory_space<hbm>>
      %dma_wait3A_2019 = arith.constant 2560 : i32
      %dma_wait3A_2020 = tpu.memref_slice %arg6[%dma_wait3A_2019] : memref<3584xf32, #tpu.memory_space<vmem>> -> memref<32xf32, #tpu.memory_space<vmem>>
      %dma_wait3A_2021 = tpu.memref_slice %arg3[%add3A_9, %mul3A_352] : memref<1024x102400xf32, #tpu.memory_space<hbm>> -> memref<1x32xf32, #tpu.memory_space<hbm>>
      %dma_wait3A_2022 = tpu.memref_squeeze %dma_wait3A_2021 : memref<1x32xf32, #tpu.memory_space<hbm>> -> memref<32xf32, #tpu.memory_space<hbm>>
      tpu.wait_dma2 semaphore(%arg8 : memref<!tpu.dma_semaphore, #tpu.memory_space<semaphore_mem>>) src(%dma_wait3A_2022 : memref<32xf32, #tpu.memory_space<hbm>>) dst(%dma_wait3A_2020 : memref<32xf32, #tpu.memory_space<vmem>>)
      %dma_wait3A_2023 = arith.constant 2592 : i32
      %dma_wait3A_2024 = tpu.memref_slice %arg6[%dma_wait3A_2023] : memref<3584xf32, #tpu.memory_space<vmem>> -> memref<32xf32, #tpu.memory_space<vmem>>
      %dma_wait3A_2025 = tpu.memref_slice %arg3[%add3A_9, %mul3A_356] : memref<1024x102400xf32, #tpu.memory_space<hbm>> -> memref<1x32xf32, #tpu.memory_space<hbm>>
      %dma_wait3A_2026 = tpu.memref_squeeze %dma_wait3A_2025 : memref<1x32xf32, #tpu.memory_space<hbm>> -> memref<32xf32, #tpu.memory_space<hbm>>
      %dma_wait3A_2027 = arith.constant 2592 : i32
      %dma_wait3A_2028 = tpu.memref_slice %arg6[%dma_wait3A_2027] : memref<3584xf32, #tpu.memory_space<vmem>> -> memref<32xf32, #tpu.memory_space<vmem>>
      %dma_wait3A_2029 = tpu.memref_slice %arg3[%add3A_9, %mul3A_356] : memref<1024x102400xf32, #tpu.memory_space<hbm>> -> memref<1x32xf32, #tpu.memory_space<hbm>>
      %dma_wait3A_2030 = tpu.memref_squeeze %dma_wait3A_2029 : memref<1x32xf32, #tpu.memory_space<hbm>> -> memref<32xf32, #tpu.memory_space<hbm>>
      tpu.wait_dma2 semaphore(%arg8 : memref<!tpu.dma_semaphore, #tpu.memory_space<semaphore_mem>>) src(%dma_wait3A_2030 : memref<32xf32, #tpu.memory_space<hbm>>) dst(%dma_wait3A_2028 : memref<32xf32, #tpu.memory_space<vmem>>)
      %dma_wait3A_2031 = arith.constant 2624 : i32
      %dma_wait3A_2032 = tpu.memref_slice %arg6[%dma_wait3A_2031] : memref<3584xf32, #tpu.memory_space<vmem>> -> memref<32xf32, #tpu.memory_space<vmem>>
      %dma_wait3A_2033 = tpu.memref_slice %arg3[%add3A_9, %mul3A_360] : memref<1024x102400xf32, #tpu.memory_space<hbm>> -> memref<1x32xf32, #tpu.memory_space<hbm>>
      %dma_wait3A_2034 = tpu.memref_squeeze %dma_wait3A_2033 : memref<1x32xf32, #tpu.memory_space<hbm>> -> memref<32xf32, #tpu.memory_space<hbm>>
      %dma_wait3A_2035 = arith.constant 2624 : i32
      %dma_wait3A_2036 = tpu.memref_slice %arg6[%dma_wait3A_2035] : memref<3584xf32, #tpu.memory_space<vmem>> -> memref<32xf32, #tpu.memory_space<vmem>>
      %dma_wait3A_2037 = tpu.memref_slice %arg3[%add3A_9, %mul3A_360] : memref<1024x102400xf32, #tpu.memory_space<hbm>> -> memref<1x32xf32, #tpu.memory_space<hbm>>
      %dma_wait3A_2038 = tpu.memref_squeeze %dma_wait3A_2037 : memref<1x32xf32, #tpu.memory_space<hbm>> -> memref<32xf32, #tpu.memory_space<hbm>>
      tpu.wait_dma2 semaphore(%arg8 : memref<!tpu.dma_semaphore, #tpu.memory_space<semaphore_mem>>) src(%dma_wait3A_2038 : memref<32xf32, #tpu.memory_space<hbm>>) dst(%dma_wait3A_2036 : memref<32xf32, #tpu.memory_space<vmem>>)
      %dma_wait3A_2039 = arith.constant 2656 : i32
      %dma_wait3A_2040 = tpu.memref_slice %arg6[%dma_wait3A_2039] : memref<3584xf32, #tpu.memory_space<vmem>> -> memref<32xf32, #tpu.memory_space<vmem>>
      %dma_wait3A_2041 = tpu.memref_slice %arg3[%add3A_9, %mul3A_364] : memref<1024x102400xf32, #tpu.memory_space<hbm>> -> memref<1x32xf32, #tpu.memory_space<hbm>>
      %dma_wait3A_2042 = tpu.memref_squeeze %dma_wait3A_2041 : memref<1x32xf32, #tpu.memory_space<hbm>> -> memref<32xf32, #tpu.memory_space<hbm>>
      %dma_wait3A_2043 = arith.constant 2656 : i32
      %dma_wait3A_2044 = tpu.memref_slice %arg6[%dma_wait3A_2043] : memref<3584xf32, #tpu.memory_space<vmem>> -> memref<32xf32, #tpu.memory_space<vmem>>
      %dma_wait3A_2045 = tpu.memref_slice %arg3[%add3A_9, %mul3A_364] : memref<1024x102400xf32, #tpu.memory_space<hbm>> -> memref<1x32xf32, #tpu.memory_space<hbm>>
      %dma_wait3A_2046 = tpu.memref_squeeze %dma_wait3A_2045 : memref<1x32xf32, #tpu.memory_space<hbm>> -> memref<32xf32, #tpu.memory_space<hbm>>
      tpu.wait_dma2 semaphore(%arg8 : memref<!tpu.dma_semaphore, #tpu.memory_space<semaphore_mem>>) src(%dma_wait3A_2046 : memref<32xf32, #tpu.memory_space<hbm>>) dst(%dma_wait3A_2044 : memref<32xf32, #tpu.memory_space<vmem>>)
      %dma_wait3A_2047 = arith.constant 2688 : i32
      %dma_wait3A_2048 = tpu.memref_slice %arg6[%dma_wait3A_2047] : memref<3584xf32, #tpu.memory_space<vmem>> -> memref<32xf32, #tpu.memory_space<vmem>>
      %dma_wait3A_2049 = tpu.memref_slice %arg3[%add3A_9, %mul3A_368] : memref<1024x102400xf32, #tpu.memory_space<hbm>> -> memref<1x32xf32, #tpu.memory_space<hbm>>
      %dma_wait3A_2050 = tpu.memref_squeeze %dma_wait3A_2049 : memref<1x32xf32, #tpu.memory_space<hbm>> -> memref<32xf32, #tpu.memory_space<hbm>>
      %dma_wait3A_2051 = arith.constant 2688 : i32
      %dma_wait3A_2052 = tpu.memref_slice %arg6[%dma_wait3A_2051] : memref<3584xf32, #tpu.memory_space<vmem>> -> memref<32xf32, #tpu.memory_space<vmem>>
      %dma_wait3A_2053 = tpu.memref_slice %arg3[%add3A_9, %mul3A_368] : memref<1024x102400xf32, #tpu.memory_space<hbm>> -> memref<1x32xf32, #tpu.memory_space<hbm>>
      %dma_wait3A_2054 = tpu.memref_squeeze %dma_wait3A_2053 : memref<1x32xf32, #tpu.memory_space<hbm>> -> memref<32xf32, #tpu.memory_space<hbm>>
      tpu.wait_dma2 semaphore(%arg8 : memref<!tpu.dma_semaphore, #tpu.memory_space<semaphore_mem>>) src(%dma_wait3A_2054 : memref<32xf32, #tpu.memory_space<hbm>>) dst(%dma_wait3A_2052 : memref<32xf32, #tpu.memory_space<vmem>>)
      %dma_wait3A_2055 = arith.constant 2720 : i32
      %dma_wait3A_2056 = tpu.memref_slice %arg6[%dma_wait3A_2055] : memref<3584xf32, #tpu.memory_space<vmem>> -> memref<32xf32, #tpu.memory_space<vmem>>
      %dma_wait3A_2057 = tpu.memref_slice %arg3[%add3A_9, %mul3A_372] : memref<1024x102400xf32, #tpu.memory_space<hbm>> -> memref<1x32xf32, #tpu.memory_space<hbm>>
      %dma_wait3A_2058 = tpu.memref_squeeze %dma_wait3A_2057 : memref<1x32xf32, #tpu.memory_space<hbm>> -> memref<32xf32, #tpu.memory_space<hbm>>
      %dma_wait3A_2059 = arith.constant 2720 : i32
      %dma_wait3A_2060 = tpu.memref_slice %arg6[%dma_wait3A_2059] : memref<3584xf32, #tpu.memory_space<vmem>> -> memref<32xf32, #tpu.memory_space<vmem>>
      %dma_wait3A_2061 = tpu.memref_slice %arg3[%add3A_9, %mul3A_372] : memref<1024x102400xf32, #tpu.memory_space<hbm>> -> memref<1x32xf32, #tpu.memory_space<hbm>>
      %dma_wait3A_2062 = tpu.memref_squeeze %dma_wait3A_2061 : memref<1x32xf32, #tpu.memory_space<hbm>> -> memref<32xf32, #tpu.memory_space<hbm>>
      tpu.wait_dma2 semaphore(%arg8 : memref<!tpu.dma_semaphore, #tpu.memory_space<semaphore_mem>>) src(%dma_wait3A_2062 : memref<32xf32, #tpu.memory_space<hbm>>) dst(%dma_wait3A_2060 : memref<32xf32, #tpu.memory_space<vmem>>)
      %dma_wait3A_2063 = arith.constant 2752 : i32
      %dma_wait3A_2064 = tpu.memref_slice %arg6[%dma_wait3A_2063] : memref<3584xf32, #tpu.memory_space<vmem>> -> memref<32xf32, #tpu.memory_space<vmem>>
      %dma_wait3A_2065 = tpu.memref_slice %arg3[%add3A_9, %mul3A_376] : memref<1024x102400xf32, #tpu.memory_space<hbm>> -> memref<1x32xf32, #tpu.memory_space<hbm>>
      %dma_wait3A_2066 = tpu.memref_squeeze %dma_wait3A_2065 : memref<1x32xf32, #tpu.memory_space<hbm>> -> memref<32xf32, #tpu.memory_space<hbm>>
      %dma_wait3A_2067 = arith.constant 2752 : i32
      %dma_wait3A_2068 = tpu.memref_slice %arg6[%dma_wait3A_2067] : memref<3584xf32, #tpu.memory_space<vmem>> -> memref<32xf32, #tpu.memory_space<vmem>>
      %dma_wait3A_2069 = tpu.memref_slice %arg3[%add3A_9, %mul3A_376] : memref<1024x102400xf32, #tpu.memory_space<hbm>> -> memref<1x32xf32, #tpu.memory_space<hbm>>
      %dma_wait3A_2070 = tpu.memref_squeeze %dma_wait3A_2069 : memref<1x32xf32, #tpu.memory_space<hbm>> -> memref<32xf32, #tpu.memory_space<hbm>>
      tpu.wait_dma2 semaphore(%arg8 : memref<!tpu.dma_semaphore, #tpu.memory_space<semaphore_mem>>) src(%dma_wait3A_2070 : memref<32xf32, #tpu.memory_space<hbm>>) dst(%dma_wait3A_2068 : memref<32xf32, #tpu.memory_space<vmem>>)
      %dma_wait3A_2071 = arith.constant 2784 : i32
      %dma_wait3A_2072 = tpu.memref_slice %arg6[%dma_wait3A_2071] : memref<3584xf32, #tpu.memory_space<vmem>> -> memref<32xf32, #tpu.memory_space<vmem>>
      %dma_wait3A_2073 = tpu.memref_slice %arg3[%add3A_9, %mul3A_380] : memref<1024x102400xf32, #tpu.memory_space<hbm>> -> memref<1x32xf32, #tpu.memory_space<hbm>>
      %dma_wait3A_2074 = tpu.memref_squeeze %dma_wait3A_2073 : memref<1x32xf32, #tpu.memory_space<hbm>> -> memref<32xf32, #tpu.memory_space<hbm>>
      %dma_wait3A_2075 = arith.constant 2784 : i32
      %dma_wait3A_2076 = tpu.memref_slice %arg6[%dma_wait3A_2075] : memref<3584xf32, #tpu.memory_space<vmem>> -> memref<32xf32, #tpu.memory_space<vmem>>
      %dma_wait3A_2077 = tpu.memref_slice %arg3[%add3A_9, %mul3A_380] : memref<1024x102400xf32, #tpu.memory_space<hbm>> -> memref<1x32xf32, #tpu.memory_space<hbm>>
      %dma_wait3A_2078 = tpu.memref_squeeze %dma_wait3A_2077 : memref<1x32xf32, #tpu.memory_space<hbm>> -> memref<32xf32, #tpu.memory_space<hbm>>
      tpu.wait_dma2 semaphore(%arg8 : memref<!tpu.dma_semaphore, #tpu.memory_space<semaphore_mem>>) src(%dma_wait3A_2078 : memref<32xf32, #tpu.memory_space<hbm>>) dst(%dma_wait3A_2076 : memref<32xf32, #tpu.memory_space<vmem>>)
      %dma_wait3A_2079 = arith.constant 2816 : i32
      %dma_wait3A_2080 = tpu.memref_slice %arg6[%dma_wait3A_2079] : memref<3584xf32, #tpu.memory_space<vmem>> -> memref<32xf32, #tpu.memory_space<vmem>>
      %dma_wait3A_2081 = tpu.memref_slice %arg3[%add3A_9, %mul3A_384] : memref<1024x102400xf32, #tpu.memory_space<hbm>> -> memref<1x32xf32, #tpu.memory_space<hbm>>
      %dma_wait3A_2082 = tpu.memref_squeeze %dma_wait3A_2081 : memref<1x32xf32, #tpu.memory_space<hbm>> -> memref<32xf32, #tpu.memory_space<hbm>>
      %dma_wait3A_2083 = arith.constant 2816 : i32
      %dma_wait3A_2084 = tpu.memref_slice %arg6[%dma_wait3A_2083] : memref<3584xf32, #tpu.memory_space<vmem>> -> memref<32xf32, #tpu.memory_space<vmem>>
      %dma_wait3A_2085 = tpu.memref_slice %arg3[%add3A_9, %mul3A_384] : memref<1024x102400xf32, #tpu.memory_space<hbm>> -> memref<1x32xf32, #tpu.memory_space<hbm>>
      %dma_wait3A_2086 = tpu.memref_squeeze %dma_wait3A_2085 : memref<1x32xf32, #tpu.memory_space<hbm>> -> memref<32xf32, #tpu.memory_space<hbm>>
      tpu.wait_dma2 semaphore(%arg8 : memref<!tpu.dma_semaphore, #tpu.memory_space<semaphore_mem>>) src(%dma_wait3A_2086 : memref<32xf32, #tpu.memory_space<hbm>>) dst(%dma_wait3A_2084 : memref<32xf32, #tpu.memory_space<vmem>>)
      %dma_wait3A_2087 = arith.constant 2848 : i32
      %dma_wait3A_2088 = tpu.memref_slice %arg6[%dma_wait3A_2087] : memref<3584xf32, #tpu.memory_space<vmem>> -> memref<32xf32, #tpu.memory_space<vmem>>
      %dma_wait3A_2089 = tpu.memref_slice %arg3[%add3A_9, %mul3A_388] : memref<1024x102400xf32, #tpu.memory_space<hbm>> -> memref<1x32xf32, #tpu.memory_space<hbm>>
      %dma_wait3A_2090 = tpu.memref_squeeze %dma_wait3A_2089 : memref<1x32xf32, #tpu.memory_space<hbm>> -> memref<32xf32, #tpu.memory_space<hbm>>
      %dma_wait3A_2091 = arith.constant 2848 : i32
      %dma_wait3A_2092 = tpu.memref_slice %arg6[%dma_wait3A_2091] : memref<3584xf32, #tpu.memory_space<vmem>> -> memref<32xf32, #tpu.memory_space<vmem>>
      %dma_wait3A_2093 = tpu.memref_slice %arg3[%add3A_9, %mul3A_388] : memref<1024x102400xf32, #tpu.memory_space<hbm>> -> memref<1x32xf32, #tpu.memory_space<hbm>>
      %dma_wait3A_2094 = tpu.memref_squeeze %dma_wait3A_2093 : memref<1x32xf32, #tpu.memory_space<hbm>> -> memref<32xf32, #tpu.memory_space<hbm>>
      tpu.wait_dma2 semaphore(%arg8 : memref<!tpu.dma_semaphore, #tpu.memory_space<semaphore_mem>>) src(%dma_wait3A_2094 : memref<32xf32, #tpu.memory_space<hbm>>) dst(%dma_wait3A_2092 : memref<32xf32, #tpu.memory_space<vmem>>)
      %dma_wait3A_2095 = arith.constant 2880 : i32
      %dma_wait3A_2096 = tpu.memref_slice %arg6[%dma_wait3A_2095] : memref<3584xf32, #tpu.memory_space<vmem>> -> memref<32xf32, #tpu.memory_space<vmem>>
      %dma_wait3A_2097 = tpu.memref_slice %arg3[%add3A_9, %mul3A_392] : memref<1024x102400xf32, #tpu.memory_space<hbm>> -> memref<1x32xf32, #tpu.memory_space<hbm>>
      %dma_wait3A_2098 = tpu.memref_squeeze %dma_wait3A_2097 : memref<1x32xf32, #tpu.memory_space<hbm>> -> memref<32xf32, #tpu.memory_space<hbm>>
      %dma_wait3A_2099 = arith.constant 2880 : i32
      %dma_wait3A_2100 = tpu.memref_slice %arg6[%dma_wait3A_2099] : memref<3584xf32, #tpu.memory_space<vmem>> -> memref<32xf32, #tpu.memory_space<vmem>>
      %dma_wait3A_2101 = tpu.memref_slice %arg3[%add3A_9, %mul3A_392] : memref<1024x102400xf32, #tpu.memory_space<hbm>> -> memref<1x32xf32, #tpu.memory_space<hbm>>
      %dma_wait3A_2102 = tpu.memref_squeeze %dma_wait3A_2101 : memref<1x32xf32, #tpu.memory_space<hbm>> -> memref<32xf32, #tpu.memory_space<hbm>>
      tpu.wait_dma2 semaphore(%arg8 : memref<!tpu.dma_semaphore, #tpu.memory_space<semaphore_mem>>) src(%dma_wait3A_2102 : memref<32xf32, #tpu.memory_space<hbm>>) dst(%dma_wait3A_2100 : memref<32xf32, #tpu.memory_space<vmem>>)
      %dma_wait3A_2103 = arith.constant 2912 : i32
      %dma_wait3A_2104 = tpu.memref_slice %arg6[%dma_wait3A_2103] : memref<3584xf32, #tpu.memory_space<vmem>> -> memref<32xf32, #tpu.memory_space<vmem>>
      %dma_wait3A_2105 = tpu.memref_slice %arg3[%add3A_9, %mul3A_396] : memref<1024x102400xf32, #tpu.memory_space<hbm>> -> memref<1x32xf32, #tpu.memory_space<hbm>>
      %dma_wait3A_2106 = tpu.memref_squeeze %dma_wait3A_2105 : memref<1x32xf32, #tpu.memory_space<hbm>> -> memref<32xf32, #tpu.memory_space<hbm>>
      %dma_wait3A_2107 = arith.constant 2912 : i32
      %dma_wait3A_2108 = tpu.memref_slice %arg6[%dma_wait3A_2107] : memref<3584xf32, #tpu.memory_space<vmem>> -> memref<32xf32, #tpu.memory_space<vmem>>
      %dma_wait3A_2109 = tpu.memref_slice %arg3[%add3A_9, %mul3A_396] : memref<1024x102400xf32, #tpu.memory_space<hbm>> -> memref<1x32xf32, #tpu.memory_space<hbm>>
      %dma_wait3A_2110 = tpu.memref_squeeze %dma_wait3A_2109 : memref<1x32xf32, #tpu.memory_space<hbm>> -> memref<32xf32, #tpu.memory_space<hbm>>
      tpu.wait_dma2 semaphore(%arg8 : memref<!tpu.dma_semaphore, #tpu.memory_space<semaphore_mem>>) src(%dma_wait3A_2110 : memref<32xf32, #tpu.memory_space<hbm>>) dst(%dma_wait3A_2108 : memref<32xf32, #tpu.memory_space<vmem>>)
      %dma_wait3A_2111 = arith.constant 2944 : i32
      %dma_wait3A_2112 = tpu.memref_slice %arg6[%dma_wait3A_2111] : memref<3584xf32, #tpu.memory_space<vmem>> -> memref<32xf32, #tpu.memory_space<vmem>>
      %dma_wait3A_2113 = tpu.memref_slice %arg3[%add3A_9, %mul3A_400] : memref<1024x102400xf32, #tpu.memory_space<hbm>> -> memref<1x32xf32, #tpu.memory_space<hbm>>
      %dma_wait3A_2114 = tpu.memref_squeeze %dma_wait3A_2113 : memref<1x32xf32, #tpu.memory_space<hbm>> -> memref<32xf32, #tpu.memory_space<hbm>>
      %dma_wait3A_2115 = arith.constant 2944 : i32
      %dma_wait3A_2116 = tpu.memref_slice %arg6[%dma_wait3A_2115] : memref<3584xf32, #tpu.memory_space<vmem>> -> memref<32xf32, #tpu.memory_space<vmem>>
      %dma_wait3A_2117 = tpu.memref_slice %arg3[%add3A_9, %mul3A_400] : memref<1024x102400xf32, #tpu.memory_space<hbm>> -> memref<1x32xf32, #tpu.memory_space<hbm>>
      %dma_wait3A_2118 = tpu.memref_squeeze %dma_wait3A_2117 : memref<1x32xf32, #tpu.memory_space<hbm>> -> memref<32xf32, #tpu.memory_space<hbm>>
      tpu.wait_dma2 semaphore(%arg8 : memref<!tpu.dma_semaphore, #tpu.memory_space<semaphore_mem>>) src(%dma_wait3A_2118 : memref<32xf32, #tpu.memory_space<hbm>>) dst(%dma_wait3A_2116 : memref<32xf32, #tpu.memory_space<vmem>>)
      %dma_wait3A_2119 = arith.constant 2976 : i32
      %dma_wait3A_2120 = tpu.memref_slice %arg6[%dma_wait3A_2119] : memref<3584xf32, #tpu.memory_space<vmem>> -> memref<32xf32, #tpu.memory_space<vmem>>
      %dma_wait3A_2121 = tpu.memref_slice %arg3[%add3A_9, %mul3A_404] : memref<1024x102400xf32, #tpu.memory_space<hbm>> -> memref<1x32xf32, #tpu.memory_space<hbm>>
      %dma_wait3A_2122 = tpu.memref_squeeze %dma_wait3A_2121 : memref<1x32xf32, #tpu.memory_space<hbm>> -> memref<32xf32, #tpu.memory_space<hbm>>
      %dma_wait3A_2123 = arith.constant 2976 : i32
      %dma_wait3A_2124 = tpu.memref_slice %arg6[%dma_wait3A_2123] : memref<3584xf32, #tpu.memory_space<vmem>> -> memref<32xf32, #tpu.memory_space<vmem>>
      %dma_wait3A_2125 = tpu.memref_slice %arg3[%add3A_9, %mul3A_404] : memref<1024x102400xf32, #tpu.memory_space<hbm>> -> memref<1x32xf32, #tpu.memory_space<hbm>>
      %dma_wait3A_2126 = tpu.memref_squeeze %dma_wait3A_2125 : memref<1x32xf32, #tpu.memory_space<hbm>> -> memref<32xf32, #tpu.memory_space<hbm>>
      tpu.wait_dma2 semaphore(%arg8 : memref<!tpu.dma_semaphore, #tpu.memory_space<semaphore_mem>>) src(%dma_wait3A_2126 : memref<32xf32, #tpu.memory_space<hbm>>) dst(%dma_wait3A_2124 : memref<32xf32, #tpu.memory_space<vmem>>)
      %dma_wait3A_2127 = arith.constant 3008 : i32
      %dma_wait3A_2128 = tpu.memref_slice %arg6[%dma_wait3A_2127] : memref<3584xf32, #tpu.memory_space<vmem>> -> memref<32xf32, #tpu.memory_space<vmem>>
      %dma_wait3A_2129 = tpu.memref_slice %arg3[%add3A_9, %mul3A_408] : memref<1024x102400xf32, #tpu.memory_space<hbm>> -> memref<1x32xf32, #tpu.memory_space<hbm>>
      %dma_wait3A_2130 = tpu.memref_squeeze %dma_wait3A_2129 : memref<1x32xf32, #tpu.memory_space<hbm>> -> memref<32xf32, #tpu.memory_space<hbm>>
      %dma_wait3A_2131 = arith.constant 3008 : i32
      %dma_wait3A_2132 = tpu.memref_slice %arg6[%dma_wait3A_2131] : memref<3584xf32, #tpu.memory_space<vmem>> -> memref<32xf32, #tpu.memory_space<vmem>>
      %dma_wait3A_2133 = tpu.memref_slice %arg3[%add3A_9, %mul3A_408] : memref<1024x102400xf32, #tpu.memory_space<hbm>> -> memref<1x32xf32, #tpu.memory_space<hbm>>
      %dma_wait3A_2134 = tpu.memref_squeeze %dma_wait3A_2133 : memref<1x32xf32, #tpu.memory_space<hbm>> -> memref<32xf32, #tpu.memory_space<hbm>>
      tpu.wait_dma2 semaphore(%arg8 : memref<!tpu.dma_semaphore, #tpu.memory_space<semaphore_mem>>) src(%dma_wait3A_2134 : memref<32xf32, #tpu.memory_space<hbm>>) dst(%dma_wait3A_2132 : memref<32xf32, #tpu.memory_space<vmem>>)
      %dma_wait3A_2135 = arith.constant 3040 : i32
      %dma_wait3A_2136 = tpu.memref_slice %arg6[%dma_wait3A_2135] : memref<3584xf32, #tpu.memory_space<vmem>> -> memref<32xf32, #tpu.memory_space<vmem>>
      %dma_wait3A_2137 = tpu.memref_slice %arg3[%add3A_9, %mul3A_412] : memref<1024x102400xf32, #tpu.memory_space<hbm>> -> memref<1x32xf32, #tpu.memory_space<hbm>>
      %dma_wait3A_2138 = tpu.memref_squeeze %dma_wait3A_2137 : memref<1x32xf32, #tpu.memory_space<hbm>> -> memref<32xf32, #tpu.memory_space<hbm>>
      %dma_wait3A_2139 = arith.constant 3040 : i32
      %dma_wait3A_2140 = tpu.memref_slice %arg6[%dma_wait3A_2139] : memref<3584xf32, #tpu.memory_space<vmem>> -> memref<32xf32, #tpu.memory_space<vmem>>
      %dma_wait3A_2141 = tpu.memref_slice %arg3[%add3A_9, %mul3A_412] : memref<1024x102400xf32, #tpu.memory_space<hbm>> -> memref<1x32xf32, #tpu.memory_space<hbm>>
      %dma_wait3A_2142 = tpu.memref_squeeze %dma_wait3A_2141 : memref<1x32xf32, #tpu.memory_space<hbm>> -> memref<32xf32, #tpu.memory_space<hbm>>
      tpu.wait_dma2 semaphore(%arg8 : memref<!tpu.dma_semaphore, #tpu.memory_space<semaphore_mem>>) src(%dma_wait3A_2142 : memref<32xf32, #tpu.memory_space<hbm>>) dst(%dma_wait3A_2140 : memref<32xf32, #tpu.memory_space<vmem>>)
      %dma_wait3A_2143 = arith.constant 3072 : i32
      %dma_wait3A_2144 = tpu.memref_slice %arg6[%dma_wait3A_2143] : memref<3584xf32, #tpu.memory_space<vmem>> -> memref<32xf32, #tpu.memory_space<vmem>>
      %dma_wait3A_2145 = tpu.memref_slice %arg3[%add3A_9, %mul3A_418] : memref<1024x102400xf32, #tpu.memory_space<hbm>> -> memref<1x32xf32, #tpu.memory_space<hbm>>
      %dma_wait3A_2146 = tpu.memref_squeeze %dma_wait3A_2145 : memref<1x32xf32, #tpu.memory_space<hbm>> -> memref<32xf32, #tpu.memory_space<hbm>>
      %dma_wait3A_2147 = arith.constant 3072 : i32
      %dma_wait3A_2148 = tpu.memref_slice %arg6[%dma_wait3A_2147] : memref<3584xf32, #tpu.memory_space<vmem>> -> memref<32xf32, #tpu.memory_space<vmem>>
      %dma_wait3A_2149 = tpu.memref_slice %arg3[%add3A_9, %mul3A_418] : memref<1024x102400xf32, #tpu.memory_space<hbm>> -> memref<1x32xf32, #tpu.memory_space<hbm>>
      %dma_wait3A_2150 = tpu.memref_squeeze %dma_wait3A_2149 : memref<1x32xf32, #tpu.memory_space<hbm>> -> memref<32xf32, #tpu.memory_space<hbm>>
      tpu.wait_dma2 semaphore(%arg8 : memref<!tpu.dma_semaphore, #tpu.memory_space<semaphore_mem>>) src(%dma_wait3A_2150 : memref<32xf32, #tpu.memory_space<hbm>>) dst(%dma_wait3A_2148 : memref<32xf32, #tpu.memory_space<vmem>>)
      %dma_wait3A_2151 = arith.constant 3104 : i32
      %dma_wait3A_2152 = tpu.memref_slice %arg6[%dma_wait3A_2151] : memref<3584xf32, #tpu.memory_space<vmem>> -> memref<32xf32, #tpu.memory_space<vmem>>
      %dma_wait3A_2153 = tpu.memref_slice %arg3[%add3A_9, %mul3A_422] : memref<1024x102400xf32, #tpu.memory_space<hbm>> -> memref<1x32xf32, #tpu.memory_space<hbm>>
      %dma_wait3A_2154 = tpu.memref_squeeze %dma_wait3A_2153 : memref<1x32xf32, #tpu.memory_space<hbm>> -> memref<32xf32, #tpu.memory_space<hbm>>
      %dma_wait3A_2155 = arith.constant 3104 : i32
      %dma_wait3A_2156 = tpu.memref_slice %arg6[%dma_wait3A_2155] : memref<3584xf32, #tpu.memory_space<vmem>> -> memref<32xf32, #tpu.memory_space<vmem>>
      %dma_wait3A_2157 = tpu.memref_slice %arg3[%add3A_9, %mul3A_422] : memref<1024x102400xf32, #tpu.memory_space<hbm>> -> memref<1x32xf32, #tpu.memory_space<hbm>>
      %dma_wait3A_2158 = tpu.memref_squeeze %dma_wait3A_2157 : memref<1x32xf32, #tpu.memory_space<hbm>> -> memref<32xf32, #tpu.memory_space<hbm>>
      tpu.wait_dma2 semaphore(%arg8 : memref<!tpu.dma_semaphore, #tpu.memory_space<semaphore_mem>>) src(%dma_wait3A_2158 : memref<32xf32, #tpu.memory_space<hbm>>) dst(%dma_wait3A_2156 : memref<32xf32, #tpu.memory_space<vmem>>)
      %dma_wait3A_2159 = arith.constant 3136 : i32
      %dma_wait3A_2160 = tpu.memref_slice %arg6[%dma_wait3A_2159] : memref<3584xf32, #tpu.memory_space<vmem>> -> memref<32xf32, #tpu.memory_space<vmem>>
      %dma_wait3A_2161 = tpu.memref_slice %arg3[%add3A_9, %mul3A_426] : memref<1024x102400xf32, #tpu.memory_space<hbm>> -> memref<1x32xf32, #tpu.memory_space<hbm>>
      %dma_wait3A_2162 = tpu.memref_squeeze %dma_wait3A_2161 : memref<1x32xf32, #tpu.memory_space<hbm>> -> memref<32xf32, #tpu.memory_space<hbm>>
      %dma_wait3A_2163 = arith.constant 3136 : i32
      %dma_wait3A_2164 = tpu.memref_slice %arg6[%dma_wait3A_2163] : memref<3584xf32, #tpu.memory_space<vmem>> -> memref<32xf32, #tpu.memory_space<vmem>>
      %dma_wait3A_2165 = tpu.memref_slice %arg3[%add3A_9, %mul3A_426] : memref<1024x102400xf32, #tpu.memory_space<hbm>> -> memref<1x32xf32, #tpu.memory_space<hbm>>
      %dma_wait3A_2166 = tpu.memref_squeeze %dma_wait3A_2165 : memref<1x32xf32, #tpu.memory_space<hbm>> -> memref<32xf32, #tpu.memory_space<hbm>>
      tpu.wait_dma2 semaphore(%arg8 : memref<!tpu.dma_semaphore, #tpu.memory_space<semaphore_mem>>) src(%dma_wait3A_2166 : memref<32xf32, #tpu.memory_space<hbm>>) dst(%dma_wait3A_2164 : memref<32xf32, #tpu.memory_space<vmem>>)
      %dma_wait3A_2167 = arith.constant 3168 : i32
      %dma_wait3A_2168 = tpu.memref_slice %arg6[%dma_wait3A_2167] : memref<3584xf32, #tpu.memory_space<vmem>> -> memref<32xf32, #tpu.memory_space<vmem>>
      %dma_wait3A_2169 = tpu.memref_slice %arg3[%add3A_9, %mul3A_430] : memref<1024x102400xf32, #tpu.memory_space<hbm>> -> memref<1x32xf32, #tpu.memory_space<hbm>>
      %dma_wait3A_2170 = tpu.memref_squeeze %dma_wait3A_2169 : memref<1x32xf32, #tpu.memory_space<hbm>> -> memref<32xf32, #tpu.memory_space<hbm>>
      %dma_wait3A_2171 = arith.constant 3168 : i32
      %dma_wait3A_2172 = tpu.memref_slice %arg6[%dma_wait3A_2171] : memref<3584xf32, #tpu.memory_space<vmem>> -> memref<32xf32, #tpu.memory_space<vmem>>
      %dma_wait3A_2173 = tpu.memref_slice %arg3[%add3A_9, %mul3A_430] : memref<1024x102400xf32, #tpu.memory_space<hbm>> -> memref<1x32xf32, #tpu.memory_space<hbm>>
      %dma_wait3A_2174 = tpu.memref_squeeze %dma_wait3A_2173 : memref<1x32xf32, #tpu.memory_space<hbm>> -> memref<32xf32, #tpu.memory_space<hbm>>
      tpu.wait_dma2 semaphore(%arg8 : memref<!tpu.dma_semaphore, #tpu.memory_space<semaphore_mem>>) src(%dma_wait3A_2174 : memref<32xf32, #tpu.memory_space<hbm>>) dst(%dma_wait3A_2172 : memref<32xf32, #tpu.memory_space<vmem>>)
      %dma_wait3A_2175 = arith.constant 3200 : i32
      %dma_wait3A_2176 = tpu.memref_slice %arg6[%dma_wait3A_2175] : memref<3584xf32, #tpu.memory_space<vmem>> -> memref<32xf32, #tpu.memory_space<vmem>>
      %dma_wait3A_2177 = tpu.memref_slice %arg3[%add3A_9, %mul3A_434] : memref<1024x102400xf32, #tpu.memory_space<hbm>> -> memref<1x32xf32, #tpu.memory_space<hbm>>
      %dma_wait3A_2178 = tpu.memref_squeeze %dma_wait3A_2177 : memref<1x32xf32, #tpu.memory_space<hbm>> -> memref<32xf32, #tpu.memory_space<hbm>>
      %dma_wait3A_2179 = arith.constant 3200 : i32
      %dma_wait3A_2180 = tpu.memref_slice %arg6[%dma_wait3A_2179] : memref<3584xf32, #tpu.memory_space<vmem>> -> memref<32xf32, #tpu.memory_space<vmem>>
      %dma_wait3A_2181 = tpu.memref_slice %arg3[%add3A_9, %mul3A_434] : memref<1024x102400xf32, #tpu.memory_space<hbm>> -> memref<1x32xf32, #tpu.memory_space<hbm>>
      %dma_wait3A_2182 = tpu.memref_squeeze %dma_wait3A_2181 : memref<1x32xf32, #tpu.memory_space<hbm>> -> memref<32xf32, #tpu.memory_space<hbm>>
      tpu.wait_dma2 semaphore(%arg8 : memref<!tpu.dma_semaphore, #tpu.memory_space<semaphore_mem>>) src(%dma_wait3A_2182 : memref<32xf32, #tpu.memory_space<hbm>>) dst(%dma_wait3A_2180 : memref<32xf32, #tpu.memory_space<vmem>>)
      %dma_wait3A_2183 = arith.constant 3232 : i32
      %dma_wait3A_2184 = tpu.memref_slice %arg6[%dma_wait3A_2183] : memref<3584xf32, #tpu.memory_space<vmem>> -> memref<32xf32, #tpu.memory_space<vmem>>
      %dma_wait3A_2185 = tpu.memref_slice %arg3[%add3A_9, %mul3A_438] : memref<1024x102400xf32, #tpu.memory_space<hbm>> -> memref<1x32xf32, #tpu.memory_space<hbm>>
      %dma_wait3A_2186 = tpu.memref_squeeze %dma_wait3A_2185 : memref<1x32xf32, #tpu.memory_space<hbm>> -> memref<32xf32, #tpu.memory_space<hbm>>
      %dma_wait3A_2187 = arith.constant 3232 : i32
      %dma_wait3A_2188 = tpu.memref_slice %arg6[%dma_wait3A_2187] : memref<3584xf32, #tpu.memory_space<vmem>> -> memref<32xf32, #tpu.memory_space<vmem>>
      %dma_wait3A_2189 = tpu.memref_slice %arg3[%add3A_9, %mul3A_438] : memref<1024x102400xf32, #tpu.memory_space<hbm>> -> memref<1x32xf32, #tpu.memory_space<hbm>>
      %dma_wait3A_2190 = tpu.memref_squeeze %dma_wait3A_2189 : memref<1x32xf32, #tpu.memory_space<hbm>> -> memref<32xf32, #tpu.memory_space<hbm>>
      tpu.wait_dma2 semaphore(%arg8 : memref<!tpu.dma_semaphore, #tpu.memory_space<semaphore_mem>>) src(%dma_wait3A_2190 : memref<32xf32, #tpu.memory_space<hbm>>) dst(%dma_wait3A_2188 : memref<32xf32, #tpu.memory_space<vmem>>)
      %dma_wait3A_2191 = arith.constant 3264 : i32
      %dma_wait3A_2192 = tpu.memref_slice %arg6[%dma_wait3A_2191] : memref<3584xf32, #tpu.memory_space<vmem>> -> memref<32xf32, #tpu.memory_space<vmem>>
      %dma_wait3A_2193 = tpu.memref_slice %arg3[%add3A_9, %mul3A_442] : memref<1024x102400xf32, #tpu.memory_space<hbm>> -> memref<1x32xf32, #tpu.memory_space<hbm>>
      %dma_wait3A_2194 = tpu.memref_squeeze %dma_wait3A_2193 : memref<1x32xf32, #tpu.memory_space<hbm>> -> memref<32xf32, #tpu.memory_space<hbm>>
      %dma_wait3A_2195 = arith.constant 3264 : i32
      %dma_wait3A_2196 = tpu.memref_slice %arg6[%dma_wait3A_2195] : memref<3584xf32, #tpu.memory_space<vmem>> -> memref<32xf32, #tpu.memory_space<vmem>>
      %dma_wait3A_2197 = tpu.memref_slice %arg3[%add3A_9, %mul3A_442] : memref<1024x102400xf32, #tpu.memory_space<hbm>> -> memref<1x32xf32, #tpu.memory_space<hbm>>
      %dma_wait3A_2198 = tpu.memref_squeeze %dma_wait3A_2197 : memref<1x32xf32, #tpu.memory_space<hbm>> -> memref<32xf32, #tpu.memory_space<hbm>>
      tpu.wait_dma2 semaphore(%arg8 : memref<!tpu.dma_semaphore, #tpu.memory_space<semaphore_mem>>) src(%dma_wait3A_2198 : memref<32xf32, #tpu.memory_space<hbm>>) dst(%dma_wait3A_2196 : memref<32xf32, #tpu.memory_space<vmem>>)
      %dma_wait3A_2199 = arith.constant 3296 : i32
      %dma_wait3A_2200 = tpu.memref_slice %arg6[%dma_wait3A_2199] : memref<3584xf32, #tpu.memory_space<vmem>> -> memref<32xf32, #tpu.memory_space<vmem>>
      %dma_wait3A_2201 = tpu.memref_slice %arg3[%add3A_9, %mul3A_446] : memref<1024x102400xf32, #tpu.memory_space<hbm>> -> memref<1x32xf32, #tpu.memory_space<hbm>>
      %dma_wait3A_2202 = tpu.memref_squeeze %dma_wait3A_2201 : memref<1x32xf32, #tpu.memory_space<hbm>> -> memref<32xf32, #tpu.memory_space<hbm>>
      %dma_wait3A_2203 = arith.constant 3296 : i32
      %dma_wait3A_2204 = tpu.memref_slice %arg6[%dma_wait3A_2203] : memref<3584xf32, #tpu.memory_space<vmem>> -> memref<32xf32, #tpu.memory_space<vmem>>
      %dma_wait3A_2205 = tpu.memref_slice %arg3[%add3A_9, %mul3A_446] : memref<1024x102400xf32, #tpu.memory_space<hbm>> -> memref<1x32xf32, #tpu.memory_space<hbm>>
      %dma_wait3A_2206 = tpu.memref_squeeze %dma_wait3A_2205 : memref<1x32xf32, #tpu.memory_space<hbm>> -> memref<32xf32, #tpu.memory_space<hbm>>
      tpu.wait_dma2 semaphore(%arg8 : memref<!tpu.dma_semaphore, #tpu.memory_space<semaphore_mem>>) src(%dma_wait3A_2206 : memref<32xf32, #tpu.memory_space<hbm>>) dst(%dma_wait3A_2204 : memref<32xf32, #tpu.memory_space<vmem>>)
      %dma_wait3A_2207 = arith.constant 3328 : i32
      %dma_wait3A_2208 = tpu.memref_slice %arg6[%dma_wait3A_2207] : memref<3584xf32, #tpu.memory_space<vmem>> -> memref<32xf32, #tpu.memory_space<vmem>>
      %dma_wait3A_2209 = tpu.memref_slice %arg3[%add3A_9, %mul3A_450] : memref<1024x102400xf32, #tpu.memory_space<hbm>> -> memref<1x32xf32, #tpu.memory_space<hbm>>
      %dma_wait3A_2210 = tpu.memref_squeeze %dma_wait3A_2209 : memref<1x32xf32, #tpu.memory_space<hbm>> -> memref<32xf32, #tpu.memory_space<hbm>>
      %dma_wait3A_2211 = arith.constant 3328 : i32
      %dma_wait3A_2212 = tpu.memref_slice %arg6[%dma_wait3A_2211] : memref<3584xf32, #tpu.memory_space<vmem>> -> memref<32xf32, #tpu.memory_space<vmem>>
      %dma_wait3A_2213 = tpu.memref_slice %arg3[%add3A_9, %mul3A_450] : memref<1024x102400xf32, #tpu.memory_space<hbm>> -> memref<1x32xf32, #tpu.memory_space<hbm>>
      %dma_wait3A_2214 = tpu.memref_squeeze %dma_wait3A_2213 : memref<1x32xf32, #tpu.memory_space<hbm>> -> memref<32xf32, #tpu.memory_space<hbm>>
      tpu.wait_dma2 semaphore(%arg8 : memref<!tpu.dma_semaphore, #tpu.memory_space<semaphore_mem>>) src(%dma_wait3A_2214 : memref<32xf32, #tpu.memory_space<hbm>>) dst(%dma_wait3A_2212 : memref<32xf32, #tpu.memory_space<vmem>>)
      %dma_wait3A_2215 = arith.constant 3360 : i32
      %dma_wait3A_2216 = tpu.memref_slice %arg6[%dma_wait3A_2215] : memref<3584xf32, #tpu.memory_space<vmem>> -> memref<32xf32, #tpu.memory_space<vmem>>
      %dma_wait3A_2217 = tpu.memref_slice %arg3[%add3A_9, %mul3A_454] : memref<1024x102400xf32, #tpu.memory_space<hbm>> -> memref<1x32xf32, #tpu.memory_space<hbm>>
      %dma_wait3A_2218 = tpu.memref_squeeze %dma_wait3A_2217 : memref<1x32xf32, #tpu.memory_space<hbm>> -> memref<32xf32, #tpu.memory_space<hbm>>
      %dma_wait3A_2219 = arith.constant 3360 : i32
      %dma_wait3A_2220 = tpu.memref_slice %arg6[%dma_wait3A_2219] : memref<3584xf32, #tpu.memory_space<vmem>> -> memref<32xf32, #tpu.memory_space<vmem>>
      %dma_wait3A_2221 = tpu.memref_slice %arg3[%add3A_9, %mul3A_454] : memref<1024x102400xf32, #tpu.memory_space<hbm>> -> memref<1x32xf32, #tpu.memory_space<hbm>>
      %dma_wait3A_2222 = tpu.memref_squeeze %dma_wait3A_2221 : memref<1x32xf32, #tpu.memory_space<hbm>> -> memref<32xf32, #tpu.memory_space<hbm>>
      tpu.wait_dma2 semaphore(%arg8 : memref<!tpu.dma_semaphore, #tpu.memory_space<semaphore_mem>>) src(%dma_wait3A_2222 : memref<32xf32, #tpu.memory_space<hbm>>) dst(%dma_wait3A_2220 : memref<32xf32, #tpu.memory_space<vmem>>)
      %dma_wait3A_2223 = arith.constant 3392 : i32
      %dma_wait3A_2224 = tpu.memref_slice %arg6[%dma_wait3A_2223] : memref<3584xf32, #tpu.memory_space<vmem>> -> memref<32xf32, #tpu.memory_space<vmem>>
      %dma_wait3A_2225 = tpu.memref_slice %arg3[%add3A_9, %mul3A_458] : memref<1024x102400xf32, #tpu.memory_space<hbm>> -> memref<1x32xf32, #tpu.memory_space<hbm>>
      %dma_wait3A_2226 = tpu.memref_squeeze %dma_wait3A_2225 : memref<1x32xf32, #tpu.memory_space<hbm>> -> memref<32xf32, #tpu.memory_space<hbm>>
      %dma_wait3A_2227 = arith.constant 3392 : i32
      %dma_wait3A_2228 = tpu.memref_slice %arg6[%dma_wait3A_2227] : memref<3584xf32, #tpu.memory_space<vmem>> -> memref<32xf32, #tpu.memory_space<vmem>>
      %dma_wait3A_2229 = tpu.memref_slice %arg3[%add3A_9, %mul3A_458] : memref<1024x102400xf32, #tpu.memory_space<hbm>> -> memref<1x32xf32, #tpu.memory_space<hbm>>
      %dma_wait3A_2230 = tpu.memref_squeeze %dma_wait3A_2229 : memref<1x32xf32, #tpu.memory_space<hbm>> -> memref<32xf32, #tpu.memory_space<hbm>>
      tpu.wait_dma2 semaphore(%arg8 : memref<!tpu.dma_semaphore, #tpu.memory_space<semaphore_mem>>) src(%dma_wait3A_2230 : memref<32xf32, #tpu.memory_space<hbm>>) dst(%dma_wait3A_2228 : memref<32xf32, #tpu.memory_space<vmem>>)
      %dma_wait3A_2231 = arith.constant 3424 : i32
      %dma_wait3A_2232 = tpu.memref_slice %arg6[%dma_wait3A_2231] : memref<3584xf32, #tpu.memory_space<vmem>> -> memref<32xf32, #tpu.memory_space<vmem>>
      %dma_wait3A_2233 = tpu.memref_slice %arg3[%add3A_9, %mul3A_462] : memref<1024x102400xf32, #tpu.memory_space<hbm>> -> memref<1x32xf32, #tpu.memory_space<hbm>>
      %dma_wait3A_2234 = tpu.memref_squeeze %dma_wait3A_2233 : memref<1x32xf32, #tpu.memory_space<hbm>> -> memref<32xf32, #tpu.memory_space<hbm>>
      %dma_wait3A_2235 = arith.constant 3424 : i32
      %dma_wait3A_2236 = tpu.memref_slice %arg6[%dma_wait3A_2235] : memref<3584xf32, #tpu.memory_space<vmem>> -> memref<32xf32, #tpu.memory_space<vmem>>
      %dma_wait3A_2237 = tpu.memref_slice %arg3[%add3A_9, %mul3A_462] : memref<1024x102400xf32, #tpu.memory_space<hbm>> -> memref<1x32xf32, #tpu.memory_space<hbm>>
      %dma_wait3A_2238 = tpu.memref_squeeze %dma_wait3A_2237 : memref<1x32xf32, #tpu.memory_space<hbm>> -> memref<32xf32, #tpu.memory_space<hbm>>
      tpu.wait_dma2 semaphore(%arg8 : memref<!tpu.dma_semaphore, #tpu.memory_space<semaphore_mem>>) src(%dma_wait3A_2238 : memref<32xf32, #tpu.memory_space<hbm>>) dst(%dma_wait3A_2236 : memref<32xf32, #tpu.memory_space<vmem>>)
      %dma_wait3A_2239 = arith.constant 3456 : i32
      %dma_wait3A_2240 = tpu.memref_slice %arg6[%dma_wait3A_2239] : memref<3584xf32, #tpu.memory_space<vmem>> -> memref<32xf32, #tpu.memory_space<vmem>>
      %dma_wait3A_2241 = tpu.memref_slice %arg3[%add3A_9, %mul3A_466] : memref<1024x102400xf32, #tpu.memory_space<hbm>> -> memref<1x32xf32, #tpu.memory_space<hbm>>
      %dma_wait3A_2242 = tpu.memref_squeeze %dma_wait3A_2241 : memref<1x32xf32, #tpu.memory_space<hbm>> -> memref<32xf32, #tpu.memory_space<hbm>>
      %dma_wait3A_2243 = arith.constant 3456 : i32
      %dma_wait3A_2244 = tpu.memref_slice %arg6[%dma_wait3A_2243] : memref<3584xf32, #tpu.memory_space<vmem>> -> memref<32xf32, #tpu.memory_space<vmem>>
      %dma_wait3A_2245 = tpu.memref_slice %arg3[%add3A_9, %mul3A_466] : memref<1024x102400xf32, #tpu.memory_space<hbm>> -> memref<1x32xf32, #tpu.memory_space<hbm>>
      %dma_wait3A_2246 = tpu.memref_squeeze %dma_wait3A_2245 : memref<1x32xf32, #tpu.memory_space<hbm>> -> memref<32xf32, #tpu.memory_space<hbm>>
      tpu.wait_dma2 semaphore(%arg8 : memref<!tpu.dma_semaphore, #tpu.memory_space<semaphore_mem>>) src(%dma_wait3A_2246 : memref<32xf32, #tpu.memory_space<hbm>>) dst(%dma_wait3A_2244 : memref<32xf32, #tpu.memory_space<vmem>>)
      %dma_wait3A_2247 = arith.constant 3488 : i32
      %dma_wait3A_2248 = tpu.memref_slice %arg6[%dma_wait3A_2247] : memref<3584xf32, #tpu.memory_space<vmem>> -> memref<32xf32, #tpu.memory_space<vmem>>
      %dma_wait3A_2249 = tpu.memref_slice %arg3[%add3A_9, %mul3A_470] : memref<1024x102400xf32, #tpu.memory_space<hbm>> -> memref<1x32xf32, #tpu.memory_space<hbm>>
      %dma_wait3A_2250 = tpu.memref_squeeze %dma_wait3A_2249 : memref<1x32xf32, #tpu.memory_space<hbm>> -> memref<32xf32, #tpu.memory_space<hbm>>
      %dma_wait3A_2251 = arith.constant 3488 : i32
      %dma_wait3A_2252 = tpu.memref_slice %arg6[%dma_wait3A_2251] : memref<3584xf32, #tpu.memory_space<vmem>> -> memref<32xf32, #tpu.memory_space<vmem>>
      %dma_wait3A_2253 = tpu.memref_slice %arg3[%add3A_9, %mul3A_470] : memref<1024x102400xf32, #tpu.memory_space<hbm>> -> memref<1x32xf32, #tpu.memory_space<hbm>>
      %dma_wait3A_2254 = tpu.memref_squeeze %dma_wait3A_2253 : memref<1x32xf32, #tpu.memory_space<hbm>> -> memref<32xf32, #tpu.memory_space<hbm>>
      tpu.wait_dma2 semaphore(%arg8 : memref<!tpu.dma_semaphore, #tpu.memory_space<semaphore_mem>>) src(%dma_wait3A_2254 : memref<32xf32, #tpu.memory_space<hbm>>) dst(%dma_wait3A_2252 : memref<32xf32, #tpu.memory_space<vmem>>)
      %dma_wait3A_2255 = arith.constant 3520 : i32
      %dma_wait3A_2256 = tpu.memref_slice %arg6[%dma_wait3A_2255] : memref<3584xf32, #tpu.memory_space<vmem>> -> memref<32xf32, #tpu.memory_space<vmem>>
      %dma_wait3A_2257 = tpu.memref_slice %arg3[%add3A_9, %mul3A_474] : memref<1024x102400xf32, #tpu.memory_space<hbm>> -> memref<1x32xf32, #tpu.memory_space<hbm>>
      %dma_wait3A_2258 = tpu.memref_squeeze %dma_wait3A_2257 : memref<1x32xf32, #tpu.memory_space<hbm>> -> memref<32xf32, #tpu.memory_space<hbm>>
      %dma_wait3A_2259 = arith.constant 3520 : i32
      %dma_wait3A_2260 = tpu.memref_slice %arg6[%dma_wait3A_2259] : memref<3584xf32, #tpu.memory_space<vmem>> -> memref<32xf32, #tpu.memory_space<vmem>>
      %dma_wait3A_2261 = tpu.memref_slice %arg3[%add3A_9, %mul3A_474] : memref<1024x102400xf32, #tpu.memory_space<hbm>> -> memref<1x32xf32, #tpu.memory_space<hbm>>
      %dma_wait3A_2262 = tpu.memref_squeeze %dma_wait3A_2261 : memref<1x32xf32, #tpu.memory_space<hbm>> -> memref<32xf32, #tpu.memory_space<hbm>>
      tpu.wait_dma2 semaphore(%arg8 : memref<!tpu.dma_semaphore, #tpu.memory_space<semaphore_mem>>) src(%dma_wait3A_2262 : memref<32xf32, #tpu.memory_space<hbm>>) dst(%dma_wait3A_2260 : memref<32xf32, #tpu.memory_space<vmem>>)
      %dma_wait3A_2263 = arith.constant 3552 : i32
      %dma_wait3A_2264 = tpu.memref_slice %arg6[%dma_wait3A_2263] : memref<3584xf32, #tpu.memory_space<vmem>> -> memref<32xf32, #tpu.memory_space<vmem>>
      %dma_wait3A_2265 = tpu.memref_slice %arg3[%add3A_9, %mul3A_478] : memref<1024x102400xf32, #tpu.memory_space<hbm>> -> memref<1x32xf32, #tpu.memory_space<hbm>>
      %dma_wait3A_2266 = tpu.memref_squeeze %dma_wait3A_2265 : memref<1x32xf32, #tpu.memory_space<hbm>> -> memref<32xf32, #tpu.memory_space<hbm>>
      %dma_wait3A_2267 = arith.constant 3552 : i32
      %dma_wait3A_2268 = tpu.memref_slice %arg6[%dma_wait3A_2267] : memref<3584xf32, #tpu.memory_space<vmem>> -> memref<32xf32, #tpu.memory_space<vmem>>
      %dma_wait3A_2269 = tpu.memref_slice %arg3[%add3A_9, %mul3A_478] : memref<1024x102400xf32, #tpu.memory_space<hbm>> -> memref<1x32xf32, #tpu.memory_space<hbm>>
      %dma_wait3A_2270 = tpu.memref_squeeze %dma_wait3A_2269 : memref<1x32xf32, #tpu.memory_space<hbm>> -> memref<32xf32, #tpu.memory_space<hbm>>
      tpu.wait_dma2 semaphore(%arg8 : memref<!tpu.dma_semaphore, #tpu.memory_space<semaphore_mem>>) src(%dma_wait3A_2270 : memref<32xf32, #tpu.memory_space<hbm>>) dst(%dma_wait3A_2268 : memref<32xf32, #tpu.memory_space<vmem>>)
      "tpu.region"() ({
        %run_scoped3A = tpu.sem_alloc : memref<!tpu.dma_semaphore, #tpu.memory_space<semaphore_mem>>
        %dma_start3A_2271 = arith.constant 0 : i32
        %dma_start3A_2272 = tpu.memref_slice %arg4[%add3A_9, %dma_start3A_2271] : memref<1024x3584xf32, #tpu.memory_space<hbm>> -> memref<1x3584xf32, #tpu.memory_space<hbm>>
        %dma_start3A_2273 = tpu.memref_squeeze %dma_start3A_2272 : memref<1x3584xf32, #tpu.memory_space<hbm>> -> memref<3584xf32, #tpu.memory_space<hbm>>
        %dma_start3A_2274 = arith.constant 0 : i32
        %dma_start3A_2275 = tpu.memref_slice %arg4[%add3A_9, %dma_start3A_2274] : memref<1024x3584xf32, #tpu.memory_space<hbm>> -> memref<1x3584xf32, #tpu.memory_space<hbm>>
        %dma_start3A_2276 = tpu.memref_squeeze %dma_start3A_2275 : memref<1x3584xf32, #tpu.memory_space<hbm>> -> memref<3584xf32, #tpu.memory_space<hbm>>
        tpu.enqueue_dma source(%arg6 : memref<3584xf32, #tpu.memory_space<vmem>>) target(%dma_start3A_2276 : memref<3584xf32, #tpu.memory_space<hbm>>) target_semaphore(%run_scoped3A : memref<!tpu.dma_semaphore, #tpu.memory_space<semaphore_mem>>)
        %dma_wait3A_2277 = arith.constant 0 : i32
        %dma_wait3A_2278 = tpu.memref_slice %arg4[%add3A_9, %dma_wait3A_2277] : memref<1024x3584xf32, #tpu.memory_space<hbm>> -> memref<1x3584xf32, #tpu.memory_space<hbm>>
        %dma_wait3A_2279 = tpu.memref_squeeze %dma_wait3A_2278 : memref<1x3584xf32, #tpu.memory_space<hbm>> -> memref<3584xf32, #tpu.memory_space<hbm>>
        %dma_wait3A_2280 = arith.constant 0 : i32
        %dma_wait3A_2281 = tpu.memref_slice %arg4[%add3A_9, %dma_wait3A_2280] : memref<1024x3584xf32, #tpu.memory_space<hbm>> -> memref<1x3584xf32, #tpu.memory_space<hbm>>
        %dma_wait3A_2282 = tpu.memref_squeeze %dma_wait3A_2281 : memref<1x3584xf32, #tpu.memory_space<hbm>> -> memref<3584xf32, #tpu.memory_space<hbm>>
        tpu.wait_dma2 semaphore(%run_scoped3A : memref<!tpu.dma_semaphore, #tpu.memory_space<semaphore_mem>>) src(%arg6 : memref<3584xf32, #tpu.memory_space<vmem>>) dst(%dma_wait3A_2282 : memref<3584xf32, #tpu.memory_space<hbm>>)
        tpu.yield
      }) : () -> ()
    }
    %scan3A_5 = arith.constant 32 : i32
    return
  }
}

module attributes {stable_mosaic.version = 14 : i64} {
  func.func @_k1_body(%arg0: i32, %arg1: i32, %arg2: memref<256x64xf32, #tpu.memory_space<vmem>>, %arg3: memref<4096x64xf32, #tpu.memory_space<vmem>>, %arg4: memref<4096x128xf32, #tpu.memory_space<vmem>>, %arg5: memref<256x4096xf32, #tpu.memory_space<vmem>>, %arg6: memref<256x3200xf32, #tpu.memory_space<vmem>>) attributes {dimension_semantics = [#tpu.dimension_semantics<arbitrary>, #tpu.dimension_semantics<arbitrary>], iteration_bounds = array<i64: 4, 25>, scalar_prefetch = 0 : i64, scratch_operands = 0 : i64, tpu.core_type = #tpu.core_type<tc>, window_params = [{transform_indices = @transform_0, window_bounds = array<i64: 256, 64>}, {transform_indices = @transform_1, window_bounds = array<i64: 4096, 64>}, {pipeline_mode = #tpu.pipeline_mode<synchronous>, transform_indices = @transform_2, window_bounds = array<i64: 4096, 128>}, {transform_indices = @transform_3, window_bounds = array<i64: 256, 4096>}, {transform_indices = @transform_4, window_bounds = array<i64: 256, 3200>}]} {
    %get3A = arith.constant 0 : index
    %get3A_0 = arith.constant 0 : index
    %get3A_1 = vector.load %arg2[%get3A, %get3A_0] : memref<256x64xf32, #tpu.memory_space<vmem>>, vector<256x64xf32>
    %get3A_2 = arith.constant 0 : index
    %get3A_3 = arith.constant 0 : index
    %get3A_4 = vector.load %arg3[%get3A_2, %get3A_3] : memref<4096x64xf32, #tpu.memory_space<vmem>>, vector<4096x64xf32>
    %dot_general3A = arith.constant dense<0.000000e+00> : vector<256x4096xf32>
    %dot_general3A_5 = tpu.matmul %get3A_1, %get3A_4, %dot_general3A {dimension_numbers = #tpu.dot_dimension_numbers<[1], [1], [0], [0], [0, 0, 1, 0], [], []>, transpose_lhs_hint = false} : vector<256x64xf32>, vector<4096x64xf32>, vector<256x4096xf32> -> vector<256x4096xf32>
    %mul3A = arith.constant 4096 : i32
    %mul3A_6 = arith.muli %arg1, %mul3A : i32
    %iota3A = tpu.iota {dimensions = array<i32: 1>} : vector<256x4096xi32>
    %add3A = vector.broadcast %mul3A_6 : i32 to vector<256x4096xi32>
    %add3A_7 = arith.addi %add3A, %iota3A : vector<256x4096xi32>
    %lt3A = arith.constant 100000 : i32
    %lt3A_8 = vector.broadcast %lt3A : i32 to vector<256x4096xi32>
    %lt3A_9 = arith.cmpi slt, %add3A_7, %lt3A_8 : vector<256x4096xi32>
    %jit3A = arith.constant -3.000000e+38 : f32
    %broadcast_in_dim3A = vector.broadcast %jit3A : f32 to vector<256x4096xf32>
    %select_n3A = arith.select %lt3A_9, %dot_general3A_5, %broadcast_in_dim3A : vector<256x4096xi1>, vector<256x4096xf32>
    %swap3A = arith.constant 0 : index
    %swap3A_10 = arith.constant 0 : index
    %swap3A_11 = vector.load %arg5[%swap3A, %swap3A_10] : memref<256x4096xf32, #tpu.memory_space<vmem>>, vector<256x4096xf32>
    tpu.vector_store %arg5[%swap3A, %swap3A_10], %select_n3A {strides = array<i32>} : memref<256x4096xf32, #tpu.memory_space<vmem>>, vector<256x4096xf32>,
    %roll3A = arith.constant 4095 : i32
    %roll3A_12 = tpu.dynamic_rotate %select_n3A by %roll3A dim 1 : vector<256x4096xf32>, i32 -> vector<256x4096xf32>
    %max3A = arith.maximumf %select_n3A, %roll3A_12 : vector<256x4096xf32>
    %roll3A_13 = arith.constant 4094 : i32
    %roll3A_14 = tpu.dynamic_rotate %max3A by %roll3A_13 dim 1 : vector<256x4096xf32>, i32 -> vector<256x4096xf32>
    %max3A_15 = arith.maximumf %max3A, %roll3A_14 : vector<256x4096xf32>
    %roll3A_16 = arith.constant 4092 : i32
    %roll3A_17 = tpu.dynamic_rotate %max3A_15 by %roll3A_16 dim 1 : vector<256x4096xf32>, i32 -> vector<256x4096xf32>
    %max3A_18 = arith.maximumf %max3A_15, %roll3A_17 : vector<256x4096xf32>
    %roll3A_19 = arith.constant 4088 : i32
    %roll3A_20 = tpu.dynamic_rotate %max3A_18 by %roll3A_19 dim 1 : vector<256x4096xf32>, i32 -> vector<256x4096xf32>
    %max3A_21 = arith.maximumf %max3A_18, %roll3A_20 : vector<256x4096xf32>
    %roll3A_22 = arith.constant 4080 : i32
    %roll3A_23 = tpu.dynamic_rotate %max3A_21 by %roll3A_22 dim 1 : vector<256x4096xf32>, i32 -> vector<256x4096xf32>
    %max3A_24 = arith.maximumf %max3A_21, %roll3A_23 : vector<256x4096xf32>
    %get3A_25 = arith.constant 0 : index
    %get3A_26 = arith.constant 0 : index
    %get3A_27 = vector.load %arg4[%get3A_25, %get3A_26] : memref<4096x128xf32, #tpu.memory_space<vmem>>, vector<4096x128xf32>
    %dot_general3A_28 = arith.constant dense<0.000000e+00> : vector<256x128xf32>
    %dot_general3A_29 = tpu.matmul %max3A_24, %get3A_27, %dot_general3A_28 {dimension_numbers = #tpu.dot_dimension_numbers<[1], [0], [0], [1], [0, 0, 1, 1], [], []>, transpose_lhs_hint = false} : vector<256x4096xf32>, vector<4096x128xf32>, vector<256x128xf32> -> vector<256x128xf32>
    %mul3A_30 = arith.constant 128 : i32
    %mul3A_31 = arith.muli %arg1, %mul3A_30 : i32
    %swap3A_32 = arith.constant 0 : index
    %swap3A_33 = arith.index_cast %mul3A_31 : i32 to index
    %swap3A_34 = vector.load %arg6[%swap3A_32, %swap3A_33] : memref<256x3200xf32, #tpu.memory_space<vmem>>, vector<256x128xf32>
    tpu.vector_store %arg6[%swap3A_32, %swap3A_33], %dot_general3A_29 {strides = array<i32>} : memref<256x3200xf32, #tpu.memory_space<vmem>>, vector<256x128xf32>,
    return
  }
  func.func @transform_0(%arg0: i32, %arg1: i32) -> (i32, i32) {
    %c0_i32 = arith.constant 0 : i32
    %c0_i32_0 = arith.constant 0 : i32
    return %arg0, %c0_i32 : i32, i32
  }
  func.func @transform_1(%arg0: i32, %arg1: i32) -> (i32, i32) {
    %c0_i32 = arith.constant 0 : i32
    %c0_i32_0 = arith.constant 0 : i32
    return %arg1, %c0_i32 : i32, i32
  }
  func.func @transform_2(%arg0: i32, %arg1: i32) -> (i32, i32) {
    %c0_i32 = arith.constant 0 : i32
    %c0_i32_0 = arith.constant 0 : i32
    %c0_i32_1 = arith.constant 0 : i32
    return %c0_i32, %c0_i32_0 : i32, i32
  }
  func.func @transform_3(%arg0: i32, %arg1: i32) -> (i32, i32) {
    %c0_i32 = arith.constant 0 : i32
    return %arg0, %arg1 : i32, i32
  }
  func.func @transform_4(%arg0: i32, %arg1: i32) -> (i32, i32) {
    %c0_i32 = arith.constant 0 : i32
    %c0_i32_0 = arith.constant 0 : i32
    return %arg0, %c0_i32 : i32, i32
  }
}

module attributes {stable_mosaic.version = 14 : i64} {
  func.func @_k2_body(%arg0: i32, %arg1: memref<256x3200xf32, #tpu.memory_space<vmem>>, %arg2: memref<256x112xi32, #tpu.memory_space<vmem>>, %arg3: memref<256x3200xf32, #tpu.memory_space<vmem>>, %arg4: memref<256x112xi32, #tpu.memory_space<vmem>>) attributes {dimension_semantics = [#tpu.dimension_semantics<arbitrary>], iteration_bounds = array<i64: 4>, scalar_prefetch = 0 : i64, scratch_operands = 2 : i64, tpu.core_type = #tpu.core_type<tc>, window_params = [{transform_indices = @transform_0, window_bounds = array<i64: 256, 3200>}, {transform_indices = @transform_1, window_bounds = array<i64: 256, 112>}]} {
    %get3A = arith.constant 0 : index
    %get3A_0 = arith.constant 0 : index
    %get3A_1 = vector.load %arg1[%get3A, %get3A_0] : memref<256x3200xf32, #tpu.memory_space<vmem>>, vector<256x3200xf32>
    %swap3A = arith.constant 0 : index
    %swap3A_2 = arith.constant 0 : index
    %swap3A_3 = vector.load %arg3[%swap3A, %swap3A_2] : memref<256x3200xf32, #tpu.memory_space<vmem>>, vector<256x3200xf32>
    tpu.vector_store %arg3[%swap3A, %swap3A_2], %get3A_1 {strides = array<i32>} : memref<256x3200xf32, #tpu.memory_space<vmem>>, vector<256x3200xf32>,
    %iota3A = tpu.iota {dimensions = array<i32: 1>} : vector<256x3200xi32>
    %iota3A_4 = tpu.iota {dimensions = array<i32: 1>} : vector<256x112xi32>
    %scan3A = arith.constant 0 : i32
    %scan3A_5 = arith.constant 112 : i32
    %scan3A_6 = arith.addi %scan3A, %scan3A_5 : i32
    %scan3A_7 = arith.constant 1 : i32
    scf.for %scan3A_15 = %scan3A to %scan3A_6 step %scan3A_7  : i32 {
      %get3A_16 = arith.constant 0 : index
      %get3A_17 = arith.constant 0 : index
      %get3A_18 = vector.load %arg3[%get3A_16, %get3A_17] : memref<256x3200xf32, #tpu.memory_space<vmem>>, vector<256x3200xf32>
      %reduce_max3A = arith.constant dense<0xFF800000> : vector<256xf32>
      %reduce_max3A_19 = vector.multi_reduction <maximumf>, %get3A_18, %reduce_max3A [1] : vector<256x3200xf32> to vector<256xf32>
      %broadcast_in_dim3A = vector.shape_cast %reduce_max3A_19 : vector<256xf32> to vector<256x1xf32>
      %eq3A = vector.broadcast %broadcast_in_dim3A : vector<256x1xf32> to vector<256x3200xf32>
      %eq3A_20 = arith.cmpf oeq, %get3A_18, %eq3A : vector<256x3200xf32>
      %jit3A = arith.constant 2147483647 : i32
      %broadcast_in_dim3A_21 = vector.broadcast %jit3A : i32 to vector<256x3200xi32>
      %select_n3A = arith.select %eq3A_20, %iota3A, %broadcast_in_dim3A_21 : vector<256x3200xi1>, vector<256x3200xi32>
      %reduce_min3A = arith.constant dense<2147483647> : vector<256xi32>
      %reduce_min3A_22 = vector.multi_reduction <minsi>, %select_n3A, %reduce_min3A [1] : vector<256x3200xi32> to vector<256xi32>
      %broadcast_in_dim3A_23 = vector.shape_cast %reduce_min3A_22 : vector<256xi32> to vector<256x1xi32>
      %eq3A_24 = vector.broadcast %scan3A_15 : i32 to vector<256x112xi32>
      %eq3A_25 = arith.cmpi eq, %iota3A_4, %eq3A_24 : vector<256x112xi32>
      %get3A_26 = arith.constant 0 : index
      %get3A_27 = arith.constant 0 : index
      %get3A_28 = vector.load %arg4[%get3A_26, %get3A_27] : memref<256x112xi32, #tpu.memory_space<vmem>>, vector<256x112xi32>
      %broadcast_in_dim3A_29 = vector.shape_cast %broadcast_in_dim3A_23 : vector<256x1xi32> to vector<256x1xi32>
      %broadcast_in_dim3A_30 = vector.broadcast %broadcast_in_dim3A_29 : vector<256x1xi32> to vector<256x112xi32>
      %select_n3A_31 = arith.select %eq3A_25, %broadcast_in_dim3A_30, %get3A_28 : vector<256x112xi1>, vector<256x112xi32>
      %swap3A_32 = arith.constant 0 : index
      %swap3A_33 = arith.constant 0 : index
      %swap3A_34 = vector.load %arg4[%swap3A_32, %swap3A_33] : memref<256x112xi32, #tpu.memory_space<vmem>>, vector<256x112xi32>
      tpu.vector_store %arg4[%swap3A_32, %swap3A_33], %select_n3A_31 {strides = array<i32>} : memref<256x112xi32, #tpu.memory_space<vmem>>, vector<256x112xi32>,
      %eq3A_35 = vector.broadcast %broadcast_in_dim3A_23 : vector<256x1xi32> to vector<256x3200xi32>
      %eq3A_36 = arith.cmpi eq, %iota3A, %eq3A_35 : vector<256x3200xi32>
      %jit3A_37 = arith.constant 0xFF800000 : f32
      %broadcast_in_dim3A_38 = vector.broadcast %jit3A_37 : f32 to vector<256x3200xf32>
      %select_n3A_39 = arith.select %eq3A_36, %broadcast_in_dim3A_38, %get3A_18 : vector<256x3200xi1>, vector<256x3200xf32>
      %swap3A_40 = arith.constant 0 : index
      %swap3A_41 = arith.constant 0 : index
      %swap3A_42 = vector.load %arg3[%swap3A_40, %swap3A_41] : memref<256x3200xf32, #tpu.memory_space<vmem>>, vector<256x3200xf32>
      tpu.vector_store %arg3[%swap3A_40, %swap3A_41], %select_n3A_39 {strides = array<i32>} : memref<256x3200xf32, #tpu.memory_space<vmem>>, vector<256x3200xf32>,
    }
    %scan3A_8 = arith.constant 112 : i32
    %get3A_9 = arith.constant 0 : index
    %get3A_10 = arith.constant 0 : index
    %get3A_11 = vector.load %arg4[%get3A_9, %get3A_10] : memref<256x112xi32, #tpu.memory_space<vmem>>, vector<256x112xi32>
    %swap3A_12 = arith.constant 0 : index
    %swap3A_13 = arith.constant 0 : index
    %swap3A_14 = vector.load %arg2[%swap3A_12, %swap3A_13] : memref<256x112xi32, #tpu.memory_space<vmem>>, vector<256x112xi32>
    tpu.vector_store %arg2[%swap3A_12, %swap3A_13], %get3A_11 {strides = array<i32>} : memref<256x112xi32, #tpu.memory_space<vmem>>, vector<256x112xi32>,
    return
  }
  func.func @transform_0(%arg0: i32) -> (i32, i32) {
    %c0_i32 = arith.constant 0 : i32
    %c0_i32_0 = arith.constant 0 : i32
    return %arg0, %c0_i32 : i32, i32
  }
  func.func @transform_1(%arg0: i32) -> (i32, i32) {
    %c0_i32 = arith.constant 0 : i32
    %c0_i32_0 = arith.constant 0 : i32
    return %arg0, %c0_i32 : i32, i32
  }
}

module attributes {stable_mosaic.version = 14 : i64} {
  func.func @_k4_body(%arg0: i32, %arg1: memref<128x3584xf32, #tpu.memory_space<vmem>>, %arg2: memref<128x3584xi32, #tpu.memory_space<vmem>>, %arg3: memref<128x100xf32, #tpu.memory_space<vmem>>, %arg4: memref<128x100xi32, #tpu.memory_space<vmem>>, %arg5: memref<128x3584xf32, #tpu.memory_space<vmem>>, %arg6: memref<128x128xf32, #tpu.memory_space<vmem>>, %arg7: memref<128x128xi32, #tpu.memory_space<vmem>>) attributes {dimension_semantics = [#tpu.dimension_semantics<arbitrary>], iteration_bounds = array<i64: 8>, scalar_prefetch = 0 : i64, scratch_operands = 3 : i64, tpu.core_type = #tpu.core_type<tc>, window_params = [{transform_indices = @transform_0, window_bounds = array<i64: 128, 3584>}, {transform_indices = @transform_1, window_bounds = array<i64: 128, 3584>}, {transform_indices = @transform_2, window_bounds = array<i64: 128, 100>}, {transform_indices = @transform_3, window_bounds = array<i64: 128, 100>}]} {
    %get3A = arith.constant 0 : index
    %get3A_0 = arith.constant 0 : index
    %get3A_1 = vector.load %arg1[%get3A, %get3A_0] : memref<128x3584xf32, #tpu.memory_space<vmem>>, vector<128x3584xf32>
    %swap3A = arith.constant 0 : index
    %swap3A_2 = arith.constant 0 : index
    %swap3A_3 = vector.load %arg5[%swap3A, %swap3A_2] : memref<128x3584xf32, #tpu.memory_space<vmem>>, vector<128x3584xf32>
    tpu.vector_store %arg5[%swap3A, %swap3A_2], %get3A_1 {strides = array<i32>} : memref<128x3584xf32, #tpu.memory_space<vmem>>, vector<128x3584xf32>,
    %get3A_4 = arith.constant 0 : index
    %get3A_5 = arith.constant 0 : index
    %get3A_6 = vector.load %arg2[%get3A_4, %get3A_5] : memref<128x3584xi32, #tpu.memory_space<vmem>>, vector<128x3584xi32>
    %iota3A = tpu.iota {dimensions = array<i32: 1>} : vector<128x128xi32>
    %scan3A = arith.constant 0 : i32
    %scan3A_7 = arith.constant 100 : i32
    %scan3A_8 = arith.addi %scan3A, %scan3A_7 : i32
    %scan3A_9 = arith.constant 1 : i32
    scf.for %scan3A_23 = %scan3A to %scan3A_8 step %scan3A_9  : i32 {
      %get3A_24 = arith.constant 0 : index
      %get3A_25 = arith.constant 0 : index
      %get3A_26 = vector.load %arg5[%get3A_24, %get3A_25] : memref<128x3584xf32, #tpu.memory_space<vmem>>, vector<128x3584xf32>
      %reduce_max3A = arith.constant dense<0xFF800000> : vector<128xf32>
      %reduce_max3A_27 = vector.multi_reduction <maximumf>, %get3A_26, %reduce_max3A [1] : vector<128x3584xf32> to vector<128xf32>
      %broadcast_in_dim3A = vector.shape_cast %reduce_max3A_27 : vector<128xf32> to vector<128x1xf32>
      %eq3A = vector.broadcast %broadcast_in_dim3A : vector<128x1xf32> to vector<128x3584xf32>
      %eq3A_28 = arith.cmpf oeq, %get3A_26, %eq3A : vector<128x3584xf32>
      %jit3A = arith.constant 2147483647 : i32
      %broadcast_in_dim3A_29 = vector.broadcast %jit3A : i32 to vector<128x3584xi32>
      %select_n3A = arith.select %eq3A_28, %get3A_6, %broadcast_in_dim3A_29 : vector<128x3584xi1>, vector<128x3584xi32>
      %reduce_min3A = arith.constant dense<2147483647> : vector<128xi32>
      %reduce_min3A_30 = vector.multi_reduction <minsi>, %select_n3A, %reduce_min3A [1] : vector<128x3584xi32> to vector<128xi32>
      %broadcast_in_dim3A_31 = vector.shape_cast %reduce_min3A_30 : vector<128xi32> to vector<128x1xi32>
      %eq3A_32 = vector.broadcast %scan3A_23 : i32 to vector<128x128xi32>
      %eq3A_33 = arith.cmpi eq, %iota3A, %eq3A_32 : vector<128x128xi32>
      %get3A_34 = arith.constant 0 : index
      %get3A_35 = arith.constant 0 : index
      %get3A_36 = vector.load %arg6[%get3A_34, %get3A_35] : memref<128x128xf32, #tpu.memory_space<vmem>>, vector<128x128xf32>
      %broadcast_in_dim3A_37 = vector.shape_cast %broadcast_in_dim3A : vector<128x1xf32> to vector<128x1xf32>
      %broadcast_in_dim3A_38 = vector.broadcast %broadcast_in_dim3A_37 : vector<128x1xf32> to vector<128x128xf32>
      %select_n3A_39 = arith.select %eq3A_33, %broadcast_in_dim3A_38, %get3A_36 : vector<128x128xi1>, vector<128x128xf32>
      %swap3A_40 = arith.constant 0 : index
      %swap3A_41 = arith.constant 0 : index
      %swap3A_42 = vector.load %arg6[%swap3A_40, %swap3A_41] : memref<128x128xf32, #tpu.memory_space<vmem>>, vector<128x128xf32>
      tpu.vector_store %arg6[%swap3A_40, %swap3A_41], %select_n3A_39 {strides = array<i32>} : memref<128x128xf32, #tpu.memory_space<vmem>>, vector<128x128xf32>,
      %eq3A_43 = vector.broadcast %scan3A_23 : i32 to vector<128x128xi32>
      %eq3A_44 = arith.cmpi eq, %iota3A, %eq3A_43 : vector<128x128xi32>
      %get3A_45 = arith.constant 0 : index
      %get3A_46 = arith.constant 0 : index
      %get3A_47 = vector.load %arg7[%get3A_45, %get3A_46] : memref<128x128xi32, #tpu.memory_space<vmem>>, vector<128x128xi32>
      %broadcast_in_dim3A_48 = vector.shape_cast %broadcast_in_dim3A_31 : vector<128x1xi32> to vector<128x1xi32>
      %broadcast_in_dim3A_49 = vector.broadcast %broadcast_in_dim3A_48 : vector<128x1xi32> to vector<128x128xi32>
      %select_n3A_50 = arith.select %eq3A_44, %broadcast_in_dim3A_49, %get3A_47 : vector<128x128xi1>, vector<128x128xi32>
      %swap3A_51 = arith.constant 0 : index
      %swap3A_52 = arith.constant 0 : index
      %swap3A_53 = vector.load %arg7[%swap3A_51, %swap3A_52] : memref<128x128xi32, #tpu.memory_space<vmem>>, vector<128x128xi32>
      tpu.vector_store %arg7[%swap3A_51, %swap3A_52], %select_n3A_50 {strides = array<i32>} : memref<128x128xi32, #tpu.memory_space<vmem>>, vector<128x128xi32>,
      %eq3A_54 = vector.broadcast %broadcast_in_dim3A_31 : vector<128x1xi32> to vector<128x3584xi32>
      %eq3A_55 = arith.cmpi eq, %get3A_6, %eq3A_54 : vector<128x3584xi32>
      %jit3A_56 = arith.constant 0xFF800000 : f32
      %broadcast_in_dim3A_57 = vector.broadcast %jit3A_56 : f32 to vector<128x3584xf32>
      %select_n3A_58 = arith.select %eq3A_55, %broadcast_in_dim3A_57, %get3A_26 : vector<128x3584xi1>, vector<128x3584xf32>
      %swap3A_59 = arith.constant 0 : index
      %swap3A_60 = arith.constant 0 : index
      %swap3A_61 = vector.load %arg5[%swap3A_59, %swap3A_60] : memref<128x3584xf32, #tpu.memory_space<vmem>>, vector<128x3584xf32>
      tpu.vector_store %arg5[%swap3A_59, %swap3A_60], %select_n3A_58 {strides = array<i32>} : memref<128x3584xf32, #tpu.memory_space<vmem>>, vector<128x3584xf32>,
    }
    %scan3A_10 = arith.constant 100 : i32
    %get3A_11 = arith.constant 0 : index
    %get3A_12 = arith.constant 0 : index
    %get3A_13 = vector.load %arg6[%get3A_11, %get3A_12] : memref<128x128xf32, #tpu.memory_space<vmem>>, vector<128x100xf32>
    %swap3A_14 = arith.constant 0 : index
    %swap3A_15 = arith.constant 0 : index
    %swap3A_16 = vector.load %arg3[%swap3A_14, %swap3A_15] : memref<128x100xf32, #tpu.memory_space<vmem>>, vector<128x100xf32>
    tpu.vector_store %arg3[%swap3A_14, %swap3A_15], %get3A_13 {strides = array<i32>} : memref<128x100xf32, #tpu.memory_space<vmem>>, vector<128x100xf32>,
    %get3A_17 = arith.constant 0 : index
    %get3A_18 = arith.constant 0 : index
    %get3A_19 = vector.load %arg7[%get3A_17, %get3A_18] : memref<128x128xi32, #tpu.memory_space<vmem>>, vector<128x100xi32>
    %swap3A_20 = arith.constant 0 : index
    %swap3A_21 = arith.constant 0 : index
    %swap3A_22 = vector.load %arg4[%swap3A_20, %swap3A_21] : memref<128x100xi32, #tpu.memory_space<vmem>>, vector<128x100xi32>
    tpu.vector_store %arg4[%swap3A_20, %swap3A_21], %get3A_19 {strides = array<i32>} : memref<128x100xi32, #tpu.memory_space<vmem>>, vector<128x100xi32>,
    return
  }
  func.func @transform_0(%arg0: i32) -> (i32, i32) {
    %c0_i32 = arith.constant 0 : i32
    %c0_i32_0 = arith.constant 0 : i32
    return %arg0, %c0_i32 : i32, i32
  }
  func.func @transform_1(%arg0: i32) -> (i32, i32) {
    %c0_i32 = arith.constant 0 : i32
    %c0_i32_0 = arith.constant 0 : i32
    return %arg0, %c0_i32 : i32, i32
  }
  func.func @transform_2(%arg0: i32) -> (i32, i32) {
    %c0_i32 = arith.constant 0 : i32
    %c0_i32_0 = arith.constant 0 : i32
    return %arg0, %c0_i32 : i32, i32
  }
  func.func @transform_3(%arg0: i32) -> (i32, i32) {
    %c0_i32 = arith.constant 0 : i32
    %c0_i32_0 = arith.constant 0 : i32
    return %arg0, %c0_i32 : i32, i32
  }
}

</mosaic_0001>

<sc_bundles>
// kernel: kernel.6.cloned.1.call-start
scs
__scs_entry_jumppad:
0x0: {  	(pc) =	sbr.rel $0x88, $3  }
0x1: {  	(tag) =	ssettag $0x0;
	lr =	simm.s32 $0x1  }
0x2: {  	[smem:$0x3F9F] =	sst lr;
	_ =	strace $0xD0000000  }
0x3: {  	_ = 	snop  }
0x4: {  	_ = 	snop  }
0x5: {  	_ = 	snop  }
0x6: {  	_ = 	snop  }
0x7: {  	_ = 	snop  }
__scs_overlays_trampoline_lowered:
0x8: {  	[smem:$0x3FAE] =	sst s0  }
0x9: {  	[smem:$0x3FAF] =	sst s1  }
0xa: {  	[smem:$0x3FB0] =	sst s2  }
0xb: {  	[smem:$0x3FB1] =	sst s3  }
0xc: {  	[smem:$0x3FB2] =	sst s4  }
0xd: {  	[smem:$0x3FB3] =	sst s5  }
0xe: {  	[smem:$0x3FB4] =	sst s6  }
0xf: {  	[smem:$0x3FB5] =	sst s7  }
0x10: {  	[smem:$0x3FB6] =	sst s8  }
0x11: {  	[smem:$0x3FB7] =	sst s9;
	s0 =	simm.s32 @!p0 $0x0  }
0x12: {  	s1 =	sld [smem:$0x3F9D];
	s0 =	simm.s32 @p0 $0x1  }
0x13: {  	[smem:$0x3FB8] =	sst s0;
	s0 =	simm.s32 @!p1 $0x0  }
0x14: {  	s2 =	sld [smem:$0x3F9C];
	s0 =	simm.s32 @p1 $0x1  }
0x15: {  	[smem:$0x3FB9] =	sst s0;
	s0 =	simm.s32 @!p2 $0x0  }
0x16: {  	s3 =	sld [smem:$0x3FDB];
	s0 =	simm.s32 @p2 $0x1  }
0x17: {  	s4 =	simm.s32 $0x1BF5;
	[smem:$0x3FBB] =	sst s0  }
0x18: {  	s0 =	sld [smem:$0x3F9E];
	_ =	swait.ge [sflag:s4], $0x0  }
0x19: {  	s7 =	sld [smem:$0x3F9F]  }
0x1a: {  	s8 =	sadd.s32 $0xFFFFE003, lr  }
0x1b: {  	s9 =	sadd.s32 $0xFFFFFEF7, lr;
	s5 =	simm.s32 $0xFFFFFFFF;
	p2 =	slt.u32 s8, $0xFFFFF086  }
0x1c: {  	p1 =	slt.u32 s9, $0xF7A;
	s5 =	simm.s32 @!p2 $0x0  }
0x1d: {  	s5 =	simm.s32 @p1 $0x1;
	p0 =	seq.s32 s7, s2  }
0x1e: {  	s7 =	smul.u32 @!p0 $0xF7A, s2;
	p2 =	seq.s32 @!p0 s5, $0x0  }
0x1f: {  	s9 =	smul.u32 $0xF7A, s1;
	s8 =	simm.s32 @!p0 $0x1BF5;
	p2 =	por !p2, p0  }
0x20: {  	[sflag:s8] =	ssyncset.s32 @!p0 $0xFFFFF086;
	s6 =	sadd.s32 @!p0 s3, s7;
	s7 =	simm.s32 @!p0 $0x108  }
0x21: {  	s3 =	sadd.s32 s3, s9;
	s6 =	sadd.s32 @!p0 $0x88, s6;
	s7 =	simm.s32 @p2 $0x1082  }
0x22: {  	[simem:s7], [sflag:s8] =	dma.local @!p0 [hbm:s6], $0xF7A  }
0x23: {  	s9 =	sor.u32 $0xD0000000, s2;
	s6 =	simm.s32 $0x108;
	_ =	swait.ge @!p0 [sflag:s8], $0x0  }
0x24: {  	s3 =	sadd.s32 $0x88, s3;
	s6 =	simm.s32 @!p1 $0x1082;
	[sflag:s4] =	ssyncset.s32 $0xFFFFF086  }
0x25: {  	[simem:s6], [sflag:s4] =	dma.local [hbm:s3], $0xF7A  }
0x26: {  	[smem:$0x3F9F] =	sst s1;
	(tag) =	ssettag s2;
	_ =	strace s9  }
0x27: {  	s1 =	sld [smem:$0x3FAF]  }
0x28: {  	s2 =	sld [smem:$0x3FB0]  }
0x29: {  	s4 =	sld [smem:$0x3FB2]  }
0x2a: {  	p0 =	seq.s32 s5, $0x0;
	s5 =	sld [smem:$0x3FB3]  }
0x2b: {  	s6 =	sld [smem:$0x3FB4]  }
0x2c: {  	s7 =	sld [smem:$0x3FB5]  }
0x2d: {  	s3 =	simm.s32 $0x108;
	s8 =	sld [smem:$0x3FB6]  }
0x2e: {  	s3 =	simm.s32 @!p0 $0x1082;
	s9 =	sld [smem:$0x3FB7]  }
0x2f: {  	lr =	sadd.s32 s0, s3;
	s0 =	sld [smem:$0x3FAE]  }
0x30: {  	s3 =	sld [smem:$0x3FB1]  }
0x31: {  	[smem:$0x3FBA] =	sst s10  }
0x32: {  	s10 =	sld [smem:$0x3FB8];
	_ =	sdelay $0x3  }
0x33: {  	p0 =	seq.s32 s10, $0x1;
	s10 =	sld [smem:$0x3FBA];
	_ =	sdelay $0x3  }
0x34: {  	[smem:$0x3FBA] =	sst s10  }
0x35: {  	s10 =	sld [smem:$0x3FB9];
	_ =	sdelay $0x3  }
0x36: {  	p1 =	seq.s32 s10, $0x1;
	s10 =	sld [smem:$0x3FBA];
	_ =	sdelay $0x3  }
0x37: {  	[smem:$0x3FBA] =	sst s10  }
0x38: {  	s10 =	sld [smem:$0x3FBB]  }
0x39: {  	_ = 	snop;
	(pc) =	sbr.ind lr, $3  }
0x3a: {  	_ = 	snop  }
0x3b: {  	_ = 	snop  }
0x3c: {  	p2 =	seq.s32 s10, $0x1;
	s10 =	sld [smem:$0x3FBA]  }
0x3d: {  	_ =	shalt  }
0x3e: {  	_ =	shalt  }
0x3f: {  	_ =	shalt  }
0x40: {  	_ =	shalt  }
0x41: {  	_ =	shalt  }
0x42: {  	_ =	shalt  }
0x43: {  	_ =	shalt  }
0x44: {  	_ =	shalt  }
0x45: {  	_ =	shalt  }
0x46: {  	_ =	shalt  }
0x47: {  	_ =	shalt  }
0x48: {  	_ =	shalt  }
0x49: {  	_ =	shalt  }
0x4a: {  	_ =	shalt  }
0x4b: {  	_ =	shalt  }
0x4c: {  	_ =	shalt  }
0x4d: {  	_ =	shalt  }
0x4e: {  	_ =	shalt  }
0x4f: {  	_ =	shalt  }
0x50: {  	_ =	shalt  }
0x51: {  	_ =	shalt  }
0x52: {  	_ =	shalt  }
0x53: {  	_ =	shalt  }
0x54: {  	_ =	shalt  }
0x55: {  	_ =	shalt  }
0x56: {  	_ =	shalt  }
0x57: {  	_ =	shalt  }
0x58: {  	_ =	shalt  }
0x59: {  	_ =	shalt  }
0x5a: {  	_ =	shalt  }
0x5b: {  	_ =	shalt  }
0x5c: {  	_ =	shalt  }
0x5d: {  	_ =	shalt  }
0x5e: {  	_ =	shalt  }
0x5f: {  	_ =	shalt  }
0x60: {  	_ =	shalt  }
0x61: {  	_ =	shalt  }
0x62: {  	_ =	shalt  }
0x63: {  	_ =	shalt  }
0x64: {  	_ =	shalt  }
0x65: {  	_ =	shalt  }
0x66: {  	_ =	shalt  }
0x67: {  	_ =	shalt  }
0x68: {  	_ =	shalt  }
0x69: {  	_ =	shalt  }
0x6a: {  	_ =	shalt  }
0x6b: {  	_ =	shalt  }
0x6c: {  	_ =	shalt  }
0x6d: {  	_ =	shalt  }
0x6e: {  	_ =	shalt  }
0x6f: {  	_ =	shalt  }
0x70: {  	_ =	shalt  }
0x71: {  	_ =	shalt  }
0x72: {  	_ =	shalt  }
0x73: {  	_ =	shalt  }
0x74: {  	_ =	shalt  }
0x75: {  	_ =	shalt  }
0x76: {  	_ =	shalt  }
0x77: {  	_ =	shalt  }
0x78: {  	_ =	shalt  }
0x79: {  	_ =	shalt  }
0x7a: {  	_ =	shalt  }
0x7b: {  	_ =	shalt  }
0x7c: {  	_ =	shalt  }
0x7d: {  	_ =	shalt  }
0x7e: {  	_ =	shalt  }
0x7f: {  	_ =	shalt  }
0x80: {  	_ =	shalt  }
0x81: {  	_ =	shalt  }
0x82: {  	_ =	shalt  }
0x83: {  	_ =	shalt  }
0x84: {  	_ =	shalt  }
0x85: {  	_ =	shalt  }
0x86: {  	_ =	shalt  }
0x87: {  	_ =	shalt  }
.Lfunc_end0:
.L_simem_size_0:
called_computation_lowered:
.L_overlay_start_0:
0x88: {  	s2 =	sld [smem:$0x3FD9]  }
0x89: {  	s3 =	sld [smem:$0x3FFE];
	_ =	sdelay $0x1  }
0x8a: {  	s1 =	srdreg.scid  }
0x8b: {  	s0 =	sand.u32 $0x1, s1  }
0x8c: {  	s16 =	sshll.u32 s0, $0xA;
	s2 =	sadd.s32 s3, s2  }
0x8d: {  	s2 =	sadd.s32 s2, s16  }
0x8e: {  	[smem:$0x3FC6] =	sst s2  }
0x8f: {  	_ = 	snop  }
0x90: {  	(tm) =	ssettm $0x1  }
0x91: {  	s17 =	sld [smem:$0x3FFB];
	_ =	sdelay $0x3  }
0x92: {  	_ =	strace s17  }
0x93: {  	s2 =	sld [smem:$0x3FFC];
	_ =	sdelay $0x3  }
0x94: {  	_ =	strace s2  }
0x95: {  	s2 =	sld [smem:$0x3FFD];
	_ =	sdelay $0x3  }
0x96: {  	_ =	strace s2  }
0x97: {  	_ =	strace $0x8FFFFFFF  }
0x98: {  	s18 =	sld [smem:$0x3FDB];
	_ =	sdelay $0x1  }
0x99: {  	s19 =	simm.s32 $_scs_section_size  }
0x9a: {  	s4 =	simm.s32 $_size__tile_overlayer_lowered;
	s5 =	simm.s32 $_tile_overlayer_lowered  }
0x9b: {  	s22 =	simm.s32 $0x1BFF;
	s21 =	sshll.u32 s5, $0x1;
	s2 =	sadd.s32 s19, s18  }
0x9c: {  	s6 =	simm.s32 $0x0;
	s20 =	sshll.u32 s4, $0x1;
	s4 =	sadd.s32 s21, s2  }
0x9d: {  	[timem:s6], [sflag:s22] =	dma.local [hbm:s4], s20  }
0x9e: {  	_ =	swait.ge [sflag:s22], s20  }
0x9f: {  	s3 =	ssub.s32 $0x0, s20;
	[sflag:s22] =	ssyncset.done $0x0  }
0xa0: {  	[sflag:s22] =	ssyncadd.s32 s3;
	_ =	sdelay $0x1  }
0xa1: {  	s23 =	simm.s32 $0x1B8B  }
0xa2: {  	_ =	swait.ge [sflag:s23], $0x1  }
0xa3: {  	[sflag:s23] =	ssyncset.done $0x0  }
0xa4: {  	s25 =	simm.s32 $0x1B8E;
	s24 =	sld [smem:$0x3FFE];
	[sflag:s23] =	ssyncadd.s32 $0xFFFFFFFF  }
0xa5: {  	s26 =	simm.s32 $execute0_lowered;
	[smem:$0x3FD2] =	sst s25  }
0xa6: {  	s4 =	sshll.u32 s26, $0x1;
	_ =	strace $0x80000046;
	[dreg:$0x1] =	wrdreg $0xFFFFFFFF  }
0xa7: {  	s28 =	simm.s32 $_size_execute0_lowered;
	s2 =	sadd.s32 s2, s4;
	[dreg:$0x0] =	wrdreg $0x0  }
0xa8: {  	s4 =	sshll.u32 s28, $0x1;
	[dreg:$0x2] =	wrdreg s2  }
0xa9: {  	[dreg:$0x3] =	wrdreg s4  }
0xaa: {  	[dreg:$0x4] =	wrdreg $0xC0  }
0xab: {  	_ =	task [dreg:s6], $0x5FFFF  }
0xac: {  	[dreg:$0x1] =	wrdreg $0xFFFFFFFF  }
0xad: {  	[dreg:$0x0] =	wrdreg $0x60  }
0xae: {  	[dreg:$0x2] =	wrdreg s24  }
0xaf: {  	[dreg:$0x3] =	wrdreg $0x9  }
0xb0: {  	_ =	task.clear_ibuf [dreg:s6], $0x4FFFF;
	_ =	strace $0x90000046  }
0xb1: {  	s29 =	simm.s32 $0x9;
	_ =	strace $0x80000048  }
0xb2: {  	_ =	swait.ge [sflag:s29], $0x1  }
0xb3: {  	[sflag:s29] =	ssyncadd.s32 $0xFFFFFFFF  }
0xb4: {  	_ =	strace $0x90000048  }
0xb5: {  	_ =	sfence  }
0xb6: {  	s30 =	sld [smem:$0x0];
	_ =	sdelay $0x2  }
0xb7: {  	s31 =	sshll.u32 s1, $0xD;
	s1 =	sshrl.u32 s1, $0x2  }
0xb8: {  	s3 =	sand.u32 $0x4000, s31;
	s1 =	sadd.s32 s1, s30  }
0xb9: {  	s0 =	sor.u32 s3, s0;
	s1 =	sshll.u32 s1, $0x11  }
0xba: {  	s0 =	sor.u32 s1, s0  }
0xbb: {  	s0 =	sadd.s32 $0x8F2B, s0  }
0xbc: {  	[sflag:s0] =	ssyncadd.remote.s32 $0x1  }
0xbd: {  	_ =	sfence.sel $0xFFFF  }
0xbe: {  	[dreg:$0x0] =	wrdreg $0xFFFFFFFF;
	(pc) =	sbr.abs _section_cstart, $3  }
0xbf: {  	[dreg:$0x1] =	wrdreg $0xFFFFFFFF  }
0xc0: {  	_ =	task.clear_ibuf [dreg:s6], $0x2FFFF;
	_ =	strace $0x9FFFFFFF  }
0xc1: {  	(tm) =	ssettm $0x7FFFFFFF  }
tec
execute0_lowered:
.L_overlay_start_1:
0x0: {  	(tag) =	ssettag $0x1  }
0x1: {  	s0 =	rddreg [dreg:$0x0];
	s1 =	simm.s32 $0x0  }
0x2: {  	[smem:$0x7FF] =	sst s1;
	s2 =	sadd.s32 $0x1000, s0  }
0x3: {  	s3 =	sadd.s32 $0x5000, s0;
	_ =	strace $0x80000047;
	[dreg:$0x2] =	wrdreg s2  }
0x4: {  	s4 =	simm.s32 $0xA0;
	[dreg:$0x3] =	wrdreg s3  }
0x5: {  	s5 =	simm.s32 $0xC0;
	[dreg:$0x4] =	wrdreg s4  }
0x6: {  	s6 =	simm.s32 $0xE0;
	[dreg:$0x5] =	wrdreg s5  }
0x7: {  	s7 =	simm.s32 $0x100;
	[dreg:$0x6] =	wrdreg s6  }
0x8: {  	s8 =	simm.s32 $0x120;
	[dreg:$0x7] =	wrdreg s7  }
0x9: {  	s9 =	simm.s32 $0x140;
	[dreg:$0x8] =	wrdreg s8  }
0xa: {  	s10 =	simm.s32 $0x160;
	[dreg:$0x9] =	wrdreg s9  }
0xb: {  	s11 =	simm.s32 $0x180;
	[dreg:$0xa] =	wrdreg s10  }
0xc: {  	s12 =	simm.s32 $0x1A0;
	[dreg:$0xb] =	wrdreg s11  }
0xd: {  	s13 =	simm.s32 $0x1C0;
	[dreg:$0xc] =	wrdreg s12  }
0xe: {  	s14 =	simm.s32 $0x1E0;
	[dreg:$0xd] =	wrdreg s13  }
0xf: {  	s15 =	simm.s32 $0x200;
	[dreg:$0xe] =	wrdreg s14  }
0x10: {  	s16 =	simm.s32 $0x220;
	[dreg:$0xf] =	wrdreg s15  }
0x11: {  	s17 =	simm.s32 $0x240;
	[dreg:$0x10] =	wrdreg s16  }
0x12: {  	s18 =	simm.s32 $0x260;
	[dreg:$0x11] =	wrdreg s17  }
0x13: {  	s19 =	simm.s32 $0x280;
	[dreg:$0x12] =	wrdreg s18  }
0x14: {  	s20 =	simm.s32 $0x2A0;
	[dreg:$0x13] =	wrdreg s19  }
0x15: {  	s21 =	simm.s32 $0x2C0;
	[dreg:$0x14] =	wrdreg s20  }
0x16: {  	s22 =	simm.s32 $0x2E0;
	[dreg:$0x15] =	wrdreg s21  }
0x17: {  	s23 =	simm.s32 $0x300;
	[dreg:$0x16] =	wrdreg s22  }
0x18: {  	s24 =	simm.s32 $0x320;
	[dreg:$0x17] =	wrdreg s23  }
0x19: {  	s25 =	simm.s32 $0x340;
	[dreg:$0x18] =	wrdreg s24  }
0x1a: {  	s26 =	simm.s32 $0x360;
	[dreg:$0x19] =	wrdreg s25  }
0x1b: {  	s28 =	simm.s32 $0x380;
	[dreg:$0x1a] =	wrdreg s26  }
0x1c: {  	s29 =	simm.s32 $0x3A0;
	[dreg:$0x1b] =	wrdreg s28  }
0x1d: {  	s30 =	simm.s32 $0x3C0;
	[dreg:$0x1c] =	wrdreg s29  }
0x1e: {  	s31 =	simm.s32 $0x3E0;
	[dreg:$0x1d] =	wrdreg s30  }
0x1f: {  	[dreg:$0x1e] =	wrdreg s31;
	s3 =	simm.s32 $0x420  }
0x20: {  	s4 =	simm.s32 $0x440;
	[dreg:$0x1f] =	wrdreg s3  }
0x21: {  	s5 =	simm.s32 $0x460;
	[smem:$0x7AA] =	sst s4  }
0x22: {  	s6 =	simm.s32 $0x480;
	[smem:$0x7AB] =	sst s5  }
0x23: {  	s7 =	simm.s32 $0x4A0;
	[smem:$0x7AC] =	sst s6  }
0x24: {  	s8 =	simm.s32 $0x4C0;
	[smem:$0x7AD] =	sst s7  }
0x25: {  	s9 =	simm.s32 $0x4E0;
	[smem:$0x7AE] =	sst s8  }
0x26: {  	s10 =	simm.s32 $0x500;
	[smem:$0x7AF] =	sst s9  }
0x27: {  	s11 =	simm.s32 $0x520;
	[smem:$0x7B0] =	sst s10  }
0x28: {  	s12 =	simm.s32 $0x540;
	[smem:$0x7B1] =	sst s11  }
0x29: {  	s13 =	simm.s32 $0x560;
	[smem:$0x7B2] =	sst s12  }
0x2a: {  	s14 =	simm.s32 $0x580;
	[smem:$0x7B3] =	sst s13  }
0x2b: {  	s15 =	simm.s32 $0x5A0;
	[smem:$0x7B4] =	sst s14  }
0x2c: {  	s16 =	simm.s32 $0x5C0;
	[smem:$0x7B5] =	sst s15  }
0x2d: {  	s17 =	simm.s32 $0x5E0;
	[smem:$0x7B6] =	sst s16  }
0x2e: {  	s18 =	simm.s32 $0x600;
	[smem:$0x7B7] =	sst s17  }
0x2f: {  	s19 =	simm.s32 $0x620;
	[smem:$0x7B8] =	sst s18  }
0x30: {  	s20 =	simm.s32 $0x640;
	[smem:$0x7B9] =	sst s19  }
0x31: {  	s21 =	simm.s32 $0x660;
	[smem:$0x7BA] =	sst s20  }
0x32: {  	s22 =	simm.s32 $0x680;
	[smem:$0x7BB] =	sst s21  }
0x33: {  	s23 =	simm.s32 $0x6A0;
	[smem:$0x7BC] =	sst s22  }
0x34: {  	s24 =	simm.s32 $0x6C0;
	[smem:$0x7BD] =	sst s23  }
0x35: {  	s25 =	simm.s32 $0x6E0;
	[smem:$0x7BE] =	sst s24  }
0x36: {  	s26 =	simm.s32 $0x700;
	[smem:$0x7BF] =	sst s25  }
0x37: {  	s28 =	simm.s32 $0x720;
	[smem:$0x7C0] =	sst s26  }
0x38: {  	s29 =	simm.s32 $0x740;
	[smem:$0x7C1] =	sst s28  }
0x39: {  	s30 =	simm.s32 $0x760;
	[smem:$0x7C2] =	sst s29  }
0x3a: {  	s31 =	simm.s32 $0x780;
	[smem:$0x7C3] =	sst s30  }
0x3b: {  	[smem:$0x7C4] =	sst s31;
	s3 =	simm.s32 $0x7A0  }
0x3c: {  	s4 =	simm.s32 $0x7C0;
	[smem:$0x7C5] =	sst s3  }
0x3d: {  	s5 =	simm.s32 $0x7E0;
	[smem:$0x7C6] =	sst s4  }
0x3e: {  	s6 =	simm.s32 $0x800;
	[smem:$0x7C7] =	sst s5  }
0x3f: {  	s7 =	simm.s32 $0x820;
	[smem:$0x7C8] =	sst s6  }
0x40: {  	s8 =	simm.s32 $0x840;
	[smem:$0x7C9] =	sst s7  }
0x41: {  	s9 =	simm.s32 $0x860;
	[smem:$0x7CA] =	sst s8  }
0x42: {  	s10 =	simm.s32 $0x880;
	[smem:$0x7CB] =	sst s9  }
0x43: {  	s11 =	simm.s32 $0x8A0;
	[smem:$0x7CC] =	sst s10  }
0x44: {  	s12 =	simm.s32 $0x8C0;
	[smem:$0x7CD] =	sst s11  }
0x45: {  	s13 =	simm.s32 $0x8E0;
	[smem:$0x7CE] =	sst s12  }
0x46: {  	s14 =	simm.s32 $0x900;
	[smem:$0x7CF] =	sst s13  }
0x47: {  	s15 =	simm.s32 $0x920;
	[smem:$0x7D0] =	sst s14  }
0x48: {  	s16 =	simm.s32 $0x940;
	[smem:$0x7D1] =	sst s15  }
0x49: {  	s17 =	simm.s32 $0x960;
	[smem:$0x7D2] =	sst s16  }
0x4a: {  	s18 =	simm.s32 $0x980;
	[smem:$0x7D3] =	sst s17  }
0x4b: {  	s19 =	simm.s32 $0x9A0;
	[smem:$0x7D4] =	sst s18  }
0x4c: {  	s20 =	simm.s32 $0x9C0;
	[smem:$0x7D5] =	sst s19  }
0x4d: {  	s21 =	simm.s32 $0x9E0;
	[smem:$0x7D6] =	sst s20  }
0x4e: {  	s22 =	simm.s32 $0xA00;
	[smem:$0x7D7] =	sst s21  }
0x4f: {  	s23 =	simm.s32 $0xA20;
	[smem:$0x7D8] =	sst s22  }
0x50: {  	s24 =	simm.s32 $0xA40;
	[smem:$0x7D9] =	sst s23  }
0x51: {  	s25 =	simm.s32 $0xA60;
	[smem:$0x7DA] =	sst s24  }
0x52: {  	s26 =	simm.s32 $0xA80;
	[smem:$0x7DB] =	sst s25  }
0x53: {  	s28 =	simm.s32 $0xAA0;
	[smem:$0x7DC] =	sst s26  }
0x54: {  	s29 =	simm.s32 $0xAC0;
	[smem:$0x7DD] =	sst s28  }
0x55: {  	s30 =	simm.s32 $0xAE0;
	[smem:$0x7DE] =	sst s29  }
0x56: {  	s31 =	simm.s32 $0xB00;
	[smem:$0x7DF] =	sst s30  }
0x57: {  	[smem:$0x7E0] =	sst s31;
	s3 =	simm.s32 $0xB20  }
0x58: {  	s4 =	simm.s32 $0xB40;
	[smem:$0x7E1] =	sst s3  }
0x59: {  	s5 =	simm.s32 $0xB60;
	[smem:$0x7E2] =	sst s4  }
0x5a: {  	s6 =	simm.s32 $0xB80;
	[smem:$0x7E3] =	sst s5  }
0x5b: {  	s7 =	simm.s32 $0xBA0;
	[smem:$0x7E4] =	sst s6  }
0x5c: {  	s8 =	simm.s32 $0xBC0;
	[smem:$0x7E5] =	sst s7  }
0x5d: {  	s9 =	simm.s32 $0xBE0;
	[smem:$0x7E6] =	sst s8  }
0x5e: {  	s10 =	simm.s32 $0xC00;
	[smem:$0x7E7] =	sst s9  }
0x5f: {  	s11 =	simm.s32 $0xC20;
	[smem:$0x7E8] =	sst s10  }
0x60: {  	s12 =	simm.s32 $0xC40;
	[smem:$0x7E9] =	sst s11  }
0x61: {  	s13 =	simm.s32 $0xC60;
	[smem:$0x7EA] =	sst s12  }
0x62: {  	s14 =	simm.s32 $0xC80;
	[smem:$0x7EB] =	sst s13  }
0x63: {  	s15 =	simm.s32 $0xCA0;
	[smem:$0x7EC] =	sst s14  }
0x64: {  	s16 =	simm.s32 $0xCC0;
	[smem:$0x7ED] =	sst s15  }
0x65: {  	s17 =	simm.s32 $0xD00;
	[smem:$0x7EE] =	sst s16  }
0x66: {  	s19 =	simm.s32 $0xD20;
	[smem:$0x7F0] =	sst s17  }
0x67: {  	s20 =	simm.s32 $0xD40;
	[smem:$0x7F1] =	sst s19  }
0x68: {  	s21 =	simm.s32 $0xD60;
	[smem:$0x7F2] =	sst s20  }
0x69: {  	s22 =	simm.s32 $0xD80;
	[smem:$0x7F3] =	sst s21  }
0x6a: {  	s23 =	simm.s32 $0xDA0;
	[smem:$0x7F4] =	sst s22  }
0x6b: {  	s24 =	simm.s32 $0xDC0;
	[smem:$0x7F5] =	sst s23  }
0x6c: {  	s26 =	simm.s32 $0xDE0;
	[smem:$0x7F6] =	sst s24  }
0x6d: {  	s2 =	sadd.s32 $0x187A00, s0;
	s28 =	simm.s32 $0xE00;
	[smem:$0x7F7] =	sst s26  }
0x6e: {  	s18 =	srdreg.scid;
	s29 =	simm.s32 $0xE20;
	[smem:$0x7F9] =	sst s28  }
0x6f: {  	s30 =	simm.s32 $0xE40;
	s3 =	simm.s32 $0xCE0;
	[smem:$0x7FB] =	sst s29  }
0x70: {  	s31 =	simm.s32 $0xE60;
	[smem:$0x7EF] =	sst s3;
	s3 =	sand.u32 $0x1, s18  }
0x71: {  	s6 =	stileid.u32;
	[smem:$0x7FC] =	sst s30;
	s4 =	ssub.s32 $0x2, s3  }
0x72: {  	s25 =	sshll.u32 s6, $0x6;
	s3 =	sshll.u32 s3, $0x5;
	s5 =	sshrl.u32 s4, $0x1  }
0x73: {  	[smem:$0x7FD] =	sst s31;
	s3 =	sor.u32 s3, s25;
	s4 =	ssub.s32 s4, s5  }
0x74: {  	s9 =	simm.s32 $0x2;
	[smem:$0x7FA] =	sst s3;
	s4 =	smax.u32 s4, $0x1  }
0x75: {  	s3 =	simm.s32 $0x0;
	[smem:$0x7F8] =	sst s4;
	s4 =	simm.s32 $0x1  }
.LBB2_1:
0x76: {  	s0 =	sld [smem:$0x7FA];
	_ =	sdelay $0x1  }
0x77: {  	[smem:$0x7A9] =	sst s3;
	s3 =	simm.s32 $0x0  }
.LBB2_2:
0x78: {  	s17 =	sshrl.u32 s0, $0x3  }
0x79: {  	[smem:$0x7A8] =	sst s0;
	s14 =	sand.u32 $0x380, s3;
	s0 =	sshll.u32 s17, $0xA  }
0x7a: {  	[smem:$0x7A7] =	sst s3;
	s0 =	sor.u32 s14, s0  }
0x7b: {  	s30 =	rddreg [dreg:$0x2];
	s0 =	sshrl.u32 s0, $0x3  }
0x7c: {  	[smem:$0x7A6] =	sst s17;
	s0 =	sadd.s32 s30, s0  }
0x7d: {  	[tilespmem:s1], [sflag:$0x1] =	stream.linear.gather [hbm4b:s0+s1], $0x80, $0x38;
	[tilespmem:$0xE80] =	vst v63  }
0x7e: {  	_ =	swait.ge [sflag:s4], $0x80  }
0x7f: {  	[sflag:s4] =	ssyncset.done $0x0  }
0x80: {  	[sflag:s4] =	ssyncadd.s32 $0xFFFFFF80  }
0x81: {  	v0 =	vld [tilespmem:$0x0];
	_ =	sdelay $0x4  }
0x82: {  	(v2sf) =	vpush v0, $0x2  }
0x83: {  	(v2sf) =	vpush v0, $0x3  }
0x84: {  	(v2sf) =	vpush v0, $0x4  }
0x85: {  	(v2sf) =	vpush v0, $0x5  }
0x86: {  	(v2sf) =	vpush v0, $0x6  }
0x87: {  	(v2sf) =	vpush v0, $0x7  }
0x88: {  	(v2sf) =	vpush v0, $0x8  }
0x89: {  	(v2sf) =	vpush v0, $0x9  }
0x8a: {  	(v2sf) =	vpush v0, $0xA  }
0x8b: {  	v1 =	vld [tilespmem:$0x10];
	(v2sf) =	vpush v0, $0xB  }
0x8c: {  	(v2sf) =	vpush v0, $0xC  }
0x8d: {  	(v2sf) =	vpush v0, $0xD  }
0x8e: {  	(v2sf) =	vpush v0, $0xE  }
0x8f: {  	(v2sf) =	vpush v0, $0xF  }
0x90: {  	(v2sf) =	vpush v1, $0x0  }
0x91: {  	s3 =	spop (v2sf);
	(v2sf) =	vpush v1, $0x1  }
0x92: {  	s4 =	spop (v2sf);
	(v2sf) =	vpush v1, $0x2  }
0x93: {  	s5 =	spop (v2sf);
	(v2sf) =	vpush v1, $0x3  }
0x94: {  	s6 =	spop (v2sf);
	(v2sf) =	vpush v1, $0x4  }
0x95: {  	s7 =	spop (v2sf);
	(v2sf) =	vpush v1, $0x5  }
0x96: {  	s8 =	spop (v2sf);
	(v2sf) =	vpush v1, $0x6  }
0x97: {  	s10 =	spop (v2sf);
	(v2sf) =	vpush v1, $0x7  }
0x98: {  	s11 =	spop (v2sf);
	(v2sf) =	vpush v1, $0x8  }
0x99: {  	s12 =	spop (v2sf);
	(v2sf) =	vpush v1, $0x9  }
0x9a: {  	s13 =	spop (v2sf);
	(v2sf) =	vpush v1, $0xA  }
0x9b: {  	v2 =	vld [tilespmem:$0x20];
	s15 =	spop (v2sf);
	(v2sf) =	vpush v1, $0xB  }
0x9c: {  	s16 =	spop (v2sf);
	(v2sf) =	vpush v1, $0xC  }
0x9d: {  	s18 =	spop (v2sf);
	(v2sf) =	vpush v1, $0xD  }
0x9e: {  	s19 =	spop (v2sf);
	(v2sf) =	vpush v1, $0xE  }
0x9f: {  	s20 =	spop (v2sf);
	(v2sf) =	vpush v1, $0xF  }
0xa0: {  	s21 =	spop (v2sf);
	(v2sf) =	vpush v2, $0x0  }
0xa1: {  	s22 =	spop (v2sf);
	(v2sf) =	vpush v2, $0x1  }
0xa2: {  	s23 =	spop (v2sf);
	(v2sf) =	vpush v2, $0x2  }
0xa3: {  	s24 =	spop (v2sf);
	(v2sf) =	vpush v2, $0x3  }
0xa4: {  	s25 =	spop (v2sf);
	(v2sf) =	vpush v2, $0x4  }
0xa5: {  	s26 =	spop (v2sf);
	(v2sf) =	vpush v2, $0x5  }
0xa6: {  	s28 =	spop (v2sf);
	(v2sf) =	vpush v2, $0x6  }
0xa7: {  	s29 =	spop (v2sf);
	(v2sf) =	vpush v2, $0x7  }
0xa8: {  	s30 =	spop (v2sf);
	(v2sf) =	vpush v2, $0x8  }
0xa9: {  	(v2sf) =	vpush v2, $0x9;
	s31 =	spop (v2sf)  }
0xaa: {  	[smem:$0x750] =	sst s31;
	(v2sf) =	vpush v2, $0xA;
	s31 =	spop (v2sf)  }
0xab: {  	v60 =	vld [tilespmem:$0x30];
	[smem:$0x751] =	sst s31;
	(v2sf) =	vpush v2, $0xB;
	s31 =	spop (v2sf)  }
0xac: {  	[smem:$0x752] =	sst s31;
	(v2sf) =	vpush v2, $0xC;
	s31 =	spop (v2sf)  }
0xad: {  	[smem:$0x753] =	sst s31;
	(v2sf) =	vpush v2, $0xD;
	s31 =	spop (v2sf)  }
0xae: {  	[smem:$0x754] =	sst s31;
	(v2sf) =	vpush v2, $0xE;
	s31 =	spop (v2sf)  }
0xaf: {  	[smem:$0x755] =	sst s31;
	(v2sf) =	vpush v2, $0xF;
	s31 =	spop (v2sf)  }
0xb0: {  	[smem:$0x756] =	sst s31;
	(v2sf) =	vpush v60, $0x0;
	s31 =	spop (v2sf)  }
0xb1: {  	[smem:$0x757] =	sst s31;
	(v2sf) =	vpush v60, $0x1;
	s31 =	spop (v2sf)  }
0xb2: {  	[smem:$0x758] =	sst s31;
	(v2sf) =	vpush v60, $0x2;
	s31 =	spop (v2sf)  }
0xb3: {  	[smem:$0x759] =	sst s31;
	(v2sf) =	vpush v60, $0x3;
	s31 =	spop (v2sf)  }
0xb4: {  	[smem:$0x75A] =	sst s31;
	(v2sf) =	vpush v60, $0x4;
	s31 =	spop (v2sf)  }
0xb5: {  	[smem:$0x75B] =	sst s31;
	(v2sf) =	vpush v60, $0x5;
	s31 =	spop (v2sf)  }
0xb6: {  	[smem:$0x75C] =	sst s31;
	(v2sf) =	vpush v60, $0x6;
	s31 =	spop (v2sf)  }
0xb7: {  	[smem:$0x75D] =	sst s31;
	(v2sf) =	vpush v60, $0x7;
	s31 =	spop (v2sf)  }
0xb8: {  	[smem:$0x75E] =	sst s31;
	(v2sf) =	vpush v60, $0x8;
	s31 =	spop (v2sf)  }
0xb9: {  	[smem:$0x75F] =	sst s31;
	(v2sf) =	vpush v60, $0x9;
	s31 =	spop (v2sf)  }
0xba: {  	[smem:$0x760] =	sst s31;
	(v2sf) =	vpush v60, $0xA;
	s31 =	spop (v2sf)  }
0xbb: {  	v61 =	vld [tilespmem:$0x40];
	[smem:$0x761] =	sst s31;
	(v2sf) =	vpush v60, $0xB;
	s31 =	spop (v2sf)  }
0xbc: {  	[smem:$0x762] =	sst s31;
	(v2sf) =	vpush v60, $0xC;
	s31 =	spop (v2sf)  }
0xbd: {  	[smem:$0x763] =	sst s31;
	(v2sf) =	vpush v60, $0xD;
	s31 =	spop (v2sf)  }
0xbe: {  	[smem:$0x764] =	sst s31;
	(v2sf) =	vpush v60, $0xE;
	s31 =	spop (v2sf)  }
0xbf: {  	[smem:$0x765] =	sst s31;
	(v2sf) =	vpush v60, $0xF;
	s31 =	spop (v2sf)  }
0xc0: {  	[smem:$0x766] =	sst s31;
	(v2sf) =	vpush v61, $0x0;
	s31 =	spop (v2sf)  }
0xc1: {  	[smem:$0x767] =	sst s31;
	(v2sf) =	vpush v61, $0x1;
	s31 =	spop (v2sf)  }
0xc2: {  	[smem:$0x768] =	sst s31;
	(v2sf) =	vpush v61, $0x2;
	s31 =	spop (v2sf)  }
0xc3: {  	[smem:$0x769] =	sst s31;
	(v2sf) =	vpush v61, $0x3;
	s31 =	spop (v2sf)  }
0xc4: {  	[smem:$0x76A] =	sst s31;
	(v2sf) =	vpush v61, $0x4;
	s31 =	spop (v2sf)  }
0xc5: {  	[smem:$0x76B] =	sst s31;
	(v2sf) =	vpush v61, $0x5;
	s31 =	spop (v2sf)  }
0xc6: {  	[smem:$0x76C] =	sst s31;
	(v2sf) =	vpush v61, $0x6;
	s31 =	spop (v2sf)  }
0xc7: {  	[smem:$0x76D] =	sst s31;
	(v2sf) =	vpush v61, $0x7;
	s31 =	spop (v2sf)  }
0xc8: {  	[smem:$0x76E] =	sst s31;
	(v2sf) =	vpush v61, $0x8;
	s31 =	spop (v2sf)  }
0xc9: {  	[smem:$0x76F] =	sst s31;
	(v2sf) =	vpush v61, $0x9;
	s31 =	spop (v2sf)  }
0xca: {  	[smem:$0x770] =	sst s31;
	(v2sf) =	vpush v61, $0xA;
	s31 =	spop (v2sf)  }
0xcb: {  	v62 =	vld [tilespmem:$0x50];
	[smem:$0x771] =	sst s31;
	(v2sf) =	vpush v61, $0xB;
	s31 =	spop (v2sf)  }
0xcc: {  	[smem:$0x772] =	sst s31;
	(v2sf) =	vpush v61, $0xC;
	s31 =	spop (v2sf)  }
0xcd: {  	[smem:$0x773] =	sst s31;
	(v2sf) =	vpush v61, $0xD;
	s31 =	spop (v2sf)  }
0xce: {  	[smem:$0x774] =	sst s31;
	(v2sf) =	vpush v61, $0xE;
	s31 =	spop (v2sf)  }
0xcf: {  	[smem:$0x775] =	sst s31;
	(v2sf) =	vpush v61, $0xF;
	s31 =	spop (v2sf)  }
0xd0: {  	[smem:$0x776] =	sst s31;
	(v2sf) =	vpush v62, $0x0;
	s31 =	spop (v2sf)  }
0xd1: {  	[smem:$0x777] =	sst s31;
	(v2sf) =	vpush v62, $0x1;
	s31 =	spop (v2sf)  }
0xd2: {  	[smem:$0x778] =	sst s31;
	(v2sf) =	vpush v62, $0x2;
	s31 =	spop (v2sf)  }
0xd3: {  	[smem:$0x779] =	sst s31;
	(v2sf) =	vpush v62, $0x3;
	s31 =	spop (v2sf)  }
0xd4: {  	[smem:$0x77A] =	sst s31;
	(v2sf) =	vpush v62, $0x4;
	s31 =	spop (v2sf)  }
0xd5: {  	[smem:$0x77B] =	sst s31;
	(v2sf) =	vpush v62, $0x5;
	s31 =	spop (v2sf)  }
0xd6: {  	[smem:$0x77C] =	sst s31;
	(v2sf) =	vpush v62, $0x6;
	s31 =	spop (v2sf)  }
0xd7: {  	[smem:$0x77D] =	sst s31;
	(v2sf) =	vpush v62, $0x7;
	s31 =	spop (v2sf)  }
0xd8: {  	[smem:$0x77E] =	sst s31;
	(v2sf) =	vpush v62, $0x8;
	s31 =	spop (v2sf)  }
0xd9: {  	[smem:$0x77F] =	sst s31;
	s31 =	spop (v2sf)  }
0xda: {  	[smem:$0x780] =	sst s31;
	s31 =	spop (v2sf)  }
0xdb: {  	[smem:$0x781] =	sst s31;
	s31 =	spop (v2sf)  }
0xdc: {  	[smem:$0x782] =	sst s31;
	s31 =	spop (v2sf)  }
0xdd: {  	[smem:$0x783] =	sst s31;
	s31 =	spop (v2sf)  }
0xde: {  	(v2sf) =	vpush v62, $0x9;
	[smem:$0x784] =	sst s31;
	s31 =	spop (v2sf)  }
0xdf: {  	[smem:$0x785] =	sst s31;
	s31 =	spop (v2sf);
	(v2sf) =	vpush v62, $0xA  }
0xe0: {  	v63 =	vld [tilespmem:$0x60];
	[smem:$0x786] =	sst s31;
	s31 =	spop (v2sf);
	(v2sf) =	vpush v62, $0xB  }
0xe1: {  	[smem:$0x787] =	sst s31;
	s31 =	spop (v2sf);
	(v2sf) =	vpush v62, $0xC  }
0xe2: {  	[smem:$0x788] =	sst s31;
	s31 =	spop (v2sf);
	(v2sf) =	vpush v62, $0xD  }
0xe3: {  	[smem:$0x789] =	sst s31;
	s31 =	spop (v2sf);
	(v2sf) =	vpush v62, $0xE  }
0xe4: {  	[smem:$0x78A] =	sst s31;
	s31 =	spop (v2sf);
	(v2sf) =	vpush v62, $0xF  }
0xe5: {  	[smem:$0x78B] =	sst s31;
	s31 =	spop (v2sf);
	(v2sf) =	vpush v63, $0x0  }
0xe6: {  	[smem:$0x78C] =	sst s31;
	s31 =	spop (v2sf);
	(v2sf) =	vpush v63, $0x1  }
0xe7: {  	[smem:$0x78D] =	sst s31;
	s31 =	spop (v2sf);
	(v2sf) =	vpush v63, $0x2  }
0xe8: {  	(v2sf) =	vpush v63, $0x3  }
0xe9: {  	(v2sf) =	vpush v63, $0x4  }
0xea: {  	(v2sf) =	vpush v63, $0x5  }
0xeb: {  	(v2sf) =	vpush v63, $0x6  }
0xec: {  	(v2sf) =	vpush v63, $0x7  }
0xed: {  	[smem:$0x78E] =	sst s31;
	s31 =	spop (v2sf);
	(v2sf) =	vpush v63, $0x8  }
0xee: {  	[smem:$0x78F] =	sst s31;
	(v2sf) =	vpush v63, $0x9;
	s31 =	spop (v2sf)  }
0xef: {  	[smem:$0x790] =	sst s31;
	(v2sf) =	vpush v63, $0xA;
	s31 =	spop (v2sf)  }
0xf0: {  	[smem:$0x791] =	sst s31;
	(v2sf) =	vpush v63, $0xB;
	s31 =	spop (v2sf)  }
0xf1: {  	[smem:$0x792] =	sst s31;
	(v2sf) =	vpush v63, $0xC;
	s31 =	spop (v2sf)  }
0xf2: {  	[smem:$0x793] =	sst s31;
	(v2sf) =	vpush v63, $0xD;
	s31 =	spop (v2sf)  }
0xf3: {  	[smem:$0x794] =	sst s31;
	(v2sf) =	vpush v63, $0xE;
	s31 =	spop (v2sf)  }
0xf4: {  	[smem:$0x795] =	sst s31;
	(v2sf) =	vpush v63, $0xF;
	s31 =	spop (v2sf)  }
0xf5: {  	[smem:$0x796] =	sst s31;
	(v2sf) =	vpush v0, $0x0;
	s31 =	spop (v2sf)  }
0xf6: {  	[smem:$0x797] =	sst s31;
	s31 =	spop (v2sf)  }
0xf7: {  	[smem:$0x798] =	sst s31;
	s31 =	spop (v2sf)  }
0xf8: {  	[smem:$0x799] =	sst s31;
	s31 =	spop (v2sf)  }
0xf9: {  	[smem:$0x79A] =	sst s31;
	s31 =	spop (v2sf)  }
0xfa: {  	[smem:$0x79B] =	sst s31;
	s31 =	spop (v2sf)  }
0xfb: {  	[smem:$0x79C] =	sst s31;
	s31 =	spop (v2sf)  }
0xfc: {  	[smem:$0x79D] =	sst s31;
	s31 =	spop (v2sf)  }
0xfd: {  	[smem:$0x79E] =	sst s31;
	s31 =	spop (v2sf)  }
0xfe: {  	(v2sf) =	vpush v0, $0x1;
	[smem:$0x79F] =	sst s31;
	s31 =	spop (v2sf)  }
0xff: {  	[smem:$0x7A0] =	sst s31;
	s31 =	spop (v2sf)  }
0x100: {  	[smem:$0x7A1] =	sst s31;
	s31 =	spop (v2sf)  }
0x101: {  	[smem:$0x7A2] =	sst s31;
	s31 =	spop (v2sf)  }
0x102: {  	[smem:$0x7A3] =	sst s31;
	s31 =	spop (v2sf)  }
0x103: {  	[smem:$0x7A4] =	sst s31;
	s31 =	spop (v2sf)  }
0x104: {  	s0 =	spop (v2sf)  }
0x105: {  	s17 =	smul.u32 $0xC8000, s17;
	[smem:$0x7A5] =	sst s31;
	s31 =	sshll.u32 s0, $0x8  }
0x106: {  	s0 =	sshll.u32 s0, $0x5;
	s31 =	sand.u32 $0xFFFFFC00, s31  }
0x107: {  	s0 =	sand.u32 $0x60, s0;
	s31 =	sadd.s32 s17, s31  }
0x108: {  	s0 =	sor.u32 s0, s31  }
0x109: {  	s0 =	sor.u32 s14, s0  }
0x10a: {  	s0 =	sshrl.u32 s0, $0x3  }
0x10b: {  	s31 =	simm.s32 $0x80;
	s0 =	sadd.s32 s2, s0  }
0x10c: {  	[tilespmem:s31], [sflag:$0x2] =	stream.linear.gather [hbm4b:s0+s1], $0x20, $0x38;
	[tilespmem:$0xE80] =	vst v63  }
0x10d: {  	s0 =	spop (v2sf)  }
0x10e: {  	s31 =	sshll.u32 s0, $0x8  }
0x10f: {  	s0 =	sshll.u32 s0, $0x5;
	s31 =	sand.u32 $0xFFFFFC00, s31  }
0x110: {  	s0 =	sand.u32 $0x60, s0;
	s31 =	sadd.s32 s17, s31  }
0x111: {  	s0 =	sor.u32 s0, s31  }
0x112: {  	s0 =	sor.u32 s14, s0  }
0x113: {  	s0 =	sshrl.u32 s0, $0x3  }
0x114: {  	s31 =	rddreg [dreg:$0x4];
	s0 =	sadd.s32 s2, s0  }
0x115: {  	[tilespmem:s31], [sflag:$0x2] =	stream.linear.gather [hbm4b:s0+s1], $0x20, $0x38;
	[tilespmem:$0xE80] =	vst v63  }
0x116: {  	s31 =	sshll.u32 s3, $0x8  }
0x117: {  	s3 =	sshll.u32 s3, $0x5;
	s0 =	sand.u32 $0xFFFFFC00, s31  }
0x118: {  	s3 =	sand.u32 $0x60, s3;
	s0 =	sadd.s32 s17, s0  }
0x119: {  	s0 =	sor.u32 s3, s0  }
0x11a: {  	s0 =	sor.u32 s14, s0  }
0x11b: {  	s0 =	sshrl.u32 s0, $0x3  }
0x11c: {  	s31 =	rddreg [dreg:$0x5];
	s3 =	sshll.u32 s4, $0x8;
	s0 =	sadd.s32 s2, s0  }
0x11d: {  	[tilespmem:s31], [sflag:$0x2] =	stream.linear.gather [hbm4b:s0+s1], $0x20, $0x38;
	[tilespmem:$0xE80] =	vst v63  }
0x11e: {  	s31 =	sshll.u32 s4, $0x5;
	s0 =	sand.u32 $0xFFFFFC00, s3  }
0x11f: {  	s0 =	sadd.s32 s17, s0;
	s3 =	sand.u32 $0x60, s31  }
0x120: {  	s0 =	sor.u32 s3, s0  }
0x121: {  	s0 =	sor.u32 s14, s0  }
0x122: {  	s0 =	sshrl.u32 s0, $0x3  }
0x123: {  	s31 =	rddreg [dreg:$0x6];
	s3 =	sshll.u32 s5, $0x8;
	s0 =	sadd.s32 s2, s0  }
0x124: {  	[tilespmem:s31], [sflag:$0x2] =	stream.linear.gather [hbm4b:s0+s1], $0x20, $0x38;
	[tilespmem:$0xE80] =	vst v63  }
0x125: {  	s31 =	sshll.u32 s5, $0x5;
	s0 =	sand.u32 $0xFFFFFC00, s3  }
0x126: {  	s0 =	sadd.s32 s17, s0;
	s3 =	sand.u32 $0x60, s31  }
0x127: {  	s0 =	sor.u32 s3, s0  }
0x128: {  	s0 =	sor.u32 s14, s0  }
0x129: {  	s0 =	sshrl.u32 s0, $0x3  }
0x12a: {  	s31 =	rddreg [dreg:$0x7];
	s3 =	sshll.u32 s6, $0x8;
	s0 =	sadd.s32 s2, s0  }
0x12b: {  	[tilespmem:s31], [sflag:$0x2] =	stream.linear.gather [hbm4b:s0+s1], $0x20, $0x38;
	[tilespmem:$0xE80] =	vst v63  }
0x12c: {  	s6 =	sshll.u32 s6, $0x5;
	s0 =	sand.u32 $0xFFFFFC00, s3  }
0x12d: {  	s3 =	sand.u32 $0x60, s6;
	s0 =	sadd.s32 s17, s0  }
0x12e: {  	s0 =	sor.u32 s3, s0  }
0x12f: {  	s0 =	sor.u32 s14, s0  }
0x130: {  	s0 =	sshrl.u32 s0, $0x3  }
0x131: {  	s31 =	rddreg [dreg:$0x8];
	s6 =	sshll.u32 s7, $0x8;
	s0 =	sadd.s32 s2, s0  }
0x132: {  	[tilespmem:s31], [sflag:$0x2] =	stream.linear.gather [hbm4b:s0+s1], $0x20, $0x38;
	[tilespmem:$0xE80] =	vst v63  }
0x133: {  	s31 =	sshll.u32 s7, $0x5;
	s0 =	sand.u32 $0xFFFFFC00, s6  }
0x134: {  	s0 =	sadd.s32 s17, s0;
	s3 =	sand.u32 $0x60, s31  }
0x135: {  	s0 =	sor.u32 s3, s0  }
0x136: {  	s0 =	sor.u32 s14, s0  }
0x137: {  	s0 =	sshrl.u32 s0, $0x3  }
0x138: {  	s6 =	rddreg [dreg:$0x9];
	s7 =	sshll.u32 s8, $0x8;
	s0 =	sadd.s32 s2, s0  }
0x139: {  	[tilespmem:s6], [sflag:$0x2] =	stream.linear.gather [hbm4b:s0+s1], $0x20, $0x38;
	[tilespmem:$0xE80] =	vst v63  }
0x13a: {  	s8 =	sshll.u32 s8, $0x5;
	s0 =	sand.u32 $0xFFFFFC00, s7  }
0x13b: {  	s3 =	sand.u32 $0x60, s8;
	s0 =	sadd.s32 s17, s0  }
0x13c: {  	s0 =	sor.u32 s3, s0  }
0x13d: {  	s0 =	sor.u32 s14, s0  }
0x13e: {  	s0 =	sshrl.u32 s0, $0x3  }
0x13f: {  	s31 =	rddreg [dreg:$0xa];
	s6 =	sshll.u32 s10, $0x8;
	s0 =	sadd.s32 s2, s0  }
0x140: {  	[tilespmem:s31], [sflag:$0x2] =	stream.linear.gather [hbm4b:s0+s1], $0x20, $0x38;
	[tilespmem:$0xE80] =	vst v63  }
0x141: {  	s7 =	sshll.u32 s10, $0x5;
	s0 =	sand.u32 $0xFFFFFC00, s6  }
0x142: {  	s3 =	sand.u32 $0x60, s7;
	s0 =	sadd.s32 s17, s0  }
0x143: {  	s0 =	sor.u32 s3, s0  }
0x144: {  	s0 =	sor.u32 s14, s0  }
0x145: {  	s0 =	sshrl.u32 s0, $0x3  }
0x146: {  	s8 =	rddreg [dreg:$0xb];
	s10 =	sshll.u32 s11, $0x8;
	s0 =	sadd.s32 s2, s0  }
0x147: {  	[tilespmem:s8], [sflag:$0x2] =	stream.linear.gather [hbm4b:s0+s1], $0x20, $0x38;
	[tilespmem:$0xE80] =	vst v63  }
0x148: {  	s11 =	sshll.u32 s11, $0x5;
	s0 =	sand.u32 $0xFFFFFC00, s10  }
0x149: {  	s3 =	sand.u32 $0x60, s11;
	s0 =	sadd.s32 s17, s0  }
0x14a: {  	s0 =	sor.u32 s3, s0  }
0x14b: {  	s0 =	sor.u32 s14, s0  }
0x14c: {  	s0 =	sshrl.u32 s0, $0x3  }
0x14d: {  	s31 =	rddreg [dreg:$0xc];
	s6 =	sshll.u32 s12, $0x8;
	s0 =	sadd.s32 s2, s0  }
0x14e: {  	[tilespmem:s31], [sflag:$0x2] =	stream.linear.gather [hbm4b:s0+s1], $0x20, $0x38;
	[tilespmem:$0xE80] =	vst v63  }
0x14f: {  	s7 =	sshll.u32 s12, $0x5;
	s0 =	sand.u32 $0xFFFFFC00, s6  }
0x150: {  	s3 =	sand.u32 $0x60, s7;
	s0 =	sadd.s32 s17, s0  }
0x151: {  	s0 =	sor.u32 s3, s0  }
0x152: {  	s0 =	sor.u32 s14, s0  }
0x153: {  	s0 =	sshrl.u32 s0, $0x3  }
0x154: {  	s8 =	rddreg [dreg:$0xd];
	s10 =	sshll.u32 s13, $0x8;
	s0 =	sadd.s32 s2, s0  }
0x155: {  	[tilespmem:s8], [sflag:$0x2] =	stream.linear.gather [hbm4b:s0+s1], $0x20, $0x38;
	[tilespmem:$0xE80] =	vst v63  }
0x156: {  	s11 =	sshll.u32 s13, $0x5;
	s0 =	sand.u32 $0xFFFFFC00, s10  }
0x157: {  	s3 =	sand.u32 $0x60, s11;
	s0 =	sadd.s32 s17, s0  }
0x158: {  	s0 =	sor.u32 s3, s0  }
0x159: {  	s0 =	sor.u32 s14, s0  }
0x15a: {  	s0 =	sshrl.u32 s0, $0x3  }
0x15b: {  	s12 =	rddreg [dreg:$0xe];
	s13 =	sshll.u32 s15, $0x8;
	s0 =	sadd.s32 s2, s0  }
0x15c: {  	[tilespmem:s12], [sflag:$0x2] =	stream.linear.gather [hbm4b:s0+s1], $0x20, $0x38;
	[tilespmem:$0xE80] =	vst v63  }
0x15d: {  	s31 =	sshll.u32 s15, $0x5;
	s0 =	sand.u32 $0xFFFFFC00, s13  }
0x15e: {  	s3 =	sand.u32 $0x60, s31;
	s0 =	sadd.s32 s17, s0  }
0x15f: {  	s0 =	sor.u32 s3, s0  }
0x160: {  	s0 =	sor.u32 s14, s0  }
0x161: {  	s0 =	sshrl.u32 s0, $0x3  }
0x162: {  	s7 =	sshll.u32 s16, $0x8;
	s6 =	rddreg [dreg:$0xf];
	s0 =	sadd.s32 s2, s0  }
0x163: {  	[tilespmem:s6], [sflag:$0x2] =	stream.linear.gather [hbm4b:s0+s1], $0x20, $0x38;
	[tilespmem:$0xE80] =	vst v63  }
0x164: {  	s8 =	sshll.u32 s16, $0x5;
	s0 =	sand.u32 $0xFFFFFC00, s7  }
0x165: {  	s3 =	sand.u32 $0x60, s8;
	s0 =	sadd.s32 s17, s0  }
0x166: {  	s0 =	sor.u32 s3, s0  }
0x167: {  	s0 =	sor.u32 s14, s0  }
0x168: {  	s0 =	sshrl.u32 s0, $0x3  }
0x169: {  	s11 =	sshll.u32 s18, $0x8;
	s10 =	rddreg [dreg:$0x10];
	s0 =	sadd.s32 s2, s0  }
0x16a: {  	[tilespmem:s10], [sflag:$0x2] =	stream.linear.gather [hbm4b:s0+s1], $0x20, $0x38;
	[tilespmem:$0xE80] =	vst v63  }
0x16b: {  	s12 =	sshll.u32 s18, $0x5;
	s0 =	sand.u32 $0xFFFFFC00, s11  }
0x16c: {  	s3 =	sand.u32 $0x60, s12;
	s0 =	sadd.s32 s17, s0  }
0x16d: {  	s0 =	sor.u32 s3, s0  }
0x16e: {  	s0 =	sor.u32 s14, s0  }
0x16f: {  	s0 =	sshrl.u32 s0, $0x3  }
0x170: {  	s15 =	sshll.u32 s19, $0x8;
	s13 =	rddreg [dreg:$0x11];
	s0 =	sadd.s32 s2, s0  }
0x171: {  	[tilespmem:s13], [sflag:$0x2] =	stream.linear.gather [hbm4b:s0+s1], $0x20, $0x38;
	[tilespmem:$0xE80] =	vst v63  }
0x172: {  	s16 =	sshll.u32 s19, $0x5;
	s0 =	sand.u32 $0xFFFFFC00, s15  }
0x173: {  	s3 =	sand.u32 $0x60, s16;
	s0 =	sadd.s32 s17, s0  }
0x174: {  	s0 =	sor.u32 s3, s0  }
0x175: {  	s0 =	sor.u32 s14, s0  }
0x176: {  	s0 =	sshrl.u32 s0, $0x3  }
0x177: {  	s19 =	sshll.u32 s20, $0x8;
	s18 =	rddreg [dreg:$0x12];
	s0 =	sadd.s32 s2, s0  }
0x178: {  	[tilespmem:s18], [sflag:$0x2] =	stream.linear.gather [hbm4b:s0+s1], $0x20, $0x38;
	[tilespmem:$0xE80] =	vst v63  }
0x179: {  	s20 =	sshll.u32 s20, $0x5;
	s0 =	sand.u32 $0xFFFFFC00, s19  }
0x17a: {  	s3 =	sand.u32 $0x60, s20;
	s0 =	sadd.s32 s17, s0  }
0x17b: {  	s0 =	sor.u32 s3, s0  }
0x17c: {  	s0 =	sor.u32 s14, s0  }
0x17d: {  	s0 =	sshrl.u32 s0, $0x3  }
0x17e: {  	s31 =	rddreg [dreg:$0x13];
	s3 =	sshll.u32 s21, $0x8;
	s0 =	sadd.s32 s2, s0  }
0x17f: {  	[tilespmem:s31], [sflag:$0x2] =	stream.linear.gather [hbm4b:s0+s1], $0x20, $0x38;
	[tilespmem:$0xE80] =	vst v63  }
0x180: {  	s6 =	sshll.u32 s21, $0x5;
	s0 =	sand.u32 $0xFFFFFC00, s3  }
0x181: {  	s3 =	sand.u32 $0x60, s6;
	s0 =	sadd.s32 s17, s0  }
0x182: {  	s0 =	sor.u32 s3, s0  }
0x183: {  	s0 =	sor.u32 s14, s0  }
0x184: {  	s0 =	sshrl.u32 s0, $0x3  }
0x185: {  	s8 =	sshll.u32 s22, $0x8;
	s7 =	rddreg [dreg:$0x14];
	s0 =	sadd.s32 s2, s0  }
0x186: {  	[tilespmem:s7], [sflag:$0x2] =	stream.linear.gather [hbm4b:s0+s1], $0x20, $0x38;
	[tilespmem:$0xE80] =	vst v63  }
0x187: {  	s10 =	sshll.u32 s22, $0x5;
	s0 =	sand.u32 $0xFFFFFC00, s8  }
0x188: {  	s3 =	sand.u32 $0x60, s10;
	s0 =	sadd.s32 s17, s0  }
0x189: {  	s0 =	sor.u32 s3, s0  }
0x18a: {  	s0 =	sor.u32 s14, s0  }
0x18b: {  	s0 =	sshrl.u32 s0, $0x3  }
0x18c: {  	s12 =	sshll.u32 s23, $0x8;
	s11 =	rddreg [dreg:$0x15];
	s0 =	sadd.s32 s2, s0  }
0x18d: {  	[tilespmem:s11], [sflag:$0x2] =	stream.linear.gather [hbm4b:s0+s1], $0x20, $0x38;
	[tilespmem:$0xE80] =	vst v63  }
0x18e: {  	s13 =	sshll.u32 s23, $0x5;
	s0 =	sand.u32 $0xFFFFFC00, s12  }
0x18f: {  	s3 =	sand.u32 $0x60, s13;
	s0 =	sadd.s32 s17, s0  }
0x190: {  	s0 =	sor.u32 s3, s0  }
0x191: {  	s0 =	sor.u32 s14, s0  }
0x192: {  	s0 =	sshrl.u32 s0, $0x3  }
0x193: {  	s16 =	sshll.u32 s24, $0x8;
	s15 =	rddreg [dreg:$0x16];
	s0 =	sadd.s32 s2, s0  }
0x194: {  	[tilespmem:s15], [sflag:$0x2] =	stream.linear.gather [hbm4b:s0+s1], $0x20, $0x38;
	[tilespmem:$0xE80] =	vst v63  }
0x195: {  	s18 =	sshll.u32 s24, $0x5;
	s0 =	sand.u32 $0xFFFFFC00, s16  }
0x196: {  	s3 =	sand.u32 $0x60, s18;
	s0 =	sadd.s32 s17, s0  }
0x197: {  	s0 =	sor.u32 s3, s0  }
0x198: {  	s0 =	sor.u32 s14, s0  }
0x199: {  	s0 =	sshrl.u32 s0, $0x3  }
0x19a: {  	s20 =	sshll.u32 s25, $0x8;
	s19 =	rddreg [dreg:$0x17];
	s0 =	sadd.s32 s2, s0  }
0x19b: {  	[tilespmem:s19], [sflag:$0x2] =	stream.linear.gather [hbm4b:s0+s1], $0x20, $0x38;
	[tilespmem:$0xE80] =	vst v63  }
0x19c: {  	s21 =	sshll.u32 s25, $0x5;
	s0 =	sand.u32 $0xFFFFFC00, s20  }
0x19d: {  	s3 =	sand.u32 $0x60, s21;
	s0 =	sadd.s32 s17, s0  }
0x19e: {  	s0 =	sor.u32 s3, s0  }
0x19f: {  	s0 =	sor.u32 s14, s0  }
0x1a0: {  	s0 =	sshrl.u32 s0, $0x3  }
0x1a1: {  	s23 =	sshll.u32 s26, $0x8;
	s22 =	rddreg [dreg:$0x18];
	s0 =	sadd.s32 s2, s0  }
0x1a2: {  	[tilespmem:s22], [sflag:$0x2] =	stream.linear.gather [hbm4b:s0+s1], $0x20, $0x38;
	[tilespmem:$0xE80] =	vst v63  }
0x1a3: {  	s24 =	sshll.u32 s26, $0x5;
	s0 =	sand.u32 $0xFFFFFC00, s23  }
0x1a4: {  	s3 =	sand.u32 $0x60, s24;
	s0 =	sadd.s32 s17, s0  }
0x1a5: {  	s0 =	sor.u32 s3, s0  }
0x1a6: {  	s0 =	sor.u32 s14, s0  }
0x1a7: {  	s0 =	sshrl.u32 s0, $0x3  }
0x1a8: {  	s26 =	sshll.u32 s28, $0x8;
	s25 =	rddreg [dreg:$0x19];
	s0 =	sadd.s32 s2, s0  }
0x1a9: {  	[tilespmem:s25], [sflag:$0x2] =	stream.linear.gather [hbm4b:s0+s1], $0x20, $0x38;
	[tilespmem:$0xE80] =	vst v63  }
0x1aa: {  	s28 =	sshll.u32 s28, $0x5;
	s0 =	sand.u32 $0xFFFFFC00, s26  }
0x1ab: {  	s3 =	sand.u32 $0x60, s28;
	s0 =	sadd.s32 s17, s0  }
0x1ac: {  	s0 =	sor.u32 s3, s0  }
0x1ad: {  	s0 =	sor.u32 s14, s0  }
0x1ae: {  	s0 =	sshrl.u32 s0, $0x3  }
0x1af: {  	s6 =	sshll.u32 s29, $0x8;
	s31 =	rddreg [dreg:$0x1a];
	s0 =	sadd.s32 s2, s0  }
0x1b0: {  	[tilespmem:s31], [sflag:$0x2] =	stream.linear.gather [hbm4b:s0+s1], $0x20, $0x38;
	[tilespmem:$0xE80] =	vst v63  }
0x1b1: {  	s7 =	sshll.u32 s29, $0x5;
	s0 =	sand.u32 $0xFFFFFC00, s6  }
0x1b2: {  	s3 =	sand.u32 $0x60, s7;
	s0 =	sadd.s32 s17, s0  }
0x1b3: {  	s0 =	sor.u32 s3, s0  }
0x1b4: {  	s0 =	sor.u32 s14, s0  }
0x1b5: {  	s0 =	sshrl.u32 s0, $0x3  }
0x1b6: {  	s10 =	sshll.u32 s30, $0x8;
	s8 =	rddreg [dreg:$0x1b];
	s0 =	sadd.s32 s2, s0  }
0x1b7: {  	[tilespmem:s8], [sflag:$0x2] =	stream.linear.gather [hbm4b:s0+s1], $0x20, $0x38;
	[tilespmem:$0xE80] =	vst v63  }
0x1b8: {  	s11 =	sshll.u32 s30, $0x5;
	s0 =	sand.u32 $0xFFFFFC00, s10  }
0x1b9: {  	s3 =	sand.u32 $0x60, s11;
	s0 =	sadd.s32 s17, s0  }
0x1ba: {  	s13 =	sld [smem:$0x750];
	s0 =	sor.u32 s3, s0  }
0x1bb: {  	s0 =	sor.u32 s14, s0  }
0x1bc: {  	s0 =	sshrl.u32 s0, $0x3  }
0x1bd: {  	s12 =	rddreg [dreg:$0x1c];
	s15 =	sshll.u32 s13, $0x8;
	s0 =	sadd.s32 s2, s0  }
0x1be: {  	[tilespmem:s12], [sflag:$0x2] =	stream.linear.gather [hbm4b:s0+s1], $0x20, $0x38;
	[tilespmem:$0xE80] =	vst v63  }
0x1bf: {  	s3 =	sshll.u32 s13, $0x5;
	s0 =	sand.u32 $0xFFFFFC00, s15  }
0x1c0: {  	s3 =	sand.u32 $0x60, s3;
	s0 =	sadd.s32 s17, s0  }
0x1c1: {  	s18 =	sld [smem:$0x751];
	s0 =	sor.u32 s3, s0  }
0x1c2: {  	s0 =	sor.u32 s14, s0  }
0x1c3: {  	s0 =	sshrl.u32 s0, $0x3  }
0x1c4: {  	s16 =	rddreg [dreg:$0x1d];
	s19 =	sshll.u32 s18, $0x8;
	s0 =	sadd.s32 s2, s0  }
0x1c5: {  	[tilespmem:s16], [sflag:$0x2] =	stream.linear.gather [hbm4b:s0+s1], $0x20, $0x38;
	[tilespmem:$0xE80] =	vst v63  }
0x1c6: {  	s3 =	sshll.u32 s18, $0x5;
	s0 =	sand.u32 $0xFFFFFC00, s19  }
0x1c7: {  	s3 =	sand.u32 $0x60, s3;
	s0 =	sadd.s32 s17, s0  }
0x1c8: {  	s21 =	sld [smem:$0x752];
	s0 =	sor.u32 s3, s0  }
0x1c9: {  	s0 =	sor.u32 s14, s0  }
0x1ca: {  	s0 =	sshrl.u32 s0, $0x3  }
0x1cb: {  	s20 =	rddreg [dreg:$0x1e];
	s22 =	sshll.u32 s21, $0x8;
	s0 =	sadd.s32 s2, s0  }
0x1cc: {  	[tilespmem:s20], [sflag:$0x2] =	stream.linear.gather [hbm4b:s0+s1], $0x20, $0x38;
	[tilespmem:$0xE80] =	vst v63  }
0x1cd: {  	s3 =	sshll.u32 s21, $0x5;
	s0 =	sand.u32 $0xFFFFFC00, s22  }
0x1ce: {  	s3 =	sand.u32 $0x60, s3;
	s0 =	sadd.s32 s17, s0  }
0x1cf: {  	s23 =	sld [smem:$0x753];
	s0 =	sor.u32 s3, s0  }
0x1d0: {  	s0 =	sor.u32 s14, s0  }
0x1d1: {  	s0 =	sshrl.u32 s0, $0x3  }
0x1d2: {  	s5 =	simm.s32 $0x400;
	s24 =	sshll.u32 s23, $0x8;
	s0 =	sadd.s32 s2, s0  }
0x1d3: {  	[tilespmem:s5], [sflag:$0x2] =	stream.linear.gather [hbm4b:s0+s1], $0x20, $0x38;
	[tilespmem:$0xE80] =	vst v63  }
0x1d4: {  	s3 =	sshll.u32 s23, $0x5;
	s0 =	sand.u32 $0xFFFFFC00, s24  }
0x1d5: {  	s3 =	sand.u32 $0x60, s3;
	s0 =	sadd.s32 s17, s0  }
0x1d6: {  	s26 =	sld [smem:$0x754];
	s0 =	sor.u32 s3, s0  }
0x1d7: {  	s0 =	sor.u32 s14, s0  }
0x1d8: {  	s0 =	sshrl.u32 s0, $0x3  }
0x1d9: {  	s25 =	rddreg [dreg:$0x1f];
	s28 =	sshll.u32 s26, $0x8;
	s0 =	sadd.s32 s2, s0  }
0x1da: {  	[tilespmem:s25], [sflag:$0x2] =	stream.linear.gather [hbm4b:s0+s1], $0x20, $0x38;
	[tilespmem:$0xE80] =	vst v63  }
0x1db: {  	s3 =	sshll.u32 s26, $0x5;
	s0 =	sand.u32 $0xFFFFFC00, s28  }
0x1dc: {  	s3 =	sand.u32 $0x60, s3;
	s0 =	sadd.s32 s17, s0  }
0x1dd: {  	s30 =	sld [smem:$0x755];
	s0 =	sor.u32 s3, s0  }
0x1de: {  	s29 =	sld [smem:$0x7AA];
	s0 =	sor.u32 s14, s0  }
0x1df: {  	s0 =	sshrl.u32 s0, $0x3  }
0x1e0: {  	s31 =	sshll.u32 s30, $0x8;
	s0 =	sadd.s32 s2, s0  }
0x1e1: {  	[tilespmem:s29], [sflag:$0x2] =	stream.linear.gather [hbm4b:s0+s1], $0x20, $0x38;
	[tilespmem:$0xE80] =	vst v63  }
0x1e2: {  	s3 =	sshll.u32 s30, $0x5;
	s0 =	sand.u32 $0xFFFFFC00, s31  }
0x1e3: {  	s3 =	sand.u32 $0x60, s3;
	s0 =	sadd.s32 s17, s0  }
0x1e4: {  	s7 =	sld [smem:$0x756];
	s0 =	sor.u32 s3, s0  }
0x1e5: {  	s6 =	sld [smem:$0x7AB];
	s0 =	sor.u32 s14, s0  }
0x1e6: {  	s0 =	sshrl.u32 s0, $0x3  }
0x1e7: {  	s8 =	sshll.u32 s7, $0x8;
	s0 =	sadd.s32 s2, s0  }
0x1e8: {  	[tilespmem:s6], [sflag:$0x2] =	stream.linear.gather [hbm4b:s0+s1], $0x20, $0x38;
	[tilespmem:$0xE80] =	vst v63  }
0x1e9: {  	s3 =	sshll.u32 s7, $0x5;
	s0 =	sand.u32 $0xFFFFFC00, s8  }
0x1ea: {  	s3 =	sand.u32 $0x60, s3;
	s0 =	sadd.s32 s17, s0  }
0x1eb: {  	s11 =	sld [smem:$0x757];
	s0 =	sor.u32 s3, s0  }
0x1ec: {  	s10 =	sld [smem:$0x7AC];
	s0 =	sor.u32 s14, s0  }
0x1ed: {  	s0 =	sshrl.u32 s0, $0x3  }
0x1ee: {  	s12 =	sshll.u32 s11, $0x8;
	s0 =	sadd.s32 s2, s0  }
0x1ef: {  	[tilespmem:s10], [sflag:$0x2] =	stream.linear.gather [hbm4b:s0+s1], $0x20, $0x38;
	[tilespmem:$0xE80] =	vst v63  }
0x1f0: {  	s3 =	sshll.u32 s11, $0x5;
	s0 =	sand.u32 $0xFFFFFC00, s12  }
0x1f1: {  	s3 =	sand.u32 $0x60, s3;
	s0 =	sadd.s32 s17, s0  }
0x1f2: {  	s15 =	sld [smem:$0x758];
	s0 =	sor.u32 s3, s0  }
0x1f3: {  	s13 =	sld [smem:$0x7AD];
	s0 =	sor.u32 s14, s0  }
0x1f4: {  	s0 =	sshrl.u32 s0, $0x3  }
0x1f5: {  	s16 =	sshll.u32 s15, $0x8;
	s0 =	sadd.s32 s2, s0  }
0x1f6: {  	[tilespmem:s13], [sflag:$0x2] =	stream.linear.gather [hbm4b:s0+s1], $0x20, $0x38;
	[tilespmem:$0xE80] =	vst v63  }
0x1f7: {  	s3 =	sshll.u32 s15, $0x5;
	s0 =	sand.u32 $0xFFFFFC00, s16  }
0x1f8: {  	s3 =	sand.u32 $0x60, s3;
	s0 =	sadd.s32 s17, s0  }
0x1f9: {  	s19 =	sld [smem:$0x759];
	s0 =	sor.u32 s3, s0  }
0x1fa: {  	s18 =	sld [smem:$0x7AE];
	s0 =	sor.u32 s14, s0  }
0x1fb: {  	s0 =	sshrl.u32 s0, $0x3  }
0x1fc: {  	s20 =	sshll.u32 s19, $0x8;
	s0 =	sadd.s32 s2, s0  }
0x1fd: {  	[tilespmem:s18], [sflag:$0x2] =	stream.linear.gather [hbm4b:s0+s1], $0x20, $0x38;
	[tilespmem:$0xE80] =	vst v63  }
0x1fe: {  	s3 =	sshll.u32 s19, $0x5;
	s0 =	sand.u32 $0xFFFFFC00, s20  }
0x1ff: {  	s3 =	sand.u32 $0x60, s3;
	s0 =	sadd.s32 s17, s0  }
0x200: {  	s22 =	sld [smem:$0x75A];
	s0 =	sor.u32 s3, s0  }
0x201: {  	s21 =	sld [smem:$0x7AF];
	s0 =	sor.u32 s14, s0  }
0x202: {  	s0 =	sshrl.u32 s0, $0x3  }
0x203: {  	s23 =	sshll.u32 s22, $0x8;
	s0 =	sadd.s32 s2, s0  }
0x204: {  	[tilespmem:s21], [sflag:$0x2] =	stream.linear.gather [hbm4b:s0+s1], $0x20, $0x38;
	[tilespmem:$0xE80] =	vst v63  }
0x205: {  	s3 =	sshll.u32 s22, $0x5;
	s0 =	sand.u32 $0xFFFFFC00, s23  }
0x206: {  	s3 =	sand.u32 $0x60, s3;
	s0 =	sadd.s32 s17, s0  }
0x207: {  	s25 =	sld [smem:$0x75B];
	s0 =	sor.u32 s3, s0  }
0x208: {  	s24 =	sld [smem:$0x7B0];
	s0 =	sor.u32 s14, s0  }
0x209: {  	s0 =	sshrl.u32 s0, $0x3  }
0x20a: {  	s26 =	sshll.u32 s25, $0x8;
	s0 =	sadd.s32 s2, s0  }
0x20b: {  	[tilespmem:s24], [sflag:$0x2] =	stream.linear.gather [hbm4b:s0+s1], $0x20, $0x38;
	[tilespmem:$0xE80] =	vst v63  }
0x20c: {  	s3 =	sshll.u32 s25, $0x5;
	s0 =	sand.u32 $0xFFFFFC00, s26  }
0x20d: {  	s3 =	sand.u32 $0x60, s3;
	s0 =	sadd.s32 s17, s0  }
0x20e: {  	s29 =	sld [smem:$0x75C];
	s0 =	sor.u32 s3, s0  }
0x20f: {  	s28 =	sld [smem:$0x7B1];
	s0 =	sor.u32 s14, s0  }
0x210: {  	s0 =	sshrl.u32 s0, $0x3  }
0x211: {  	s30 =	sshll.u32 s29, $0x8;
	s0 =	sadd.s32 s2, s0  }
0x212: {  	[tilespmem:s28], [sflag:$0x2] =	stream.linear.gather [hbm4b:s0+s1], $0x20, $0x38;
	[tilespmem:$0xE80] =	vst v63  }
0x213: {  	s3 =	sshll.u32 s29, $0x5;
	s0 =	sand.u32 $0xFFFFFC00, s30  }
0x214: {  	s3 =	sand.u32 $0x60, s3;
	s0 =	sadd.s32 s17, s0  }
0x215: {  	s0 =	sor.u32 s3, s0  }
0x216: {  	s31 =	sld [smem:$0x7B2];
	s0 =	sor.u32 s14, s0  }
0x217: {  	s0 =	sshrl.u32 s0, $0x3  }
0x218: {  	s0 =	sadd.s32 s2, s0  }
0x219: {  	[tilespmem:s31], [sflag:$0x2] =	stream.linear.gather [hbm4b:s0+s1], $0x20, $0x38;
	[tilespmem:$0xE80] =	vst v63  }
0x21a: {  	s0 =	sld [smem:$0x75D];
	_ =	sdelay $0x2  }
0x21b: {  	s6 =	sshll.u32 s0, $0x8  }
0x21c: {  	s3 =	sshll.u32 s0, $0x5;
	s0 =	sand.u32 $0xFFFFFC00, s6  }
0x21d: {  	s3 =	sand.u32 $0x60, s3;
	s0 =	sadd.s32 s17, s0  }
0x21e: {  	s8 =	sld [smem:$0x75E];
	s0 =	sor.u32 s3, s0  }
0x21f: {  	s7 =	sld [smem:$0x7B3];
	s0 =	sor.u32 s14, s0  }
0x220: {  	s0 =	sshrl.u32 s0, $0x3  }
0x221: {  	s10 =	sshll.u32 s8, $0x8;
	s0 =	sadd.s32 s2, s0  }
0x222: {  	[tilespmem:s7], [sflag:$0x2] =	stream.linear.gather [hbm4b:s0+s1], $0x20, $0x38;
	[tilespmem:$0xE80] =	vst v63  }
0x223: {  	s3 =	sshll.u32 s8, $0x5;
	s0 =	sand.u32 $0xFFFFFC00, s10  }
0x224: {  	s3 =	sand.u32 $0x60, s3;
	s0 =	sadd.s32 s17, s0  }
0x225: {  	s12 =	sld [smem:$0x75F];
	s0 =	sor.u32 s3, s0  }
0x226: {  	s11 =	sld [smem:$0x7B4];
	s0 =	sor.u32 s14, s0  }
0x227: {  	s0 =	sshrl.u32 s0, $0x3  }
0x228: {  	s13 =	sshll.u32 s12, $0x8;
	s0 =	sadd.s32 s2, s0  }
0x229: {  	[tilespmem:s11], [sflag:$0x2] =	stream.linear.gather [hbm4b:s0+s1], $0x20, $0x38;
	[tilespmem:$0xE80] =	vst v63  }
0x22a: {  	s3 =	sshll.u32 s12, $0x5;
	s0 =	sand.u32 $0xFFFFFC00, s13  }
0x22b: {  	s3 =	sand.u32 $0x60, s3;
	s0 =	sadd.s32 s17, s0  }
0x22c: {  	s16 =	sld [smem:$0x760];
	s0 =	sor.u32 s3, s0  }
0x22d: {  	s15 =	sld [smem:$0x7B5];
	s0 =	sor.u32 s14, s0  }
0x22e: {  	s0 =	sshrl.u32 s0, $0x3  }
0x22f: {  	s18 =	sshll.u32 s16, $0x8;
	s0 =	sadd.s32 s2, s0  }
0x230: {  	[tilespmem:s15], [sflag:$0x2] =	stream.linear.gather [hbm4b:s0+s1], $0x20, $0x38;
	[tilespmem:$0xE80] =	vst v63  }
0x231: {  	s3 =	sshll.u32 s16, $0x5;
	s0 =	sand.u32 $0xFFFFFC00, s18  }
0x232: {  	s3 =	sand.u32 $0x60, s3;
	s0 =	sadd.s32 s17, s0  }
0x233: {  	s20 =	sld [smem:$0x761];
	s0 =	sor.u32 s3, s0  }
0x234: {  	s19 =	sld [smem:$0x7B6];
	s0 =	sor.u32 s14, s0  }
0x235: {  	s0 =	sshrl.u32 s0, $0x3  }
0x236: {  	s21 =	sshll.u32 s20, $0x8;
	s0 =	sadd.s32 s2, s0  }
0x237: {  	[tilespmem:s19], [sflag:$0x2] =	stream.linear.gather [hbm4b:s0+s1], $0x20, $0x38;
	[tilespmem:$0xE80] =	vst v63  }
0x238: {  	s3 =	sshll.u32 s20, $0x5;
	s0 =	sand.u32 $0xFFFFFC00, s21  }
0x239: {  	s3 =	sand.u32 $0x60, s3;
	s0 =	sadd.s32 s17, s0  }
0x23a: {  	s23 =	sld [smem:$0x762];
	s0 =	sor.u32 s3, s0  }
0x23b: {  	s22 =	sld [smem:$0x7B7];
	s0 =	sor.u32 s14, s0  }
0x23c: {  	s0 =	sshrl.u32 s0, $0x3  }
0x23d: {  	s24 =	sshll.u32 s23, $0x8;
	s0 =	sadd.s32 s2, s0  }
0x23e: {  	[tilespmem:s22], [sflag:$0x2] =	stream.linear.gather [hbm4b:s0+s1], $0x20, $0x38;
	[tilespmem:$0xE80] =	vst v63  }
0x23f: {  	s3 =	sshll.u32 s23, $0x5;
	s0 =	sand.u32 $0xFFFFFC00, s24  }
0x240: {  	s3 =	sand.u32 $0x60, s3;
	s0 =	sadd.s32 s17, s0  }
0x241: {  	s26 =	sld [smem:$0x763];
	s0 =	sor.u32 s3, s0  }
0x242: {  	s25 =	sld [smem:$0x7B8];
	s0 =	sor.u32 s14, s0  }
0x243: {  	s0 =	sshrl.u32 s0, $0x3  }
0x244: {  	s28 =	sshll.u32 s26, $0x8;
	s0 =	sadd.s32 s2, s0  }
0x245: {  	[tilespmem:s25], [sflag:$0x2] =	stream.linear.gather [hbm4b:s0+s1], $0x20, $0x38;
	[tilespmem:$0xE80] =	vst v63  }
0x246: {  	s3 =	sshll.u32 s26, $0x5;
	s0 =	sand.u32 $0xFFFFFC00, s28  }
0x247: {  	s3 =	sand.u32 $0x60, s3;
	s0 =	sadd.s32 s17, s0  }
0x248: {  	s30 =	sld [smem:$0x764];
	s0 =	sor.u32 s3, s0  }
0x249: {  	s29 =	sld [smem:$0x7B9];
	s0 =	sor.u32 s14, s0  }
0x24a: {  	s0 =	sshrl.u32 s0, $0x3  }
0x24b: {  	s31 =	sshll.u32 s30, $0x8;
	s0 =	sadd.s32 s2, s0  }
0x24c: {  	[tilespmem:s29], [sflag:$0x2] =	stream.linear.gather [hbm4b:s0+s1], $0x20, $0x38;
	[tilespmem:$0xE80] =	vst v63  }
0x24d: {  	s3 =	sshll.u32 s30, $0x5;
	s0 =	sand.u32 $0xFFFFFC00, s31  }
0x24e: {  	s3 =	sand.u32 $0x60, s3;
	s0 =	sadd.s32 s17, s0  }
0x24f: {  	s7 =	sld [smem:$0x765];
	s0 =	sor.u32 s3, s0  }
0x250: {  	s6 =	sld [smem:$0x7BA];
	s0 =	sor.u32 s14, s0  }
0x251: {  	s0 =	sshrl.u32 s0, $0x3  }
0x252: {  	s8 =	sshll.u32 s7, $0x8;
	s0 =	sadd.s32 s2, s0  }
0x253: {  	[tilespmem:s6], [sflag:$0x2] =	stream.linear.gather [hbm4b:s0+s1], $0x20, $0x38;
	[tilespmem:$0xE80] =	vst v63  }
0x254: {  	s3 =	sshll.u32 s7, $0x5;
	s0 =	sand.u32 $0xFFFFFC00, s8  }
0x255: {  	s3 =	sand.u32 $0x60, s3;
	s0 =	sadd.s32 s17, s0  }
0x256: {  	s11 =	sld [smem:$0x766];
	s0 =	sor.u32 s3, s0  }
0x257: {  	s10 =	sld [smem:$0x7BB];
	s0 =	sor.u32 s14, s0  }
0x258: {  	s0 =	sshrl.u32 s0, $0x3  }
0x259: {  	s12 =	sshll.u32 s11, $0x8;
	s0 =	sadd.s32 s2, s0  }
0x25a: {  	[tilespmem:s10], [sflag:$0x2] =	stream.linear.gather [hbm4b:s0+s1], $0x20, $0x38;
	[tilespmem:$0xE80] =	vst v63  }
0x25b: {  	s3 =	sshll.u32 s11, $0x5;
	s0 =	sand.u32 $0xFFFFFC00, s12  }
0x25c: {  	s3 =	sand.u32 $0x60, s3;
	s0 =	sadd.s32 s17, s0  }
0x25d: {  	s15 =	sld [smem:$0x767];
	s0 =	sor.u32 s3, s0  }
0x25e: {  	s13 =	sld [smem:$0x7BC];
	s0 =	sor.u32 s14, s0  }
0x25f: {  	s0 =	sshrl.u32 s0, $0x3  }
0x260: {  	s16 =	sshll.u32 s15, $0x8;
	s0 =	sadd.s32 s2, s0  }
0x261: {  	[tilespmem:s13], [sflag:$0x2] =	stream.linear.gather [hbm4b:s0+s1], $0x20, $0x38;
	[tilespmem:$0xE80] =	vst v63  }
0x262: {  	s3 =	sshll.u32 s15, $0x5;
	s0 =	sand.u32 $0xFFFFFC00, s16  }
0x263: {  	s3 =	sand.u32 $0x60, s3;
	s0 =	sadd.s32 s17, s0  }
0x264: {  	s19 =	sld [smem:$0x768];
	s0 =	sor.u32 s3, s0  }
0x265: {  	s18 =	sld [smem:$0x7BD];
	s0 =	sor.u32 s14, s0  }
0x266: {  	s0 =	sshrl.u32 s0, $0x3  }
0x267: {  	s20 =	sshll.u32 s19, $0x8;
	s0 =	sadd.s32 s2, s0  }
0x268: {  	[tilespmem:s18], [sflag:$0x2] =	stream.linear.gather [hbm4b:s0+s1], $0x20, $0x38;
	[tilespmem:$0xE80] =	vst v63  }
0x269: {  	s3 =	sshll.u32 s19, $0x5;
	s0 =	sand.u32 $0xFFFFFC00, s20  }
0x26a: {  	s3 =	sand.u32 $0x60, s3;
	s0 =	sadd.s32 s17, s0  }
0x26b: {  	s22 =	sld [smem:$0x769];
	s0 =	sor.u32 s3, s0  }
0x26c: {  	s21 =	sld [smem:$0x7BE];
	s0 =	sor.u32 s14, s0  }
0x26d: {  	s0 =	sshrl.u32 s0, $0x3  }
0x26e: {  	s23 =	sshll.u32 s22, $0x8;
	s0 =	sadd.s32 s2, s0  }
0x26f: {  	[tilespmem:s21], [sflag:$0x2] =	stream.linear.gather [hbm4b:s0+s1], $0x20, $0x38;
	[tilespmem:$0xE80] =	vst v63  }
0x270: {  	s3 =	sshll.u32 s22, $0x5;
	s0 =	sand.u32 $0xFFFFFC00, s23  }
0x271: {  	s3 =	sand.u32 $0x60, s3;
	s0 =	sadd.s32 s17, s0  }
0x272: {  	s25 =	sld [smem:$0x76A];
	s0 =	sor.u32 s3, s0  }
0x273: {  	s24 =	sld [smem:$0x7BF];
	s0 =	sor.u32 s14, s0  }
0x274: {  	s0 =	sshrl.u32 s0, $0x3  }
0x275: {  	s26 =	sshll.u32 s25, $0x8;
	s0 =	sadd.s32 s2, s0  }
0x276: {  	[tilespmem:s24], [sflag:$0x2] =	stream.linear.gather [hbm4b:s0+s1], $0x20, $0x38;
	[tilespmem:$0xE80] =	vst v63  }
0x277: {  	s3 =	sshll.u32 s25, $0x5;
	s0 =	sand.u32 $0xFFFFFC00, s26  }
0x278: {  	s3 =	sand.u32 $0x60, s3;
	s0 =	sadd.s32 s17, s0  }
0x279: {  	s29 =	sld [smem:$0x76B];
	s0 =	sor.u32 s3, s0  }
0x27a: {  	s28 =	sld [smem:$0x7C0];
	s0 =	sor.u32 s14, s0  }
0x27b: {  	s0 =	sshrl.u32 s0, $0x3  }
0x27c: {  	s30 =	sshll.u32 s29, $0x8;
	s0 =	sadd.s32 s2, s0  }
0x27d: {  	[tilespmem:s28], [sflag:$0x2] =	stream.linear.gather [hbm4b:s0+s1], $0x20, $0x38;
	[tilespmem:$0xE80] =	vst v63  }
0x27e: {  	s3 =	sshll.u32 s29, $0x5;
	s0 =	sand.u32 $0xFFFFFC00, s30  }
0x27f: {  	s3 =	sand.u32 $0x60, s3;
	s0 =	sadd.s32 s17, s0  }
0x280: {  	s0 =	sor.u32 s3, s0  }
0x281: {  	s31 =	sld [smem:$0x7C1];
	s0 =	sor.u32 s14, s0  }
0x282: {  	s0 =	sshrl.u32 s0, $0x3  }
0x283: {  	s0 =	sadd.s32 s2, s0  }
0x284: {  	[tilespmem:s31], [sflag:$0x2] =	stream.linear.gather [hbm4b:s0+s1], $0x20, $0x38;
	[tilespmem:$0xE80] =	vst v63  }
0x285: {  	s0 =	sld [smem:$0x76C];
	_ =	sdelay $0x2  }
0x286: {  	s6 =	sshll.u32 s0, $0x8  }
0x287: {  	s3 =	sshll.u32 s0, $0x5;
	s0 =	sand.u32 $0xFFFFFC00, s6  }
0x288: {  	s3 =	sand.u32 $0x60, s3;
	s0 =	sadd.s32 s17, s0  }
0x289: {  	s8 =	sld [smem:$0x76D];
	s0 =	sor.u32 s3, s0  }
0x28a: {  	s7 =	sld [smem:$0x7C2];
	s0 =	sor.u32 s14, s0  }
0x28b: {  	s0 =	sshrl.u32 s0, $0x3  }
0x28c: {  	s10 =	sshll.u32 s8, $0x8;
	s0 =	sadd.s32 s2, s0  }
0x28d: {  	[tilespmem:s7], [sflag:$0x2] =	stream.linear.gather [hbm4b:s0+s1], $0x20, $0x38;
	[tilespmem:$0xE80] =	vst v63  }
0x28e: {  	s3 =	sshll.u32 s8, $0x5;
	s0 =	sand.u32 $0xFFFFFC00, s10  }
0x28f: {  	s3 =	sand.u32 $0x60, s3;
	s0 =	sadd.s32 s17, s0  }
0x290: {  	s12 =	sld [smem:$0x76E];
	s0 =	sor.u32 s3, s0  }
0x291: {  	s11 =	sld [smem:$0x7C3];
	s0 =	sor.u32 s14, s0  }
0x292: {  	s0 =	sshrl.u32 s0, $0x3  }
0x293: {  	s13 =	sshll.u32 s12, $0x8;
	s0 =	sadd.s32 s2, s0  }
0x294: {  	[tilespmem:s11], [sflag:$0x2] =	stream.linear.gather [hbm4b:s0+s1], $0x20, $0x38;
	[tilespmem:$0xE80] =	vst v63  }
0x295: {  	s3 =	sshll.u32 s12, $0x5;
	s0 =	sand.u32 $0xFFFFFC00, s13  }
0x296: {  	s3 =	sand.u32 $0x60, s3;
	s0 =	sadd.s32 s17, s0  }
0x297: {  	s16 =	sld [smem:$0x76F];
	s0 =	sor.u32 s3, s0  }
0x298: {  	s15 =	sld [smem:$0x7C4];
	s0 =	sor.u32 s14, s0  }
0x299: {  	s0 =	sshrl.u32 s0, $0x3  }
0x29a: {  	s18 =	sshll.u32 s16, $0x8;
	s0 =	sadd.s32 s2, s0  }
0x29b: {  	[tilespmem:s15], [sflag:$0x2] =	stream.linear.gather [hbm4b:s0+s1], $0x20, $0x38;
	[tilespmem:$0xE80] =	vst v63  }
0x29c: {  	s3 =	sshll.u32 s16, $0x5;
	s0 =	sand.u32 $0xFFFFFC00, s18  }
0x29d: {  	s3 =	sand.u32 $0x60, s3;
	s0 =	sadd.s32 s17, s0  }
0x29e: {  	s20 =	sld [smem:$0x770];
	s0 =	sor.u32 s3, s0  }
0x29f: {  	s19 =	sld [smem:$0x7C5];
	s0 =	sor.u32 s14, s0  }
0x2a0: {  	s0 =	sshrl.u32 s0, $0x3  }
0x2a1: {  	s21 =	sshll.u32 s20, $0x8;
	s0 =	sadd.s32 s2, s0  }
0x2a2: {  	[tilespmem:s19], [sflag:$0x2] =	stream.linear.gather [hbm4b:s0+s1], $0x20, $0x38;
	[tilespmem:$0xE80] =	vst v63  }
0x2a3: {  	s3 =	sshll.u32 s20, $0x5;
	s0 =	sand.u32 $0xFFFFFC00, s21  }
0x2a4: {  	s3 =	sand.u32 $0x60, s3;
	s0 =	sadd.s32 s17, s0  }
0x2a5: {  	s23 =	sld [smem:$0x771];
	s0 =	sor.u32 s3, s0  }
0x2a6: {  	s22 =	sld [smem:$0x7C6];
	s0 =	sor.u32 s14, s0  }
0x2a7: {  	s0 =	sshrl.u32 s0, $0x3  }
0x2a8: {  	s24 =	sshll.u32 s23, $0x8;
	s0 =	sadd.s32 s2, s0  }
0x2a9: {  	[tilespmem:s22], [sflag:$0x2] =	stream.linear.gather [hbm4b:s0+s1], $0x20, $0x38;
	[tilespmem:$0xE80] =	vst v63  }
0x2aa: {  	s3 =	sshll.u32 s23, $0x5;
	s0 =	sand.u32 $0xFFFFFC00, s24  }
0x2ab: {  	s3 =	sand.u32 $0x60, s3;
	s0 =	sadd.s32 s17, s0  }
0x2ac: {  	s26 =	sld [smem:$0x772];
	s0 =	sor.u32 s3, s0  }
0x2ad: {  	s25 =	sld [smem:$0x7C7];
	s0 =	sor.u32 s14, s0  }
0x2ae: {  	s0 =	sshrl.u32 s0, $0x3  }
0x2af: {  	s28 =	sshll.u32 s26, $0x8;
	s0 =	sadd.s32 s2, s0  }
0x2b0: {  	[tilespmem:s25], [sflag:$0x2] =	stream.linear.gather [hbm4b:s0+s1], $0x20, $0x38;
	[tilespmem:$0xE80] =	vst v63  }
0x2b1: {  	s3 =	sshll.u32 s26, $0x5;
	s0 =	sand.u32 $0xFFFFFC00, s28  }
0x2b2: {  	s3 =	sand.u32 $0x60, s3;
	s0 =	sadd.s32 s17, s0  }
0x2b3: {  	s30 =	sld [smem:$0x773];
	s0 =	sor.u32 s3, s0  }
0x2b4: {  	s29 =	sld [smem:$0x7C8];
	s0 =	sor.u32 s14, s0  }
0x2b5: {  	s0 =	sshrl.u32 s0, $0x3  }
0x2b6: {  	s31 =	sshll.u32 s30, $0x8;
	s0 =	sadd.s32 s2, s0  }
0x2b7: {  	[tilespmem:s29], [sflag:$0x2] =	stream.linear.gather [hbm4b:s0+s1], $0x20, $0x38;
	[tilespmem:$0xE80] =	vst v63  }
0x2b8: {  	s3 =	sshll.u32 s30, $0x5;
	s0 =	sand.u32 $0xFFFFFC00, s31  }
0x2b9: {  	s3 =	sand.u32 $0x60, s3;
	s0 =	sadd.s32 s17, s0  }
0x2ba: {  	s7 =	sld [smem:$0x774];
	s0 =	sor.u32 s3, s0  }
0x2bb: {  	s6 =	sld [smem:$0x7C9];
	s0 =	sor.u32 s14, s0  }
0x2bc: {  	s0 =	sshrl.u32 s0, $0x3  }
0x2bd: {  	s8 =	sshll.u32 s7, $0x8;
	s0 =	sadd.s32 s2, s0  }
0x2be: {  	[tilespmem:s6], [sflag:$0x2] =	stream.linear.gather [hbm4b:s0+s1], $0x20, $0x38;
	[tilespmem:$0xE80] =	vst v63  }
0x2bf: {  	s3 =	sshll.u32 s7, $0x5;
	s0 =	sand.u32 $0xFFFFFC00, s8  }
0x2c0: {  	s3 =	sand.u32 $0x60, s3;
	s0 =	sadd.s32 s17, s0  }
0x2c1: {  	s11 =	sld [smem:$0x775];
	s0 =	sor.u32 s3, s0  }
0x2c2: {  	s10 =	sld [smem:$0x7CA];
	s0 =	sor.u32 s14, s0  }
0x2c3: {  	s0 =	sshrl.u32 s0, $0x3  }
0x2c4: {  	s12 =	sshll.u32 s11, $0x8;
	s0 =	sadd.s32 s2, s0  }
0x2c5: {  	[tilespmem:s10], [sflag:$0x2] =	stream.linear.gather [hbm4b:s0+s1], $0x20, $0x38;
	[tilespmem:$0xE80] =	vst v63  }
0x2c6: {  	s3 =	sshll.u32 s11, $0x5;
	s0 =	sand.u32 $0xFFFFFC00, s12  }
0x2c7: {  	s3 =	sand.u32 $0x60, s3;
	s0 =	sadd.s32 s17, s0  }
0x2c8: {  	s15 =	sld [smem:$0x776];
	s0 =	sor.u32 s3, s0  }
0x2c9: {  	s13 =	sld [smem:$0x7CB];
	s0 =	sor.u32 s14, s0  }
0x2ca: {  	s0 =	sshrl.u32 s0, $0x3  }
0x2cb: {  	s16 =	sshll.u32 s15, $0x8;
	s0 =	sadd.s32 s2, s0  }
0x2cc: {  	[tilespmem:s13], [sflag:$0x2] =	stream.linear.gather [hbm4b:s0+s1], $0x20, $0x38;
	[tilespmem:$0xE80] =	vst v63  }
0x2cd: {  	s3 =	sshll.u32 s15, $0x5;
	s0 =	sand.u32 $0xFFFFFC00, s16  }
0x2ce: {  	s3 =	sand.u32 $0x60, s3;
	s0 =	sadd.s32 s17, s0  }
0x2cf: {  	s19 =	sld [smem:$0x777];
	s0 =	sor.u32 s3, s0  }
0x2d0: {  	s18 =	sld [smem:$0x7CC];
	s0 =	sor.u32 s14, s0  }
0x2d1: {  	s0 =	sshrl.u32 s0, $0x3  }
0x2d2: {  	s20 =	sshll.u32 s19, $0x8;
	s0 =	sadd.s32 s2, s0  }
0x2d3: {  	[tilespmem:s18], [sflag:$0x2] =	stream.linear.gather [hbm4b:s0+s1], $0x20, $0x38;
	[tilespmem:$0xE80] =	vst v63  }
0x2d4: {  	s3 =	sshll.u32 s19, $0x5;
	s0 =	sand.u32 $0xFFFFFC00, s20  }
0x2d5: {  	s3 =	sand.u32 $0x60, s3;
	s0 =	sadd.s32 s17, s0  }
0x2d6: {  	s22 =	sld [smem:$0x778];
	s0 =	sor.u32 s3, s0  }
0x2d7: {  	s21 =	sld [smem:$0x7CD];
	s0 =	sor.u32 s14, s0  }
0x2d8: {  	s0 =	sshrl.u32 s0, $0x3  }
0x2d9: {  	s23 =	sshll.u32 s22, $0x8;
	s0 =	sadd.s32 s2, s0  }
0x2da: {  	[tilespmem:s21], [sflag:$0x2] =	stream.linear.gather [hbm4b:s0+s1], $0x20, $0x38;
	[tilespmem:$0xE80] =	vst v63  }
0x2db: {  	s3 =	sshll.u32 s22, $0x5;
	s0 =	sand.u32 $0xFFFFFC00, s23  }
0x2dc: {  	s3 =	sand.u32 $0x60, s3;
	s0 =	sadd.s32 s17, s0  }
0x2dd: {  	s25 =	sld [smem:$0x779];
	s0 =	sor.u32 s3, s0  }
0x2de: {  	s24 =	sld [smem:$0x7CE];
	s0 =	sor.u32 s14, s0  }
0x2df: {  	s0 =	sshrl.u32 s0, $0x3  }
0x2e0: {  	s26 =	sshll.u32 s25, $0x8;
	s0 =	sadd.s32 s2, s0  }
0x2e1: {  	[tilespmem:s24], [sflag:$0x2] =	stream.linear.gather [hbm4b:s0+s1], $0x20, $0x38;
	[tilespmem:$0xE80] =	vst v63  }
0x2e2: {  	s3 =	sshll.u32 s25, $0x5;
	s0 =	sand.u32 $0xFFFFFC00, s26  }
0x2e3: {  	s3 =	sand.u32 $0x60, s3;
	s0 =	sadd.s32 s17, s0  }
0x2e4: {  	s29 =	sld [smem:$0x77A];
	s0 =	sor.u32 s3, s0  }
0x2e5: {  	s28 =	sld [smem:$0x7CF];
	s0 =	sor.u32 s14, s0  }
0x2e6: {  	s0 =	sshrl.u32 s0, $0x3  }
0x2e7: {  	s30 =	sshll.u32 s29, $0x8;
	s0 =	sadd.s32 s2, s0  }
0x2e8: {  	[tilespmem:s28], [sflag:$0x2] =	stream.linear.gather [hbm4b:s0+s1], $0x20, $0x38;
	[tilespmem:$0xE80] =	vst v63  }
0x2e9: {  	s3 =	sshll.u32 s29, $0x5;
	s0 =	sand.u32 $0xFFFFFC00, s30  }
0x2ea: {  	s3 =	sand.u32 $0x60, s3;
	s0 =	sadd.s32 s17, s0  }
0x2eb: {  	s0 =	sor.u32 s3, s0  }
0x2ec: {  	s31 =	sld [smem:$0x7D0];
	s0 =	sor.u32 s14, s0  }
0x2ed: {  	s0 =	sshrl.u32 s0, $0x3  }
0x2ee: {  	s0 =	sadd.s32 s2, s0  }
0x2ef: {  	[tilespmem:s31], [sflag:$0x2] =	stream.linear.gather [hbm4b:s0+s1], $0x20, $0x38;
	[tilespmem:$0xE80] =	vst v63  }
0x2f0: {  	s0 =	sld [smem:$0x77B];
	_ =	sdelay $0x2  }
0x2f1: {  	s6 =	sshll.u32 s0, $0x8  }
0x2f2: {  	s3 =	sshll.u32 s0, $0x5;
	s0 =	sand.u32 $0xFFFFFC00, s6  }
0x2f3: {  	s3 =	sand.u32 $0x60, s3;
	s0 =	sadd.s32 s17, s0  }
0x2f4: {  	s8 =	sld [smem:$0x77C];
	s0 =	sor.u32 s3, s0  }
0x2f5: {  	s7 =	sld [smem:$0x7D1];
	s0 =	sor.u32 s14, s0  }
0x2f6: {  	s0 =	sshrl.u32 s0, $0x3  }
0x2f7: {  	s10 =	sshll.u32 s8, $0x8;
	s0 =	sadd.s32 s2, s0  }
0x2f8: {  	[tilespmem:s7], [sflag:$0x2] =	stream.linear.gather [hbm4b:s0+s1], $0x20, $0x38;
	[tilespmem:$0xE80] =	vst v63  }
0x2f9: {  	s3 =	sshll.u32 s8, $0x5;
	s0 =	sand.u32 $0xFFFFFC00, s10  }
0x2fa: {  	s3 =	sand.u32 $0x60, s3;
	s0 =	sadd.s32 s17, s0  }
0x2fb: {  	s12 =	sld [smem:$0x77D];
	s0 =	sor.u32 s3, s0  }
0x2fc: {  	s11 =	sld [smem:$0x7D2];
	s0 =	sor.u32 s14, s0  }
0x2fd: {  	s0 =	sshrl.u32 s0, $0x3  }
0x2fe: {  	s13 =	sshll.u32 s12, $0x8;
	s0 =	sadd.s32 s2, s0  }
0x2ff: {  	[tilespmem:s11], [sflag:$0x2] =	stream.linear.gather [hbm4b:s0+s1], $0x20, $0x38;
	[tilespmem:$0xE80] =	vst v63  }
0x300: {  	s3 =	sshll.u32 s12, $0x5;
	s0 =	sand.u32 $0xFFFFFC00, s13  }
0x301: {  	s3 =	sand.u32 $0x60, s3;
	s0 =	sadd.s32 s17, s0  }
0x302: {  	s16 =	sld [smem:$0x77E];
	s0 =	sor.u32 s3, s0  }
0x303: {  	s15 =	sld [smem:$0x7D3];
	s0 =	sor.u32 s14, s0  }
0x304: {  	s0 =	sshrl.u32 s0, $0x3  }
0x305: {  	s18 =	sshll.u32 s16, $0x8;
	s0 =	sadd.s32 s2, s0  }
0x306: {  	[tilespmem:s15], [sflag:$0x2] =	stream.linear.gather [hbm4b:s0+s1], $0x20, $0x38;
	[tilespmem:$0xE80] =	vst v63  }
0x307: {  	s3 =	sshll.u32 s16, $0x5;
	s0 =	sand.u32 $0xFFFFFC00, s18  }
0x308: {  	s3 =	sand.u32 $0x60, s3;
	s0 =	sadd.s32 s17, s0  }
0x309: {  	s20 =	sld [smem:$0x77F];
	s0 =	sor.u32 s3, s0  }
0x30a: {  	s19 =	sld [smem:$0x7D4];
	s0 =	sor.u32 s14, s0  }
0x30b: {  	s0 =	sshrl.u32 s0, $0x3  }
0x30c: {  	s21 =	sshll.u32 s20, $0x8;
	s0 =	sadd.s32 s2, s0  }
0x30d: {  	[tilespmem:s19], [sflag:$0x2] =	stream.linear.gather [hbm4b:s0+s1], $0x20, $0x38;
	[tilespmem:$0xE80] =	vst v63  }
0x30e: {  	s3 =	sshll.u32 s20, $0x5;
	s0 =	sand.u32 $0xFFFFFC00, s21  }
0x30f: {  	s3 =	sand.u32 $0x60, s3;
	s0 =	sadd.s32 s17, s0  }
0x310: {  	s23 =	sld [smem:$0x780];
	s0 =	sor.u32 s3, s0  }
0x311: {  	s22 =	sld [smem:$0x7D5];
	s0 =	sor.u32 s14, s0  }
0x312: {  	s0 =	sshrl.u32 s0, $0x3  }
0x313: {  	s24 =	sshll.u32 s23, $0x8;
	s0 =	sadd.s32 s2, s0  }
0x314: {  	[tilespmem:s22], [sflag:$0x2] =	stream.linear.gather [hbm4b:s0+s1], $0x20, $0x38;
	[tilespmem:$0xE80] =	vst v63  }
0x315: {  	s3 =	sshll.u32 s23, $0x5;
	s0 =	sand.u32 $0xFFFFFC00, s24  }
0x316: {  	s3 =	sand.u32 $0x60, s3;
	s0 =	sadd.s32 s17, s0  }
0x317: {  	s26 =	sld [smem:$0x781];
	s0 =	sor.u32 s3, s0  }
0x318: {  	s25 =	sld [smem:$0x7D6];
	s0 =	sor.u32 s14, s0  }
0x319: {  	s0 =	sshrl.u32 s0, $0x3  }
0x31a: {  	s28 =	sshll.u32 s26, $0x8;
	s0 =	sadd.s32 s2, s0  }
0x31b: {  	[tilespmem:s25], [sflag:$0x2] =	stream.linear.gather [hbm4b:s0+s1], $0x20, $0x38;
	[tilespmem:$0xE80] =	vst v63  }
0x31c: {  	s3 =	sshll.u32 s26, $0x5;
	s0 =	sand.u32 $0xFFFFFC00, s28  }
0x31d: {  	s3 =	sand.u32 $0x60, s3;
	s0 =	sadd.s32 s17, s0  }
0x31e: {  	s30 =	sld [smem:$0x782];
	s0 =	sor.u32 s3, s0  }
0x31f: {  	s29 =	sld [smem:$0x7D7];
	s0 =	sor.u32 s14, s0  }
0x320: {  	s0 =	sshrl.u32 s0, $0x3  }
0x321: {  	s31 =	sshll.u32 s30, $0x8;
	s0 =	sadd.s32 s2, s0  }
0x322: {  	[tilespmem:s29], [sflag:$0x2] =	stream.linear.gather [hbm4b:s0+s1], $0x20, $0x38;
	[tilespmem:$0xE80] =	vst v63  }
0x323: {  	s3 =	sshll.u32 s30, $0x5;
	s0 =	sand.u32 $0xFFFFFC00, s31  }
0x324: {  	s3 =	sand.u32 $0x60, s3;
	s0 =	sadd.s32 s17, s0  }
0x325: {  	s7 =	sld [smem:$0x783];
	s0 =	sor.u32 s3, s0  }
0x326: {  	s6 =	sld [smem:$0x7D8];
	s0 =	sor.u32 s14, s0  }
0x327: {  	s0 =	sshrl.u32 s0, $0x3  }
0x328: {  	s8 =	sshll.u32 s7, $0x8;
	s0 =	sadd.s32 s2, s0  }
0x329: {  	[tilespmem:s6], [sflag:$0x2] =	stream.linear.gather [hbm4b:s0+s1], $0x20, $0x38;
	[tilespmem:$0xE80] =	vst v63  }
0x32a: {  	s3 =	sshll.u32 s7, $0x5;
	s0 =	sand.u32 $0xFFFFFC00, s8  }
0x32b: {  	s3 =	sand.u32 $0x60, s3;
	s0 =	sadd.s32 s17, s0  }
0x32c: {  	s11 =	sld [smem:$0x784];
	s0 =	sor.u32 s3, s0  }
0x32d: {  	s10 =	sld [smem:$0x7D9];
	s0 =	sor.u32 s14, s0  }
0x32e: {  	s0 =	sshrl.u32 s0, $0x3  }
0x32f: {  	s12 =	sshll.u32 s11, $0x8;
	s0 =	sadd.s32 s2, s0  }
0x330: {  	[tilespmem:s10], [sflag:$0x2] =	stream.linear.gather [hbm4b:s0+s1], $0x20, $0x38;
	[tilespmem:$0xE80] =	vst v63  }
0x331: {  	s3 =	sshll.u32 s11, $0x5;
	s0 =	sand.u32 $0xFFFFFC00, s12  }
0x332: {  	s3 =	sand.u32 $0x60, s3;
	s0 =	sadd.s32 s17, s0  }
0x333: {  	s15 =	sld [smem:$0x785];
	s0 =	sor.u32 s3, s0  }
0x334: {  	s13 =	sld [smem:$0x7DA];
	s0 =	sor.u32 s14, s0  }
0x335: {  	s0 =	sshrl.u32 s0, $0x3  }
0x336: {  	s16 =	sshll.u32 s15, $0x8;
	s0 =	sadd.s32 s2, s0  }
0x337: {  	[tilespmem:s13], [sflag:$0x2] =	stream.linear.gather [hbm4b:s0+s1], $0x20, $0x38;
	[tilespmem:$0xE80] =	vst v63  }
0x338: {  	s3 =	sshll.u32 s15, $0x5;
	s0 =	sand.u32 $0xFFFFFC00, s16  }
0x339: {  	s3 =	sand.u32 $0x60, s3;
	s0 =	sadd.s32 s17, s0  }
0x33a: {  	s19 =	sld [smem:$0x786];
	s0 =	sor.u32 s3, s0  }
0x33b: {  	s18 =	sld [smem:$0x7DB];
	s0 =	sor.u32 s14, s0  }
0x33c: {  	s0 =	sshrl.u32 s0, $0x3  }
0x33d: {  	s20 =	sshll.u32 s19, $0x8;
	s0 =	sadd.s32 s2, s0  }
0x33e: {  	[tilespmem:s18], [sflag:$0x2] =	stream.linear.gather [hbm4b:s0+s1], $0x20, $0x38;
	[tilespmem:$0xE80] =	vst v63  }
0x33f: {  	s3 =	sshll.u32 s19, $0x5;
	s0 =	sand.u32 $0xFFFFFC00, s20  }
0x340: {  	s3 =	sand.u32 $0x60, s3;
	s0 =	sadd.s32 s17, s0  }
0x341: {  	s22 =	sld [smem:$0x787];
	s0 =	sor.u32 s3, s0  }
0x342: {  	s21 =	sld [smem:$0x7DC];
	s0 =	sor.u32 s14, s0  }
0x343: {  	s0 =	sshrl.u32 s0, $0x3  }
0x344: {  	s23 =	sshll.u32 s22, $0x8;
	s0 =	sadd.s32 s2, s0  }
0x345: {  	[tilespmem:s21], [sflag:$0x2] =	stream.linear.gather [hbm4b:s0+s1], $0x20, $0x38;
	[tilespmem:$0xE80] =	vst v63  }
0x346: {  	s3 =	sshll.u32 s22, $0x5;
	s0 =	sand.u32 $0xFFFFFC00, s23  }
0x347: {  	s3 =	sand.u32 $0x60, s3;
	s0 =	sadd.s32 s17, s0  }
0x348: {  	s25 =	sld [smem:$0x788];
	s0 =	sor.u32 s3, s0  }
0x349: {  	s24 =	sld [smem:$0x7DD];
	s0 =	sor.u32 s14, s0  }
0x34a: {  	s0 =	sshrl.u32 s0, $0x3  }
0x34b: {  	s26 =	sshll.u32 s25, $0x8;
	s0 =	sadd.s32 s2, s0  }
0x34c: {  	[tilespmem:s24], [sflag:$0x2] =	stream.linear.gather [hbm4b:s0+s1], $0x20, $0x38;
	[tilespmem:$0xE80] =	vst v63  }
0x34d: {  	s3 =	sshll.u32 s25, $0x5;
	s0 =	sand.u32 $0xFFFFFC00, s26  }
0x34e: {  	s3 =	sand.u32 $0x60, s3;
	s0 =	sadd.s32 s17, s0  }
0x34f: {  	s29 =	sld [smem:$0x789];
	s0 =	sor.u32 s3, s0  }
0x350: {  	s28 =	sld [smem:$0x7DE];
	s0 =	sor.u32 s14, s0  }
0x351: {  	s0 =	sshrl.u32 s0, $0x3  }
0x352: {  	s30 =	sshll.u32 s29, $0x8;
	s0 =	sadd.s32 s2, s0  }
0x353: {  	[tilespmem:s28], [sflag:$0x2] =	stream.linear.gather [hbm4b:s0+s1], $0x20, $0x38;
	[tilespmem:$0xE80] =	vst v63  }
0x354: {  	s3 =	sshll.u32 s29, $0x5;
	s0 =	sand.u32 $0xFFFFFC00, s30  }
0x355: {  	s3 =	sand.u32 $0x60, s3;
	s0 =	sadd.s32 s17, s0  }
0x356: {  	s0 =	sor.u32 s3, s0  }
0x357: {  	s31 =	sld [smem:$0x7DF];
	s0 =	sor.u32 s14, s0  }
0x358: {  	s0 =	sshrl.u32 s0, $0x3  }
0x359: {  	s0 =	sadd.s32 s2, s0  }
0x35a: {  	[tilespmem:s31], [sflag:$0x2] =	stream.linear.gather [hbm4b:s0+s1], $0x20, $0x38;
	[tilespmem:$0xE80] =	vst v63  }
0x35b: {  	s0 =	sld [smem:$0x78A];
	_ =	sdelay $0x2  }
0x35c: {  	s6 =	sshll.u32 s0, $0x8  }
0x35d: {  	s3 =	sshll.u32 s0, $0x5;
	s0 =	sand.u32 $0xFFFFFC00, s6  }
0x35e: {  	s3 =	sand.u32 $0x60, s3;
	s0 =	sadd.s32 s17, s0  }
0x35f: {  	s8 =	sld [smem:$0x78B];
	s0 =	sor.u32 s3, s0  }
0x360: {  	s7 =	sld [smem:$0x7E0];
	s0 =	sor.u32 s14, s0  }
0x361: {  	s0 =	sshrl.u32 s0, $0x3  }
0x362: {  	s10 =	sshll.u32 s8, $0x8;
	s0 =	sadd.s32 s2, s0  }
0x363: {  	[tilespmem:s7], [sflag:$0x2] =	stream.linear.gather [hbm4b:s0+s1], $0x20, $0x38;
	[tilespmem:$0xE80] =	vst v63  }
0x364: {  	s3 =	sshll.u32 s8, $0x5;
	s0 =	sand.u32 $0xFFFFFC00, s10  }
0x365: {  	s3 =	sand.u32 $0x60, s3;
	s0 =	sadd.s32 s17, s0  }
0x366: {  	s12 =	sld [smem:$0x78C];
	s0 =	sor.u32 s3, s0  }
0x367: {  	s11 =	sld [smem:$0x7E1];
	s0 =	sor.u32 s14, s0  }
0x368: {  	s0 =	sshrl.u32 s0, $0x3  }
0x369: {  	s13 =	sshll.u32 s12, $0x8;
	s0 =	sadd.s32 s2, s0  }
0x36a: {  	[tilespmem:s11], [sflag:$0x2] =	stream.linear.gather [hbm4b:s0+s1], $0x20, $0x38;
	[tilespmem:$0xE80] =	vst v63  }
0x36b: {  	s3 =	sshll.u32 s12, $0x5;
	s0 =	sand.u32 $0xFFFFFC00, s13  }
0x36c: {  	s3 =	sand.u32 $0x60, s3;
	s0 =	sadd.s32 s17, s0  }
0x36d: {  	s16 =	sld [smem:$0x78D];
	s0 =	sor.u32 s3, s0  }
0x36e: {  	s15 =	sld [smem:$0x7E2];
	s0 =	sor.u32 s14, s0  }
0x36f: {  	s0 =	sshrl.u32 s0, $0x3  }
0x370: {  	s18 =	sshll.u32 s16, $0x8;
	s0 =	sadd.s32 s2, s0  }
0x371: {  	[tilespmem:s15], [sflag:$0x2] =	stream.linear.gather [hbm4b:s0+s1], $0x20, $0x38;
	[tilespmem:$0xE80] =	vst v63  }
0x372: {  	s3 =	sshll.u32 s16, $0x5;
	s0 =	sand.u32 $0xFFFFFC00, s18  }
0x373: {  	s3 =	sand.u32 $0x60, s3;
	s0 =	sadd.s32 s17, s0  }
0x374: {  	s20 =	sld [smem:$0x78E];
	s0 =	sor.u32 s3, s0  }
0x375: {  	s19 =	sld [smem:$0x7E3];
	s0 =	sor.u32 s14, s0  }
0x376: {  	s0 =	sshrl.u32 s0, $0x3  }
0x377: {  	s21 =	sshll.u32 s20, $0x8;
	s0 =	sadd.s32 s2, s0  }
0x378: {  	[tilespmem:s19], [sflag:$0x2] =	stream.linear.gather [hbm4b:s0+s1], $0x20, $0x38;
	[tilespmem:$0xE80] =	vst v63  }
0x379: {  	s3 =	sshll.u32 s20, $0x5;
	s0 =	sand.u32 $0xFFFFFC00, s21  }
0x37a: {  	s3 =	sand.u32 $0x60, s3;
	s0 =	sadd.s32 s17, s0  }
0x37b: {  	s23 =	sld [smem:$0x78F];
	s0 =	sor.u32 s3, s0  }
0x37c: {  	s22 =	sld [smem:$0x7E4];
	s0 =	sor.u32 s14, s0  }
0x37d: {  	s0 =	sshrl.u32 s0, $0x3  }
0x37e: {  	s24 =	sshll.u32 s23, $0x8;
	s0 =	sadd.s32 s2, s0  }
0x37f: {  	[tilespmem:s22], [sflag:$0x2] =	stream.linear.gather [hbm4b:s0+s1], $0x20, $0x38;
	[tilespmem:$0xE80] =	vst v63  }
0x380: {  	s3 =	sshll.u32 s23, $0x5;
	s0 =	sand.u32 $0xFFFFFC00, s24  }
0x381: {  	s3 =	sand.u32 $0x60, s3;
	s0 =	sadd.s32 s17, s0  }
0x382: {  	s26 =	sld [smem:$0x790];
	s0 =	sor.u32 s3, s0  }
0x383: {  	s25 =	sld [smem:$0x7E5];
	s0 =	sor.u32 s14, s0  }
0x384: {  	s0 =	sshrl.u32 s0, $0x3  }
0x385: {  	s28 =	sshll.u32 s26, $0x8;
	s0 =	sadd.s32 s2, s0  }
0x386: {  	[tilespmem:s25], [sflag:$0x2] =	stream.linear.gather [hbm4b:s0+s1], $0x20, $0x38;
	[tilespmem:$0xE80] =	vst v63  }
0x387: {  	s3 =	sshll.u32 s26, $0x5;
	s0 =	sand.u32 $0xFFFFFC00, s28  }
0x388: {  	s3 =	sand.u32 $0x60, s3;
	s0 =	sadd.s32 s17, s0  }
0x389: {  	s30 =	sld [smem:$0x791];
	s0 =	sor.u32 s3, s0  }
0x38a: {  	s29 =	sld [smem:$0x7E6];
	s0 =	sor.u32 s14, s0  }
0x38b: {  	s0 =	sshrl.u32 s0, $0x3  }
0x38c: {  	s31 =	sshll.u32 s30, $0x8;
	s0 =	sadd.s32 s2, s0  }
0x38d: {  	[tilespmem:s29], [sflag:$0x2] =	stream.linear.gather [hbm4b:s0+s1], $0x20, $0x38;
	[tilespmem:$0xE80] =	vst v63  }
0x38e: {  	s3 =	sshll.u32 s30, $0x5;
	s0 =	sand.u32 $0xFFFFFC00, s31  }
0x38f: {  	s3 =	sand.u32 $0x60, s3;
	s0 =	sadd.s32 s17, s0  }
0x390: {  	s7 =	sld [smem:$0x792];
	s0 =	sor.u32 s3, s0  }
0x391: {  	s6 =	sld [smem:$0x7E7];
	s0 =	sor.u32 s14, s0  }
0x392: {  	s0 =	sshrl.u32 s0, $0x3  }
0x393: {  	s8 =	sshll.u32 s7, $0x8;
	s0 =	sadd.s32 s2, s0  }
0x394: {  	[tilespmem:s6], [sflag:$0x2] =	stream.linear.gather [hbm4b:s0+s1], $0x20, $0x38;
	[tilespmem:$0xE80] =	vst v63  }
0x395: {  	s3 =	sshll.u32 s7, $0x5;
	s0 =	sand.u32 $0xFFFFFC00, s8  }
0x396: {  	s3 =	sand.u32 $0x60, s3;
	s0 =	sadd.s32 s17, s0  }
0x397: {  	s11 =	sld [smem:$0x793];
	s0 =	sor.u32 s3, s0  }
0x398: {  	s10 =	sld [smem:$0x7E8];
	s0 =	sor.u32 s14, s0  }
0x399: {  	s0 =	sshrl.u32 s0, $0x3  }
0x39a: {  	s12 =	sshll.u32 s11, $0x8;
	s0 =	sadd.s32 s2, s0  }
0x39b: {  	[tilespmem:s10], [sflag:$0x2] =	stream.linear.gather [hbm4b:s0+s1], $0x20, $0x38;
	[tilespmem:$0xE80] =	vst v63  }
0x39c: {  	s3 =	sshll.u32 s11, $0x5;
	s0 =	sand.u32 $0xFFFFFC00, s12  }
0x39d: {  	s3 =	sand.u32 $0x60, s3;
	s0 =	sadd.s32 s17, s0  }
0x39e: {  	s15 =	sld [smem:$0x794];
	s0 =	sor.u32 s3, s0  }
0x39f: {  	s13 =	sld [smem:$0x7E9];
	s0 =	sor.u32 s14, s0  }
0x3a0: {  	s0 =	sshrl.u32 s0, $0x3  }
0x3a1: {  	s16 =	sshll.u32 s15, $0x8;
	s0 =	sadd.s32 s2, s0  }
0x3a2: {  	[tilespmem:s13], [sflag:$0x2] =	stream.linear.gather [hbm4b:s0+s1], $0x20, $0x38;
	[tilespmem:$0xE80] =	vst v63  }
0x3a3: {  	s3 =	sshll.u32 s15, $0x5;
	s0 =	sand.u32 $0xFFFFFC00, s16  }
0x3a4: {  	s3 =	sand.u32 $0x60, s3;
	s0 =	sadd.s32 s17, s0  }
0x3a5: {  	s19 =	sld [smem:$0x795];
	s0 =	sor.u32 s3, s0  }
0x3a6: {  	s18 =	sld [smem:$0x7EA];
	s0 =	sor.u32 s14, s0  }
0x3a7: {  	s0 =	sshrl.u32 s0, $0x3  }
0x3a8: {  	s20 =	sshll.u32 s19, $0x8;
	s0 =	sadd.s32 s2, s0  }
0x3a9: {  	[tilespmem:s18], [sflag:$0x2] =	stream.linear.gather [hbm4b:s0+s1], $0x20, $0x38;
	[tilespmem:$0xE80] =	vst v63  }
0x3aa: {  	s3 =	sshll.u32 s19, $0x5;
	s0 =	sand.u32 $0xFFFFFC00, s20  }
0x3ab: {  	s3 =	sand.u32 $0x60, s3;
	s0 =	sadd.s32 s17, s0  }
0x3ac: {  	s22 =	sld [smem:$0x796];
	s0 =	sor.u32 s3, s0  }
0x3ad: {  	s21 =	sld [smem:$0x7EB];
	s0 =	sor.u32 s14, s0  }
0x3ae: {  	s0 =	sshrl.u32 s0, $0x3  }
0x3af: {  	s23 =	sshll.u32 s22, $0x8;
	s0 =	sadd.s32 s2, s0  }
0x3b0: {  	[tilespmem:s21], [sflag:$0x2] =	stream.linear.gather [hbm4b:s0+s1], $0x20, $0x38;
	[tilespmem:$0xE80] =	vst v63  }
0x3b1: {  	s3 =	sshll.u32 s22, $0x5;
	s0 =	sand.u32 $0xFFFFFC00, s23  }
0x3b2: {  	s3 =	sand.u32 $0x60, s3;
	s0 =	sadd.s32 s17, s0  }
0x3b3: {  	s25 =	sld [smem:$0x797];
	s0 =	sor.u32 s3, s0  }
0x3b4: {  	s24 =	sld [smem:$0x7EC];
	s0 =	sor.u32 s14, s0  }
0x3b5: {  	s0 =	sshrl.u32 s0, $0x3  }
0x3b6: {  	s26 =	sshll.u32 s25, $0x8;
	s0 =	sadd.s32 s2, s0  }
0x3b7: {  	[tilespmem:s24], [sflag:$0x2] =	stream.linear.gather [hbm4b:s0+s1], $0x20, $0x38;
	[tilespmem:$0xE80] =	vst v63  }
0x3b8: {  	s3 =	sshll.u32 s25, $0x5;
	s0 =	sand.u32 $0xFFFFFC00, s26  }
0x3b9: {  	s3 =	sand.u32 $0x60, s3;
	s0 =	sadd.s32 s17, s0  }
0x3ba: {  	s29 =	sld [smem:$0x798];
	s0 =	sor.u32 s3, s0  }
0x3bb: {  	s28 =	sld [smem:$0x7ED];
	s0 =	sor.u32 s14, s0  }
0x3bc: {  	s0 =	sshrl.u32 s0, $0x3  }
0x3bd: {  	s30 =	sshll.u32 s29, $0x8;
	s0 =	sadd.s32 s2, s0  }
0x3be: {  	[tilespmem:s28], [sflag:$0x2] =	stream.linear.gather [hbm4b:s0+s1], $0x20, $0x38;
	[tilespmem:$0xE80] =	vst v63  }
0x3bf: {  	s3 =	sshll.u32 s29, $0x5;
	s0 =	sand.u32 $0xFFFFFC00, s30  }
0x3c0: {  	s3 =	sand.u32 $0x60, s3;
	s0 =	sadd.s32 s17, s0  }
0x3c1: {  	s0 =	sor.u32 s3, s0  }
0x3c2: {  	s31 =	sld [smem:$0x7EE];
	s0 =	sor.u32 s14, s0  }
0x3c3: {  	s0 =	sshrl.u32 s0, $0x3  }
0x3c4: {  	s0 =	sadd.s32 s2, s0  }
0x3c5: {  	[tilespmem:s31], [sflag:$0x2] =	stream.linear.gather [hbm4b:s0+s1], $0x20, $0x38;
	[tilespmem:$0xE80] =	vst v63  }
0x3c6: {  	s0 =	sld [smem:$0x799];
	_ =	sdelay $0x2  }
0x3c7: {  	s6 =	sshll.u32 s0, $0x8  }
0x3c8: {  	s3 =	sshll.u32 s0, $0x5;
	s0 =	sand.u32 $0xFFFFFC00, s6  }
0x3c9: {  	s3 =	sand.u32 $0x60, s3;
	s0 =	sadd.s32 s17, s0  }
0x3ca: {  	s8 =	sld [smem:$0x79A];
	s0 =	sor.u32 s3, s0  }
0x3cb: {  	s7 =	sld [smem:$0x7EF];
	s0 =	sor.u32 s14, s0  }
0x3cc: {  	s0 =	sshrl.u32 s0, $0x3  }
0x3cd: {  	s10 =	sshll.u32 s8, $0x8;
	s0 =	sadd.s32 s2, s0  }
0x3ce: {  	[tilespmem:s7], [sflag:$0x2] =	stream.linear.gather [hbm4b:s0+s1], $0x20, $0x38;
	[tilespmem:$0xE80] =	vst v63  }
0x3cf: {  	s3 =	sshll.u32 s8, $0x5;
	s0 =	sand.u32 $0xFFFFFC00, s10  }
0x3d0: {  	s3 =	sand.u32 $0x60, s3;
	s0 =	sadd.s32 s17, s0  }
0x3d1: {  	s12 =	sld [smem:$0x79B];
	s0 =	sor.u32 s3, s0  }
0x3d2: {  	s11 =	sld [smem:$0x7F0];
	s0 =	sor.u32 s14, s0  }
0x3d3: {  	s0 =	sshrl.u32 s0, $0x3  }
0x3d4: {  	s13 =	sshll.u32 s12, $0x8;
	s0 =	sadd.s32 s2, s0  }
0x3d5: {  	[tilespmem:s11], [sflag:$0x2] =	stream.linear.gather [hbm4b:s0+s1], $0x20, $0x38;
	[tilespmem:$0xE80] =	vst v63  }
0x3d6: {  	s3 =	sshll.u32 s12, $0x5;
	s0 =	sand.u32 $0xFFFFFC00, s13  }
0x3d7: {  	s3 =	sand.u32 $0x60, s3;
	s0 =	sadd.s32 s17, s0  }
0x3d8: {  	s16 =	sld [smem:$0x79C];
	s0 =	sor.u32 s3, s0  }
0x3d9: {  	s15 =	sld [smem:$0x7F1];
	s0 =	sor.u32 s14, s0  }
0x3da: {  	s0 =	sshrl.u32 s0, $0x3  }
0x3db: {  	s18 =	sshll.u32 s16, $0x8;
	s0 =	sadd.s32 s2, s0  }
0x3dc: {  	[tilespmem:s15], [sflag:$0x2] =	stream.linear.gather [hbm4b:s0+s1], $0x20, $0x38;
	[tilespmem:$0xE80] =	vst v63  }
0x3dd: {  	s3 =	sshll.u32 s16, $0x5;
	s0 =	sand.u32 $0xFFFFFC00, s18  }
0x3de: {  	s3 =	sand.u32 $0x60, s3;
	s0 =	sadd.s32 s17, s0  }
0x3df: {  	s20 =	sld [smem:$0x79D];
	s0 =	sor.u32 s3, s0  }
0x3e0: {  	s19 =	sld [smem:$0x7F2];
	s0 =	sor.u32 s14, s0  }
0x3e1: {  	s0 =	sshrl.u32 s0, $0x3  }
0x3e2: {  	s21 =	sshll.u32 s20, $0x8;
	s0 =	sadd.s32 s2, s0  }
0x3e3: {  	[tilespmem:s19], [sflag:$0x2] =	stream.linear.gather [hbm4b:s0+s1], $0x20, $0x38;
	[tilespmem:$0xE80] =	vst v63  }
0x3e4: {  	s3 =	sshll.u32 s20, $0x5;
	s0 =	sand.u32 $0xFFFFFC00, s21  }
0x3e5: {  	s3 =	sand.u32 $0x60, s3;
	s0 =	sadd.s32 s17, s0  }
0x3e6: {  	s23 =	sld [smem:$0x79E];
	s0 =	sor.u32 s3, s0  }
0x3e7: {  	s22 =	sld [smem:$0x7F3];
	s0 =	sor.u32 s14, s0  }
0x3e8: {  	s0 =	sshrl.u32 s0, $0x3  }
0x3e9: {  	s24 =	sshll.u32 s23, $0x8;
	s0 =	sadd.s32 s2, s0  }
0x3ea: {  	[tilespmem:s22], [sflag:$0x2] =	stream.linear.gather [hbm4b:s0+s1], $0x20, $0x38;
	[tilespmem:$0xE80] =	vst v63  }
0x3eb: {  	s3 =	sshll.u32 s23, $0x5;
	s0 =	sand.u32 $0xFFFFFC00, s24  }
0x3ec: {  	s3 =	sand.u32 $0x60, s3;
	s0 =	sadd.s32 s17, s0  }
0x3ed: {  	s26 =	sld [smem:$0x79F];
	s0 =	sor.u32 s3, s0  }
0x3ee: {  	s25 =	sld [smem:$0x7F4];
	s0 =	sor.u32 s14, s0  }
0x3ef: {  	s0 =	sshrl.u32 s0, $0x3  }
0x3f0: {  	s28 =	sshll.u32 s26, $0x8;
	s0 =	sadd.s32 s2, s0  }
0x3f1: {  	[tilespmem:s25], [sflag:$0x2] =	stream.linear.gather [hbm4b:s0+s1], $0x20, $0x38;
	[tilespmem:$0xE80] =	vst v63  }
0x3f2: {  	s3 =	sshll.u32 s26, $0x5;
	s0 =	sand.u32 $0xFFFFFC00, s28  }
0x3f3: {  	s3 =	sand.u32 $0x60, s3;
	s0 =	sadd.s32 s17, s0  }
0x3f4: {  	s30 =	sld [smem:$0x7A0];
	s0 =	sor.u32 s3, s0  }
0x3f5: {  	s29 =	sld [smem:$0x7F5];
	s0 =	sor.u32 s14, s0  }
0x3f6: {  	s0 =	sshrl.u32 s0, $0x3  }
0x3f7: {  	s31 =	sshll.u32 s30, $0x8;
	s0 =	sadd.s32 s2, s0  }
0x3f8: {  	[tilespmem:s29], [sflag:$0x2] =	stream.linear.gather [hbm4b:s0+s1], $0x20, $0x38;
	[tilespmem:$0xE80] =	vst v63  }
0x3f9: {  	s3 =	sshll.u32 s30, $0x5;
	s0 =	sand.u32 $0xFFFFFC00, s31  }
0x3fa: {  	s3 =	sand.u32 $0x60, s3;
	s0 =	sadd.s32 s17, s0  }
0x3fb: {  	s7 =	sld [smem:$0x7A1];
	s0 =	sor.u32 s3, s0  }
0x3fc: {  	s6 =	sld [smem:$0x7F6];
	s0 =	sor.u32 s14, s0  }
0x3fd: {  	s0 =	sshrl.u32 s0, $0x3  }
0x3fe: {  	s8 =	sshll.u32 s7, $0x8;
	s0 =	sadd.s32 s2, s0  }
0x3ff: {  	[tilespmem:s6], [sflag:$0x2] =	stream.linear.gather [hbm4b:s0+s1], $0x20, $0x38;
	[tilespmem:$0xE80] =	vst v63  }
0x400: {  	s3 =	sshll.u32 s7, $0x5;
	s0 =	sand.u32 $0xFFFFFC00, s8  }
0x401: {  	s3 =	sand.u32 $0x60, s3;
	s0 =	sadd.s32 s17, s0  }
0x402: {  	s11 =	sld [smem:$0x7A2];
	s0 =	sor.u32 s3, s0  }
0x403: {  	s10 =	sld [smem:$0x7F7];
	s0 =	sor.u32 s14, s0  }
0x404: {  	s0 =	sshrl.u32 s0, $0x3  }
0x405: {  	s12 =	sshll.u32 s11, $0x8;
	s0 =	sadd.s32 s2, s0  }
0x406: {  	[tilespmem:s10], [sflag:$0x2] =	stream.linear.gather [hbm4b:s0+s1], $0x20, $0x38;
	[tilespmem:$0xE80] =	vst v63  }
0x407: {  	s3 =	sshll.u32 s11, $0x5;
	s0 =	sand.u32 $0xFFFFFC00, s12  }
0x408: {  	s3 =	sand.u32 $0x60, s3;
	s0 =	sadd.s32 s17, s0  }
0x409: {  	s15 =	sld [smem:$0x7A3];
	s0 =	sor.u32 s3, s0  }
0x40a: {  	s13 =	sld [smem:$0x7F9];
	s0 =	sor.u32 s14, s0  }
0x40b: {  	s0 =	sshrl.u32 s0, $0x3  }
0x40c: {  	s16 =	sshll.u32 s15, $0x8;
	s0 =	sadd.s32 s2, s0  }
0x40d: {  	[tilespmem:s13], [sflag:$0x2] =	stream.linear.gather [hbm4b:s0+s1], $0x20, $0x38;
	[tilespmem:$0xE80] =	vst v63  }
0x40e: {  	s3 =	sshll.u32 s15, $0x5;
	s0 =	sand.u32 $0xFFFFFC00, s16  }
0x40f: {  	s3 =	sand.u32 $0x60, s3;
	s0 =	sadd.s32 s17, s0  }
0x410: {  	s19 =	sld [smem:$0x7A4];
	s0 =	sor.u32 s3, s0  }
0x411: {  	s18 =	sld [smem:$0x7FB];
	s0 =	sor.u32 s14, s0  }
0x412: {  	s0 =	sshrl.u32 s0, $0x3  }
0x413: {  	s20 =	sshll.u32 s19, $0x8;
	s0 =	sadd.s32 s2, s0  }
0x414: {  	[tilespmem:s18], [sflag:$0x2] =	stream.linear.gather [hbm4b:s0+s1], $0x20, $0x38;
	[tilespmem:$0xE80] =	vst v63  }
0x415: {  	s3 =	sshll.u32 s19, $0x5;
	s0 =	sand.u32 $0xFFFFFC00, s20  }
0x416: {  	s3 =	sand.u32 $0x60, s3;
	s0 =	sadd.s32 s17, s0  }
0x417: {  	s22 =	sld [smem:$0x7A5];
	s0 =	sor.u32 s3, s0  }
0x418: {  	s21 =	sld [smem:$0x7FC];
	s0 =	sor.u32 s14, s0  }
0x419: {  	s0 =	sshrl.u32 s0, $0x3  }
0x41a: {  	s23 =	sshll.u32 s22, $0x8;
	s0 =	sadd.s32 s2, s0  }
0x41b: {  	[tilespmem:s21], [sflag:$0x2] =	stream.linear.gather [hbm4b:s0+s1], $0x20, $0x38;
	[tilespmem:$0xE80] =	vst v63  }
0x41c: {  	s3 =	sshll.u32 s22, $0x5;
	s0 =	sand.u32 $0xFFFFFC00, s23  }
0x41d: {  	s3 =	sand.u32 $0x60, s3;
	s0 =	sadd.s32 s17, s0  }
0x41e: {  	s0 =	sor.u32 s3, s0  }
0x41f: {  	s24 =	sld [smem:$0x7FD];
	s0 =	sor.u32 s14, s0  }
0x420: {  	s0 =	sshrl.u32 s0, $0x3  }
0x421: {  	s0 =	sadd.s32 s2, s0  }
0x422: {  	[tilespmem:s24], [sflag:$0x2] =	stream.linear.gather [hbm4b:s0+s1], $0x20, $0x38;
	[tilespmem:$0xE80] =	vst v63  }
0x423: {  	_ =	swait.ge [sflag:s9], $0x20  }
0x424: {  	[sflag:s9] =	ssyncset.done $0x0  }
0x425: {  	[sflag:s9] =	ssyncadd.s32 $0xFFFFFFE0  }
0x426: {  	_ =	swait.ge [sflag:s9], $0x20  }
0x427: {  	[sflag:s9] =	ssyncset.done $0x0  }
0x428: {  	[sflag:s9] =	ssyncadd.s32 $0xFFFFFFE0  }
0x429: {  	_ =	swait.ge [sflag:s9], $0x20  }
0x42a: {  	[sflag:s9] =	ssyncset.done $0x0  }
0x42b: {  	[sflag:s9] =	ssyncadd.s32 $0xFFFFFFE0  }
0x42c: {  	_ =	swait.ge [sflag:s9], $0x20  }
0x42d: {  	[sflag:s9] =	ssyncset.done $0x0  }
0x42e: {  	[sflag:s9] =	ssyncadd.s32 $0xFFFFFFE0  }
0x42f: {  	_ =	swait.ge [sflag:s9], $0x20  }
0x430: {  	[sflag:s9] =	ssyncset.done $0x0  }
0x431: {  	[sflag:s9] =	ssyncadd.s32 $0xFFFFFFE0  }
0x432: {  	_ =	swait.ge [sflag:s9], $0x20  }
0x433: {  	[sflag:s9] =	ssyncset.done $0x0  }
0x434: {  	[sflag:s9] =	ssyncadd.s32 $0xFFFFFFE0  }
0x435: {  	_ =	swait.ge [sflag:s9], $0x20  }
0x436: {  	[sflag:s9] =	ssyncset.done $0x0  }
0x437: {  	[sflag:s9] =	ssyncadd.s32 $0xFFFFFFE0  }
0x438: {  	_ =	swait.ge [sflag:s9], $0x20  }
0x439: {  	[sflag:s9] =	ssyncset.done $0x0  }
0x43a: {  	[sflag:s9] =	ssyncadd.s32 $0xFFFFFFE0  }
0x43b: {  	_ =	swait.ge [sflag:s9], $0x20  }
0x43c: {  	[sflag:s9] =	ssyncset.done $0x0  }
0x43d: {  	[sflag:s9] =	ssyncadd.s32 $0xFFFFFFE0  }
0x43e: {  	_ =	swait.ge [sflag:s9], $0x20  }
0x43f: {  	[sflag:s9] =	ssyncset.done $0x0  }
0x440: {  	[sflag:s9] =	ssyncadd.s32 $0xFFFFFFE0  }
0x441: {  	_ =	swait.ge [sflag:s9], $0x20  }
0x442: {  	[sflag:s9] =	ssyncset.done $0x0  }
0x443: {  	[sflag:s9] =	ssyncadd.s32 $0xFFFFFFE0  }
0x444: {  	_ =	swait.ge [sflag:s9], $0x20  }
0x445: {  	[sflag:s9] =	ssyncset.done $0x0  }
0x446: {  	[sflag:s9] =	ssyncadd.s32 $0xFFFFFFE0  }
0x447: {  	_ =	swait.ge [sflag:s9], $0x20  }
0x448: {  	[sflag:s9] =	ssyncset.done $0x0  }
0x449: {  	[sflag:s9] =	ssyncadd.s32 $0xFFFFFFE0  }
0x44a: {  	_ =	swait.ge [sflag:s9], $0x20  }
0x44b: {  	[sflag:s9] =	ssyncset.done $0x0  }
0x44c: {  	[sflag:s9] =	ssyncadd.s32 $0xFFFFFFE0  }
0x44d: {  	_ =	swait.ge [sflag:s9], $0x20  }
0x44e: {  	[sflag:s9] =	ssyncset.done $0x0  }
0x44f: {  	[sflag:s9] =	ssyncadd.s32 $0xFFFFFFE0  }
0x450: {  	_ =	swait.ge [sflag:s9], $0x20  }
0x451: {  	[sflag:s9] =	ssyncset.done $0x0  }
0x452: {  	[sflag:s9] =	ssyncadd.s32 $0xFFFFFFE0  }
0x453: {  	_ =	swait.ge [sflag:s9], $0x20  }
0x454: {  	[sflag:s9] =	ssyncset.done $0x0  }
0x455: {  	[sflag:s9] =	ssyncadd.s32 $0xFFFFFFE0  }
0x456: {  	_ =	swait.ge [sflag:s9], $0x20  }
0x457: {  	[sflag:s9] =	ssyncset.done $0x0  }
0x458: {  	[sflag:s9] =	ssyncadd.s32 $0xFFFFFFE0  }
0x459: {  	_ =	swait.ge [sflag:s9], $0x20  }
0x45a: {  	[sflag:s9] =	ssyncset.done $0x0  }
0x45b: {  	[sflag:s9] =	ssyncadd.s32 $0xFFFFFFE0  }
0x45c: {  	_ =	swait.ge [sflag:s9], $0x20  }
0x45d: {  	[sflag:s9] =	ssyncset.done $0x0  }
0x45e: {  	[sflag:s9] =	ssyncadd.s32 $0xFFFFFFE0  }
0x45f: {  	_ =	swait.ge [sflag:s9], $0x20  }
0x460: {  	[sflag:s9] =	ssyncset.done $0x0  }
0x461: {  	[sflag:s9] =	ssyncadd.s32 $0xFFFFFFE0  }
0x462: {  	_ =	swait.ge [sflag:s9], $0x20  }
0x463: {  	[sflag:s9] =	ssyncset.done $0x0  }
0x464: {  	[sflag:s9] =	ssyncadd.s32 $0xFFFFFFE0  }
0x465: {  	_ =	swait.ge [sflag:s9], $0x20  }
0x466: {  	[sflag:s9] =	ssyncset.done $0x0  }
0x467: {  	[sflag:s9] =	ssyncadd.s32 $0xFFFFFFE0  }
0x468: {  	_ =	swait.ge [sflag:s9], $0x20  }
0x469: {  	[sflag:s9] =	ssyncset.done $0x0  }
0x46a: {  	[sflag:s9] =	ssyncadd.s32 $0xFFFFFFE0  }
0x46b: {  	_ =	swait.ge [sflag:s9], $0x20  }
0x46c: {  	[sflag:s9] =	ssyncset.done $0x0  }
0x46d: {  	[sflag:s9] =	ssyncadd.s32 $0xFFFFFFE0  }
0x46e: {  	_ =	swait.ge [sflag:s9], $0x20  }
0x46f: {  	[sflag:s9] =	ssyncset.done $0x0  }
0x470: {  	[sflag:s9] =	ssyncadd.s32 $0xFFFFFFE0  }
0x471: {  	_ =	swait.ge [sflag:s9], $0x20  }
0x472: {  	[sflag:s9] =	ssyncset.done $0x0  }
0x473: {  	[sflag:s9] =	ssyncadd.s32 $0xFFFFFFE0  }
0x474: {  	_ =	swait.ge [sflag:s9], $0x20  }
0x475: {  	[sflag:s9] =	ssyncset.done $0x0  }
0x476: {  	[sflag:s9] =	ssyncadd.s32 $0xFFFFFFE0  }
0x477: {  	_ =	swait.ge [sflag:s9], $0x20  }
0x478: {  	[sflag:s9] =	ssyncset.done $0x0  }
0x479: {  	[sflag:s9] =	ssyncadd.s32 $0xFFFFFFE0  }
0x47a: {  	_ =	swait.ge [sflag:s9], $0x20  }
0x47b: {  	[sflag:s9] =	ssyncset.done $0x0  }
0x47c: {  	[sflag:s9] =	ssyncadd.s32 $0xFFFFFFE0  }
0x47d: {  	_ =	swait.ge [sflag:s9], $0x20  }
0x47e: {  	[sflag:s9] =	ssyncset.done $0x0  }
0x47f: {  	[sflag:s9] =	ssyncadd.s32 $0xFFFFFFE0  }
0x480: {  	_ =	swait.ge [sflag:s9], $0x20  }
0x481: {  	[sflag:s9] =	ssyncset.done $0x0  }
0x482: {  	[sflag:s9] =	ssyncadd.s32 $0xFFFFFFE0  }
0x483: {  	_ =	swait.ge [sflag:s9], $0x20  }
0x484: {  	[sflag:s9] =	ssyncset.done $0x0  }
0x485: {  	[sflag:s9] =	ssyncadd.s32 $0xFFFFFFE0  }
0x486: {  	_ =	swait.ge [sflag:s9], $0x20  }
0x487: {  	[sflag:s9] =	ssyncset.done $0x0  }
0x488: {  	[sflag:s9] =	ssyncadd.s32 $0xFFFFFFE0  }
0x489: {  	_ =	swait.ge [sflag:s9], $0x20  }
0x48a: {  	[sflag:s9] =	ssyncset.done $0x0  }
0x48b: {  	[sflag:s9] =	ssyncadd.s32 $0xFFFFFFE0  }
0x48c: {  	_ =	swait.ge [sflag:s9], $0x20  }
0x48d: {  	[sflag:s9] =	ssyncset.done $0x0  }
0x48e: {  	[sflag:s9] =	ssyncadd.s32 $0xFFFFFFE0  }
0x48f: {  	_ =	swait.ge [sflag:s9], $0x20  }
0x490: {  	[sflag:s9] =	ssyncset.done $0x0  }
0x491: {  	[sflag:s9] =	ssyncadd.s32 $0xFFFFFFE0  }
0x492: {  	_ =	swait.ge [sflag:s9], $0x20  }
0x493: {  	[sflag:s9] =	ssyncset.done $0x0  }
0x494: {  	[sflag:s9] =	ssyncadd.s32 $0xFFFFFFE0  }
0x495: {  	_ =	swait.ge [sflag:s9], $0x20  }
0x496: {  	[sflag:s9] =	ssyncset.done $0x0  }
0x497: {  	[sflag:s9] =	ssyncadd.s32 $0xFFFFFFE0  }
0x498: {  	_ =	swait.ge [sflag:s9], $0x20  }
0x499: {  	[sflag:s9] =	ssyncset.done $0x0  }
0x49a: {  	[sflag:s9] =	ssyncadd.s32 $0xFFFFFFE0  }
0x49b: {  	_ =	swait.ge [sflag:s9], $0x20  }
0x49c: {  	[sflag:s9] =	ssyncset.done $0x0  }
0x49d: {  	[sflag:s9] =	ssyncadd.s32 $0xFFFFFFE0  }
0x49e: {  	_ =	swait.ge [sflag:s9], $0x20  }
0x49f: {  	[sflag:s9] =	ssyncset.done $0x0  }
0x4a0: {  	[sflag:s9] =	ssyncadd.s32 $0xFFFFFFE0  }
0x4a1: {  	_ =	swait.ge [sflag:s9], $0x20  }
0x4a2: {  	[sflag:s9] =	ssyncset.done $0x0  }
0x4a3: {  	[sflag:s9] =	ssyncadd.s32 $0xFFFFFFE0  }
0x4a4: {  	_ =	swait.ge [sflag:s9], $0x20  }
0x4a5: {  	[sflag:s9] =	ssyncset.done $0x0  }
0x4a6: {  	[sflag:s9] =	ssyncadd.s32 $0xFFFFFFE0  }
0x4a7: {  	_ =	swait.ge [sflag:s9], $0x20  }
0x4a8: {  	[sflag:s9] =	ssyncset.done $0x0  }
0x4a9: {  	[sflag:s9] =	ssyncadd.s32 $0xFFFFFFE0  }
0x4aa: {  	_ =	swait.ge [sflag:s9], $0x20  }
0x4ab: {  	[sflag:s9] =	ssyncset.done $0x0  }
0x4ac: {  	[sflag:s9] =	ssyncadd.s32 $0xFFFFFFE0  }
0x4ad: {  	_ =	swait.ge [sflag:s9], $0x20  }
0x4ae: {  	[sflag:s9] =	ssyncset.done $0x0  }
0x4af: {  	[sflag:s9] =	ssyncadd.s32 $0xFFFFFFE0  }
0x4b0: {  	_ =	swait.ge [sflag:s9], $0x20  }
0x4b1: {  	[sflag:s9] =	ssyncset.done $0x0  }
0x4b2: {  	[sflag:s9] =	ssyncadd.s32 $0xFFFFFFE0  }
0x4b3: {  	_ =	swait.ge [sflag:s9], $0x20  }
0x4b4: {  	[sflag:s9] =	ssyncset.done $0x0  }
0x4b5: {  	[sflag:s9] =	ssyncadd.s32 $0xFFFFFFE0  }
0x4b6: {  	_ =	swait.ge [sflag:s9], $0x20  }
0x4b7: {  	[sflag:s9] =	ssyncset.done $0x0  }
0x4b8: {  	[sflag:s9] =	ssyncadd.s32 $0xFFFFFFE0  }
0x4b9: {  	_ =	swait.ge [sflag:s9], $0x20  }
0x4ba: {  	[sflag:s9] =	ssyncset.done $0x0  }
0x4bb: {  	[sflag:s9] =	ssyncadd.s32 $0xFFFFFFE0  }
0x4bc: {  	_ =	swait.ge [sflag:s9], $0x20  }
0x4bd: {  	[sflag:s9] =	ssyncset.done $0x0  }
0x4be: {  	[sflag:s9] =	ssyncadd.s32 $0xFFFFFFE0  }
0x4bf: {  	_ =	swait.ge [sflag:s9], $0x20  }
0x4c0: {  	[sflag:s9] =	ssyncset.done $0x0  }
0x4c1: {  	[sflag:s9] =	ssyncadd.s32 $0xFFFFFFE0  }
0x4c2: {  	_ =	swait.ge [sflag:s9], $0x20  }
0x4c3: {  	[sflag:s9] =	ssyncset.done $0x0  }
0x4c4: {  	[sflag:s9] =	ssyncadd.s32 $0xFFFFFFE0  }
0x4c5: {  	_ =	swait.ge [sflag:s9], $0x20  }
0x4c6: {  	[sflag:s9] =	ssyncset.done $0x0  }
0x4c7: {  	[sflag:s9] =	ssyncadd.s32 $0xFFFFFFE0  }
0x4c8: {  	_ =	swait.ge [sflag:s9], $0x20  }
0x4c9: {  	[sflag:s9] =	ssyncset.done $0x0  }
0x4ca: {  	[sflag:s9] =	ssyncadd.s32 $0xFFFFFFE0  }
0x4cb: {  	_ =	swait.ge [sflag:s9], $0x20  }
0x4cc: {  	[sflag:s9] =	ssyncset.done $0x0  }
0x4cd: {  	[sflag:s9] =	ssyncadd.s32 $0xFFFFFFE0  }
0x4ce: {  	_ =	swait.ge [sflag:s9], $0x20  }
0x4cf: {  	[sflag:s9] =	ssyncset.done $0x0  }
0x4d0: {  	[sflag:s9] =	ssyncadd.s32 $0xFFFFFFE0  }
0x4d1: {  	_ =	swait.ge [sflag:s9], $0x20  }
0x4d2: {  	[sflag:s9] =	ssyncset.done $0x0  }
0x4d3: {  	[sflag:s9] =	ssyncadd.s32 $0xFFFFFFE0  }
0x4d4: {  	_ =	swait.ge [sflag:s9], $0x20  }
0x4d5: {  	[sflag:s9] =	ssyncset.done $0x0  }
0x4d6: {  	[sflag:s9] =	ssyncadd.s32 $0xFFFFFFE0  }
0x4d7: {  	_ =	swait.ge [sflag:s9], $0x20  }
0x4d8: {  	[sflag:s9] =	ssyncset.done $0x0  }
0x4d9: {  	[sflag:s9] =	ssyncadd.s32 $0xFFFFFFE0  }
0x4da: {  	_ =	swait.ge [sflag:s9], $0x20  }
0x4db: {  	[sflag:s9] =	ssyncset.done $0x0  }
0x4dc: {  	[sflag:s9] =	ssyncadd.s32 $0xFFFFFFE0  }
0x4dd: {  	_ =	swait.ge [sflag:s9], $0x20  }
0x4de: {  	[sflag:s9] =	ssyncset.done $0x0  }
0x4df: {  	[sflag:s9] =	ssyncadd.s32 $0xFFFFFFE0  }
0x4e0: {  	_ =	swait.ge [sflag:s9], $0x20  }
0x4e1: {  	[sflag:s9] =	ssyncset.done $0x0  }
0x4e2: {  	[sflag:s9] =	ssyncadd.s32 $0xFFFFFFE0  }
0x4e3: {  	_ =	swait.ge [sflag:s9], $0x20  }
0x4e4: {  	[sflag:s9] =	ssyncset.done $0x0  }
0x4e5: {  	[sflag:s9] =	ssyncadd.s32 $0xFFFFFFE0  }
0x4e6: {  	_ =	swait.ge [sflag:s9], $0x20  }
0x4e7: {  	[sflag:s9] =	ssyncset.done $0x0  }
0x4e8: {  	[sflag:s9] =	ssyncadd.s32 $0xFFFFFFE0  }
0x4e9: {  	_ =	swait.ge [sflag:s9], $0x20  }
0x4ea: {  	[sflag:s9] =	ssyncset.done $0x0  }
0x4eb: {  	[sflag:s9] =	ssyncadd.s32 $0xFFFFFFE0  }
0x4ec: {  	_ =	swait.ge [sflag:s9], $0x20  }
0x4ed: {  	[sflag:s9] =	ssyncset.done $0x0  }
0x4ee: {  	[sflag:s9] =	ssyncadd.s32 $0xFFFFFFE0  }
0x4ef: {  	_ =	swait.ge [sflag:s9], $0x20  }
0x4f0: {  	[sflag:s9] =	ssyncset.done $0x0  }
0x4f1: {  	[sflag:s9] =	ssyncadd.s32 $0xFFFFFFE0  }
0x4f2: {  	_ =	swait.ge [sflag:s9], $0x20  }
0x4f3: {  	[sflag:s9] =	ssyncset.done $0x0  }
0x4f4: {  	[sflag:s9] =	ssyncadd.s32 $0xFFFFFFE0  }
0x4f5: {  	_ =	swait.ge [sflag:s9], $0x20  }
0x4f6: {  	[sflag:s9] =	ssyncset.done $0x0  }
0x4f7: {  	[sflag:s9] =	ssyncadd.s32 $0xFFFFFFE0  }
0x4f8: {  	_ =	swait.ge [sflag:s9], $0x20  }
0x4f9: {  	[sflag:s9] =	ssyncset.done $0x0  }
0x4fa: {  	[sflag:s9] =	ssyncadd.s32 $0xFFFFFFE0  }
0x4fb: {  	_ =	swait.ge [sflag:s9], $0x20  }
0x4fc: {  	[sflag:s9] =	ssyncset.done $0x0  }
0x4fd: {  	[sflag:s9] =	ssyncadd.s32 $0xFFFFFFE0  }
0x4fe: {  	_ =	swait.ge [sflag:s9], $0x20  }
0x4ff: {  	[sflag:s9] =	ssyncset.done $0x0  }
0x500: {  	[sflag:s9] =	ssyncadd.s32 $0xFFFFFFE0  }
0x501: {  	_ =	swait.ge [sflag:s9], $0x20  }
0x502: {  	[sflag:s9] =	ssyncset.done $0x0  }
0x503: {  	[sflag:s9] =	ssyncadd.s32 $0xFFFFFFE0  }
0x504: {  	_ =	swait.ge [sflag:s9], $0x20  }
0x505: {  	[sflag:s9] =	ssyncset.done $0x0  }
0x506: {  	[sflag:s9] =	ssyncadd.s32 $0xFFFFFFE0  }
0x507: {  	_ =	swait.ge [sflag:s9], $0x20  }
0x508: {  	[sflag:s9] =	ssyncset.done $0x0  }
0x509: {  	[sflag:s9] =	ssyncadd.s32 $0xFFFFFFE0  }
0x50a: {  	_ =	swait.ge [sflag:s9], $0x20  }
0x50b: {  	[sflag:s9] =	ssyncset.done $0x0  }
0x50c: {  	[sflag:s9] =	ssyncadd.s32 $0xFFFFFFE0  }
0x50d: {  	_ =	swait.ge [sflag:s9], $0x20  }
0x50e: {  	[sflag:s9] =	ssyncset.done $0x0  }
0x50f: {  	[sflag:s9] =	ssyncadd.s32 $0xFFFFFFE0  }
0x510: {  	_ =	swait.ge [sflag:s9], $0x20  }
0x511: {  	[sflag:s9] =	ssyncset.done $0x0  }
0x512: {  	[sflag:s9] =	ssyncadd.s32 $0xFFFFFFE0  }
0x513: {  	_ =	swait.ge [sflag:s9], $0x20  }
0x514: {  	[sflag:s9] =	ssyncset.done $0x0  }
0x515: {  	[sflag:s9] =	ssyncadd.s32 $0xFFFFFFE0  }
0x516: {  	_ =	swait.ge [sflag:s9], $0x20  }
0x517: {  	[sflag:s9] =	ssyncset.done $0x0  }
0x518: {  	[sflag:s9] =	ssyncadd.s32 $0xFFFFFFE0  }
0x519: {  	_ =	swait.ge [sflag:s9], $0x20  }
0x51a: {  	[sflag:s9] =	ssyncset.done $0x0  }
0x51b: {  	[sflag:s9] =	ssyncadd.s32 $0xFFFFFFE0  }
0x51c: {  	_ =	swait.ge [sflag:s9], $0x20  }
0x51d: {  	[sflag:s9] =	ssyncset.done $0x0  }
0x51e: {  	[sflag:s9] =	ssyncadd.s32 $0xFFFFFFE0  }
0x51f: {  	_ =	swait.ge [sflag:s9], $0x20  }
0x520: {  	[sflag:s9] =	ssyncset.done $0x0  }
0x521: {  	[sflag:s9] =	ssyncadd.s32 $0xFFFFFFE0  }
0x522: {  	_ =	swait.ge [sflag:s9], $0x20  }
0x523: {  	[sflag:s9] =	ssyncset.done $0x0  }
0x524: {  	[sflag:s9] =	ssyncadd.s32 $0xFFFFFFE0  }
0x525: {  	_ =	swait.ge [sflag:s9], $0x20  }
0x526: {  	[sflag:s9] =	ssyncset.done $0x0  }
0x527: {  	[sflag:s9] =	ssyncadd.s32 $0xFFFFFFE0  }
0x528: {  	_ =	swait.ge [sflag:s9], $0x20  }
0x529: {  	[sflag:s9] =	ssyncset.done $0x0  }
0x52a: {  	[sflag:s9] =	ssyncadd.s32 $0xFFFFFFE0  }
0x52b: {  	_ =	swait.ge [sflag:s9], $0x20  }
0x52c: {  	[sflag:s9] =	ssyncset.done $0x0  }
0x52d: {  	[sflag:s9] =	ssyncadd.s32 $0xFFFFFFE0  }
0x52e: {  	_ =	swait.ge [sflag:s9], $0x20  }
0x52f: {  	[sflag:s9] =	ssyncset.done $0x0  }
0x530: {  	[sflag:s9] =	ssyncadd.s32 $0xFFFFFFE0  }
0x531: {  	_ =	swait.ge [sflag:s9], $0x20  }
0x532: {  	[sflag:s9] =	ssyncset.done $0x0  }
0x533: {  	[sflag:s9] =	ssyncadd.s32 $0xFFFFFFE0  }
0x534: {  	_ =	swait.ge [sflag:s9], $0x20  }
0x535: {  	[sflag:s9] =	ssyncset.done $0x0  }
0x536: {  	[sflag:s9] =	ssyncadd.s32 $0xFFFFFFE0  }
0x537: {  	_ =	swait.ge [sflag:s9], $0x20  }
0x538: {  	[sflag:s9] =	ssyncset.done $0x0  }
0x539: {  	[sflag:s9] =	ssyncadd.s32 $0xFFFFFFE0  }
0x53a: {  	_ =	swait.ge [sflag:s9], $0x20  }
0x53b: {  	[sflag:s9] =	ssyncset.done $0x0  }
0x53c: {  	[sflag:s9] =	ssyncadd.s32 $0xFFFFFFE0  }
0x53d: {  	_ =	swait.ge [sflag:s9], $0x20  }
0x53e: {  	[sflag:s9] =	ssyncset.done $0x0  }
0x53f: {  	[sflag:s9] =	ssyncadd.s32 $0xFFFFFFE0  }
0x540: {  	_ =	swait.ge [sflag:s9], $0x20  }
0x541: {  	[sflag:s9] =	ssyncset.done $0x0  }
0x542: {  	[sflag:s9] =	ssyncadd.s32 $0xFFFFFFE0  }
0x543: {  	_ =	swait.ge [sflag:s9], $0x20  }
0x544: {  	[sflag:s9] =	ssyncset.done $0x0  }
0x545: {  	[sflag:s9] =	ssyncadd.s32 $0xFFFFFFE0  }
0x546: {  	_ =	swait.ge [sflag:s9], $0x20  }
0x547: {  	[sflag:s9] =	ssyncset.done $0x0  }
0x548: {  	[sflag:s9] =	ssyncadd.s32 $0xFFFFFFE0  }
0x549: {  	_ =	swait.ge [sflag:s9], $0x20  }
0x54a: {  	[sflag:s9] =	ssyncset.done $0x0  }
0x54b: {  	[sflag:s9] =	ssyncadd.s32 $0xFFFFFFE0  }
0x54c: {  	_ =	swait.ge [sflag:s9], $0x20  }
0x54d: {  	[sflag:s9] =	ssyncset.done $0x0  }
0x54e: {  	[sflag:s9] =	ssyncadd.s32 $0xFFFFFFE0  }
0x54f: {  	_ =	swait.ge [sflag:s9], $0x20  }
0x550: {  	[sflag:s9] =	ssyncset.done $0x0  }
0x551: {  	[sflag:s9] =	ssyncadd.s32 $0xFFFFFFE0  }
0x552: {  	_ =	swait.ge [sflag:s9], $0x20  }
0x553: {  	[sflag:s9] =	ssyncset.done $0x0  }
0x554: {  	[sflag:s9] =	ssyncadd.s32 $0xFFFFFFE0  }
0x555: {  	_ =	swait.ge [sflag:s9], $0x20  }
0x556: {  	[sflag:s9] =	ssyncset.done $0x0  }
0x557: {  	[sflag:s9] =	ssyncadd.s32 $0xFFFFFFE0  }
0x558: {  	_ =	swait.ge [sflag:s9], $0x20  }
0x559: {  	[sflag:s9] =	ssyncset.done $0x0  }
0x55a: {  	[sflag:s9] =	ssyncadd.s32 $0xFFFFFFE0  }
0x55b: {  	_ =	swait.ge [sflag:s9], $0x20  }
0x55c: {  	[sflag:s9] =	ssyncset.done $0x0  }
0x55d: {  	[sflag:s9] =	ssyncadd.s32 $0xFFFFFFE0  }
0x55e: {  	_ =	swait.ge [sflag:s9], $0x20  }
0x55f: {  	[sflag:s9] =	ssyncset.done $0x0  }
0x560: {  	[sflag:s9] =	ssyncadd.s32 $0xFFFFFFE0  }
0x561: {  	_ =	swait.ge [sflag:s9], $0x20  }
0x562: {  	[sflag:s9] =	ssyncset.done $0x0  }
0x563: {  	[sflag:s9] =	ssyncadd.s32 $0xFFFFFFE0  }
0x564: {  	_ =	swait.ge [sflag:s9], $0x20  }
0x565: {  	[sflag:s9] =	ssyncset.done $0x0  }
0x566: {  	[sflag:s9] =	ssyncadd.s32 $0xFFFFFFE0  }
0x567: {  	_ =	swait.ge [sflag:s9], $0x20  }
0x568: {  	[sflag:s9] =	ssyncset.done $0x0  }
0x569: {  	[sflag:s9] =	ssyncadd.s32 $0xFFFFFFE0  }
0x56a: {  	_ =	swait.ge [sflag:s9], $0x20  }
0x56b: {  	[sflag:s9] =	ssyncset.done $0x0  }
0x56c: {  	[sflag:s9] =	ssyncadd.s32 $0xFFFFFFE0  }
0x56d: {  	_ =	swait.ge [sflag:s9], $0x20  }
0x56e: {  	[sflag:s9] =	ssyncset.done $0x0  }
0x56f: {  	[sflag:s9] =	ssyncadd.s32 $0xFFFFFFE0  }
0x570: {  	_ =	swait.ge [sflag:s9], $0x20  }
0x571: {  	s25 =	sld [smem:$0x7A6];
	_ =	sdelay $0x2  }
0x572: {  	s0 =	smul.u32 $0x7000, s25  }
0x573: {  	s29 =	sld [smem:$0x7A7]  }
0x574: {  	s28 =	simm.s32 $0x80;
	s30 =	simm.s32 $0x3;
	s0 =	sor.u32 s14, s0  }
0x575: {  	s26 =	rddreg [dreg:$0x3];
	[sflag:s9] =	ssyncset.done $0x0;
	s0 =	sshrl.u32 s0, $0x3  }
0x576: {  	[sflag:s9] =	ssyncadd.s32 $0xFFFFFFE0;
	p0 =	sne.s32 s29, $0xF80;
	s0 =	sadd.s32 s26, s0  }
0x577: {  	[hbm4b:s0+s28] =	stream.strided.scatter [tilespmem:s28], [sflag:$0x3], $0xE00, s5, s28, $0x38;
	[tilespmem:$0xE80] =	vst v63  }
.Ltmp0:
0x578: {  	_ =	swait.ge [sflag:s30], $0xE00;
	(pc) =	sbr.rel @p0 .LBB2_2-.Ltmp0, $3  }
0x579: {  	s31 =	sld [smem:$0x7A8];
	_ =	sdelay $0x1  }
0x57a: {  	s4 =	simm.s32 $0x1;
	[sflag:s30] =	ssyncset.done $0x0  }
0x57b: {  	s3 =	sadd.s32 $0x80, s29;
	[sflag:s30] =	ssyncadd.s32 $0xFFFFF200;
	s0 =	sadd.s32 $0x1, s31  }
0x57c: {  	s3 =	sld [smem:$0x7A9]  }
0x57d: {  	s0 =	sld [smem:$0x7F8];
	_ =	sdelay $0x1  }
0x57e: {  	s3 =	sadd.s32 $0x1, s3  }
0x57f: {  	p0 =	sne.s32 s3, s0  }
.Ltmp1:
0x580: {  	_ = 	snop;
	(pc) =	sbr.rel @p0 .LBB2_1-.Ltmp1, $1  }
0x581: {  	_ =	sdelay $0x3  }
0x582: {  	_ =	sfence.sel $0x180000  }
0x583: {  	[bflag:$0x0] =	sbarrier.arrive $0xFFFF  }
0x584: {  	_ =	strace $0x90000047  }
0x585: {  	s0 =	stileid.u32;
	[bflag:$0x2] =	sbarrier.arrive $0xFFFF  }
0x586: {  	p0 =	sne.s32 s0, $0x0;
	s0 =	rddreg [dreg:$0x1]  }
0x587: {  	s0 =	sadd.s32 @!p0 $0x100000, s0  }
0x588: {  	[sflag:s0] =	ssyncadd.tile.s32 @!p0 $0x1;
	_ =	shalt  }
.Lfunc_end2:
_tile_overlayer_lowered:
.L_overlay_start_2:
0x589: {  	(tag) =	ssettag $0x2  }
0x58a: {  	s0 =	rddreg [dreg:$0x0];
	s2 =	stileid.u32  }
0x58b: {  	s1 =	rddreg [dreg:$0x1];
	p0 =	sne.s32 s2, $0x0  }
0x58c: {  	s3 =	rddreg [dreg:$0x2];
	[bflag:$0x3] =	sbarrier.arrive $0xFFFF;
	s2 =	simm.s32 @!p0 $0x1C03  }
0x58d: {  	[timem:s3], [sflag:s2] =	dma.local @!p0 [hbm:s0], s1  }
0x58e: {  	s0 =	simm.s32 @!p0 $0x3  }
0x58f: {  	_ =	swait.ge @!p0 [sflag:s0], s1  }
0x590: {  	s1 =	ssub.s32 @!p0 $0x0, s1;
	[sflag:s0] =	ssyncset.done @!p0 $0x0  }
0x591: {  	[sflag:s0] =	ssyncadd.s32 @!p0 s1  }
0x592: {  	[bflag:$0x3] =	sbarrier.arrive $0xFFFF  }
0x593: {  	_ =	shalt  }

</sc_bundles>
